<compile_context>
chip_gen: v7x
topology: tpu7x:2x2x1
jax: 0.10.2.dev20260603
libtpu: 0.0.44.dev20260713+nightly
codegen_flags: <defaults>
</compile_context>

<pallas_src>
import jax
import jax.numpy as jnp
from jax.experimental import pallas as pl
from jax.experimental.pallas import tpu as pltpu
from jax.experimental.pallas import tpu_sc as plsc

T = 2048
D = 1024
F = 512
E = 8
N_GROUP = 4
TOP_K = 2
TOPK_GROUP = 2
ROUTED_SCALING_FACTOR = 2.5
EPAD = 128
BT = 512
NB = T * TOP_K // BT + E
NP = NB * BT
SCW = 128
DP = D // 2
DPH = DP // 2


def _pack(lo_bf, hi_bf):
    lo = jax.lax.bitcast_convert_type(lo_bf, jnp.uint16).astype(jnp.uint32)
    hi = jax.lax.bitcast_convert_type(hi_bf, jnp.uint16).astype(jnp.uint32)
    return jax.lax.bitcast_convert_type(lo | (hi << 16), jnp.int32)


def _unpack(w):
    u = jax.lax.bitcast_convert_type(w, jnp.uint32)
    lo = jax.lax.bitcast_convert_type((u & 0xFFFF).astype(jnp.uint16),
                                      jnp.bfloat16)
    hi = jax.lax.bitcast_convert_type((u >> 16).astype(jnp.uint16),
                                      jnp.bfloat16)
    return lo, hi


def _gate_kernel(lg_ref, bias_ref, x_ref, meta_ref, blk_ref, xp_ref):
    logits = lg_ref[...]
    scores = jax.nn.sigmoid(logits)
    biased = scores + bias_ref[...]

    lane_r = jax.lax.broadcasted_iota(jnp.int32, (EPAD, EPAD), 0)
    lane_c = jax.lax.broadcasted_iota(jnp.int32, (EPAD, EPAD), 1)
    lane1 = jax.lax.broadcasted_iota(jnp.int32, (1, EPAD), 1)

    f32 = jnp.float32
    hi = jax.lax.Precision.HIGHEST

    def pairwise_topk_mask(vals, n, k):
        A = ((lane_c // n) == lane_r).astype(f32)
        B = ((lane_c % n) == lane_r).astype(f32)
        X = jnp.dot(vals, A, preferred_element_type=f32, precision=hi)
        Y = jnp.dot(vals, B, preferred_element_type=f32, precision=hi)
        tie = ((lane1 % n) < (lane1 // n)).astype(f32)
        valid = (lane1 < n * n) & ((lane1 % n) != (lane1 // n))
        beats = jnp.where((Y > X) | ((Y == X) & (tie > 0)), 1.0, 0.0)
        beats = jnp.where(valid, beats, 0.0)
        Csum = ((lane_r // n) == lane_c).astype(f32) * \
               (lane_r < n * n).astype(f32)
        rank = jnp.dot(beats, Csum, preferred_element_type=f32, precision=hi)
        return jnp.where((rank < k) & (lane1 < n), 1.0, 0.0)

    P = (((lane_r // 2) == lane_c) & (lane_r < E)).astype(f32)
    gscore = jnp.dot(biased, P, preferred_element_type=f32, precision=hi)
    gsel = pairwise_topk_mask(gscore, N_GROUP, TOPK_GROUP)
    Q = ((lane_r == (lane_c // 2)) & (lane_c < E)).astype(f32)
    em = jnp.dot(gsel, Q, preferred_element_type=f32, precision=hi)
    masked = jnp.where((em > 0) & (lane1 < E), biased, -1e9)
    sel = pairwise_topk_mask(masked, E, TOP_K)

    picked = sel * scores
    Ones8 = ((lane_r < E) & (lane_c < E)).astype(f32)
    wsum = jnp.dot(picked, Ones8, preferred_element_type=f32, precision=hi)
    rw = picked * (ROUTED_SCALING_FACTOR / (wsum + 1e-20))

    rT = jax.lax.broadcasted_iota(jnp.int32, (T, T), 0)
    cT = jax.lax.broadcasted_iota(jnp.int32, (T, T), 1)
    Lst = (cT < rT).astype(jnp.bfloat16)
    csum = jnp.dot(Lst, sel.astype(jnp.bfloat16),
                   preferred_element_type=f32)
    counts = jnp.sum(sel, axis=0, keepdims=True)
    pc = jnp.ceil(counts * (1.0 / BT)) * BT
    LTI = ((lane_r <= lane_c) & (lane_r < E)).astype(f32)
    ends = jnp.dot(pc, LTI, preferred_element_type=f32, precision=hi)
    offs = ends - pc
    pos = offs + csum

    lane_f = lane1.astype(f32)
    e0 = jnp.min(jnp.where(sel > 0, lane_f, 1e9), axis=1, keepdims=True)
    e1 = jnp.max(jnp.where(sel > 0, lane_f, -1.0), axis=1, keepdims=True)
    m0 = (lane_f == e0).astype(f32)
    m1 = (lane_f == e1).astype(f32)
    p0 = jnp.sum(pos * m0, axis=1, keepdims=True)
    p1 = jnp.sum(pos * m1, axis=1, keepdims=True)
    w0 = jnp.sum(rw * m0, axis=1, keepdims=True)
    w1 = jnp.sum(rw * m1, axis=1, keepdims=True)

    meta_ref[...] = (p0 * (lane1 == 0) + p1 * (lane1 == 1) +
                     w0 * (lane1 == 2) + w1 * (lane1 == 3))

    bstart = lane_f * BT
    emap = jnp.zeros((1, EPAD), f32)
    for e in range(E):
        emap += (bstart >= ends[:, e:e + 1]).astype(f32)
    total = ends[:, E - 1:E]
    brow = jax.lax.broadcasted_iota(jnp.int32, (8, EPAD), 0)
    blk_ref[...] = jnp.where(brow == 0, jnp.minimum(emap, E - 1.0),
                             jnp.where(brow == 1,
                                       (bstart < total).astype(f32), 0.0))

    xv = x_ref[...]
    xp_ref[...] = _pack(xv[:, :DP].astype(jnp.bfloat16),
                        xv[:, DP:].astype(jnp.bfloat16))


def _routed_kernel(emap_ref, valid_ref, xg0_ref, xg1_ref,
                   w1_ref, w3_ref, w2_ref,
                   yg0_ref, yg1_ref, w1b, w3b, w2b, xfull):
    b = pl.program_id(0)
    changed = (b == 0) | (emap_ref[b] != emap_ref[jnp.maximum(b - 1, 0)])

    @pl.when(changed)
    def _cast():
        w1b[...] = w1_ref[0].astype(jnp.bfloat16)
        w3b[...] = w3_ref[0].astype(jnp.bfloat16)
        w2b[...] = w2_ref[0].astype(jnp.bfloat16)

    @pl.when(valid_ref[b] == 1)
    def _compute():
        f32 = jnp.float32
        lo0, hi0 = _unpack(xg0_ref[...])
        lo1, hi1 = _unpack(xg1_ref[...])
        xfull[:, 0:DPH] = lo0
        xfull[:, DPH:DP] = lo1
        xfull[:, DP:DP + DPH] = hi0
        xfull[:, DP + DPH:] = hi1
        xs = xfull[...]
        h1 = jnp.dot(xs, w1b[...], preferred_element_type=f32)
        h3 = jnp.dot(xs, w3b[...], preferred_element_type=f32)
        h = (jax.nn.silu(h1) * h3).astype(jnp.bfloat16)
        y = jnp.dot(h, w2b[...], preferred_element_type=f32)
        yp = _pack(y[:, :DP].astype(jnp.bfloat16),
                   y[:, DP:].astype(jnp.bfloat16))
        yg0_ref[...] = yp[:, :DPH]
        yg1_ref[...] = yp[:, DPH:]


def _shared_kernel(x_ref, w1_ref, w3_ref, w2_ref, out_ref, w1b, w3b, w2b):
    e = pl.program_id(0)

    @pl.when(e == 0)
    def _init():
        out_ref[...] = jnp.zeros_like(out_ref)

    w1b[...] = w1_ref[...].astype(jnp.bfloat16)
    w3b[...] = w3_ref[...].astype(jnp.bfloat16)
    w2b[...] = w2_ref[...].astype(jnp.bfloat16)
    xs = x_ref[...].astype(jnp.bfloat16)
    h1 = jnp.dot(xs, w1b[...], preferred_element_type=jnp.float32)
    h3 = jnp.dot(xs, w3b[...], preferred_element_type=jnp.float32)
    h = jax.nn.silu(h1) * h3
    out_ref[...] += jnp.dot(h.astype(jnp.bfloat16), w2b[...],
                            preferred_element_type=jnp.float32)


def _combine_kernel(y0_ref, y1_ref, sh_ref, meta_ref, out_ref):
    w0 = meta_ref[:, 2:3]
    w1 = meta_ref[:, 3:4]
    f32 = jnp.float32
    for q, yref in ((0, y0_ref), (1, y1_ref)):
        lo_a, hi_a = _unpack(yref[0])
        lo_b, hi_b = _unpack(yref[1])
        sl_lo = slice(q * DPH, (q + 1) * DPH)
        sl_hi = slice(DP + q * DPH, DP + (q + 1) * DPH)
        out_ref[:, sl_lo] = (sh_ref[:, sl_lo] + w0 * lo_a.astype(f32) +
                             w1 * lo_b.astype(f32))
        out_ref[:, sl_hi] = (sh_ref[:, sl_hi] + w0 * hi_a.astype(f32) +
                             w1 * hi_b.astype(f32))


def _sc_scatter(xp, p01):
    vmesh = plsc.VectorSubcoreMesh(core_axis_name="c", subcore_axis_name="s")

    @pl.kernel(out_type=tuple(jax.ShapeDtypeStruct((NP, DPH), jnp.int32)
                              for _ in range(2)),
               mesh=vmesh)
    def kern(x_hbm, i_hbm, *xg_hbm):
        for q in range(2):
            dst = xg_hbm[q]

            def body(x_vmem, i_vmem, dst=dst):
                pltpu.sync_copy(x_vmem, dst.at[i_vmem.at[0]])

            pltpu.emit_pipeline(
                body,
                grid=(TOP_K, T // SCW),
                in_specs=[pl.BlockSpec((SCW, DPH), lambda k, i, q=q: (i, q)),
                          pl.BlockSpec((1, SCW), lambda k, i: (k, i))],
                out_specs=[],
                core_axis_name=("c", "s"),
                dimension_semantics=(pltpu.PARALLEL, pltpu.PARALLEL),
            )(x_hbm, i_hbm)

    return kern(xp, p01)


def _sc_gather(ygs, p01):
    vmesh = plsc.VectorSubcoreMesh(core_axis_name="c", subcore_axis_name="s")

    @pl.kernel(out_type=tuple(
        jax.ShapeDtypeStruct((TOP_K, T, DPH), jnp.int32)
        for _ in range(2)),
        mesh=vmesh)
    def kern(yg0, yg1, i_hbm, *y_hbm):
        srcs = (yg0, yg1)
        for q in range(2):
            src = srcs[q]

            def body(i_vmem, o_vmem, src=src):
                pltpu.sync_copy(src.at[i_vmem.at[0]], o_vmem.at[0])

            pltpu.emit_pipeline(
                body,
                grid=(TOP_K, T // SCW),
                in_specs=[pl.BlockSpec((1, SCW), lambda k, i: (k, i))],
                out_specs=[pl.BlockSpec((1, SCW, DPH),
                                        lambda k, i: (k, i, 0))],
                core_axis_name=("c", "s"),
                dimension_semantics=(pltpu.PARALLEL, pltpu.PARALLEL),
            )(i_hbm, y_hbm[q])

    return kern(*ygs, p01)


@jax.jit
def _moe(x, gate_weight, bias, W1, W3, W2, Ws1, Ws3, Ws2):
    logits = jnp.matmul(x, gate_weight.T)
    lg = jnp.zeros((T, EPAD), jnp.float32).at[:, :E].set(logits)
    bias_row = jnp.zeros((1, EPAD), jnp.float32).at[0, :E].set(bias)

    meta, blk, xp = pl.pallas_call(
        _gate_kernel,
        out_shape=(jax.ShapeDtypeStruct((T, EPAD), jnp.float32),
                   jax.ShapeDtypeStruct((8, EPAD), jnp.float32),
                   jax.ShapeDtypeStruct((T, DP), jnp.int32)),
    )(lg, bias_row, x)

    p01 = meta[:, :TOP_K].T.astype(jnp.int32)
    emap_s = blk[0, :NB].astype(jnp.int32)
    valid_s = blk[1, :NB].astype(jnp.int32)

    FS = Ws1.shape[1]
    ns = FS // F
    shared = pl.pallas_call(
        _shared_kernel,
        grid=(ns,),
        in_specs=[
            pl.BlockSpec((T, D), lambda e: (0, 0)),
            pl.BlockSpec((D, F), lambda e: (0, e)),
            pl.BlockSpec((D, F), lambda e: (0, e)),
            pl.BlockSpec((F, D), lambda e: (e, 0)),
        ],
        out_specs=pl.BlockSpec((T, D), lambda e: (0, 0)),
        out_shape=jax.ShapeDtypeStruct((T, D), jnp.float32),
        scratch_shapes=[
            pltpu.VMEM((D, F), jnp.bfloat16),
            pltpu.VMEM((D, F), jnp.bfloat16),
            pltpu.VMEM((F, D), jnp.bfloat16),
        ],
    )(x, Ws1, Ws3, Ws2)

    xgs = _sc_scatter(xp, p01)

    xq_spec = pl.BlockSpec((BT, DPH), lambda b, em, va: (b, 0))
    ygs = pl.pallas_call(
        _routed_kernel,
        grid_spec=pltpu.PrefetchScalarGridSpec(
            num_scalar_prefetch=2,
            grid=(NB,),
            in_specs=[
                xq_spec, xq_spec,
                pl.BlockSpec((1, D, F), lambda b, em, va: (em[b], 0, 0)),
                pl.BlockSpec((1, D, F), lambda b, em, va: (em[b], 0, 0)),
                pl.BlockSpec((1, F, D), lambda b, em, va: (em[b], 0, 0)),
            ],
            out_specs=tuple(pl.BlockSpec((BT, DPH), lambda b, em, va: (b, 0))
                            for _ in range(2)),
            scratch_shapes=[
                pltpu.VMEM((D, F), jnp.bfloat16),
                pltpu.VMEM((D, F), jnp.bfloat16),
                pltpu.VMEM((F, D), jnp.bfloat16),
                pltpu.VMEM((BT, D), jnp.bfloat16),
            ],
        ),
        out_shape=tuple(jax.ShapeDtypeStruct((NP, DPH), jnp.int32)
                        for _ in range(2)),
    )(emap_s, valid_s, *xgs, W1, W3, W2)

    ys = _sc_gather(ygs, p01)

    NTB = 4
    yq_spec = pl.BlockSpec((TOP_K, T // NTB, DPH), lambda t: (0, t, 0))
    out = pl.pallas_call(
        _combine_kernel,
        grid=(NTB,),
        in_specs=[
            yq_spec, yq_spec,
            pl.BlockSpec((T // NTB, D), lambda t: (t, 0)),
            pl.BlockSpec((T // NTB, EPAD), lambda t: (t, 0)),
        ],
        out_specs=pl.BlockSpec((T // NTB, D), lambda t: (t, 0)),
        out_shape=jax.ShapeDtypeStruct((T, D), jnp.float32),
    )(*ys, shared, meta)
    return out


def kernel(hidden_states, gate_weight, e_score_correction_bias,
           W1, W3, W2, Ws1, Ws3, Ws2):
    return _moe(hidden_states, gate_weight, e_score_correction_bias,
                W1, W3, W2, Ws1, Ws3, Ws2)

# --- scband reference (transcript-rebuilt; emitter-appended) ---
"""Pipeline reference for scband-glm4-mo-e-36739150250370 (READ-ONLY COPY).

The authoritative reference and input builder live on the scoring server;
editing this copy changes nothing except your own understanding.
"""

import jax, jax.numpy as jnp
import numpy as np

T = 2048       # tokens (batch=1 x seq_len=2048)
D = 1024       # hidden_size
F = 512        # routed expert intermediate_size
FS = 1024      # shared expert intermediate_size
E = 8          # num_experts
TOP_K = 2
N_GROUP = 4
TOPK_GROUP = 2
ROUTED_SCALING_FACTOR = 2.5


def setup_inputs(seed: int = 0) -> dict:
    key = jax.random.key(seed)
    ks = jax.random.split(key, 10)
    s = 0.02
    return {
        "hidden_states": jax.random.normal(ks[0], (T, D), dtype=jnp.float32),
        "gate_weight": jax.random.normal(ks[1], (E, D), dtype=jnp.float32) * s,
        "e_score_correction_bias": jax.random.normal(ks[2], (E,), dtype=jnp.float32) * s,
        "W1": jax.random.normal(ks[3], (E, D, F), dtype=jnp.float32) * s,
        "W3": jax.random.normal(ks[4], (E, D, F), dtype=jnp.float32) * s,
        "W2": jax.random.normal(ks[5], (E, F, D), dtype=jnp.float32) * s,
        "Ws1": jax.random.normal(ks[6], (D, FS), dtype=jnp.float32) * s,
        "Ws3": jax.random.normal(ks[7], (D, FS), dtype=jnp.float32) * s,
        "Ws2": jax.random.normal(ks[8], (FS, D), dtype=jnp.float32) * s,
    }


def _deepseekv3_gate(x, gate_weight, e_score_correction_bias):
    # DeepseekV3-style noaux-tc sigmoid gate with group-limited routing.
    logits = jnp.matmul(x.astype(jnp.float32), gate_weight.T)  # [T, E]
    scores = jax.nn.sigmoid(logits)
    scores_for_choice = scores + e_score_correction_bias[None, :]
    t = x.shape[0]
    grp = scores_for_choice.reshape(t, N_GROUP, E // N_GROUP)
    top2, _ = jax.lax.top_k(grp, 2)
    group_scores = jnp.sum(top2, axis=-1)                      # [T, G]
    _, gidx = jax.lax.top_k(group_scores, TOPK_GROUP)          # [T, topk_group]
    gmask = jnp.sum(jax.nn.one_hot(gidx, N_GROUP, dtype=scores.dtype), axis=1)  # [T, G]
    emask = jnp.repeat(gmask, E // N_GROUP, axis=1)            # [T, E]
    masked = jnp.where(emask > 0, scores_for_choice, -1e9)
    _, idx = jax.lax.top_k(masked, TOP_K)                      # [T, top_k]
    w = jnp.take_along_axis(scores, idx, axis=1)               # weights from unbiased scores
    w = w / (jnp.sum(w, axis=-1, keepdims=True) + 1e-20)
    w = w * ROUTED_SCALING_FACTOR
    return idx, w


def reference(hidden_states, gate_weight, e_score_correction_bias, W1, W3, W2, Ws1, Ws3, Ws2):
    x = hidden_states
    t = x.shape[0]
    idx, w = _deepseekv3_gate(x, gate_weight, e_score_correction_bias)
    # dense combine weights [T, E] (zeros for non-selected experts)
    rw = jnp.zeros((t, E), dtype=x.dtype).at[jnp.arange(t)[:, None], idx].add(w)
    # routed experts: gated MLP per expert, combined with routing weights
    h1 = jnp.einsum('td,edf->tef', x, W1)
    h3 = jnp.einsum('td,edf->tef', x, W3)
    h = jax.nn.silu(h1) * h3
    routed = jnp.einsum('tef,efd,te->td', h, W2, rw)
    # shared expert (GatedMLP), reduce_results handled locally (tp=1)
    shared = jnp.matmul(jax.nn.silu(jnp.matmul(x, Ws1)) * jnp.matmul(x, Ws3), Ws2)
    return shared + routed

if __name__ == "__main__":
    import jax
    _d = setup_inputs()
    print(jax.jit(kernel)(*tuple(_d.values())))

</pallas_src>

<mosaic_0001>
#map = affine_map<(d0, d1) -> (0, 0)>
module attributes {stable_mosaic.version = 14 : i64} {
  func.func @kern(%arg0: i32, %arg1: i32, %arg2: memref<2048x512xi32, #tpu.memory_space<hbm>>, %arg3: memref<2x2048xi32, #tpu.memory_space<hbm>>, %arg4: memref<8192x256xi32, #tpu.memory_space<hbm>>, %arg5: memref<8192x256xi32, #tpu.memory_space<hbm>>) attributes {dimension_semantics = [#tpu.dimension_semantics<core_parallel>, #tpu.dimension_semantics<subcore_parallel>], iteration_bounds = array<i64: 2, 16>, scalar_prefetch = 0 : i64, scratch_operands = 0 : i64, tpu.core_type = #tpu.core_type<sc_vector_subcore>, window_params = [{transform_indices = #map}, {transform_indices = #map}, {transform_indices = #map}, {transform_indices = #map}]} {
    %mul3A = arith.constant 1 : i32
    %mul3A_0 = arith.muli %arg1, %mul3A : i32
    %add3A = arith.constant 0 : i32
    %add3A_1 = arith.addi %add3A, %mul3A_0 : i32
    %mul3A_2 = arith.constant 16 : i32
    %mul3A_3 = arith.muli %arg0, %mul3A_2 : i32
    %add3A_4 = arith.addi %add3A_1, %mul3A_3 : i32
    %lt3A = arith.constant 16 : i32
    %lt3A_5 = arith.cmpi slt, %add3A_4, %lt3A : i32
    %jit3A = arith.constant 1 : i32
    %jit3A_6 = arith.constant 0 : i32
    %select_n3A = arith.select %lt3A_5, %jit3A, %jit3A_6 : i32
    %lt3A_7 = arith.constant 16 : i32
    %lt3A_8 = arith.cmpi slt, %add3A_4, %lt3A_7 : i32
    %mul3A_9 = arith.muli %add3A_4, %select_n3A : i32
    %mul3A_10 = arith.constant 0 : i32
    %mul3A_11 = arith.muli %add3A_4, %mul3A_10 : i32
    %add3A_12 = arith.constant 16 : i32
    %add3A_13 = arith.addi %mul3A_11, %add3A_12 : i32
    %select_n3A_14 = arith.select %lt3A_8, %mul3A_9, %add3A_13 : i32
    %mul3A_15 = arith.constant 2 : i32
    %mul3A_16 = arith.muli %mul3A_15, %select_n3A : i32
    "tpu.region"() ({
      %run_scoped3A = memref.alloca() : memref<2x128x256xi32, #tpu.memory_space<vmem>>
      %run_scoped3A_39 = tpu.sem_alloc : memref<2x!tpu.dma_semaphore, #tpu.memory_space<semaphore_mem>>
      %run_scoped3A_40 = memref.alloca() : memref<2x1x128xi32, #tpu.memory_space<vmem>>
      %run_scoped3A_41 = tpu.sem_alloc : memref<2x!tpu.dma_semaphore, #tpu.memory_space<semaphore_mem>>
      %gt3A = arith.constant 0 : i32
      %gt3A_42 = arith.cmpi sgt, %mul3A_16, %gt3A : i32
      %convert_element_type3A = arith.extui %gt3A_42 : i1 to i32
      %cond3A = arith.constant 0 : i32
      %cond3A_43 = arith.cmpi ne, %convert_element_type3A, %cond3A : i32
      scf.if %cond3A_43 {
        %mul3A_44 = arith.constant 2 : i32
        %mul3A_45 = arith.muli %mul3A_44, %select_n3A : i32
        %sub3A = arith.constant 1 : i32
        %sub3A_46 = arith.subi %mul3A_45, %sub3A : i32
        %eq3A = arith.constant 0 : i32
        %eq3A_47 = arith.cmpi eq, %sub3A_46, %eq3A : i32
        %add3A_48 = arith.constant 0 : i32
        %add3A_49 = arith.addi %add3A_48, %select_n3A_14 : i32
        %select_n3A_50 = arith.constant true
        %select_n3A_51 = arith.constant 0 : i32
        %select_n3A_52 = arith.constant -1 : i32
        %select_n3A_53 = arith.select %select_n3A_50, %select_n3A_52, %select_n3A_51 : i32
        %eq3A_54 = arith.constant -1 : i32
        %eq3A_55 = arith.cmpi eq, %select_n3A_53, %eq3A_54 : i32
        %sub3A_56 = arith.constant 1 : i32
        %sub3A_57 = arith.subi %select_n3A, %sub3A_56 : i32
        %select_n3A_58 = arith.select %eq3A_55, %sub3A_57, %select_n3A_53 : i32
        %select_n3A_59 = arith.constant 0 : i32
        %select_n3A_60 = arith.constant -1 : i32
        %select_n3A_61 = arith.select %eq3A_55, %select_n3A_60, %select_n3A_59 : i32
        %eq3A_62 = arith.constant -1 : i32
        %eq3A_63 = arith.cmpi eq, %select_n3A_61, %eq3A_62 : i32
        %select_n3A_64 = arith.constant 1 : i32
        %select_n3A_65 = arith.select %eq3A_63, %select_n3A_64, %select_n3A_61 : i32
        %add3A_66 = arith.constant 0 : i32
        %add3A_67 = arith.addi %select_n3A_65, %add3A_66 : i32
        %add3A_68 = arith.addi %select_n3A_58, %select_n3A_14 : i32
        %select_n3A_69 = arith.constant true
        %select_n3A_70 = arith.constant 0 : i32
        %select_n3A_71 = arith.constant 1 : i32
        %select_n3A_72 = arith.select %select_n3A_69, %select_n3A_71, %select_n3A_70 : i32
        %eq3A_73 = arith.cmpi eq, %select_n3A_72, %select_n3A : i32
        %select_n3A_74 = arith.constant 0 : i32
        %select_n3A_75 = arith.select %eq3A_73, %select_n3A_74, %select_n3A_72 : i32
        %select_n3A_76 = arith.constant 0 : i32
        %select_n3A_77 = arith.constant 1 : i32
        %select_n3A_78 = arith.select %eq3A_73, %select_n3A_77, %select_n3A_76 : i32
        %eq3A_79 = arith.constant 2 : i32
        %eq3A_80 = arith.cmpi eq, %select_n3A_78, %eq3A_79 : i32
        %select_n3A_81 = arith.constant 0 : i32
        %select_n3A_82 = arith.select %eq3A_80, %select_n3A_81, %select_n3A_78 : i32
        %add3A_83 = arith.constant 0 : i32
        %add3A_84 = arith.addi %select_n3A_82, %add3A_83 : i32
        %add3A_85 = arith.addi %select_n3A_75, %select_n3A_14 : i32
        %add3A_86 = arith.constant 1 : i32
        %add3A_87 = arith.addi %select_n3A_75, %add3A_86 : i32
        %select_n3A_88 = arith.constant true
        %select_n3A_89 = arith.select %select_n3A_88, %add3A_87, %select_n3A_75 : i32
        %eq3A_90 = arith.cmpi eq, %select_n3A_89, %select_n3A : i32
        %select_n3A_91 = arith.constant 0 : i32
        %select_n3A_92 = arith.select %eq3A_90, %select_n3A_91, %select_n3A_89 : i32
        %add3A_93 = arith.constant 1 : i32
        %add3A_94 = arith.addi %select_n3A_82, %add3A_93 : i32
        %select_n3A_95 = arith.select %eq3A_90, %add3A_94, %select_n3A_82 : i32
        %eq3A_96 = arith.constant 2 : i32
        %eq3A_97 = arith.cmpi eq, %select_n3A_95, %eq3A_96 : i32
        %select_n3A_98 = arith.constant 0 : i32
        %select_n3A_99 = arith.select %eq3A_97, %select_n3A_98, %select_n3A_95 : i32
        %add3A_100 = arith.constant 0 : i32
        %add3A_101 = arith.addi %select_n3A_99, %add3A_100 : i32
        %add3A_102 = arith.addi %select_n3A_92, %select_n3A_14 : i32
        "tpu.trace_start"() <{level = 10 : i32, message = "ep_initialize_0"}> : () -> ()
        %rem3A = arith.constant 0 : i32
        %rem3A_103 = arith.constant 2 : i32
        %rem3A_104 = arith.remui %rem3A, %rem3A_103 : i32
        %mul3A_105 = arith.constant 128 : i32
        %mul3A_106 = arith.muli %mul3A_105, %add3A_49 : i32
        %dma_start3A = arith.constant 0 : i32
        %dma_start3A_107 = arith.constant 0 : i32
        %dma_start3A_108 = tpu.memref_slice %run_scoped3A[%rem3A_104, %dma_start3A, %dma_start3A_107] : memref<2x128x256xi32, #tpu.memory_space<vmem>> -> memref<1x128x256xi32, #tpu.memory_space<vmem>>
        %dma_start3A_109 = tpu.memref_squeeze %dma_start3A_108 : memref<1x128x256xi32, #tpu.memory_space<vmem>> -> memref<128x256xi32, #tpu.memory_space<vmem>>
        %dma_start3A_110 = arith.constant 0 : i32
        %dma_start3A_111 = tpu.memref_slice %arg2[%mul3A_106, %dma_start3A_110] : memref<2048x512xi32, #tpu.memory_space<hbm>> -> memref<128x256xi32, #tpu.memory_space<hbm>>
        %dma_start3A_112 = tpu.memref_slice %run_scoped3A_39[%rem3A_104] : memref<2x!tpu.dma_semaphore, #tpu.memory_space<semaphore_mem>> -> memref<1x!tpu.dma_semaphore, #tpu.memory_space<semaphore_mem>>
        %dma_start3A_113 = tpu.memref_squeeze %dma_start3A_112 : memref<1x!tpu.dma_semaphore, #tpu.memory_space<semaphore_mem>> -> memref<!tpu.dma_semaphore, #tpu.memory_space<semaphore_mem>>
        %dma_start3A_114 = arith.constant 0 : i32
        %dma_start3A_115 = arith.constant 0 : i32
        %dma_start3A_116 = tpu.memref_slice %run_scoped3A[%rem3A_104, %dma_start3A_114, %dma_start3A_115] : memref<2x128x256xi32, #tpu.memory_space<vmem>> -> memref<1x128x256xi32, #tpu.memory_space<vmem>>
        %dma_start3A_117 = tpu.memref_squeeze %dma_start3A_116 : memref<1x128x256xi32, #tpu.memory_space<vmem>> -> memref<128x256xi32, #tpu.memory_space<vmem>>
        %dma_start3A_118 = arith.constant 0 : i32
        %dma_start3A_119 = tpu.memref_slice %arg2[%mul3A_106, %dma_start3A_118] : memref<2048x512xi32, #tpu.memory_space<hbm>> -> memref<128x256xi32, #tpu.memory_space<hbm>>
        tpu.enqueue_dma source(%dma_start3A_119 : memref<128x256xi32, #tpu.memory_space<hbm>>) target(%dma_start3A_117 : memref<128x256xi32, #tpu.memory_space<vmem>>) target_semaphore(%dma_start3A_113 : memref<!tpu.dma_semaphore, #tpu.memory_space<semaphore_mem>>)
        %add3A_120 = arith.constant 0 : i32
        %add3A_121 = arith.constant 1 : i32
        %add3A_122 = arith.addi %add3A_120, %add3A_121 : i32
        %select_n3A_123 = arith.constant true
        %select_n3A_124 = arith.constant 0 : i32
        %select_n3A_125 = arith.select %select_n3A_123, %add3A_122, %select_n3A_124 : i32
        %rem3A_126 = arith.constant 0 : i32
        %rem3A_127 = arith.constant 2 : i32
        %rem3A_128 = arith.remui %rem3A_126, %rem3A_127 : i32
        %mul3A_129 = arith.constant 128 : i32
        %mul3A_130 = arith.muli %mul3A_129, %add3A_49 : i32
        %dma_start3A_131 = arith.constant 0 : i32
        %dma_start3A_132 = arith.constant 0 : i32
        %dma_start3A_133 = tpu.memref_slice %run_scoped3A_40[%rem3A_128, %dma_start3A_131, %dma_start3A_132] : memref<2x1x128xi32, #tpu.memory_space<vmem>> -> memref<1x1x128xi32, #tpu.memory_space<vmem>>
        %dma_start3A_134 = tpu.memref_squeeze %dma_start3A_133 : memref<1x1x128xi32, #tpu.memory_space<vmem>> -> memref<1x128xi32, #tpu.memory_space<vmem>>
        %dma_start3A_135 = arith.constant 0 : i32
        %dma_start3A_136 = tpu.memref_slice %arg3[%dma_start3A_135, %mul3A_130] : memref<2x2048xi32, #tpu.memory_space<hbm>> -> memref<1x128xi32, #tpu.memory_space<hbm>>
        %dma_start3A_137 = tpu.memref_slice %run_scoped3A_41[%rem3A_128] : memref<2x!tpu.dma_semaphore, #tpu.memory_space<semaphore_mem>> -> memref<1x!tpu.dma_semaphore, #tpu.memory_space<semaphore_mem>>
        %dma_start3A_138 = tpu.memref_squeeze %dma_start3A_137 : memref<1x!tpu.dma_semaphore, #tpu.memory_space<semaphore_mem>> -> memref<!tpu.dma_semaphore, #tpu.memory_space<semaphore_mem>>
        %dma_start3A_139 = arith.constant 0 : i32
        %dma_start3A_140 = arith.constant 0 : i32
        %dma_start3A_141 = tpu.memref_slice %run_scoped3A_40[%rem3A_128, %dma_start3A_139, %dma_start3A_140] : memref<2x1x128xi32, #tpu.memory_space<vmem>> -> memref<1x1x128xi32, #tpu.memory_space<vmem>>
        %dma_start3A_142 = tpu.memref_squeeze %dma_start3A_141 : memref<1x1x128xi32, #tpu.memory_space<vmem>> -> memref<1x128xi32, #tpu.memory_space<vmem>>
        %dma_start3A_143 = arith.constant 0 : i32
        %dma_start3A_144 = tpu.memref_slice %arg3[%dma_start3A_143, %mul3A_130] : memref<2x2048xi32, #tpu.memory_space<hbm>> -> memref<1x128xi32, #tpu.memory_space<hbm>>
        tpu.enqueue_dma source(%dma_start3A_144 : memref<1x128xi32, #tpu.memory_space<hbm>>) target(%dma_start3A_142 : memref<1x128xi32, #tpu.memory_space<vmem>>) target_semaphore(%dma_start3A_138 : memref<!tpu.dma_semaphore, #tpu.memory_space<semaphore_mem>>)
        %add3A_145 = arith.constant 0 : i32
        %add3A_146 = arith.constant 1 : i32
        %add3A_147 = arith.addi %add3A_145, %add3A_146 : i32
        %select_n3A_148 = arith.constant true
        %select_n3A_149 = arith.constant 0 : i32
        %select_n3A_150 = arith.select %select_n3A_148, %add3A_147, %select_n3A_149 : i32
        %while3A = arith.constant 0 : i32
        %while3A_151 = arith.constant 0 : i32
        %while3A_152 = arith.constant 0 : i32
        %while3A_153 = arith.constant 0 : i32
        %while3A_154 = arith.constant 0 : i32
        "tpu.trace_stop"() : () -> ()
        %while3A_155 = arith.subi %mul3A_16, %while3A : i32
        %while3A_156 = arith.addi %while3A, %while3A_155 : i32
        %while3A_157 = arith.constant 1 : i32
        %while3A_158 = arith.divsi %while3A_155, %while3A_157 : i32
        %while3A_159 = arith.muli %while3A_158, %while3A_157 : i32
        %while3A_160 = arith.addi %while3A, %while3A_159 : i32
        %while3A_161 = arith.constant 1 : i32
        %while3A_162:6 = scf.for %while3A_252 = %while3A to %while3A_160 step %while3A_161 iter_args(%while3A_253 = %select_n3A_125, %while3A_254 = %while3A_151, %while3A_255 = %select_n3A_150, %while3A_256 = %while3A_152, %while3A_257 = %while3A_153, %while3A_258 = %while3A_154) -> (i32, i32, i32, i32, i32, i32)  : i32 {
          %mul3A_259 = arith.constant 2 : i32
          %mul3A_260 = arith.muli %mul3A_259, %select_n3A : i32
          %eq3A_261 = arith.constant 0 : i32
          %eq3A_262 = arith.cmpi eq, %while3A_252, %eq3A_261 : i32
          %sub3A_263 = arith.constant 1 : i32
          %sub3A_264 = arith.subi %mul3A_260, %sub3A_263 : i32
          %eq3A_265 = arith.cmpi eq, %while3A_252, %sub3A_264 : i32
          %add3A_266 = arith.constant 0 : i32
          %add3A_267 = arith.addi %while3A_257, %add3A_266 : i32
          %add3A_268 = arith.addi %while3A_258, %select_n3A_14 : i32
          %sub3A_269 = arith.constant 1 : i32
          %sub3A_270 = arith.subi %while3A_258, %sub3A_269 : i32
          %select_n3A_271 = arith.constant true
          %select_n3A_272 = arith.select %select_n3A_271, %sub3A_270, %while3A_258 : i32
          %eq3A_273 = arith.constant -1 : i32
          %eq3A_274 = arith.cmpi eq, %select_n3A_272, %eq3A_273 : i32
          %sub3A_275 = arith.constant 1 : i32
          %sub3A_276 = arith.subi %select_n3A, %sub3A_275 : i32
          %select_n3A_277 = arith.select %eq3A_274, %sub3A_276, %select_n3A_272 : i32
          %sub3A_278 = arith.constant 1 : i32
          %sub3A_279 = arith.subi %while3A_257, %sub3A_278 : i32
          %select_n3A_280 = arith.select %eq3A_274, %sub3A_279, %while3A_257 : i32
          %eq3A_281 = arith.constant -1 : i32
          %eq3A_282 = arith.cmpi eq, %select_n3A_280, %eq3A_281 : i32
          %select_n3A_283 = arith.constant 1 : i32
          %select_n3A_284 = arith.select %eq3A_282, %select_n3A_283, %select_n3A_280 : i32
          %add3A_285 = arith.constant 0 : i32
          %add3A_286 = arith.addi %select_n3A_284, %add3A_285 : i32
          %add3A_287 = arith.addi %select_n3A_277, %select_n3A_14 : i32
          %add3A_288 = arith.constant 1 : i32
          %add3A_289 = arith.addi %while3A_258, %add3A_288 : i32
          %select_n3A_290 = arith.constant true
          %select_n3A_291 = arith.select %select_n3A_290, %add3A_289, %while3A_258 : i32
          %eq3A_292 = arith.cmpi eq, %select_n3A_291, %select_n3A : i32
          %select_n3A_293 = arith.constant 0 : i32
          %select_n3A_294 = arith.select %eq3A_292, %select_n3A_293, %select_n3A_291 : i32
          %add3A_295 = arith.constant 1 : i32
          %add3A_296 = arith.addi %while3A_257, %add3A_295 : i32
          %select_n3A_297 = arith.select %eq3A_292, %add3A_296, %while3A_257 : i32
          %eq3A_298 = arith.constant 2 : i32
          %eq3A_299 = arith.cmpi eq, %select_n3A_297, %eq3A_298 : i32
          %select_n3A_300 = arith.constant 0 : i32
          %select_n3A_301 = arith.select %eq3A_299, %select_n3A_300, %select_n3A_297 : i32
          %add3A_302 = arith.constant 0 : i32
          %add3A_303 = arith.addi %select_n3A_301, %add3A_302 : i32
          %add3A_304 = arith.addi %select_n3A_294, %select_n3A_14 : i32
          %add3A_305 = arith.constant 1 : i32
          %add3A_306 = arith.addi %select_n3A_294, %add3A_305 : i32
          %select_n3A_307 = arith.constant true
          %select_n3A_308 = arith.select %select_n3A_307, %add3A_306, %select_n3A_294 : i32
          %eq3A_309 = arith.cmpi eq, %select_n3A_308, %select_n3A : i32
          %select_n3A_310 = arith.constant 0 : i32
          %select_n3A_311 = arith.select %eq3A_309, %select_n3A_310, %select_n3A_308 : i32
          %add3A_312 = arith.constant 1 : i32
          %add3A_313 = arith.addi %select_n3A_301, %add3A_312 : i32
          %select_n3A_314 = arith.select %eq3A_309, %add3A_313, %select_n3A_301 : i32
          %eq3A_315 = arith.constant 2 : i32
          %eq3A_316 = arith.cmpi eq, %select_n3A_314, %eq3A_315 : i32
          %select_n3A_317 = arith.constant 0 : i32
          %select_n3A_318 = arith.select %eq3A_316, %select_n3A_317, %select_n3A_314 : i32
          %add3A_319 = arith.constant 0 : i32
          %add3A_320 = arith.addi %select_n3A_318, %add3A_319 : i32
          %add3A_321 = arith.addi %select_n3A_311, %select_n3A_14 : i32
          %ne3A = arith.cmpi ne, %add3A_268, %add3A_304 : i32
          %or3A = arith.constant false
          %or3A_322 = arith.ori %or3A, %ne3A : i1
          %or3A_323 = arith.constant false
          %or3A_324 = arith.ori %or3A_322, %or3A_323 : i1
          %sub3A_325 = arith.constant 2 : i32
          %sub3A_326 = arith.subi %mul3A_260, %sub3A_325 : i32
          %add3A_327 = arith.constant 1 : i32
          %add3A_328 = arith.addi %sub3A_326, %add3A_327 : i32
          %ge3A = arith.cmpi sge, %while3A_252, %add3A_328 : i32
          %not3A = arith.constant true
          %not3A_329 = arith.xori %ge3A, %not3A : i1
          %and3A = arith.andi %or3A_324, %not3A_329 : i1
          %convert_element_type3A_330 = arith.extui %and3A : i1 to i32
          %cond3A_331 = arith.constant 0 : i32
          %cond3A_332 = arith.cmpi ne, %convert_element_type3A_330, %cond3A_331 : i32
          scf.if %cond3A_332 {
            "tpu.trace_start"() <{level = 10 : i32, message = "ep_copy_in"}> : () -> ()
            %rem3A_462 = arith.constant 2 : i32
            %rem3A_463 = arith.remui %while3A_253, %rem3A_462 : i32
            %mul3A_464 = arith.constant 128 : i32
            %mul3A_465 = arith.muli %mul3A_464, %add3A_304 : i32
            %dma_start3A_466 = arith.constant 0 : i32
            %dma_start3A_467 = arith.constant 0 : i32
            %dma_start3A_468 = tpu.memref_slice %run_scoped3A[%rem3A_463, %dma_start3A_466, %dma_start3A_467] : memref<2x128x256xi32, #tpu.memory_space<vmem>> -> memref<1x128x256xi32, #tpu.memory_space<vmem>>
            %dma_start3A_469 = tpu.memref_squeeze %dma_start3A_468 : memref<1x128x256xi32, #tpu.memory_space<vmem>> -> memref<128x256xi32, #tpu.memory_space<vmem>>
            %dma_start3A_470 = arith.constant 0 : i32
            %dma_start3A_471 = tpu.memref_slice %arg2[%mul3A_465, %dma_start3A_470] : memref<2048x512xi32, #tpu.memory_space<hbm>> -> memref<128x256xi32, #tpu.memory_space<hbm>>
            %dma_start3A_472 = tpu.memref_slice %run_scoped3A_39[%rem3A_463] : memref<2x!tpu.dma_semaphore, #tpu.memory_space<semaphore_mem>> -> memref<1x!tpu.dma_semaphore, #tpu.memory_space<semaphore_mem>>
            %dma_start3A_473 = tpu.memref_squeeze %dma_start3A_472 : memref<1x!tpu.dma_semaphore, #tpu.memory_space<semaphore_mem>> -> memref<!tpu.dma_semaphore, #tpu.memory_space<semaphore_mem>>
            %dma_start3A_474 = arith.constant 0 : i32
            %dma_start3A_475 = arith.constant 0 : i32
            %dma_start3A_476 = tpu.memref_slice %run_scoped3A[%rem3A_463, %dma_start3A_474, %dma_start3A_475] : memref<2x128x256xi32, #tpu.memory_space<vmem>> -> memref<1x128x256xi32, #tpu.memory_space<vmem>>
            %dma_start3A_477 = tpu.memref_squeeze %dma_start3A_476 : memref<1x128x256xi32, #tpu.memory_space<vmem>> -> memref<128x256xi32, #tpu.memory_space<vmem>>
            %dma_start3A_478 = arith.constant 0 : i32
            %dma_start3A_479 = tpu.memref_slice %arg2[%mul3A_465, %dma_start3A_478] : memref<2048x512xi32, #tpu.memory_space<hbm>> -> memref<128x256xi32, #tpu.memory_space<hbm>>
            tpu.enqueue_dma source(%dma_start3A_479 : memref<128x256xi32, #tpu.memory_space<hbm>>) target(%dma_start3A_477 : memref<128x256xi32, #tpu.memory_space<vmem>>) target_semaphore(%dma_start3A_473 : memref<!tpu.dma_semaphore, #tpu.memory_space<semaphore_mem>>)
            "tpu.trace_stop"() : () -> ()
          } else {
          }
          %and3A_333 = arith.constant true
          %and3A_334 = arith.andi %and3A, %and3A_333 : i1
          %add3A_335 = arith.constant 1 : i32
          %add3A_336 = arith.addi %while3A_253, %add3A_335 : i32
          %select_n3A_337 = arith.select %and3A_334, %add3A_336, %while3A_253 : i32
          %ne3A_338 = arith.cmpi ne, %add3A_267, %add3A_303 : i32
          %ne3A_339 = arith.cmpi ne, %add3A_268, %add3A_304 : i32
          %or3A_340 = arith.constant false
          %or3A_341 = arith.ori %or3A_340, %ne3A_338 : i1
          %or3A_342 = arith.ori %or3A_341, %ne3A_339 : i1
          %sub3A_343 = arith.constant 2 : i32
          %sub3A_344 = arith.subi %mul3A_260, %sub3A_343 : i32
          %add3A_345 = arith.constant 1 : i32
          %add3A_346 = arith.addi %sub3A_344, %add3A_345 : i32
          %ge3A_347 = arith.cmpi sge, %while3A_252, %add3A_346 : i32
          %not3A_348 = arith.constant true
          %not3A_349 = arith.xori %ge3A_347, %not3A_348 : i1
          %and3A_350 = arith.andi %or3A_342, %not3A_349 : i1
          %convert_element_type3A_351 = arith.extui %and3A_350 : i1 to i32
          %cond3A_352 = arith.constant 0 : i32
          %cond3A_353 = arith.cmpi ne, %convert_element_type3A_351, %cond3A_352 : i32
          scf.if %cond3A_353 {
            "tpu.trace_start"() <{level = 10 : i32, message = "ep_copy_in"}> : () -> ()
            %rem3A_462 = arith.constant 2 : i32
            %rem3A_463 = arith.remui %while3A_255, %rem3A_462 : i32
            %mul3A_464 = arith.constant 1 : i32
            %mul3A_465 = arith.muli %mul3A_464, %add3A_303 : i32
            %mul3A_466 = arith.constant 128 : i32
            %mul3A_467 = arith.muli %mul3A_466, %add3A_304 : i32
            %dma_start3A_468 = arith.constant 0 : i32
            %dma_start3A_469 = arith.constant 0 : i32
            %dma_start3A_470 = tpu.memref_slice %run_scoped3A_40[%rem3A_463, %dma_start3A_468, %dma_start3A_469] : memref<2x1x128xi32, #tpu.memory_space<vmem>> -> memref<1x1x128xi32, #tpu.memory_space<vmem>>
            %dma_start3A_471 = tpu.memref_squeeze %dma_start3A_470 : memref<1x1x128xi32, #tpu.memory_space<vmem>> -> memref<1x128xi32, #tpu.memory_space<vmem>>
            %dma_start3A_472 = tpu.memref_slice %arg3[%mul3A_465, %mul3A_467] : memref<2x2048xi32, #tpu.memory_space<hbm>> -> memref<1x128xi32, #tpu.memory_space<hbm>>
            %dma_start3A_473 = tpu.memref_slice %run_scoped3A_41[%rem3A_463] : memref<2x!tpu.dma_semaphore, #tpu.memory_space<semaphore_mem>> -> memref<1x!tpu.dma_semaphore, #tpu.memory_space<semaphore_mem>>
            %dma_start3A_474 = tpu.memref_squeeze %dma_start3A_473 : memref<1x!tpu.dma_semaphore, #tpu.memory_space<semaphore_mem>> -> memref<!tpu.dma_semaphore, #tpu.memory_space<semaphore_mem>>
            %dma_start3A_475 = arith.constant 0 : i32
            %dma_start3A_476 = arith.constant 0 : i32
            %dma_start3A_477 = tpu.memref_slice %run_scoped3A_40[%rem3A_463, %dma_start3A_475, %dma_start3A_476] : memref<2x1x128xi32, #tpu.memory_space<vmem>> -> memref<1x1x128xi32, #tpu.memory_space<vmem>>
            %dma_start3A_478 = tpu.memref_squeeze %dma_start3A_477 : memref<1x1x128xi32, #tpu.memory_space<vmem>> -> memref<1x128xi32, #tpu.memory_space<vmem>>
            %dma_start3A_479 = tpu.memref_slice %arg3[%mul3A_465, %mul3A_467] : memref<2x2048xi32, #tpu.memory_space<hbm>> -> memref<1x128xi32, #tpu.memory_space<hbm>>
            tpu.enqueue_dma source(%dma_start3A_479 : memref<1x128xi32, #tpu.memory_space<hbm>>) target(%dma_start3A_478 : memref<1x128xi32, #tpu.memory_space<vmem>>) target_semaphore(%dma_start3A_474 : memref<!tpu.dma_semaphore, #tpu.memory_space<semaphore_mem>>)
            "tpu.trace_stop"() : () -> ()
          } else {
          }
          %and3A_354 = arith.constant true
          %and3A_355 = arith.andi %and3A_350, %and3A_354 : i1
          %add3A_356 = arith.constant 1 : i32
          %add3A_357 = arith.addi %while3A_255, %add3A_356 : i32
          %select_n3A_358 = arith.select %and3A_355, %add3A_357, %while3A_255 : i32
          %ne3A_359 = arith.cmpi ne, %add3A_268, %add3A_287 : i32
          %or3A_360 = arith.constant false
          %or3A_361 = arith.ori %or3A_360, %ne3A_359 : i1
          %or3A_362 = arith.constant false
          %or3A_363 = arith.ori %or3A_361, %or3A_362 : i1
          %or3A_364 = arith.ori %or3A_363, %eq3A_262 : i1
          %convert_element_type3A_365 = arith.extui %or3A_364 : i1 to i32
          %cond3A_366 = arith.constant 0 : i32
          %cond3A_367 = arith.cmpi ne, %convert_element_type3A_365, %cond3A_366 : i32
          scf.if %cond3A_367 {
            "tpu.trace_start"() <{level = 10 : i32, message = "ep_wait_in"}> : () -> ()
            %mul3A_462 = arith.constant 128 : i32
            %mul3A_463 = arith.muli %mul3A_462, %add3A_268 : i32
            %rem3A_464 = arith.constant 2 : i32
            %rem3A_465 = arith.remui %while3A_254, %rem3A_464 : i32
            %dma_wait3A = arith.constant 0 : i32
            %dma_wait3A_466 = arith.constant 0 : i32
            %dma_wait3A_467 = tpu.memref_slice %run_scoped3A[%rem3A_465, %dma_wait3A, %dma_wait3A_466] : memref<2x128x256xi32, #tpu.memory_space<vmem>> -> memref<1x128x256xi32, #tpu.memory_space<vmem>>
            %dma_wait3A_468 = tpu.memref_squeeze %dma_wait3A_467 : memref<1x128x256xi32, #tpu.memory_space<vmem>> -> memref<128x256xi32, #tpu.memory_space<vmem>>
            %dma_wait3A_469 = arith.constant 0 : i32
            %dma_wait3A_470 = tpu.memref_slice %arg2[%mul3A_463, %dma_wait3A_469] : memref<2048x512xi32, #tpu.memory_space<hbm>> -> memref<128x256xi32, #tpu.memory_space<hbm>>
            %dma_wait3A_471 = tpu.memref_slice %run_scoped3A_39[%rem3A_465] : memref<2x!tpu.dma_semaphore, #tpu.memory_space<semaphore_mem>> -> memref<1x!tpu.dma_semaphore, #tpu.memory_space<semaphore_mem>>
            %dma_wait3A_472 = tpu.memref_squeeze %dma_wait3A_471 : memref<1x!tpu.dma_semaphore, #tpu.memory_space<semaphore_mem>> -> memref<!tpu.dma_semaphore, #tpu.memory_space<semaphore_mem>>
            %dma_wait3A_473 = arith.constant 0 : i32
            %dma_wait3A_474 = arith.constant 0 : i32
            %dma_wait3A_475 = tpu.memref_slice %run_scoped3A[%rem3A_465, %dma_wait3A_473, %dma_wait3A_474] : memref<2x128x256xi32, #tpu.memory_space<vmem>> -> memref<1x128x256xi32, #tpu.memory_space<vmem>>
            %dma_wait3A_476 = tpu.memref_squeeze %dma_wait3A_475 : memref<1x128x256xi32, #tpu.memory_space<vmem>> -> memref<128x256xi32, #tpu.memory_space<vmem>>
            %dma_wait3A_477 = arith.constant 0 : i32
            %dma_wait3A_478 = tpu.memref_slice %arg2[%mul3A_463, %dma_wait3A_477] : memref<2048x512xi32, #tpu.memory_space<hbm>> -> memref<128x256xi32, #tpu.memory_space<hbm>>
            tpu.wait_dma2 semaphore(%dma_wait3A_472 : memref<!tpu.dma_semaphore, #tpu.memory_space<semaphore_mem>>) src(%dma_wait3A_478 : memref<128x256xi32, #tpu.memory_space<hbm>>) dst(%dma_wait3A_476 : memref<128x256xi32, #tpu.memory_space<vmem>>)
            "tpu.trace_stop"() : () -> ()
          } else {
          }
          %ne3A_368 = arith.cmpi ne, %add3A_267, %add3A_286 : i32
          %ne3A_369 = arith.cmpi ne, %add3A_268, %add3A_287 : i32
          %or3A_370 = arith.constant false
          %or3A_371 = arith.ori %or3A_370, %ne3A_368 : i1
          %or3A_372 = arith.ori %or3A_371, %ne3A_369 : i1
          %or3A_373 = arith.ori %or3A_372, %eq3A_262 : i1
          %convert_element_type3A_374 = arith.extui %or3A_373 : i1 to i32
          %cond3A_375 = arith.constant 0 : i32
          %cond3A_376 = arith.cmpi ne, %convert_element_type3A_374, %cond3A_375 : i32
          scf.if %cond3A_376 {
            "tpu.trace_start"() <{level = 10 : i32, message = "ep_wait_in"}> : () -> ()
            %mul3A_462 = arith.constant 1 : i32
            %mul3A_463 = arith.muli %mul3A_462, %add3A_267 : i32
            %mul3A_464 = arith.constant 128 : i32
            %mul3A_465 = arith.muli %mul3A_464, %add3A_268 : i32
            %rem3A_466 = arith.constant 2 : i32
            %rem3A_467 = arith.remui %while3A_256, %rem3A_466 : i32
            %dma_wait3A = arith.constant 0 : i32
            %dma_wait3A_468 = arith.constant 0 : i32
            %dma_wait3A_469 = tpu.memref_slice %run_scoped3A_40[%rem3A_467, %dma_wait3A, %dma_wait3A_468] : memref<2x1x128xi32, #tpu.memory_space<vmem>> -> memref<1x1x128xi32, #tpu.memory_space<vmem>>
            %dma_wait3A_470 = tpu.memref_squeeze %dma_wait3A_469 : memref<1x1x128xi32, #tpu.memory_space<vmem>> -> memref<1x128xi32, #tpu.memory_space<vmem>>
            %dma_wait3A_471 = tpu.memref_slice %arg3[%mul3A_463, %mul3A_465] : memref<2x2048xi32, #tpu.memory_space<hbm>> -> memref<1x128xi32, #tpu.memory_space<hbm>>
            %dma_wait3A_472 = tpu.memref_slice %run_scoped3A_41[%rem3A_467] : memref<2x!tpu.dma_semaphore, #tpu.memory_space<semaphore_mem>> -> memref<1x!tpu.dma_semaphore, #tpu.memory_space<semaphore_mem>>
            %dma_wait3A_473 = tpu.memref_squeeze %dma_wait3A_472 : memref<1x!tpu.dma_semaphore, #tpu.memory_space<semaphore_mem>> -> memref<!tpu.dma_semaphore, #tpu.memory_space<semaphore_mem>>
            %dma_wait3A_474 = arith.constant 0 : i32
            %dma_wait3A_475 = arith.constant 0 : i32
            %dma_wait3A_476 = tpu.memref_slice %run_scoped3A_40[%rem3A_467, %dma_wait3A_474, %dma_wait3A_475] : memref<2x1x128xi32, #tpu.memory_space<vmem>> -> memref<1x1x128xi32, #tpu.memory_space<vmem>>
            %dma_wait3A_477 = tpu.memref_squeeze %dma_wait3A_476 : memref<1x1x128xi32, #tpu.memory_space<vmem>> -> memref<1x128xi32, #tpu.memory_space<vmem>>
            %dma_wait3A_478 = tpu.memref_slice %arg3[%mul3A_463, %mul3A_465] : memref<2x2048xi32, #tpu.memory_space<hbm>> -> memref<1x128xi32, #tpu.memory_space<hbm>>
            tpu.wait_dma2 semaphore(%dma_wait3A_473 : memref<!tpu.dma_semaphore, #tpu.memory_space<semaphore_mem>>) src(%dma_wait3A_478 : memref<1x128xi32, #tpu.memory_space<hbm>>) dst(%dma_wait3A_477 : memref<1x128xi32, #tpu.memory_space<vmem>>)
            "tpu.trace_stop"() : () -> ()
          } else {
          }
          %rem3A_377 = arith.constant 2 : i32
          %rem3A_378 = arith.remui %while3A_254, %rem3A_377 : i32
          %rem3A_379 = arith.constant 2 : i32
          %rem3A_380 = arith.remui %while3A_256, %rem3A_379 : i32
          %run_scoped3A_381 = arith.constant 0 : i32
          "tpu.trace_start"() <{level = 10 : i32, message = "ep_run_kernel"}> : () -> ()
          "tpu.region"() ({
            %run_scoped3A_462 = tpu.sem_alloc : memref<!tpu.dma_semaphore, #tpu.memory_space<semaphore_mem>>
            %dma_start3A_463 = arith.constant 0 : i32
            %dma_start3A_464 = arith.constant 0 : i32
            %dma_start3A_465 = tpu.memref_slice %run_scoped3A[%rem3A_378, %dma_start3A_463, %dma_start3A_464] : memref<2x128x256xi32, #tpu.memory_space<vmem>> -> memref<1x128x256xi32, #tpu.memory_space<vmem>>
            %dma_start3A_466 = tpu.memref_squeeze %dma_start3A_465 : memref<1x128x256xi32, #tpu.memory_space<vmem>> -> memref<128x256xi32, #tpu.memory_space<vmem>>
            %dma_start3A_467 = arith.constant 0 : i32
            %dma_start3A_468 = arith.constant 0 : i32
            %dma_start3A_469 = tpu.memref_slice %run_scoped3A_40[%rem3A_380, %dma_start3A_467, %dma_start3A_468] : memref<2x1x128xi32, #tpu.memory_space<vmem>> -> memref<1x1x128xi32, #tpu.memory_space<vmem>>
            %dma_start3A_470 = tpu.memref_squeeze %dma_start3A_469 : memref<1x1x128xi32, #tpu.memory_space<vmem>> -> memref<1x128xi32, #tpu.memory_space<vmem>>
            %dma_start3A_471 = arith.constant 0 : i32
            %dma_start3A_472 = tpu.memref_slice %dma_start3A_470[%run_scoped3A_381, %dma_start3A_471] : memref<1x128xi32, #tpu.memory_space<vmem>> -> memref<1x128xi32, #tpu.memory_space<vmem>>
            %dma_start3A_473 = tpu.memref_squeeze %dma_start3A_472 : memref<1x128xi32, #tpu.memory_space<vmem>> -> memref<128xi32, #tpu.memory_space<vmem>>
            %dma_start3A_474 = arith.constant 0 : i32
            %dma_start3A_475 = arith.constant 0 : i32
            %dma_start3A_476 = tpu.memref_slice %arg4[%dma_start3A_474, %dma_start3A_475] : memref<8192x256xi32, #tpu.memory_space<hbm>> -> memref<8192x256xi32, #tpu.memory_space<hbm>>
            tpu.enqueue_indirect_dma source(%dma_start3A_466 : memref<128x256xi32, #tpu.memory_space<vmem>>) target(%dma_start3A_476 : memref<8192x256xi32, #tpu.memory_space<hbm>>) offsets(%dma_start3A_473 : memref<128xi32, #tpu.memory_space<vmem>>) semaphore(%run_scoped3A_462 : memref<!tpu.dma_semaphore, #tpu.memory_space<semaphore_mem>>)
            %dma_wait3A = arith.constant 0 : i32
            %dma_wait3A_477 = arith.constant 0 : i32
            %dma_wait3A_478 = tpu.memref_slice %run_scoped3A[%rem3A_378, %dma_wait3A, %dma_wait3A_477] : memref<2x128x256xi32, #tpu.memory_space<vmem>> -> memref<1x128x256xi32, #tpu.memory_space<vmem>>
            %dma_wait3A_479 = tpu.memref_squeeze %dma_wait3A_478 : memref<1x128x256xi32, #tpu.memory_space<vmem>> -> memref<128x256xi32, #tpu.memory_space<vmem>>
            %dma_wait3A_480 = arith.constant 0 : i32
            %dma_wait3A_481 = arith.constant 0 : i32
            %dma_wait3A_482 = tpu.memref_slice %run_scoped3A_40[%rem3A_380, %dma_wait3A_480, %dma_wait3A_481] : memref<2x1x128xi32, #tpu.memory_space<vmem>> -> memref<1x1x128xi32, #tpu.memory_space<vmem>>
            %dma_wait3A_483 = tpu.memref_squeeze %dma_wait3A_482 : memref<1x1x128xi32, #tpu.memory_space<vmem>> -> memref<1x128xi32, #tpu.memory_space<vmem>>
            %dma_wait3A_484 = arith.constant 0 : i32
            %dma_wait3A_485 = tpu.memref_slice %dma_wait3A_483[%run_scoped3A_381, %dma_wait3A_484] : memref<1x128xi32, #tpu.memory_space<vmem>> -> memref<1x128xi32, #tpu.memory_space<vmem>>
            %dma_wait3A_486 = tpu.memref_squeeze %dma_wait3A_485 : memref<1x128xi32, #tpu.memory_space<vmem>> -> memref<128xi32, #tpu.memory_space<vmem>>
            %dma_wait3A_487 = arith.constant 0 : i32
            %dma_wait3A_488 = arith.constant 0 : i32
            %dma_wait3A_489 = tpu.memref_slice %arg4[%dma_wait3A_487, %dma_wait3A_488] : memref<8192x256xi32, #tpu.memory_space<hbm>> -> memref<8192x256xi32, #tpu.memory_space<hbm>>
            tpu.wait_indirect_dma semaphore(%run_scoped3A_462 : memref<!tpu.dma_semaphore, #tpu.memory_space<semaphore_mem>>) src(%dma_wait3A_479 : memref<128x256xi32, #tpu.memory_space<vmem>>) dst(%dma_wait3A_489 : memref<8192x256xi32, #tpu.memory_space<hbm>>)
            tpu.yield
          }) : () -> ()
          "tpu.trace_stop"() : () -> ()
          %ne3A_382 = arith.cmpi ne, %add3A_268, %add3A_304 : i32
          %or3A_383 = arith.constant false
          %or3A_384 = arith.ori %or3A_383, %ne3A_382 : i1
          %or3A_385 = arith.constant false
          %or3A_386 = arith.ori %or3A_384, %or3A_385 : i1
          %or3A_387 = arith.ori %or3A_386, %eq3A_265 : i1
          %convert_element_type3A_388 = arith.extui %or3A_387 : i1 to i32
          %cond3A_389 = arith.constant 0 : i32
          %cond3A_390 = arith.cmpi ne, %convert_element_type3A_388, %cond3A_389 : i32
          scf.if %cond3A_390 {
          } else {
          }
          %and3A_391 = arith.constant false
          %and3A_392 = arith.andi %or3A_387, %and3A_391 : i1
          %ne3A_393 = arith.cmpi ne, %add3A_267, %add3A_303 : i32
          %ne3A_394 = arith.cmpi ne, %add3A_268, %add3A_304 : i32
          %or3A_395 = arith.constant false
          %or3A_396 = arith.ori %or3A_395, %ne3A_393 : i1
          %or3A_397 = arith.ori %or3A_396, %ne3A_394 : i1
          %or3A_398 = arith.ori %or3A_397, %eq3A_265 : i1
          %convert_element_type3A_399 = arith.extui %or3A_398 : i1 to i32
          %cond3A_400 = arith.constant 0 : i32
          %cond3A_401 = arith.cmpi ne, %convert_element_type3A_399, %cond3A_400 : i32
          scf.if %cond3A_401 {
          } else {
          }
          %and3A_402 = arith.constant false
          %and3A_403 = arith.andi %or3A_398, %and3A_402 : i1
          %ne3A_404 = arith.cmpi ne, %add3A_268, %add3A_287 : i32
          %or3A_405 = arith.constant false
          %or3A_406 = arith.ori %or3A_405, %ne3A_404 : i1
          %or3A_407 = arith.constant false
          %or3A_408 = arith.ori %or3A_406, %or3A_407 : i1
          %not3A_409 = arith.constant true
          %not3A_410 = arith.xori %eq3A_262, %not3A_409 : i1
          %and3A_411 = arith.andi %or3A_408, %not3A_410 : i1
          %convert_element_type3A_412 = arith.extui %and3A_411 : i1 to i32
          %cond3A_413 = arith.constant 0 : i32
          %cond3A_414 = arith.cmpi ne, %convert_element_type3A_412, %cond3A_413 : i32
          scf.if %cond3A_414 {
          } else {
          }
          %and3A_415 = arith.constant false
          %and3A_416 = arith.andi %and3A_411, %and3A_415 : i1
          %ne3A_417 = arith.cmpi ne, %add3A_267, %add3A_286 : i32
          %ne3A_418 = arith.cmpi ne, %add3A_268, %add3A_287 : i32
          %or3A_419 = arith.constant false
          %or3A_420 = arith.ori %or3A_419, %ne3A_417 : i1
          %or3A_421 = arith.ori %or3A_420, %ne3A_418 : i1
          %not3A_422 = arith.constant true
          %not3A_423 = arith.xori %eq3A_262, %not3A_422 : i1
          %and3A_424 = arith.andi %or3A_421, %not3A_423 : i1
          %convert_element_type3A_425 = arith.extui %and3A_424 : i1 to i32
          %cond3A_426 = arith.constant 0 : i32
          %cond3A_427 = arith.cmpi ne, %convert_element_type3A_425, %cond3A_426 : i32
          scf.if %cond3A_427 {
          } else {
          }
          %and3A_428 = arith.constant false
          %and3A_429 = arith.andi %and3A_424, %and3A_428 : i1
          %ne3A_430 = arith.cmpi ne, %add3A_268, %add3A_304 : i32
          %or3A_431 = arith.constant false
          %or3A_432 = arith.ori %or3A_431, %ne3A_430 : i1
          %or3A_433 = arith.constant false
          %or3A_434 = arith.ori %or3A_432, %or3A_433 : i1
          %or3A_435 = arith.ori %or3A_434, %eq3A_265 : i1
          %add3A_436 = arith.constant 1 : i32
          %add3A_437 = arith.addi %while3A_254, %add3A_436 : i32
          %select_n3A_438 = arith.select %or3A_435, %add3A_437, %while3A_254 : i32
          %ne3A_439 = arith.cmpi ne, %add3A_267, %add3A_303 : i32
          %ne3A_440 = arith.cmpi ne, %add3A_268, %add3A_304 : i32
          %or3A_441 = arith.constant false
          %or3A_442 = arith.ori %or3A_441, %ne3A_439 : i1
          %or3A_443 = arith.ori %or3A_442, %ne3A_440 : i1
          %or3A_444 = arith.ori %or3A_443, %eq3A_265 : i1
          %add3A_445 = arith.constant 1 : i32
          %add3A_446 = arith.addi %while3A_256, %add3A_445 : i32
          %select_n3A_447 = arith.select %or3A_444, %add3A_446, %while3A_256 : i32
          %add3A_448 = arith.constant 1 : i32
          %add3A_449 = arith.addi %while3A_258, %add3A_448 : i32
          %select_n3A_450 = arith.constant true
          %select_n3A_451 = arith.select %select_n3A_450, %add3A_449, %while3A_258 : i32
          %eq3A_452 = arith.cmpi eq, %select_n3A_451, %select_n3A : i32
          %select_n3A_453 = arith.constant 0 : i32
          %select_n3A_454 = arith.select %eq3A_452, %select_n3A_453, %select_n3A_451 : i32
          %add3A_455 = arith.constant 1 : i32
          %add3A_456 = arith.addi %while3A_257, %add3A_455 : i32
          %select_n3A_457 = arith.select %eq3A_452, %add3A_456, %while3A_257 : i32
          %eq3A_458 = arith.constant 2 : i32
          %eq3A_459 = arith.cmpi eq, %select_n3A_457, %eq3A_458 : i32
          %select_n3A_460 = arith.constant 0 : i32
          %select_n3A_461 = arith.select %eq3A_459, %select_n3A_460, %select_n3A_457 : i32
          scf.yield %select_n3A_337, %select_n3A_438, %select_n3A_358, %select_n3A_447, %select_n3A_461, %select_n3A_454 : i32, i32, i32, i32, i32, i32
        }
        %while3A_163 = arith.constant 1 : i32
        %while3A_164:6 = scf.for %while3A_252 = %while3A_160 to %while3A_156 step %while3A_163 iter_args(%while3A_253 = %while3A_162#0, %while3A_254 = %while3A_162#1, %while3A_255 = %while3A_162#2, %while3A_256 = %while3A_162#3, %while3A_257 = %while3A_162#4, %while3A_258 = %while3A_162#5) -> (i32, i32, i32, i32, i32, i32)  : i32 {
          %mul3A_259 = arith.constant 2 : i32
          %mul3A_260 = arith.muli %mul3A_259, %select_n3A : i32
          %eq3A_261 = arith.constant 0 : i32
          %eq3A_262 = arith.cmpi eq, %while3A_252, %eq3A_261 : i32
          %sub3A_263 = arith.constant 1 : i32
          %sub3A_264 = arith.subi %mul3A_260, %sub3A_263 : i32
          %eq3A_265 = arith.cmpi eq, %while3A_252, %sub3A_264 : i32
          %add3A_266 = arith.constant 0 : i32
          %add3A_267 = arith.addi %while3A_257, %add3A_266 : i32
          %add3A_268 = arith.addi %while3A_258, %select_n3A_14 : i32
          %sub3A_269 = arith.constant 1 : i32
          %sub3A_270 = arith.subi %while3A_258, %sub3A_269 : i32
          %select_n3A_271 = arith.constant true
          %select_n3A_272 = arith.select %select_n3A_271, %sub3A_270, %while3A_258 : i32
          %eq3A_273 = arith.constant -1 : i32
          %eq3A_274 = arith.cmpi eq, %select_n3A_272, %eq3A_273 : i32
          %sub3A_275 = arith.constant 1 : i32
          %sub3A_276 = arith.subi %select_n3A, %sub3A_275 : i32
          %select_n3A_277 = arith.select %eq3A_274, %sub3A_276, %select_n3A_272 : i32
          %sub3A_278 = arith.constant 1 : i32
          %sub3A_279 = arith.subi %while3A_257, %sub3A_278 : i32
          %select_n3A_280 = arith.select %eq3A_274, %sub3A_279, %while3A_257 : i32
          %eq3A_281 = arith.constant -1 : i32
          %eq3A_282 = arith.cmpi eq, %select_n3A_280, %eq3A_281 : i32
          %select_n3A_283 = arith.constant 1 : i32
          %select_n3A_284 = arith.select %eq3A_282, %select_n3A_283, %select_n3A_280 : i32
          %add3A_285 = arith.constant 0 : i32
          %add3A_286 = arith.addi %select_n3A_284, %add3A_285 : i32
          %add3A_287 = arith.addi %select_n3A_277, %select_n3A_14 : i32
          %add3A_288 = arith.constant 1 : i32
          %add3A_289 = arith.addi %while3A_258, %add3A_288 : i32
          %select_n3A_290 = arith.constant true
          %select_n3A_291 = arith.select %select_n3A_290, %add3A_289, %while3A_258 : i32
          %eq3A_292 = arith.cmpi eq, %select_n3A_291, %select_n3A : i32
          %select_n3A_293 = arith.constant 0 : i32
          %select_n3A_294 = arith.select %eq3A_292, %select_n3A_293, %select_n3A_291 : i32
          %add3A_295 = arith.constant 1 : i32
          %add3A_296 = arith.addi %while3A_257, %add3A_295 : i32
          %select_n3A_297 = arith.select %eq3A_292, %add3A_296, %while3A_257 : i32
          %eq3A_298 = arith.constant 2 : i32
          %eq3A_299 = arith.cmpi eq, %select_n3A_297, %eq3A_298 : i32
          %select_n3A_300 = arith.constant 0 : i32
          %select_n3A_301 = arith.select %eq3A_299, %select_n3A_300, %select_n3A_297 : i32
          %add3A_302 = arith.constant 0 : i32
          %add3A_303 = arith.addi %select_n3A_301, %add3A_302 : i32
          %add3A_304 = arith.addi %select_n3A_294, %select_n3A_14 : i32
          %add3A_305 = arith.constant 1 : i32
          %add3A_306 = arith.addi %select_n3A_294, %add3A_305 : i32
          %select_n3A_307 = arith.constant true
          %select_n3A_308 = arith.select %select_n3A_307, %add3A_306, %select_n3A_294 : i32
          %eq3A_309 = arith.cmpi eq, %select_n3A_308, %select_n3A : i32
          %select_n3A_310 = arith.constant 0 : i32
          %select_n3A_311 = arith.select %eq3A_309, %select_n3A_310, %select_n3A_308 : i32
          %add3A_312 = arith.constant 1 : i32
          %add3A_313 = arith.addi %select_n3A_301, %add3A_312 : i32
          %select_n3A_314 = arith.select %eq3A_309, %add3A_313, %select_n3A_301 : i32
          %eq3A_315 = arith.constant 2 : i32
          %eq3A_316 = arith.cmpi eq, %select_n3A_314, %eq3A_315 : i32
          %select_n3A_317 = arith.constant 0 : i32
          %select_n3A_318 = arith.select %eq3A_316, %select_n3A_317, %select_n3A_314 : i32
          %add3A_319 = arith.constant 0 : i32
          %add3A_320 = arith.addi %select_n3A_318, %add3A_319 : i32
          %add3A_321 = arith.addi %select_n3A_311, %select_n3A_14 : i32
          %ne3A = arith.cmpi ne, %add3A_268, %add3A_304 : i32
          %or3A = arith.constant false
          %or3A_322 = arith.ori %or3A, %ne3A : i1
          %or3A_323 = arith.constant false
          %or3A_324 = arith.ori %or3A_322, %or3A_323 : i1
          %sub3A_325 = arith.constant 2 : i32
          %sub3A_326 = arith.subi %mul3A_260, %sub3A_325 : i32
          %add3A_327 = arith.constant 1 : i32
          %add3A_328 = arith.addi %sub3A_326, %add3A_327 : i32
          %ge3A = arith.cmpi sge, %while3A_252, %add3A_328 : i32
          %not3A = arith.constant true
          %not3A_329 = arith.xori %ge3A, %not3A : i1
          %and3A = arith.andi %or3A_324, %not3A_329 : i1
          %convert_element_type3A_330 = arith.extui %and3A : i1 to i32
          %cond3A_331 = arith.constant 0 : i32
          %cond3A_332 = arith.cmpi ne, %convert_element_type3A_330, %cond3A_331 : i32
          scf.if %cond3A_332 {
            "tpu.trace_start"() <{level = 10 : i32, message = "ep_copy_in"}> : () -> ()
            %rem3A_462 = arith.constant 2 : i32
            %rem3A_463 = arith.remui %while3A_253, %rem3A_462 : i32
            %mul3A_464 = arith.constant 128 : i32
            %mul3A_465 = arith.muli %mul3A_464, %add3A_304 : i32
            %dma_start3A_466 = arith.constant 0 : i32
            %dma_start3A_467 = arith.constant 0 : i32
            %dma_start3A_468 = tpu.memref_slice %run_scoped3A[%rem3A_463, %dma_start3A_466, %dma_start3A_467] : memref<2x128x256xi32, #tpu.memory_space<vmem>> -> memref<1x128x256xi32, #tpu.memory_space<vmem>>
            %dma_start3A_469 = tpu.memref_squeeze %dma_start3A_468 : memref<1x128x256xi32, #tpu.memory_space<vmem>> -> memref<128x256xi32, #tpu.memory_space<vmem>>
            %dma_start3A_470 = arith.constant 0 : i32
            %dma_start3A_471 = tpu.memref_slice %arg2[%mul3A_465, %dma_start3A_470] : memref<2048x512xi32, #tpu.memory_space<hbm>> -> memref<128x256xi32, #tpu.memory_space<hbm>>
            %dma_start3A_472 = tpu.memref_slice %run_scoped3A_39[%rem3A_463] : memref<2x!tpu.dma_semaphore, #tpu.memory_space<semaphore_mem>> -> memref<1x!tpu.dma_semaphore, #tpu.memory_space<semaphore_mem>>
            %dma_start3A_473 = tpu.memref_squeeze %dma_start3A_472 : memref<1x!tpu.dma_semaphore, #tpu.memory_space<semaphore_mem>> -> memref<!tpu.dma_semaphore, #tpu.memory_space<semaphore_mem>>
            %dma_start3A_474 = arith.constant 0 : i32
            %dma_start3A_475 = arith.constant 0 : i32
            %dma_start3A_476 = tpu.memref_slice %run_scoped3A[%rem3A_463, %dma_start3A_474, %dma_start3A_475] : memref<2x128x256xi32, #tpu.memory_space<vmem>> -> memref<1x128x256xi32, #tpu.memory_space<vmem>>
            %dma_start3A_477 = tpu.memref_squeeze %dma_start3A_476 : memref<1x128x256xi32, #tpu.memory_space<vmem>> -> memref<128x256xi32, #tpu.memory_space<vmem>>
            %dma_start3A_478 = arith.constant 0 : i32
            %dma_start3A_479 = tpu.memref_slice %arg2[%mul3A_465, %dma_start3A_478] : memref<2048x512xi32, #tpu.memory_space<hbm>> -> memref<128x256xi32, #tpu.memory_space<hbm>>
            tpu.enqueue_dma source(%dma_start3A_479 : memref<128x256xi32, #tpu.memory_space<hbm>>) target(%dma_start3A_477 : memref<128x256xi32, #tpu.memory_space<vmem>>) target_semaphore(%dma_start3A_473 : memref<!tpu.dma_semaphore, #tpu.memory_space<semaphore_mem>>)
            "tpu.trace_stop"() : () -> ()
          } else {
          }
          %and3A_333 = arith.constant true
          %and3A_334 = arith.andi %and3A, %and3A_333 : i1
          %add3A_335 = arith.constant 1 : i32
          %add3A_336 = arith.addi %while3A_253, %add3A_335 : i32
          %select_n3A_337 = arith.select %and3A_334, %add3A_336, %while3A_253 : i32
          %ne3A_338 = arith.cmpi ne, %add3A_267, %add3A_303 : i32
          %ne3A_339 = arith.cmpi ne, %add3A_268, %add3A_304 : i32
          %or3A_340 = arith.constant false
          %or3A_341 = arith.ori %or3A_340, %ne3A_338 : i1
          %or3A_342 = arith.ori %or3A_341, %ne3A_339 : i1
          %sub3A_343 = arith.constant 2 : i32
          %sub3A_344 = arith.subi %mul3A_260, %sub3A_343 : i32
          %add3A_345 = arith.constant 1 : i32
          %add3A_346 = arith.addi %sub3A_344, %add3A_345 : i32
          %ge3A_347 = arith.cmpi sge, %while3A_252, %add3A_346 : i32
          %not3A_348 = arith.constant true
          %not3A_349 = arith.xori %ge3A_347, %not3A_348 : i1
          %and3A_350 = arith.andi %or3A_342, %not3A_349 : i1
          %convert_element_type3A_351 = arith.extui %and3A_350 : i1 to i32
          %cond3A_352 = arith.constant 0 : i32
          %cond3A_353 = arith.cmpi ne, %convert_element_type3A_351, %cond3A_352 : i32
          scf.if %cond3A_353 {
            "tpu.trace_start"() <{level = 10 : i32, message = "ep_copy_in"}> : () -> ()
            %rem3A_462 = arith.constant 2 : i32
            %rem3A_463 = arith.remui %while3A_255, %rem3A_462 : i32
            %mul3A_464 = arith.constant 1 : i32
            %mul3A_465 = arith.muli %mul3A_464, %add3A_303 : i32
            %mul3A_466 = arith.constant 128 : i32
            %mul3A_467 = arith.muli %mul3A_466, %add3A_304 : i32
            %dma_start3A_468 = arith.constant 0 : i32
            %dma_start3A_469 = arith.constant 0 : i32
            %dma_start3A_470 = tpu.memref_slice %run_scoped3A_40[%rem3A_463, %dma_start3A_468, %dma_start3A_469] : memref<2x1x128xi32, #tpu.memory_space<vmem>> -> memref<1x1x128xi32, #tpu.memory_space<vmem>>
            %dma_start3A_471 = tpu.memref_squeeze %dma_start3A_470 : memref<1x1x128xi32, #tpu.memory_space<vmem>> -> memref<1x128xi32, #tpu.memory_space<vmem>>
            %dma_start3A_472 = tpu.memref_slice %arg3[%mul3A_465, %mul3A_467] : memref<2x2048xi32, #tpu.memory_space<hbm>> -> memref<1x128xi32, #tpu.memory_space<hbm>>
            %dma_start3A_473 = tpu.memref_slice %run_scoped3A_41[%rem3A_463] : memref<2x!tpu.dma_semaphore, #tpu.memory_space<semaphore_mem>> -> memref<1x!tpu.dma_semaphore, #tpu.memory_space<semaphore_mem>>
            %dma_start3A_474 = tpu.memref_squeeze %dma_start3A_473 : memref<1x!tpu.dma_semaphore, #tpu.memory_space<semaphore_mem>> -> memref<!tpu.dma_semaphore, #tpu.memory_space<semaphore_mem>>
            %dma_start3A_475 = arith.constant 0 : i32
            %dma_start3A_476 = arith.constant 0 : i32
            %dma_start3A_477 = tpu.memref_slice %run_scoped3A_40[%rem3A_463, %dma_start3A_475, %dma_start3A_476] : memref<2x1x128xi32, #tpu.memory_space<vmem>> -> memref<1x1x128xi32, #tpu.memory_space<vmem>>
            %dma_start3A_478 = tpu.memref_squeeze %dma_start3A_477 : memref<1x1x128xi32, #tpu.memory_space<vmem>> -> memref<1x128xi32, #tpu.memory_space<vmem>>
            %dma_start3A_479 = tpu.memref_slice %arg3[%mul3A_465, %mul3A_467] : memref<2x2048xi32, #tpu.memory_space<hbm>> -> memref<1x128xi32, #tpu.memory_space<hbm>>
            tpu.enqueue_dma source(%dma_start3A_479 : memref<1x128xi32, #tpu.memory_space<hbm>>) target(%dma_start3A_478 : memref<1x128xi32, #tpu.memory_space<vmem>>) target_semaphore(%dma_start3A_474 : memref<!tpu.dma_semaphore, #tpu.memory_space<semaphore_mem>>)
            "tpu.trace_stop"() : () -> ()
          } else {
          }
          %and3A_354 = arith.constant true
          %and3A_355 = arith.andi %and3A_350, %and3A_354 : i1
          %add3A_356 = arith.constant 1 : i32
          %add3A_357 = arith.addi %while3A_255, %add3A_356 : i32
          %select_n3A_358 = arith.select %and3A_355, %add3A_357, %while3A_255 : i32
          %ne3A_359 = arith.cmpi ne, %add3A_268, %add3A_287 : i32
          %or3A_360 = arith.constant false
          %or3A_361 = arith.ori %or3A_360, %ne3A_359 : i1
          %or3A_362 = arith.constant false
          %or3A_363 = arith.ori %or3A_361, %or3A_362 : i1
          %or3A_364 = arith.ori %or3A_363, %eq3A_262 : i1
          %convert_element_type3A_365 = arith.extui %or3A_364 : i1 to i32
          %cond3A_366 = arith.constant 0 : i32
          %cond3A_367 = arith.cmpi ne, %convert_element_type3A_365, %cond3A_366 : i32
          scf.if %cond3A_367 {
            "tpu.trace_start"() <{level = 10 : i32, message = "ep_wait_in"}> : () -> ()
            %mul3A_462 = arith.constant 128 : i32
            %mul3A_463 = arith.muli %mul3A_462, %add3A_268 : i32
            %rem3A_464 = arith.constant 2 : i32
            %rem3A_465 = arith.remui %while3A_254, %rem3A_464 : i32
            %dma_wait3A = arith.constant 0 : i32
            %dma_wait3A_466 = arith.constant 0 : i32
            %dma_wait3A_467 = tpu.memref_slice %run_scoped3A[%rem3A_465, %dma_wait3A, %dma_wait3A_466] : memref<2x128x256xi32, #tpu.memory_space<vmem>> -> memref<1x128x256xi32, #tpu.memory_space<vmem>>
            %dma_wait3A_468 = tpu.memref_squeeze %dma_wait3A_467 : memref<1x128x256xi32, #tpu.memory_space<vmem>> -> memref<128x256xi32, #tpu.memory_space<vmem>>
            %dma_wait3A_469 = arith.constant 0 : i32
            %dma_wait3A_470 = tpu.memref_slice %arg2[%mul3A_463, %dma_wait3A_469] : memref<2048x512xi32, #tpu.memory_space<hbm>> -> memref<128x256xi32, #tpu.memory_space<hbm>>
            %dma_wait3A_471 = tpu.memref_slice %run_scoped3A_39[%rem3A_465] : memref<2x!tpu.dma_semaphore, #tpu.memory_space<semaphore_mem>> -> memref<1x!tpu.dma_semaphore, #tpu.memory_space<semaphore_mem>>
            %dma_wait3A_472 = tpu.memref_squeeze %dma_wait3A_471 : memref<1x!tpu.dma_semaphore, #tpu.memory_space<semaphore_mem>> -> memref<!tpu.dma_semaphore, #tpu.memory_space<semaphore_mem>>
            %dma_wait3A_473 = arith.constant 0 : i32
            %dma_wait3A_474 = arith.constant 0 : i32
            %dma_wait3A_475 = tpu.memref_slice %run_scoped3A[%rem3A_465, %dma_wait3A_473, %dma_wait3A_474] : memref<2x128x256xi32, #tpu.memory_space<vmem>> -> memref<1x128x256xi32, #tpu.memory_space<vmem>>
            %dma_wait3A_476 = tpu.memref_squeeze %dma_wait3A_475 : memref<1x128x256xi32, #tpu.memory_space<vmem>> -> memref<128x256xi32, #tpu.memory_space<vmem>>
            %dma_wait3A_477 = arith.constant 0 : i32
            %dma_wait3A_478 = tpu.memref_slice %arg2[%mul3A_463, %dma_wait3A_477] : memref<2048x512xi32, #tpu.memory_space<hbm>> -> memref<128x256xi32, #tpu.memory_space<hbm>>
            tpu.wait_dma2 semaphore(%dma_wait3A_472 : memref<!tpu.dma_semaphore, #tpu.memory_space<semaphore_mem>>) src(%dma_wait3A_478 : memref<128x256xi32, #tpu.memory_space<hbm>>) dst(%dma_wait3A_476 : memref<128x256xi32, #tpu.memory_space<vmem>>)
            "tpu.trace_stop"() : () -> ()
          } else {
          }
          %ne3A_368 = arith.cmpi ne, %add3A_267, %add3A_286 : i32
          %ne3A_369 = arith.cmpi ne, %add3A_268, %add3A_287 : i32
          %or3A_370 = arith.constant false
          %or3A_371 = arith.ori %or3A_370, %ne3A_368 : i1
          %or3A_372 = arith.ori %or3A_371, %ne3A_369 : i1
          %or3A_373 = arith.ori %or3A_372, %eq3A_262 : i1
          %convert_element_type3A_374 = arith.extui %or3A_373 : i1 to i32
          %cond3A_375 = arith.constant 0 : i32
          %cond3A_376 = arith.cmpi ne, %convert_element_type3A_374, %cond3A_375 : i32
          scf.if %cond3A_376 {
            "tpu.trace_start"() <{level = 10 : i32, message = "ep_wait_in"}> : () -> ()
            %mul3A_462 = arith.constant 1 : i32
            %mul3A_463 = arith.muli %mul3A_462, %add3A_267 : i32
            %mul3A_464 = arith.constant 128 : i32
            %mul3A_465 = arith.muli %mul3A_464, %add3A_268 : i32
            %rem3A_466 = arith.constant 2 : i32
            %rem3A_467 = arith.remui %while3A_256, %rem3A_466 : i32
            %dma_wait3A = arith.constant 0 : i32
            %dma_wait3A_468 = arith.constant 0 : i32
            %dma_wait3A_469 = tpu.memref_slice %run_scoped3A_40[%rem3A_467, %dma_wait3A, %dma_wait3A_468] : memref<2x1x128xi32, #tpu.memory_space<vmem>> -> memref<1x1x128xi32, #tpu.memory_space<vmem>>
            %dma_wait3A_470 = tpu.memref_squeeze %dma_wait3A_469 : memref<1x1x128xi32, #tpu.memory_space<vmem>> -> memref<1x128xi32, #tpu.memory_space<vmem>>
            %dma_wait3A_471 = tpu.memref_slice %arg3[%mul3A_463, %mul3A_465] : memref<2x2048xi32, #tpu.memory_space<hbm>> -> memref<1x128xi32, #tpu.memory_space<hbm>>
            %dma_wait3A_472 = tpu.memref_slice %run_scoped3A_41[%rem3A_467] : memref<2x!tpu.dma_semaphore, #tpu.memory_space<semaphore_mem>> -> memref<1x!tpu.dma_semaphore, #tpu.memory_space<semaphore_mem>>
            %dma_wait3A_473 = tpu.memref_squeeze %dma_wait3A_472 : memref<1x!tpu.dma_semaphore, #tpu.memory_space<semaphore_mem>> -> memref<!tpu.dma_semaphore, #tpu.memory_space<semaphore_mem>>
            %dma_wait3A_474 = arith.constant 0 : i32
            %dma_wait3A_475 = arith.constant 0 : i32
            %dma_wait3A_476 = tpu.memref_slice %run_scoped3A_40[%rem3A_467, %dma_wait3A_474, %dma_wait3A_475] : memref<2x1x128xi32, #tpu.memory_space<vmem>> -> memref<1x1x128xi32, #tpu.memory_space<vmem>>
            %dma_wait3A_477 = tpu.memref_squeeze %dma_wait3A_476 : memref<1x1x128xi32, #tpu.memory_space<vmem>> -> memref<1x128xi32, #tpu.memory_space<vmem>>
            %dma_wait3A_478 = tpu.memref_slice %arg3[%mul3A_463, %mul3A_465] : memref<2x2048xi32, #tpu.memory_space<hbm>> -> memref<1x128xi32, #tpu.memory_space<hbm>>
            tpu.wait_dma2 semaphore(%dma_wait3A_473 : memref<!tpu.dma_semaphore, #tpu.memory_space<semaphore_mem>>) src(%dma_wait3A_478 : memref<1x128xi32, #tpu.memory_space<hbm>>) dst(%dma_wait3A_477 : memref<1x128xi32, #tpu.memory_space<vmem>>)
            "tpu.trace_stop"() : () -> ()
          } else {
          }
          %rem3A_377 = arith.constant 2 : i32
          %rem3A_378 = arith.remui %while3A_254, %rem3A_377 : i32
          %rem3A_379 = arith.constant 2 : i32
          %rem3A_380 = arith.remui %while3A_256, %rem3A_379 : i32
          %run_scoped3A_381 = arith.constant 0 : i32
          "tpu.trace_start"() <{level = 10 : i32, message = "ep_run_kernel"}> : () -> ()
          "tpu.region"() ({
            %run_scoped3A_462 = tpu.sem_alloc : memref<!tpu.dma_semaphore, #tpu.memory_space<semaphore_mem>>
            %dma_start3A_463 = arith.constant 0 : i32
            %dma_start3A_464 = arith.constant 0 : i32
            %dma_start3A_465 = tpu.memref_slice %run_scoped3A[%rem3A_378, %dma_start3A_463, %dma_start3A_464] : memref<2x128x256xi32, #tpu.memory_space<vmem>> -> memref<1x128x256xi32, #tpu.memory_space<vmem>>
            %dma_start3A_466 = tpu.memref_squeeze %dma_start3A_465 : memref<1x128x256xi32, #tpu.memory_space<vmem>> -> memref<128x256xi32, #tpu.memory_space<vmem>>
            %dma_start3A_467 = arith.constant 0 : i32
            %dma_start3A_468 = arith.constant 0 : i32
            %dma_start3A_469 = tpu.memref_slice %run_scoped3A_40[%rem3A_380, %dma_start3A_467, %dma_start3A_468] : memref<2x1x128xi32, #tpu.memory_space<vmem>> -> memref<1x1x128xi32, #tpu.memory_space<vmem>>
            %dma_start3A_470 = tpu.memref_squeeze %dma_start3A_469 : memref<1x1x128xi32, #tpu.memory_space<vmem>> -> memref<1x128xi32, #tpu.memory_space<vmem>>
            %dma_start3A_471 = arith.constant 0 : i32
            %dma_start3A_472 = tpu.memref_slice %dma_start3A_470[%run_scoped3A_381, %dma_start3A_471] : memref<1x128xi32, #tpu.memory_space<vmem>> -> memref<1x128xi32, #tpu.memory_space<vmem>>
            %dma_start3A_473 = tpu.memref_squeeze %dma_start3A_472 : memref<1x128xi32, #tpu.memory_space<vmem>> -> memref<128xi32, #tpu.memory_space<vmem>>
            %dma_start3A_474 = arith.constant 0 : i32
            %dma_start3A_475 = arith.constant 0 : i32
            %dma_start3A_476 = tpu.memref_slice %arg4[%dma_start3A_474, %dma_start3A_475] : memref<8192x256xi32, #tpu.memory_space<hbm>> -> memref<8192x256xi32, #tpu.memory_space<hbm>>
            tpu.enqueue_indirect_dma source(%dma_start3A_466 : memref<128x256xi32, #tpu.memory_space<vmem>>) target(%dma_start3A_476 : memref<8192x256xi32, #tpu.memory_space<hbm>>) offsets(%dma_start3A_473 : memref<128xi32, #tpu.memory_space<vmem>>) semaphore(%run_scoped3A_462 : memref<!tpu.dma_semaphore, #tpu.memory_space<semaphore_mem>>)
            %dma_wait3A = arith.constant 0 : i32
            %dma_wait3A_477 = arith.constant 0 : i32
            %dma_wait3A_478 = tpu.memref_slice %run_scoped3A[%rem3A_378, %dma_wait3A, %dma_wait3A_477] : memref<2x128x256xi32, #tpu.memory_space<vmem>> -> memref<1x128x256xi32, #tpu.memory_space<vmem>>
            %dma_wait3A_479 = tpu.memref_squeeze %dma_wait3A_478 : memref<1x128x256xi32, #tpu.memory_space<vmem>> -> memref<128x256xi32, #tpu.memory_space<vmem>>
            %dma_wait3A_480 = arith.constant 0 : i32
            %dma_wait3A_481 = arith.constant 0 : i32
            %dma_wait3A_482 = tpu.memref_slice %run_scoped3A_40[%rem3A_380, %dma_wait3A_480, %dma_wait3A_481] : memref<2x1x128xi32, #tpu.memory_space<vmem>> -> memref<1x1x128xi32, #tpu.memory_space<vmem>>
            %dma_wait3A_483 = tpu.memref_squeeze %dma_wait3A_482 : memref<1x1x128xi32, #tpu.memory_space<vmem>> -> memref<1x128xi32, #tpu.memory_space<vmem>>
            %dma_wait3A_484 = arith.constant 0 : i32
            %dma_wait3A_485 = tpu.memref_slice %dma_wait3A_483[%run_scoped3A_381, %dma_wait3A_484] : memref<1x128xi32, #tpu.memory_space<vmem>> -> memref<1x128xi32, #tpu.memory_space<vmem>>
            %dma_wait3A_486 = tpu.memref_squeeze %dma_wait3A_485 : memref<1x128xi32, #tpu.memory_space<vmem>> -> memref<128xi32, #tpu.memory_space<vmem>>
            %dma_wait3A_487 = arith.constant 0 : i32
            %dma_wait3A_488 = arith.constant 0 : i32
            %dma_wait3A_489 = tpu.memref_slice %arg4[%dma_wait3A_487, %dma_wait3A_488] : memref<8192x256xi32, #tpu.memory_space<hbm>> -> memref<8192x256xi32, #tpu.memory_space<hbm>>
            tpu.wait_indirect_dma semaphore(%run_scoped3A_462 : memref<!tpu.dma_semaphore, #tpu.memory_space<semaphore_mem>>) src(%dma_wait3A_479 : memref<128x256xi32, #tpu.memory_space<vmem>>) dst(%dma_wait3A_489 : memref<8192x256xi32, #tpu.memory_space<hbm>>)
            tpu.yield
          }) : () -> ()
          "tpu.trace_stop"() : () -> ()
          %ne3A_382 = arith.cmpi ne, %add3A_268, %add3A_304 : i32
          %or3A_383 = arith.constant false
          %or3A_384 = arith.ori %or3A_383, %ne3A_382 : i1
          %or3A_385 = arith.constant false
          %or3A_386 = arith.ori %or3A_384, %or3A_385 : i1
          %or3A_387 = arith.ori %or3A_386, %eq3A_265 : i1
          %convert_element_type3A_388 = arith.extui %or3A_387 : i1 to i32
          %cond3A_389 = arith.constant 0 : i32
          %cond3A_390 = arith.cmpi ne, %convert_element_type3A_388, %cond3A_389 : i32
          scf.if %cond3A_390 {
          } else {
          }
          %and3A_391 = arith.constant false
          %and3A_392 = arith.andi %or3A_387, %and3A_391 : i1
          %ne3A_393 = arith.cmpi ne, %add3A_267, %add3A_303 : i32
          %ne3A_394 = arith.cmpi ne, %add3A_268, %add3A_304 : i32
          %or3A_395 = arith.constant false
          %or3A_396 = arith.ori %or3A_395, %ne3A_393 : i1
          %or3A_397 = arith.ori %or3A_396, %ne3A_394 : i1
          %or3A_398 = arith.ori %or3A_397, %eq3A_265 : i1
          %convert_element_type3A_399 = arith.extui %or3A_398 : i1 to i32
          %cond3A_400 = arith.constant 0 : i32
          %cond3A_401 = arith.cmpi ne, %convert_element_type3A_399, %cond3A_400 : i32
          scf.if %cond3A_401 {
          } else {
          }
          %and3A_402 = arith.constant false
          %and3A_403 = arith.andi %or3A_398, %and3A_402 : i1
          %ne3A_404 = arith.cmpi ne, %add3A_268, %add3A_287 : i32
          %or3A_405 = arith.constant false
          %or3A_406 = arith.ori %or3A_405, %ne3A_404 : i1
          %or3A_407 = arith.constant false
          %or3A_408 = arith.ori %or3A_406, %or3A_407 : i1
          %not3A_409 = arith.constant true
          %not3A_410 = arith.xori %eq3A_262, %not3A_409 : i1
          %and3A_411 = arith.andi %or3A_408, %not3A_410 : i1
          %convert_element_type3A_412 = arith.extui %and3A_411 : i1 to i32
          %cond3A_413 = arith.constant 0 : i32
          %cond3A_414 = arith.cmpi ne, %convert_element_type3A_412, %cond3A_413 : i32
          scf.if %cond3A_414 {
          } else {
          }
          %and3A_415 = arith.constant false
          %and3A_416 = arith.andi %and3A_411, %and3A_415 : i1
          %ne3A_417 = arith.cmpi ne, %add3A_267, %add3A_286 : i32
          %ne3A_418 = arith.cmpi ne, %add3A_268, %add3A_287 : i32
          %or3A_419 = arith.constant false
          %or3A_420 = arith.ori %or3A_419, %ne3A_417 : i1
          %or3A_421 = arith.ori %or3A_420, %ne3A_418 : i1
          %not3A_422 = arith.constant true
          %not3A_423 = arith.xori %eq3A_262, %not3A_422 : i1
          %and3A_424 = arith.andi %or3A_421, %not3A_423 : i1
          %convert_element_type3A_425 = arith.extui %and3A_424 : i1 to i32
          %cond3A_426 = arith.constant 0 : i32
          %cond3A_427 = arith.cmpi ne, %convert_element_type3A_425, %cond3A_426 : i32
          scf.if %cond3A_427 {
          } else {
          }
          %and3A_428 = arith.constant false
          %and3A_429 = arith.andi %and3A_424, %and3A_428 : i1
          %ne3A_430 = arith.cmpi ne, %add3A_268, %add3A_304 : i32
          %or3A_431 = arith.constant false
          %or3A_432 = arith.ori %or3A_431, %ne3A_430 : i1
          %or3A_433 = arith.constant false
          %or3A_434 = arith.ori %or3A_432, %or3A_433 : i1
          %or3A_435 = arith.ori %or3A_434, %eq3A_265 : i1
          %add3A_436 = arith.constant 1 : i32
          %add3A_437 = arith.addi %while3A_254, %add3A_436 : i32
          %select_n3A_438 = arith.select %or3A_435, %add3A_437, %while3A_254 : i32
          %ne3A_439 = arith.cmpi ne, %add3A_267, %add3A_303 : i32
          %ne3A_440 = arith.cmpi ne, %add3A_268, %add3A_304 : i32
          %or3A_441 = arith.constant false
          %or3A_442 = arith.ori %or3A_441, %ne3A_439 : i1
          %or3A_443 = arith.ori %or3A_442, %ne3A_440 : i1
          %or3A_444 = arith.ori %or3A_443, %eq3A_265 : i1
          %add3A_445 = arith.constant 1 : i32
          %add3A_446 = arith.addi %while3A_256, %add3A_445 : i32
          %select_n3A_447 = arith.select %or3A_444, %add3A_446, %while3A_256 : i32
          %add3A_448 = arith.constant 1 : i32
          %add3A_449 = arith.addi %while3A_258, %add3A_448 : i32
          %select_n3A_450 = arith.constant true
          %select_n3A_451 = arith.select %select_n3A_450, %add3A_449, %while3A_258 : i32
          %eq3A_452 = arith.cmpi eq, %select_n3A_451, %select_n3A : i32
          %select_n3A_453 = arith.constant 0 : i32
          %select_n3A_454 = arith.select %eq3A_452, %select_n3A_453, %select_n3A_451 : i32
          %add3A_455 = arith.constant 1 : i32
          %add3A_456 = arith.addi %while3A_257, %add3A_455 : i32
          %select_n3A_457 = arith.select %eq3A_452, %add3A_456, %while3A_257 : i32
          %eq3A_458 = arith.constant 2 : i32
          %eq3A_459 = arith.cmpi eq, %select_n3A_457, %eq3A_458 : i32
          %select_n3A_460 = arith.constant 0 : i32
          %select_n3A_461 = arith.select %eq3A_459, %select_n3A_460, %select_n3A_457 : i32
          scf.yield %select_n3A_337, %select_n3A_438, %select_n3A_358, %select_n3A_447, %select_n3A_461, %select_n3A_454 : i32, i32, i32, i32, i32, i32
        }
        %sub3A_165 = arith.constant 1 : i32
        %sub3A_166 = arith.subi %while3A_164#5, %sub3A_165 : i32
        %select_n3A_167 = arith.constant true
        %select_n3A_168 = arith.select %select_n3A_167, %sub3A_166, %while3A_164#5 : i32
        %eq3A_169 = arith.constant -1 : i32
        %eq3A_170 = arith.cmpi eq, %select_n3A_168, %eq3A_169 : i32
        %sub3A_171 = arith.constant 1 : i32
        %sub3A_172 = arith.subi %select_n3A, %sub3A_171 : i32
        %select_n3A_173 = arith.select %eq3A_170, %sub3A_172, %select_n3A_168 : i32
        %sub3A_174 = arith.constant 1 : i32
        %sub3A_175 = arith.subi %while3A_164#4, %sub3A_174 : i32
        %select_n3A_176 = arith.select %eq3A_170, %sub3A_175, %while3A_164#4 : i32
        %eq3A_177 = arith.constant -1 : i32
        %eq3A_178 = arith.cmpi eq, %select_n3A_176, %eq3A_177 : i32
        %select_n3A_179 = arith.constant 1 : i32
        %select_n3A_180 = arith.select %eq3A_178, %select_n3A_179, %select_n3A_176 : i32
        %sub3A_181 = arith.constant 1 : i32
        %sub3A_182 = arith.subi %mul3A_16, %sub3A_181 : i32
        %mul3A_183 = arith.constant 2 : i32
        %mul3A_184 = arith.muli %mul3A_183, %select_n3A : i32
        %eq3A_185 = arith.constant 0 : i32
        %eq3A_186 = arith.cmpi eq, %sub3A_182, %eq3A_185 : i32
        %sub3A_187 = arith.constant 1 : i32
        %sub3A_188 = arith.subi %mul3A_184, %sub3A_187 : i32
        %eq3A_189 = arith.cmpi eq, %sub3A_182, %sub3A_188 : i32
        %add3A_190 = arith.constant 0 : i32
        %add3A_191 = arith.addi %select_n3A_180, %add3A_190 : i32
        %add3A_192 = arith.addi %select_n3A_173, %select_n3A_14 : i32
        %sub3A_193 = arith.constant 1 : i32
        %sub3A_194 = arith.subi %select_n3A_173, %sub3A_193 : i32
        %select_n3A_195 = arith.constant true
        %select_n3A_196 = arith.select %select_n3A_195, %sub3A_194, %select_n3A_173 : i32
        %eq3A_197 = arith.constant -1 : i32
        %eq3A_198 = arith.cmpi eq, %select_n3A_196, %eq3A_197 : i32
        %sub3A_199 = arith.constant 1 : i32
        %sub3A_200 = arith.subi %select_n3A, %sub3A_199 : i32
        %select_n3A_201 = arith.select %eq3A_198, %sub3A_200, %select_n3A_196 : i32
        %sub3A_202 = arith.constant 1 : i32
        %sub3A_203 = arith.subi %select_n3A_180, %sub3A_202 : i32
        %select_n3A_204 = arith.select %eq3A_198, %sub3A_203, %select_n3A_180 : i32
        %eq3A_205 = arith.constant -1 : i32
        %eq3A_206 = arith.cmpi eq, %select_n3A_204, %eq3A_205 : i32
        %select_n3A_207 = arith.constant 1 : i32
        %select_n3A_208 = arith.select %eq3A_206, %select_n3A_207, %select_n3A_204 : i32
        %add3A_209 = arith.constant 0 : i32
        %add3A_210 = arith.addi %select_n3A_208, %add3A_209 : i32
        %add3A_211 = arith.addi %select_n3A_201, %select_n3A_14 : i32
        %add3A_212 = arith.constant 1 : i32
        %add3A_213 = arith.addi %select_n3A_173, %add3A_212 : i32
        %select_n3A_214 = arith.constant true
        %select_n3A_215 = arith.select %select_n3A_214, %add3A_213, %select_n3A_173 : i32
        %eq3A_216 = arith.cmpi eq, %select_n3A_215, %select_n3A : i32
        %select_n3A_217 = arith.constant 0 : i32
        %select_n3A_218 = arith.select %eq3A_216, %select_n3A_217, %select_n3A_215 : i32
        %add3A_219 = arith.constant 1 : i32
        %add3A_220 = arith.addi %select_n3A_180, %add3A_219 : i32
        %select_n3A_221 = arith.select %eq3A_216, %add3A_220, %select_n3A_180 : i32
        %eq3A_222 = arith.constant 2 : i32
        %eq3A_223 = arith.cmpi eq, %select_n3A_221, %eq3A_222 : i32
        %select_n3A_224 = arith.constant 0 : i32
        %select_n3A_225 = arith.select %eq3A_223, %select_n3A_224, %select_n3A_221 : i32
        %add3A_226 = arith.constant 0 : i32
        %add3A_227 = arith.addi %select_n3A_225, %add3A_226 : i32
        %add3A_228 = arith.addi %select_n3A_218, %select_n3A_14 : i32
        %add3A_229 = arith.constant 1 : i32
        %add3A_230 = arith.addi %select_n3A_218, %add3A_229 : i32
        %select_n3A_231 = arith.constant true
        %select_n3A_232 = arith.select %select_n3A_231, %add3A_230, %select_n3A_218 : i32
        %eq3A_233 = arith.cmpi eq, %select_n3A_232, %select_n3A : i32
        %select_n3A_234 = arith.constant 0 : i32
        %select_n3A_235 = arith.select %eq3A_233, %select_n3A_234, %select_n3A_232 : i32
        %add3A_236 = arith.constant 1 : i32
        %add3A_237 = arith.addi %select_n3A_225, %add3A_236 : i32
        %select_n3A_238 = arith.select %eq3A_233, %add3A_237, %select_n3A_225 : i32
        %eq3A_239 = arith.constant 2 : i32
        %eq3A_240 = arith.cmpi eq, %select_n3A_238, %eq3A_239 : i32
        %select_n3A_241 = arith.constant 0 : i32
        %select_n3A_242 = arith.select %eq3A_240, %select_n3A_241, %select_n3A_238 : i32
        %add3A_243 = arith.constant 0 : i32
        %add3A_244 = arith.addi %select_n3A_242, %add3A_243 : i32
        %add3A_245 = arith.addi %select_n3A_235, %select_n3A_14 : i32
        %convert_element_type3A_246 = arith.extui %eq3A_189 : i1 to i32
        %cond3A_247 = arith.constant 0 : i32
        %cond3A_248 = arith.cmpi ne, %convert_element_type3A_246, %cond3A_247 : i32
        scf.if %cond3A_248 {
        } else {
        }
        %convert_element_type3A_249 = arith.extui %eq3A_189 : i1 to i32
        %cond3A_250 = arith.constant 0 : i32
        %cond3A_251 = arith.cmpi ne, %convert_element_type3A_249, %cond3A_250 : i32
        scf.if %cond3A_251 {
        } else {
        }
      } else {
      }
      tpu.yield
    }) : () -> ()
    %mul3A_17 = arith.constant 1 : i32
    %mul3A_18 = arith.muli %arg1, %mul3A_17 : i32
    %add3A_19 = arith.constant 0 : i32
    %add3A_20 = arith.addi %add3A_19, %mul3A_18 : i32
    %mul3A_21 = arith.constant 16 : i32
    %mul3A_22 = arith.muli %arg0, %mul3A_21 : i32
    %add3A_23 = arith.addi %add3A_20, %mul3A_22 : i32
    %lt3A_24 = arith.constant 16 : i32
    %lt3A_25 = arith.cmpi slt, %add3A_23, %lt3A_24 : i32
    %jit3A_26 = arith.constant 1 : i32
    %jit3A_27 = arith.constant 0 : i32
    %select_n3A_28 = arith.select %lt3A_25, %jit3A_26, %jit3A_27 : i32
    %lt3A_29 = arith.constant 16 : i32
    %lt3A_30 = arith.cmpi slt, %add3A_23, %lt3A_29 : i32
    %mul3A_31 = arith.muli %add3A_23, %select_n3A_28 : i32
    %mul3A_32 = arith.constant 0 : i32
    %mul3A_33 = arith.muli %add3A_23, %mul3A_32 : i32
    %add3A_34 = arith.constant 16 : i32
    %add3A_35 = arith.addi %mul3A_33, %add3A_34 : i32
    %select_n3A_36 = arith.select %lt3A_30, %mul3A_31, %add3A_35 : i32
    %mul3A_37 = arith.constant 2 : i32
    %mul3A_38 = arith.muli %mul3A_37, %select_n3A_28 : i32
    "tpu.region"() ({
      %run_scoped3A = memref.alloca() : memref<2x128x256xi32, #tpu.memory_space<vmem>>
      %run_scoped3A_39 = tpu.sem_alloc : memref<2x!tpu.dma_semaphore, #tpu.memory_space<semaphore_mem>>
      %run_scoped3A_40 = memref.alloca() : memref<2x1x128xi32, #tpu.memory_space<vmem>>
      %run_scoped3A_41 = tpu.sem_alloc : memref<2x!tpu.dma_semaphore, #tpu.memory_space<semaphore_mem>>
      %gt3A = arith.constant 0 : i32
      %gt3A_42 = arith.cmpi sgt, %mul3A_38, %gt3A : i32
      %convert_element_type3A = arith.extui %gt3A_42 : i1 to i32
      %cond3A = arith.constant 0 : i32
      %cond3A_43 = arith.cmpi ne, %convert_element_type3A, %cond3A : i32
      scf.if %cond3A_43 {
        %mul3A_44 = arith.constant 2 : i32
        %mul3A_45 = arith.muli %mul3A_44, %select_n3A_28 : i32
        %sub3A = arith.constant 1 : i32
        %sub3A_46 = arith.subi %mul3A_45, %sub3A : i32
        %eq3A = arith.constant 0 : i32
        %eq3A_47 = arith.cmpi eq, %sub3A_46, %eq3A : i32
        %add3A_48 = arith.constant 0 : i32
        %add3A_49 = arith.addi %add3A_48, %select_n3A_36 : i32
        %select_n3A_50 = arith.constant true
        %select_n3A_51 = arith.constant 0 : i32
        %select_n3A_52 = arith.constant -1 : i32
        %select_n3A_53 = arith.select %select_n3A_50, %select_n3A_52, %select_n3A_51 : i32
        %eq3A_54 = arith.constant -1 : i32
        %eq3A_55 = arith.cmpi eq, %select_n3A_53, %eq3A_54 : i32
        %sub3A_56 = arith.constant 1 : i32
        %sub3A_57 = arith.subi %select_n3A_28, %sub3A_56 : i32
        %select_n3A_58 = arith.select %eq3A_55, %sub3A_57, %select_n3A_53 : i32
        %select_n3A_59 = arith.constant 0 : i32
        %select_n3A_60 = arith.constant -1 : i32
        %select_n3A_61 = arith.select %eq3A_55, %select_n3A_60, %select_n3A_59 : i32
        %eq3A_62 = arith.constant -1 : i32
        %eq3A_63 = arith.cmpi eq, %select_n3A_61, %eq3A_62 : i32
        %select_n3A_64 = arith.constant 1 : i32
        %select_n3A_65 = arith.select %eq3A_63, %select_n3A_64, %select_n3A_61 : i32
        %add3A_66 = arith.constant 0 : i32
        %add3A_67 = arith.addi %select_n3A_65, %add3A_66 : i32
        %add3A_68 = arith.addi %select_n3A_58, %select_n3A_36 : i32
        %select_n3A_69 = arith.constant true
        %select_n3A_70 = arith.constant 0 : i32
        %select_n3A_71 = arith.constant 1 : i32
        %select_n3A_72 = arith.select %select_n3A_69, %select_n3A_71, %select_n3A_70 : i32
        %eq3A_73 = arith.cmpi eq, %select_n3A_72, %select_n3A_28 : i32
        %select_n3A_74 = arith.constant 0 : i32
        %select_n3A_75 = arith.select %eq3A_73, %select_n3A_74, %select_n3A_72 : i32
        %select_n3A_76 = arith.constant 0 : i32
        %select_n3A_77 = arith.constant 1 : i32
        %select_n3A_78 = arith.select %eq3A_73, %select_n3A_77, %select_n3A_76 : i32
        %eq3A_79 = arith.constant 2 : i32
        %eq3A_80 = arith.cmpi eq, %select_n3A_78, %eq3A_79 : i32
        %select_n3A_81 = arith.constant 0 : i32
        %select_n3A_82 = arith.select %eq3A_80, %select_n3A_81, %select_n3A_78 : i32
        %add3A_83 = arith.constant 0 : i32
        %add3A_84 = arith.addi %select_n3A_82, %add3A_83 : i32
        %add3A_85 = arith.addi %select_n3A_75, %select_n3A_36 : i32
        %add3A_86 = arith.constant 1 : i32
        %add3A_87 = arith.addi %select_n3A_75, %add3A_86 : i32
        %select_n3A_88 = arith.constant true
        %select_n3A_89 = arith.select %select_n3A_88, %add3A_87, %select_n3A_75 : i32
        %eq3A_90 = arith.cmpi eq, %select_n3A_89, %select_n3A_28 : i32
        %select_n3A_91 = arith.constant 0 : i32
        %select_n3A_92 = arith.select %eq3A_90, %select_n3A_91, %select_n3A_89 : i32
        %add3A_93 = arith.constant 1 : i32
        %add3A_94 = arith.addi %select_n3A_82, %add3A_93 : i32
        %select_n3A_95 = arith.select %eq3A_90, %add3A_94, %select_n3A_82 : i32
        %eq3A_96 = arith.constant 2 : i32
        %eq3A_97 = arith.cmpi eq, %select_n3A_95, %eq3A_96 : i32
        %select_n3A_98 = arith.constant 0 : i32
        %select_n3A_99 = arith.select %eq3A_97, %select_n3A_98, %select_n3A_95 : i32
        %add3A_100 = arith.constant 0 : i32
        %add3A_101 = arith.addi %select_n3A_99, %add3A_100 : i32
        %add3A_102 = arith.addi %select_n3A_92, %select_n3A_36 : i32
        "tpu.trace_start"() <{level = 10 : i32, message = "ep_initialize_0"}> : () -> ()
        %rem3A = arith.constant 0 : i32
        %rem3A_103 = arith.constant 2 : i32
        %rem3A_104 = arith.remui %rem3A, %rem3A_103 : i32
        %mul3A_105 = arith.constant 128 : i32
        %mul3A_106 = arith.muli %mul3A_105, %add3A_49 : i32
        %dma_start3A = arith.constant 0 : i32
        %dma_start3A_107 = arith.constant 0 : i32
        %dma_start3A_108 = tpu.memref_slice %run_scoped3A[%rem3A_104, %dma_start3A, %dma_start3A_107] : memref<2x128x256xi32, #tpu.memory_space<vmem>> -> memref<1x128x256xi32, #tpu.memory_space<vmem>>
        %dma_start3A_109 = tpu.memref_squeeze %dma_start3A_108 : memref<1x128x256xi32, #tpu.memory_space<vmem>> -> memref<128x256xi32, #tpu.memory_space<vmem>>
        %dma_start3A_110 = arith.constant 256 : i32
        %dma_start3A_111 = tpu.memref_slice %arg2[%mul3A_106, %dma_start3A_110] : memref<2048x512xi32, #tpu.memory_space<hbm>> -> memref<128x256xi32, #tpu.memory_space<hbm>>
        %dma_start3A_112 = tpu.memref_slice %run_scoped3A_39[%rem3A_104] : memref<2x!tpu.dma_semaphore, #tpu.memory_space<semaphore_mem>> -> memref<1x!tpu.dma_semaphore, #tpu.memory_space<semaphore_mem>>
        %dma_start3A_113 = tpu.memref_squeeze %dma_start3A_112 : memref<1x!tpu.dma_semaphore, #tpu.memory_space<semaphore_mem>> -> memref<!tpu.dma_semaphore, #tpu.memory_space<semaphore_mem>>
        %dma_start3A_114 = arith.constant 0 : i32
        %dma_start3A_115 = arith.constant 0 : i32
        %dma_start3A_116 = tpu.memref_slice %run_scoped3A[%rem3A_104, %dma_start3A_114, %dma_start3A_115] : memref<2x128x256xi32, #tpu.memory_space<vmem>> -> memref<1x128x256xi32, #tpu.memory_space<vmem>>
        %dma_start3A_117 = tpu.memref_squeeze %dma_start3A_116 : memref<1x128x256xi32, #tpu.memory_space<vmem>> -> memref<128x256xi32, #tpu.memory_space<vmem>>
        %dma_start3A_118 = arith.constant 256 : i32
        %dma_start3A_119 = tpu.memref_slice %arg2[%mul3A_106, %dma_start3A_118] : memref<2048x512xi32, #tpu.memory_space<hbm>> -> memref<128x256xi32, #tpu.memory_space<hbm>>
        tpu.enqueue_dma source(%dma_start3A_119 : memref<128x256xi32, #tpu.memory_space<hbm>>) target(%dma_start3A_117 : memref<128x256xi32, #tpu.memory_space<vmem>>) target_semaphore(%dma_start3A_113 : memref<!tpu.dma_semaphore, #tpu.memory_space<semaphore_mem>>)
        %add3A_120 = arith.constant 0 : i32
        %add3A_121 = arith.constant 1 : i32
        %add3A_122 = arith.addi %add3A_120, %add3A_121 : i32
        %select_n3A_123 = arith.constant true
        %select_n3A_124 = arith.constant 0 : i32
        %select_n3A_125 = arith.select %select_n3A_123, %add3A_122, %select_n3A_124 : i32
        %rem3A_126 = arith.constant 0 : i32
        %rem3A_127 = arith.constant 2 : i32
        %rem3A_128 = arith.remui %rem3A_126, %rem3A_127 : i32
        %mul3A_129 = arith.constant 128 : i32
        %mul3A_130 = arith.muli %mul3A_129, %add3A_49 : i32
        %dma_start3A_131 = arith.constant 0 : i32
        %dma_start3A_132 = arith.constant 0 : i32
        %dma_start3A_133 = tpu.memref_slice %run_scoped3A_40[%rem3A_128, %dma_start3A_131, %dma_start3A_132] : memref<2x1x128xi32, #tpu.memory_space<vmem>> -> memref<1x1x128xi32, #tpu.memory_space<vmem>>
        %dma_start3A_134 = tpu.memref_squeeze %dma_start3A_133 : memref<1x1x128xi32, #tpu.memory_space<vmem>> -> memref<1x128xi32, #tpu.memory_space<vmem>>
        %dma_start3A_135 = arith.constant 0 : i32
        %dma_start3A_136 = tpu.memref_slice %arg3[%dma_start3A_135, %mul3A_130] : memref<2x2048xi32, #tpu.memory_space<hbm>> -> memref<1x128xi32, #tpu.memory_space<hbm>>
        %dma_start3A_137 = tpu.memref_slice %run_scoped3A_41[%rem3A_128] : memref<2x!tpu.dma_semaphore, #tpu.memory_space<semaphore_mem>> -> memref<1x!tpu.dma_semaphore, #tpu.memory_space<semaphore_mem>>
        %dma_start3A_138 = tpu.memref_squeeze %dma_start3A_137 : memref<1x!tpu.dma_semaphore, #tpu.memory_space<semaphore_mem>> -> memref<!tpu.dma_semaphore, #tpu.memory_space<semaphore_mem>>
        %dma_start3A_139 = arith.constant 0 : i32
        %dma_start3A_140 = arith.constant 0 : i32
        %dma_start3A_141 = tpu.memref_slice %run_scoped3A_40[%rem3A_128, %dma_start3A_139, %dma_start3A_140] : memref<2x1x128xi32, #tpu.memory_space<vmem>> -> memref<1x1x128xi32, #tpu.memory_space<vmem>>
        %dma_start3A_142 = tpu.memref_squeeze %dma_start3A_141 : memref<1x1x128xi32, #tpu.memory_space<vmem>> -> memref<1x128xi32, #tpu.memory_space<vmem>>
        %dma_start3A_143 = arith.constant 0 : i32
        %dma_start3A_144 = tpu.memref_slice %arg3[%dma_start3A_143, %mul3A_130] : memref<2x2048xi32, #tpu.memory_space<hbm>> -> memref<1x128xi32, #tpu.memory_space<hbm>>
        tpu.enqueue_dma source(%dma_start3A_144 : memref<1x128xi32, #tpu.memory_space<hbm>>) target(%dma_start3A_142 : memref<1x128xi32, #tpu.memory_space<vmem>>) target_semaphore(%dma_start3A_138 : memref<!tpu.dma_semaphore, #tpu.memory_space<semaphore_mem>>)
        %add3A_145 = arith.constant 0 : i32
        %add3A_146 = arith.constant 1 : i32
        %add3A_147 = arith.addi %add3A_145, %add3A_146 : i32
        %select_n3A_148 = arith.constant true
        %select_n3A_149 = arith.constant 0 : i32
        %select_n3A_150 = arith.select %select_n3A_148, %add3A_147, %select_n3A_149 : i32
        %while3A = arith.constant 0 : i32
        %while3A_151 = arith.constant 0 : i32
        %while3A_152 = arith.constant 0 : i32
        %while3A_153 = arith.constant 0 : i32
        %while3A_154 = arith.constant 0 : i32
        "tpu.trace_stop"() : () -> ()
        %while3A_155 = arith.subi %mul3A_38, %while3A : i32
        %while3A_156 = arith.addi %while3A, %while3A_155 : i32
        %while3A_157 = arith.constant 1 : i32
        %while3A_158 = arith.divsi %while3A_155, %while3A_157 : i32
        %while3A_159 = arith.muli %while3A_158, %while3A_157 : i32
        %while3A_160 = arith.addi %while3A, %while3A_159 : i32
        %while3A_161 = arith.constant 1 : i32
        %while3A_162:6 = scf.for %while3A_252 = %while3A to %while3A_160 step %while3A_161 iter_args(%while3A_253 = %select_n3A_125, %while3A_254 = %while3A_151, %while3A_255 = %select_n3A_150, %while3A_256 = %while3A_152, %while3A_257 = %while3A_153, %while3A_258 = %while3A_154) -> (i32, i32, i32, i32, i32, i32)  : i32 {
          %mul3A_259 = arith.constant 2 : i32
          %mul3A_260 = arith.muli %mul3A_259, %select_n3A_28 : i32
          %eq3A_261 = arith.constant 0 : i32
          %eq3A_262 = arith.cmpi eq, %while3A_252, %eq3A_261 : i32
          %sub3A_263 = arith.constant 1 : i32
          %sub3A_264 = arith.subi %mul3A_260, %sub3A_263 : i32
          %eq3A_265 = arith.cmpi eq, %while3A_252, %sub3A_264 : i32
          %add3A_266 = arith.constant 0 : i32
          %add3A_267 = arith.addi %while3A_257, %add3A_266 : i32
          %add3A_268 = arith.addi %while3A_258, %select_n3A_36 : i32
          %sub3A_269 = arith.constant 1 : i32
          %sub3A_270 = arith.subi %while3A_258, %sub3A_269 : i32
          %select_n3A_271 = arith.constant true
          %select_n3A_272 = arith.select %select_n3A_271, %sub3A_270, %while3A_258 : i32
          %eq3A_273 = arith.constant -1 : i32
          %eq3A_274 = arith.cmpi eq, %select_n3A_272, %eq3A_273 : i32
          %sub3A_275 = arith.constant 1 : i32
          %sub3A_276 = arith.subi %select_n3A_28, %sub3A_275 : i32
          %select_n3A_277 = arith.select %eq3A_274, %sub3A_276, %select_n3A_272 : i32
          %sub3A_278 = arith.constant 1 : i32
          %sub3A_279 = arith.subi %while3A_257, %sub3A_278 : i32
          %select_n3A_280 = arith.select %eq3A_274, %sub3A_279, %while3A_257 : i32
          %eq3A_281 = arith.constant -1 : i32
          %eq3A_282 = arith.cmpi eq, %select_n3A_280, %eq3A_281 : i32
          %select_n3A_283 = arith.constant 1 : i32
          %select_n3A_284 = arith.select %eq3A_282, %select_n3A_283, %select_n3A_280 : i32
          %add3A_285 = arith.constant 0 : i32
          %add3A_286 = arith.addi %select_n3A_284, %add3A_285 : i32
          %add3A_287 = arith.addi %select_n3A_277, %select_n3A_36 : i32
          %add3A_288 = arith.constant 1 : i32
          %add3A_289 = arith.addi %while3A_258, %add3A_288 : i32
          %select_n3A_290 = arith.constant true
          %select_n3A_291 = arith.select %select_n3A_290, %add3A_289, %while3A_258 : i32
          %eq3A_292 = arith.cmpi eq, %select_n3A_291, %select_n3A_28 : i32
          %select_n3A_293 = arith.constant 0 : i32
          %select_n3A_294 = arith.select %eq3A_292, %select_n3A_293, %select_n3A_291 : i32
          %add3A_295 = arith.constant 1 : i32
          %add3A_296 = arith.addi %while3A_257, %add3A_295 : i32
          %select_n3A_297 = arith.select %eq3A_292, %add3A_296, %while3A_257 : i32
          %eq3A_298 = arith.constant 2 : i32
          %eq3A_299 = arith.cmpi eq, %select_n3A_297, %eq3A_298 : i32
          %select_n3A_300 = arith.constant 0 : i32
          %select_n3A_301 = arith.select %eq3A_299, %select_n3A_300, %select_n3A_297 : i32
          %add3A_302 = arith.constant 0 : i32
          %add3A_303 = arith.addi %select_n3A_301, %add3A_302 : i32
          %add3A_304 = arith.addi %select_n3A_294, %select_n3A_36 : i32
          %add3A_305 = arith.constant 1 : i32
          %add3A_306 = arith.addi %select_n3A_294, %add3A_305 : i32
          %select_n3A_307 = arith.constant true
          %select_n3A_308 = arith.select %select_n3A_307, %add3A_306, %select_n3A_294 : i32
          %eq3A_309 = arith.cmpi eq, %select_n3A_308, %select_n3A_28 : i32
          %select_n3A_310 = arith.constant 0 : i32
          %select_n3A_311 = arith.select %eq3A_309, %select_n3A_310, %select_n3A_308 : i32
          %add3A_312 = arith.constant 1 : i32
          %add3A_313 = arith.addi %select_n3A_301, %add3A_312 : i32
          %select_n3A_314 = arith.select %eq3A_309, %add3A_313, %select_n3A_301 : i32
          %eq3A_315 = arith.constant 2 : i32
          %eq3A_316 = arith.cmpi eq, %select_n3A_314, %eq3A_315 : i32
          %select_n3A_317 = arith.constant 0 : i32
          %select_n3A_318 = arith.select %eq3A_316, %select_n3A_317, %select_n3A_314 : i32
          %add3A_319 = arith.constant 0 : i32
          %add3A_320 = arith.addi %select_n3A_318, %add3A_319 : i32
          %add3A_321 = arith.addi %select_n3A_311, %select_n3A_36 : i32
          %ne3A = arith.cmpi ne, %add3A_268, %add3A_304 : i32
          %or3A = arith.constant false
          %or3A_322 = arith.ori %or3A, %ne3A : i1
          %or3A_323 = arith.constant false
          %or3A_324 = arith.ori %or3A_322, %or3A_323 : i1
          %sub3A_325 = arith.constant 2 : i32
          %sub3A_326 = arith.subi %mul3A_260, %sub3A_325 : i32
          %add3A_327 = arith.constant 1 : i32
          %add3A_328 = arith.addi %sub3A_326, %add3A_327 : i32
          %ge3A = arith.cmpi sge, %while3A_252, %add3A_328 : i32
          %not3A = arith.constant true
          %not3A_329 = arith.xori %ge3A, %not3A : i1
          %and3A = arith.andi %or3A_324, %not3A_329 : i1
          %convert_element_type3A_330 = arith.extui %and3A : i1 to i32
          %cond3A_331 = arith.constant 0 : i32
          %cond3A_332 = arith.cmpi ne, %convert_element_type3A_330, %cond3A_331 : i32
          scf.if %cond3A_332 {
            "tpu.trace_start"() <{level = 10 : i32, message = "ep_copy_in"}> : () -> ()
            %rem3A_462 = arith.constant 2 : i32
            %rem3A_463 = arith.remui %while3A_253, %rem3A_462 : i32
            %mul3A_464 = arith.constant 128 : i32
            %mul3A_465 = arith.muli %mul3A_464, %add3A_304 : i32
            %dma_start3A_466 = arith.constant 0 : i32
            %dma_start3A_467 = arith.constant 0 : i32
            %dma_start3A_468 = tpu.memref_slice %run_scoped3A[%rem3A_463, %dma_start3A_466, %dma_start3A_467] : memref<2x128x256xi32, #tpu.memory_space<vmem>> -> memref<1x128x256xi32, #tpu.memory_space<vmem>>
            %dma_start3A_469 = tpu.memref_squeeze %dma_start3A_468 : memref<1x128x256xi32, #tpu.memory_space<vmem>> -> memref<128x256xi32, #tpu.memory_space<vmem>>
            %dma_start3A_470 = arith.constant 256 : i32
            %dma_start3A_471 = tpu.memref_slice %arg2[%mul3A_465, %dma_start3A_470] : memref<2048x512xi32, #tpu.memory_space<hbm>> -> memref<128x256xi32, #tpu.memory_space<hbm>>
            %dma_start3A_472 = tpu.memref_slice %run_scoped3A_39[%rem3A_463] : memref<2x!tpu.dma_semaphore, #tpu.memory_space<semaphore_mem>> -> memref<1x!tpu.dma_semaphore, #tpu.memory_space<semaphore_mem>>
            %dma_start3A_473 = tpu.memref_squeeze %dma_start3A_472 : memref<1x!tpu.dma_semaphore, #tpu.memory_space<semaphore_mem>> -> memref<!tpu.dma_semaphore, #tpu.memory_space<semaphore_mem>>
            %dma_start3A_474 = arith.constant 0 : i32
            %dma_start3A_475 = arith.constant 0 : i32
            %dma_start3A_476 = tpu.memref_slice %run_scoped3A[%rem3A_463, %dma_start3A_474, %dma_start3A_475] : memref<2x128x256xi32, #tpu.memory_space<vmem>> -> memref<1x128x256xi32, #tpu.memory_space<vmem>>
            %dma_start3A_477 = tpu.memref_squeeze %dma_start3A_476 : memref<1x128x256xi32, #tpu.memory_space<vmem>> -> memref<128x256xi32, #tpu.memory_space<vmem>>
            %dma_start3A_478 = arith.constant 256 : i32
            %dma_start3A_479 = tpu.memref_slice %arg2[%mul3A_465, %dma_start3A_478] : memref<2048x512xi32, #tpu.memory_space<hbm>> -> memref<128x256xi32, #tpu.memory_space<hbm>>
            tpu.enqueue_dma source(%dma_start3A_479 : memref<128x256xi32, #tpu.memory_space<hbm>>) target(%dma_start3A_477 : memref<128x256xi32, #tpu.memory_space<vmem>>) target_semaphore(%dma_start3A_473 : memref<!tpu.dma_semaphore, #tpu.memory_space<semaphore_mem>>)
            "tpu.trace_stop"() : () -> ()
          } else {
          }
          %and3A_333 = arith.constant true
          %and3A_334 = arith.andi %and3A, %and3A_333 : i1
          %add3A_335 = arith.constant 1 : i32
          %add3A_336 = arith.addi %while3A_253, %add3A_335 : i32
          %select_n3A_337 = arith.select %and3A_334, %add3A_336, %while3A_253 : i32
          %ne3A_338 = arith.cmpi ne, %add3A_267, %add3A_303 : i32
          %ne3A_339 = arith.cmpi ne, %add3A_268, %add3A_304 : i32
          %or3A_340 = arith.constant false
          %or3A_341 = arith.ori %or3A_340, %ne3A_338 : i1
          %or3A_342 = arith.ori %or3A_341, %ne3A_339 : i1
          %sub3A_343 = arith.constant 2 : i32
          %sub3A_344 = arith.subi %mul3A_260, %sub3A_343 : i32
          %add3A_345 = arith.constant 1 : i32
          %add3A_346 = arith.addi %sub3A_344, %add3A_345 : i32
          %ge3A_347 = arith.cmpi sge, %while3A_252, %add3A_346 : i32
          %not3A_348 = arith.constant true
          %not3A_349 = arith.xori %ge3A_347, %not3A_348 : i1
          %and3A_350 = arith.andi %or3A_342, %not3A_349 : i1
          %convert_element_type3A_351 = arith.extui %and3A_350 : i1 to i32
          %cond3A_352 = arith.constant 0 : i32
          %cond3A_353 = arith.cmpi ne, %convert_element_type3A_351, %cond3A_352 : i32
          scf.if %cond3A_353 {
            "tpu.trace_start"() <{level = 10 : i32, message = "ep_copy_in"}> : () -> ()
            %rem3A_462 = arith.constant 2 : i32
            %rem3A_463 = arith.remui %while3A_255, %rem3A_462 : i32
            %mul3A_464 = arith.constant 1 : i32
            %mul3A_465 = arith.muli %mul3A_464, %add3A_303 : i32
            %mul3A_466 = arith.constant 128 : i32
            %mul3A_467 = arith.muli %mul3A_466, %add3A_304 : i32
            %dma_start3A_468 = arith.constant 0 : i32
            %dma_start3A_469 = arith.constant 0 : i32
            %dma_start3A_470 = tpu.memref_slice %run_scoped3A_40[%rem3A_463, %dma_start3A_468, %dma_start3A_469] : memref<2x1x128xi32, #tpu.memory_space<vmem>> -> memref<1x1x128xi32, #tpu.memory_space<vmem>>
            %dma_start3A_471 = tpu.memref_squeeze %dma_start3A_470 : memref<1x1x128xi32, #tpu.memory_space<vmem>> -> memref<1x128xi32, #tpu.memory_space<vmem>>
            %dma_start3A_472 = tpu.memref_slice %arg3[%mul3A_465, %mul3A_467] : memref<2x2048xi32, #tpu.memory_space<hbm>> -> memref<1x128xi32, #tpu.memory_space<hbm>>
            %dma_start3A_473 = tpu.memref_slice %run_scoped3A_41[%rem3A_463] : memref<2x!tpu.dma_semaphore, #tpu.memory_space<semaphore_mem>> -> memref<1x!tpu.dma_semaphore, #tpu.memory_space<semaphore_mem>>
            %dma_start3A_474 = tpu.memref_squeeze %dma_start3A_473 : memref<1x!tpu.dma_semaphore, #tpu.memory_space<semaphore_mem>> -> memref<!tpu.dma_semaphore, #tpu.memory_space<semaphore_mem>>
            %dma_start3A_475 = arith.constant 0 : i32
            %dma_start3A_476 = arith.constant 0 : i32
            %dma_start3A_477 = tpu.memref_slice %run_scoped3A_40[%rem3A_463, %dma_start3A_475, %dma_start3A_476] : memref<2x1x128xi32, #tpu.memory_space<vmem>> -> memref<1x1x128xi32, #tpu.memory_space<vmem>>
            %dma_start3A_478 = tpu.memref_squeeze %dma_start3A_477 : memref<1x1x128xi32, #tpu.memory_space<vmem>> -> memref<1x128xi32, #tpu.memory_space<vmem>>
            %dma_start3A_479 = tpu.memref_slice %arg3[%mul3A_465, %mul3A_467] : memref<2x2048xi32, #tpu.memory_space<hbm>> -> memref<1x128xi32, #tpu.memory_space<hbm>>
            tpu.enqueue_dma source(%dma_start3A_479 : memref<1x128xi32, #tpu.memory_space<hbm>>) target(%dma_start3A_478 : memref<1x128xi32, #tpu.memory_space<vmem>>) target_semaphore(%dma_start3A_474 : memref<!tpu.dma_semaphore, #tpu.memory_space<semaphore_mem>>)
            "tpu.trace_stop"() : () -> ()
          } else {
          }
          %and3A_354 = arith.constant true
          %and3A_355 = arith.andi %and3A_350, %and3A_354 : i1
          %add3A_356 = arith.constant 1 : i32
          %add3A_357 = arith.addi %while3A_255, %add3A_356 : i32
          %select_n3A_358 = arith.select %and3A_355, %add3A_357, %while3A_255 : i32
          %ne3A_359 = arith.cmpi ne, %add3A_268, %add3A_287 : i32
          %or3A_360 = arith.constant false
          %or3A_361 = arith.ori %or3A_360, %ne3A_359 : i1
          %or3A_362 = arith.constant false
          %or3A_363 = arith.ori %or3A_361, %or3A_362 : i1
          %or3A_364 = arith.ori %or3A_363, %eq3A_262 : i1
          %convert_element_type3A_365 = arith.extui %or3A_364 : i1 to i32
          %cond3A_366 = arith.constant 0 : i32
          %cond3A_367 = arith.cmpi ne, %convert_element_type3A_365, %cond3A_366 : i32
          scf.if %cond3A_367 {
            "tpu.trace_start"() <{level = 10 : i32, message = "ep_wait_in"}> : () -> ()
            %mul3A_462 = arith.constant 128 : i32
            %mul3A_463 = arith.muli %mul3A_462, %add3A_268 : i32
            %rem3A_464 = arith.constant 2 : i32
            %rem3A_465 = arith.remui %while3A_254, %rem3A_464 : i32
            %dma_wait3A = arith.constant 0 : i32
            %dma_wait3A_466 = arith.constant 0 : i32
            %dma_wait3A_467 = tpu.memref_slice %run_scoped3A[%rem3A_465, %dma_wait3A, %dma_wait3A_466] : memref<2x128x256xi32, #tpu.memory_space<vmem>> -> memref<1x128x256xi32, #tpu.memory_space<vmem>>
            %dma_wait3A_468 = tpu.memref_squeeze %dma_wait3A_467 : memref<1x128x256xi32, #tpu.memory_space<vmem>> -> memref<128x256xi32, #tpu.memory_space<vmem>>
            %dma_wait3A_469 = arith.constant 256 : i32
            %dma_wait3A_470 = tpu.memref_slice %arg2[%mul3A_463, %dma_wait3A_469] : memref<2048x512xi32, #tpu.memory_space<hbm>> -> memref<128x256xi32, #tpu.memory_space<hbm>>
            %dma_wait3A_471 = tpu.memref_slice %run_scoped3A_39[%rem3A_465] : memref<2x!tpu.dma_semaphore, #tpu.memory_space<semaphore_mem>> -> memref<1x!tpu.dma_semaphore, #tpu.memory_space<semaphore_mem>>
            %dma_wait3A_472 = tpu.memref_squeeze %dma_wait3A_471 : memref<1x!tpu.dma_semaphore, #tpu.memory_space<semaphore_mem>> -> memref<!tpu.dma_semaphore, #tpu.memory_space<semaphore_mem>>
            %dma_wait3A_473 = arith.constant 0 : i32
            %dma_wait3A_474 = arith.constant 0 : i32
            %dma_wait3A_475 = tpu.memref_slice %run_scoped3A[%rem3A_465, %dma_wait3A_473, %dma_wait3A_474] : memref<2x128x256xi32, #tpu.memory_space<vmem>> -> memref<1x128x256xi32, #tpu.memory_space<vmem>>
            %dma_wait3A_476 = tpu.memref_squeeze %dma_wait3A_475 : memref<1x128x256xi32, #tpu.memory_space<vmem>> -> memref<128x256xi32, #tpu.memory_space<vmem>>
            %dma_wait3A_477 = arith.constant 256 : i32
            %dma_wait3A_478 = tpu.memref_slice %arg2[%mul3A_463, %dma_wait3A_477] : memref<2048x512xi32, #tpu.memory_space<hbm>> -> memref<128x256xi32, #tpu.memory_space<hbm>>
            tpu.wait_dma2 semaphore(%dma_wait3A_472 : memref<!tpu.dma_semaphore, #tpu.memory_space<semaphore_mem>>) src(%dma_wait3A_478 : memref<128x256xi32, #tpu.memory_space<hbm>>) dst(%dma_wait3A_476 : memref<128x256xi32, #tpu.memory_space<vmem>>)
            "tpu.trace_stop"() : () -> ()
          } else {
          }
          %ne3A_368 = arith.cmpi ne, %add3A_267, %add3A_286 : i32
          %ne3A_369 = arith.cmpi ne, %add3A_268, %add3A_287 : i32
          %or3A_370 = arith.constant false
          %or3A_371 = arith.ori %or3A_370, %ne3A_368 : i1
          %or3A_372 = arith.ori %or3A_371, %ne3A_369 : i1
          %or3A_373 = arith.ori %or3A_372, %eq3A_262 : i1
          %convert_element_type3A_374 = arith.extui %or3A_373 : i1 to i32
          %cond3A_375 = arith.constant 0 : i32
          %cond3A_376 = arith.cmpi ne, %convert_element_type3A_374, %cond3A_375 : i32
          scf.if %cond3A_376 {
            "tpu.trace_start"() <{level = 10 : i32, message = "ep_wait_in"}> : () -> ()
            %mul3A_462 = arith.constant 1 : i32
            %mul3A_463 = arith.muli %mul3A_462, %add3A_267 : i32
            %mul3A_464 = arith.constant 128 : i32
            %mul3A_465 = arith.muli %mul3A_464, %add3A_268 : i32
            %rem3A_466 = arith.constant 2 : i32
            %rem3A_467 = arith.remui %while3A_256, %rem3A_466 : i32
            %dma_wait3A = arith.constant 0 : i32
            %dma_wait3A_468 = arith.constant 0 : i32
            %dma_wait3A_469 = tpu.memref_slice %run_scoped3A_40[%rem3A_467, %dma_wait3A, %dma_wait3A_468] : memref<2x1x128xi32, #tpu.memory_space<vmem>> -> memref<1x1x128xi32, #tpu.memory_space<vmem>>
            %dma_wait3A_470 = tpu.memref_squeeze %dma_wait3A_469 : memref<1x1x128xi32, #tpu.memory_space<vmem>> -> memref<1x128xi32, #tpu.memory_space<vmem>>
            %dma_wait3A_471 = tpu.memref_slice %arg3[%mul3A_463, %mul3A_465] : memref<2x2048xi32, #tpu.memory_space<hbm>> -> memref<1x128xi32, #tpu.memory_space<hbm>>
            %dma_wait3A_472 = tpu.memref_slice %run_scoped3A_41[%rem3A_467] : memref<2x!tpu.dma_semaphore, #tpu.memory_space<semaphore_mem>> -> memref<1x!tpu.dma_semaphore, #tpu.memory_space<semaphore_mem>>
            %dma_wait3A_473 = tpu.memref_squeeze %dma_wait3A_472 : memref<1x!tpu.dma_semaphore, #tpu.memory_space<semaphore_mem>> -> memref<!tpu.dma_semaphore, #tpu.memory_space<semaphore_mem>>
            %dma_wait3A_474 = arith.constant 0 : i32
            %dma_wait3A_475 = arith.constant 0 : i32
            %dma_wait3A_476 = tpu.memref_slice %run_scoped3A_40[%rem3A_467, %dma_wait3A_474, %dma_wait3A_475] : memref<2x1x128xi32, #tpu.memory_space<vmem>> -> memref<1x1x128xi32, #tpu.memory_space<vmem>>
            %dma_wait3A_477 = tpu.memref_squeeze %dma_wait3A_476 : memref<1x1x128xi32, #tpu.memory_space<vmem>> -> memref<1x128xi32, #tpu.memory_space<vmem>>
            %dma_wait3A_478 = tpu.memref_slice %arg3[%mul3A_463, %mul3A_465] : memref<2x2048xi32, #tpu.memory_space<hbm>> -> memref<1x128xi32, #tpu.memory_space<hbm>>
            tpu.wait_dma2 semaphore(%dma_wait3A_473 : memref<!tpu.dma_semaphore, #tpu.memory_space<semaphore_mem>>) src(%dma_wait3A_478 : memref<1x128xi32, #tpu.memory_space<hbm>>) dst(%dma_wait3A_477 : memref<1x128xi32, #tpu.memory_space<vmem>>)
            "tpu.trace_stop"() : () -> ()
          } else {
          }
          %rem3A_377 = arith.constant 2 : i32
          %rem3A_378 = arith.remui %while3A_254, %rem3A_377 : i32
          %rem3A_379 = arith.constant 2 : i32
          %rem3A_380 = arith.remui %while3A_256, %rem3A_379 : i32
          %run_scoped3A_381 = arith.constant 0 : i32
          "tpu.trace_start"() <{level = 10 : i32, message = "ep_run_kernel"}> : () -> ()
          "tpu.region"() ({
            %run_scoped3A_462 = tpu.sem_alloc : memref<!tpu.dma_semaphore, #tpu.memory_space<semaphore_mem>>
            %dma_start3A_463 = arith.constant 0 : i32
            %dma_start3A_464 = arith.constant 0 : i32
            %dma_start3A_465 = tpu.memref_slice %run_scoped3A[%rem3A_378, %dma_start3A_463, %dma_start3A_464] : memref<2x128x256xi32, #tpu.memory_space<vmem>> -> memref<1x128x256xi32, #tpu.memory_space<vmem>>
            %dma_start3A_466 = tpu.memref_squeeze %dma_start3A_465 : memref<1x128x256xi32, #tpu.memory_space<vmem>> -> memref<128x256xi32, #tpu.memory_space<vmem>>
            %dma_start3A_467 = arith.constant 0 : i32
            %dma_start3A_468 = arith.constant 0 : i32
            %dma_start3A_469 = tpu.memref_slice %run_scoped3A_40[%rem3A_380, %dma_start3A_467, %dma_start3A_468] : memref<2x1x128xi32, #tpu.memory_space<vmem>> -> memref<1x1x128xi32, #tpu.memory_space<vmem>>
            %dma_start3A_470 = tpu.memref_squeeze %dma_start3A_469 : memref<1x1x128xi32, #tpu.memory_space<vmem>> -> memref<1x128xi32, #tpu.memory_space<vmem>>
            %dma_start3A_471 = arith.constant 0 : i32
            %dma_start3A_472 = tpu.memref_slice %dma_start3A_470[%run_scoped3A_381, %dma_start3A_471] : memref<1x128xi32, #tpu.memory_space<vmem>> -> memref<1x128xi32, #tpu.memory_space<vmem>>
            %dma_start3A_473 = tpu.memref_squeeze %dma_start3A_472 : memref<1x128xi32, #tpu.memory_space<vmem>> -> memref<128xi32, #tpu.memory_space<vmem>>
            %dma_start3A_474 = arith.constant 0 : i32
            %dma_start3A_475 = arith.constant 0 : i32
            %dma_start3A_476 = tpu.memref_slice %arg5[%dma_start3A_474, %dma_start3A_475] : memref<8192x256xi32, #tpu.memory_space<hbm>> -> memref<8192x256xi32, #tpu.memory_space<hbm>>
            tpu.enqueue_indirect_dma source(%dma_start3A_466 : memref<128x256xi32, #tpu.memory_space<vmem>>) target(%dma_start3A_476 : memref<8192x256xi32, #tpu.memory_space<hbm>>) offsets(%dma_start3A_473 : memref<128xi32, #tpu.memory_space<vmem>>) semaphore(%run_scoped3A_462 : memref<!tpu.dma_semaphore, #tpu.memory_space<semaphore_mem>>)
            %dma_wait3A = arith.constant 0 : i32
            %dma_wait3A_477 = arith.constant 0 : i32
            %dma_wait3A_478 = tpu.memref_slice %run_scoped3A[%rem3A_378, %dma_wait3A, %dma_wait3A_477] : memref<2x128x256xi32, #tpu.memory_space<vmem>> -> memref<1x128x256xi32, #tpu.memory_space<vmem>>
            %dma_wait3A_479 = tpu.memref_squeeze %dma_wait3A_478 : memref<1x128x256xi32, #tpu.memory_space<vmem>> -> memref<128x256xi32, #tpu.memory_space<vmem>>
            %dma_wait3A_480 = arith.constant 0 : i32
            %dma_wait3A_481 = arith.constant 0 : i32
            %dma_wait3A_482 = tpu.memref_slice %run_scoped3A_40[%rem3A_380, %dma_wait3A_480, %dma_wait3A_481] : memref<2x1x128xi32, #tpu.memory_space<vmem>> -> memref<1x1x128xi32, #tpu.memory_space<vmem>>
            %dma_wait3A_483 = tpu.memref_squeeze %dma_wait3A_482 : memref<1x1x128xi32, #tpu.memory_space<vmem>> -> memref<1x128xi32, #tpu.memory_space<vmem>>
            %dma_wait3A_484 = arith.constant 0 : i32
            %dma_wait3A_485 = tpu.memref_slice %dma_wait3A_483[%run_scoped3A_381, %dma_wait3A_484] : memref<1x128xi32, #tpu.memory_space<vmem>> -> memref<1x128xi32, #tpu.memory_space<vmem>>
            %dma_wait3A_486 = tpu.memref_squeeze %dma_wait3A_485 : memref<1x128xi32, #tpu.memory_space<vmem>> -> memref<128xi32, #tpu.memory_space<vmem>>
            %dma_wait3A_487 = arith.constant 0 : i32
            %dma_wait3A_488 = arith.constant 0 : i32
            %dma_wait3A_489 = tpu.memref_slice %arg5[%dma_wait3A_487, %dma_wait3A_488] : memref<8192x256xi32, #tpu.memory_space<hbm>> -> memref<8192x256xi32, #tpu.memory_space<hbm>>
            tpu.wait_indirect_dma semaphore(%run_scoped3A_462 : memref<!tpu.dma_semaphore, #tpu.memory_space<semaphore_mem>>) src(%dma_wait3A_479 : memref<128x256xi32, #tpu.memory_space<vmem>>) dst(%dma_wait3A_489 : memref<8192x256xi32, #tpu.memory_space<hbm>>)
            tpu.yield
          }) : () -> ()
          "tpu.trace_stop"() : () -> ()
          %ne3A_382 = arith.cmpi ne, %add3A_268, %add3A_304 : i32
          %or3A_383 = arith.constant false
          %or3A_384 = arith.ori %or3A_383, %ne3A_382 : i1
          %or3A_385 = arith.constant false
          %or3A_386 = arith.ori %or3A_384, %or3A_385 : i1
          %or3A_387 = arith.ori %or3A_386, %eq3A_265 : i1
          %convert_element_type3A_388 = arith.extui %or3A_387 : i1 to i32
          %cond3A_389 = arith.constant 0 : i32
          %cond3A_390 = arith.cmpi ne, %convert_element_type3A_388, %cond3A_389 : i32
          scf.if %cond3A_390 {
          } else {
          }
          %and3A_391 = arith.constant false
          %and3A_392 = arith.andi %or3A_387, %and3A_391 : i1
          %ne3A_393 = arith.cmpi ne, %add3A_267, %add3A_303 : i32
          %ne3A_394 = arith.cmpi ne, %add3A_268, %add3A_304 : i32
          %or3A_395 = arith.constant false
          %or3A_396 = arith.ori %or3A_395, %ne3A_393 : i1
          %or3A_397 = arith.ori %or3A_396, %ne3A_394 : i1
          %or3A_398 = arith.ori %or3A_397, %eq3A_265 : i1
          %convert_element_type3A_399 = arith.extui %or3A_398 : i1 to i32
          %cond3A_400 = arith.constant 0 : i32
          %cond3A_401 = arith.cmpi ne, %convert_element_type3A_399, %cond3A_400 : i32
          scf.if %cond3A_401 {
          } else {
          }
          %and3A_402 = arith.constant false
          %and3A_403 = arith.andi %or3A_398, %and3A_402 : i1
          %ne3A_404 = arith.cmpi ne, %add3A_268, %add3A_287 : i32
          %or3A_405 = arith.constant false
          %or3A_406 = arith.ori %or3A_405, %ne3A_404 : i1
          %or3A_407 = arith.constant false
          %or3A_408 = arith.ori %or3A_406, %or3A_407 : i1
          %not3A_409 = arith.constant true
          %not3A_410 = arith.xori %eq3A_262, %not3A_409 : i1
          %and3A_411 = arith.andi %or3A_408, %not3A_410 : i1
          %convert_element_type3A_412 = arith.extui %and3A_411 : i1 to i32
          %cond3A_413 = arith.constant 0 : i32
          %cond3A_414 = arith.cmpi ne, %convert_element_type3A_412, %cond3A_413 : i32
          scf.if %cond3A_414 {
          } else {
          }
          %and3A_415 = arith.constant false
          %and3A_416 = arith.andi %and3A_411, %and3A_415 : i1
          %ne3A_417 = arith.cmpi ne, %add3A_267, %add3A_286 : i32
          %ne3A_418 = arith.cmpi ne, %add3A_268, %add3A_287 : i32
          %or3A_419 = arith.constant false
          %or3A_420 = arith.ori %or3A_419, %ne3A_417 : i1
          %or3A_421 = arith.ori %or3A_420, %ne3A_418 : i1
          %not3A_422 = arith.constant true
          %not3A_423 = arith.xori %eq3A_262, %not3A_422 : i1
          %and3A_424 = arith.andi %or3A_421, %not3A_423 : i1
          %convert_element_type3A_425 = arith.extui %and3A_424 : i1 to i32
          %cond3A_426 = arith.constant 0 : i32
          %cond3A_427 = arith.cmpi ne, %convert_element_type3A_425, %cond3A_426 : i32
          scf.if %cond3A_427 {
          } else {
          }
          %and3A_428 = arith.constant false
          %and3A_429 = arith.andi %and3A_424, %and3A_428 : i1
          %ne3A_430 = arith.cmpi ne, %add3A_268, %add3A_304 : i32
          %or3A_431 = arith.constant false
          %or3A_432 = arith.ori %or3A_431, %ne3A_430 : i1
          %or3A_433 = arith.constant false
          %or3A_434 = arith.ori %or3A_432, %or3A_433 : i1
          %or3A_435 = arith.ori %or3A_434, %eq3A_265 : i1
          %add3A_436 = arith.constant 1 : i32
          %add3A_437 = arith.addi %while3A_254, %add3A_436 : i32
          %select_n3A_438 = arith.select %or3A_435, %add3A_437, %while3A_254 : i32
          %ne3A_439 = arith.cmpi ne, %add3A_267, %add3A_303 : i32
          %ne3A_440 = arith.cmpi ne, %add3A_268, %add3A_304 : i32
          %or3A_441 = arith.constant false
          %or3A_442 = arith.ori %or3A_441, %ne3A_439 : i1
          %or3A_443 = arith.ori %or3A_442, %ne3A_440 : i1
          %or3A_444 = arith.ori %or3A_443, %eq3A_265 : i1
          %add3A_445 = arith.constant 1 : i32
          %add3A_446 = arith.addi %while3A_256, %add3A_445 : i32
          %select_n3A_447 = arith.select %or3A_444, %add3A_446, %while3A_256 : i32
          %add3A_448 = arith.constant 1 : i32
          %add3A_449 = arith.addi %while3A_258, %add3A_448 : i32
          %select_n3A_450 = arith.constant true
          %select_n3A_451 = arith.select %select_n3A_450, %add3A_449, %while3A_258 : i32
          %eq3A_452 = arith.cmpi eq, %select_n3A_451, %select_n3A_28 : i32
          %select_n3A_453 = arith.constant 0 : i32
          %select_n3A_454 = arith.select %eq3A_452, %select_n3A_453, %select_n3A_451 : i32
          %add3A_455 = arith.constant 1 : i32
          %add3A_456 = arith.addi %while3A_257, %add3A_455 : i32
          %select_n3A_457 = arith.select %eq3A_452, %add3A_456, %while3A_257 : i32
          %eq3A_458 = arith.constant 2 : i32
          %eq3A_459 = arith.cmpi eq, %select_n3A_457, %eq3A_458 : i32
          %select_n3A_460 = arith.constant 0 : i32
          %select_n3A_461 = arith.select %eq3A_459, %select_n3A_460, %select_n3A_457 : i32
          scf.yield %select_n3A_337, %select_n3A_438, %select_n3A_358, %select_n3A_447, %select_n3A_461, %select_n3A_454 : i32, i32, i32, i32, i32, i32
        }
        %while3A_163 = arith.constant 1 : i32
        %while3A_164:6 = scf.for %while3A_252 = %while3A_160 to %while3A_156 step %while3A_163 iter_args(%while3A_253 = %while3A_162#0, %while3A_254 = %while3A_162#1, %while3A_255 = %while3A_162#2, %while3A_256 = %while3A_162#3, %while3A_257 = %while3A_162#4, %while3A_258 = %while3A_162#5) -> (i32, i32, i32, i32, i32, i32)  : i32 {
          %mul3A_259 = arith.constant 2 : i32
          %mul3A_260 = arith.muli %mul3A_259, %select_n3A_28 : i32
          %eq3A_261 = arith.constant 0 : i32
          %eq3A_262 = arith.cmpi eq, %while3A_252, %eq3A_261 : i32
          %sub3A_263 = arith.constant 1 : i32
          %sub3A_264 = arith.subi %mul3A_260, %sub3A_263 : i32
          %eq3A_265 = arith.cmpi eq, %while3A_252, %sub3A_264 : i32
          %add3A_266 = arith.constant 0 : i32
          %add3A_267 = arith.addi %while3A_257, %add3A_266 : i32
          %add3A_268 = arith.addi %while3A_258, %select_n3A_36 : i32
          %sub3A_269 = arith.constant 1 : i32
          %sub3A_270 = arith.subi %while3A_258, %sub3A_269 : i32
          %select_n3A_271 = arith.constant true
          %select_n3A_272 = arith.select %select_n3A_271, %sub3A_270, %while3A_258 : i32
          %eq3A_273 = arith.constant -1 : i32
          %eq3A_274 = arith.cmpi eq, %select_n3A_272, %eq3A_273 : i32
          %sub3A_275 = arith.constant 1 : i32
          %sub3A_276 = arith.subi %select_n3A_28, %sub3A_275 : i32
          %select_n3A_277 = arith.select %eq3A_274, %sub3A_276, %select_n3A_272 : i32
          %sub3A_278 = arith.constant 1 : i32
          %sub3A_279 = arith.subi %while3A_257, %sub3A_278 : i32
          %select_n3A_280 = arith.select %eq3A_274, %sub3A_279, %while3A_257 : i32
          %eq3A_281 = arith.constant -1 : i32
          %eq3A_282 = arith.cmpi eq, %select_n3A_280, %eq3A_281 : i32
          %select_n3A_283 = arith.constant 1 : i32
          %select_n3A_284 = arith.select %eq3A_282, %select_n3A_283, %select_n3A_280 : i32
          %add3A_285 = arith.constant 0 : i32
          %add3A_286 = arith.addi %select_n3A_284, %add3A_285 : i32
          %add3A_287 = arith.addi %select_n3A_277, %select_n3A_36 : i32
          %add3A_288 = arith.constant 1 : i32
          %add3A_289 = arith.addi %while3A_258, %add3A_288 : i32
          %select_n3A_290 = arith.constant true
          %select_n3A_291 = arith.select %select_n3A_290, %add3A_289, %while3A_258 : i32
          %eq3A_292 = arith.cmpi eq, %select_n3A_291, %select_n3A_28 : i32
          %select_n3A_293 = arith.constant 0 : i32
          %select_n3A_294 = arith.select %eq3A_292, %select_n3A_293, %select_n3A_291 : i32
          %add3A_295 = arith.constant 1 : i32
          %add3A_296 = arith.addi %while3A_257, %add3A_295 : i32
          %select_n3A_297 = arith.select %eq3A_292, %add3A_296, %while3A_257 : i32
          %eq3A_298 = arith.constant 2 : i32
          %eq3A_299 = arith.cmpi eq, %select_n3A_297, %eq3A_298 : i32
          %select_n3A_300 = arith.constant 0 : i32
          %select_n3A_301 = arith.select %eq3A_299, %select_n3A_300, %select_n3A_297 : i32
          %add3A_302 = arith.constant 0 : i32
          %add3A_303 = arith.addi %select_n3A_301, %add3A_302 : i32
          %add3A_304 = arith.addi %select_n3A_294, %select_n3A_36 : i32
          %add3A_305 = arith.constant 1 : i32
          %add3A_306 = arith.addi %select_n3A_294, %add3A_305 : i32
          %select_n3A_307 = arith.constant true
          %select_n3A_308 = arith.select %select_n3A_307, %add3A_306, %select_n3A_294 : i32
          %eq3A_309 = arith.cmpi eq, %select_n3A_308, %select_n3A_28 : i32
          %select_n3A_310 = arith.constant 0 : i32
          %select_n3A_311 = arith.select %eq3A_309, %select_n3A_310, %select_n3A_308 : i32
          %add3A_312 = arith.constant 1 : i32
          %add3A_313 = arith.addi %select_n3A_301, %add3A_312 : i32
          %select_n3A_314 = arith.select %eq3A_309, %add3A_313, %select_n3A_301 : i32
          %eq3A_315 = arith.constant 2 : i32
          %eq3A_316 = arith.cmpi eq, %select_n3A_314, %eq3A_315 : i32
          %select_n3A_317 = arith.constant 0 : i32
          %select_n3A_318 = arith.select %eq3A_316, %select_n3A_317, %select_n3A_314 : i32
          %add3A_319 = arith.constant 0 : i32
          %add3A_320 = arith.addi %select_n3A_318, %add3A_319 : i32
          %add3A_321 = arith.addi %select_n3A_311, %select_n3A_36 : i32
          %ne3A = arith.cmpi ne, %add3A_268, %add3A_304 : i32
          %or3A = arith.constant false
          %or3A_322 = arith.ori %or3A, %ne3A : i1
          %or3A_323 = arith.constant false
          %or3A_324 = arith.ori %or3A_322, %or3A_323 : i1
          %sub3A_325 = arith.constant 2 : i32
          %sub3A_326 = arith.subi %mul3A_260, %sub3A_325 : i32
          %add3A_327 = arith.constant 1 : i32
          %add3A_328 = arith.addi %sub3A_326, %add3A_327 : i32
          %ge3A = arith.cmpi sge, %while3A_252, %add3A_328 : i32
          %not3A = arith.constant true
          %not3A_329 = arith.xori %ge3A, %not3A : i1
          %and3A = arith.andi %or3A_324, %not3A_329 : i1
          %convert_element_type3A_330 = arith.extui %and3A : i1 to i32
          %cond3A_331 = arith.constant 0 : i32
          %cond3A_332 = arith.cmpi ne, %convert_element_type3A_330, %cond3A_331 : i32
          scf.if %cond3A_332 {
            "tpu.trace_start"() <{level = 10 : i32, message = "ep_copy_in"}> : () -> ()
            %rem3A_462 = arith.constant 2 : i32
            %rem3A_463 = arith.remui %while3A_253, %rem3A_462 : i32
            %mul3A_464 = arith.constant 128 : i32
            %mul3A_465 = arith.muli %mul3A_464, %add3A_304 : i32
            %dma_start3A_466 = arith.constant 0 : i32
            %dma_start3A_467 = arith.constant 0 : i32
            %dma_start3A_468 = tpu.memref_slice %run_scoped3A[%rem3A_463, %dma_start3A_466, %dma_start3A_467] : memref<2x128x256xi32, #tpu.memory_space<vmem>> -> memref<1x128x256xi32, #tpu.memory_space<vmem>>
            %dma_start3A_469 = tpu.memref_squeeze %dma_start3A_468 : memref<1x128x256xi32, #tpu.memory_space<vmem>> -> memref<128x256xi32, #tpu.memory_space<vmem>>
            %dma_start3A_470 = arith.constant 256 : i32
            %dma_start3A_471 = tpu.memref_slice %arg2[%mul3A_465, %dma_start3A_470] : memref<2048x512xi32, #tpu.memory_space<hbm>> -> memref<128x256xi32, #tpu.memory_space<hbm>>
            %dma_start3A_472 = tpu.memref_slice %run_scoped3A_39[%rem3A_463] : memref<2x!tpu.dma_semaphore, #tpu.memory_space<semaphore_mem>> -> memref<1x!tpu.dma_semaphore, #tpu.memory_space<semaphore_mem>>
            %dma_start3A_473 = tpu.memref_squeeze %dma_start3A_472 : memref<1x!tpu.dma_semaphore, #tpu.memory_space<semaphore_mem>> -> memref<!tpu.dma_semaphore, #tpu.memory_space<semaphore_mem>>
            %dma_start3A_474 = arith.constant 0 : i32
            %dma_start3A_475 = arith.constant 0 : i32
            %dma_start3A_476 = tpu.memref_slice %run_scoped3A[%rem3A_463, %dma_start3A_474, %dma_start3A_475] : memref<2x128x256xi32, #tpu.memory_space<vmem>> -> memref<1x128x256xi32, #tpu.memory_space<vmem>>
            %dma_start3A_477 = tpu.memref_squeeze %dma_start3A_476 : memref<1x128x256xi32, #tpu.memory_space<vmem>> -> memref<128x256xi32, #tpu.memory_space<vmem>>
            %dma_start3A_478 = arith.constant 256 : i32
            %dma_start3A_479 = tpu.memref_slice %arg2[%mul3A_465, %dma_start3A_478] : memref<2048x512xi32, #tpu.memory_space<hbm>> -> memref<128x256xi32, #tpu.memory_space<hbm>>
            tpu.enqueue_dma source(%dma_start3A_479 : memref<128x256xi32, #tpu.memory_space<hbm>>) target(%dma_start3A_477 : memref<128x256xi32, #tpu.memory_space<vmem>>) target_semaphore(%dma_start3A_473 : memref<!tpu.dma_semaphore, #tpu.memory_space<semaphore_mem>>)
            "tpu.trace_stop"() : () -> ()
          } else {
          }
          %and3A_333 = arith.constant true
          %and3A_334 = arith.andi %and3A, %and3A_333 : i1
          %add3A_335 = arith.constant 1 : i32
          %add3A_336 = arith.addi %while3A_253, %add3A_335 : i32
          %select_n3A_337 = arith.select %and3A_334, %add3A_336, %while3A_253 : i32
          %ne3A_338 = arith.cmpi ne, %add3A_267, %add3A_303 : i32
          %ne3A_339 = arith.cmpi ne, %add3A_268, %add3A_304 : i32
          %or3A_340 = arith.constant false
          %or3A_341 = arith.ori %or3A_340, %ne3A_338 : i1
          %or3A_342 = arith.ori %or3A_341, %ne3A_339 : i1
          %sub3A_343 = arith.constant 2 : i32
          %sub3A_344 = arith.subi %mul3A_260, %sub3A_343 : i32
          %add3A_345 = arith.constant 1 : i32
          %add3A_346 = arith.addi %sub3A_344, %add3A_345 : i32
          %ge3A_347 = arith.cmpi sge, %while3A_252, %add3A_346 : i32
          %not3A_348 = arith.constant true
          %not3A_349 = arith.xori %ge3A_347, %not3A_348 : i1
          %and3A_350 = arith.andi %or3A_342, %not3A_349 : i1
          %convert_element_type3A_351 = arith.extui %and3A_350 : i1 to i32
          %cond3A_352 = arith.constant 0 : i32
          %cond3A_353 = arith.cmpi ne, %convert_element_type3A_351, %cond3A_352 : i32
          scf.if %cond3A_353 {
            "tpu.trace_start"() <{level = 10 : i32, message = "ep_copy_in"}> : () -> ()
            %rem3A_462 = arith.constant 2 : i32
            %rem3A_463 = arith.remui %while3A_255, %rem3A_462 : i32
            %mul3A_464 = arith.constant 1 : i32
            %mul3A_465 = arith.muli %mul3A_464, %add3A_303 : i32
            %mul3A_466 = arith.constant 128 : i32
            %mul3A_467 = arith.muli %mul3A_466, %add3A_304 : i32
            %dma_start3A_468 = arith.constant 0 : i32
            %dma_start3A_469 = arith.constant 0 : i32
            %dma_start3A_470 = tpu.memref_slice %run_scoped3A_40[%rem3A_463, %dma_start3A_468, %dma_start3A_469] : memref<2x1x128xi32, #tpu.memory_space<vmem>> -> memref<1x1x128xi32, #tpu.memory_space<vmem>>
            %dma_start3A_471 = tpu.memref_squeeze %dma_start3A_470 : memref<1x1x128xi32, #tpu.memory_space<vmem>> -> memref<1x128xi32, #tpu.memory_space<vmem>>
            %dma_start3A_472 = tpu.memref_slice %arg3[%mul3A_465, %mul3A_467] : memref<2x2048xi32, #tpu.memory_space<hbm>> -> memref<1x128xi32, #tpu.memory_space<hbm>>
            %dma_start3A_473 = tpu.memref_slice %run_scoped3A_41[%rem3A_463] : memref<2x!tpu.dma_semaphore, #tpu.memory_space<semaphore_mem>> -> memref<1x!tpu.dma_semaphore, #tpu.memory_space<semaphore_mem>>
            %dma_start3A_474 = tpu.memref_squeeze %dma_start3A_473 : memref<1x!tpu.dma_semaphore, #tpu.memory_space<semaphore_mem>> -> memref<!tpu.dma_semaphore, #tpu.memory_space<semaphore_mem>>
            %dma_start3A_475 = arith.constant 0 : i32
            %dma_start3A_476 = arith.constant 0 : i32
            %dma_start3A_477 = tpu.memref_slice %run_scoped3A_40[%rem3A_463, %dma_start3A_475, %dma_start3A_476] : memref<2x1x128xi32, #tpu.memory_space<vmem>> -> memref<1x1x128xi32, #tpu.memory_space<vmem>>
            %dma_start3A_478 = tpu.memref_squeeze %dma_start3A_477 : memref<1x1x128xi32, #tpu.memory_space<vmem>> -> memref<1x128xi32, #tpu.memory_space<vmem>>
            %dma_start3A_479 = tpu.memref_slice %arg3[%mul3A_465, %mul3A_467] : memref<2x2048xi32, #tpu.memory_space<hbm>> -> memref<1x128xi32, #tpu.memory_space<hbm>>
            tpu.enqueue_dma source(%dma_start3A_479 : memref<1x128xi32, #tpu.memory_space<hbm>>) target(%dma_start3A_478 : memref<1x128xi32, #tpu.memory_space<vmem>>) target_semaphore(%dma_start3A_474 : memref<!tpu.dma_semaphore, #tpu.memory_space<semaphore_mem>>)
            "tpu.trace_stop"() : () -> ()
          } else {
          }
          %and3A_354 = arith.constant true
          %and3A_355 = arith.andi %and3A_350, %and3A_354 : i1
          %add3A_356 = arith.constant 1 : i32
          %add3A_357 = arith.addi %while3A_255, %add3A_356 : i32
          %select_n3A_358 = arith.select %and3A_355, %add3A_357, %while3A_255 : i32
          %ne3A_359 = arith.cmpi ne, %add3A_268, %add3A_287 : i32
          %or3A_360 = arith.constant false
          %or3A_361 = arith.ori %or3A_360, %ne3A_359 : i1
          %or3A_362 = arith.constant false
          %or3A_363 = arith.ori %or3A_361, %or3A_362 : i1
          %or3A_364 = arith.ori %or3A_363, %eq3A_262 : i1
          %convert_element_type3A_365 = arith.extui %or3A_364 : i1 to i32
          %cond3A_366 = arith.constant 0 : i32
          %cond3A_367 = arith.cmpi ne, %convert_element_type3A_365, %cond3A_366 : i32
          scf.if %cond3A_367 {
            "tpu.trace_start"() <{level = 10 : i32, message = "ep_wait_in"}> : () -> ()
            %mul3A_462 = arith.constant 128 : i32
            %mul3A_463 = arith.muli %mul3A_462, %add3A_268 : i32
            %rem3A_464 = arith.constant 2 : i32
            %rem3A_465 = arith.remui %while3A_254, %rem3A_464 : i32
            %dma_wait3A = arith.constant 0 : i32
            %dma_wait3A_466 = arith.constant 0 : i32
            %dma_wait3A_467 = tpu.memref_slice %run_scoped3A[%rem3A_465, %dma_wait3A, %dma_wait3A_466] : memref<2x128x256xi32, #tpu.memory_space<vmem>> -> memref<1x128x256xi32, #tpu.memory_space<vmem>>
            %dma_wait3A_468 = tpu.memref_squeeze %dma_wait3A_467 : memref<1x128x256xi32, #tpu.memory_space<vmem>> -> memref<128x256xi32, #tpu.memory_space<vmem>>
            %dma_wait3A_469 = arith.constant 256 : i32
            %dma_wait3A_470 = tpu.memref_slice %arg2[%mul3A_463, %dma_wait3A_469] : memref<2048x512xi32, #tpu.memory_space<hbm>> -> memref<128x256xi32, #tpu.memory_space<hbm>>
            %dma_wait3A_471 = tpu.memref_slice %run_scoped3A_39[%rem3A_465] : memref<2x!tpu.dma_semaphore, #tpu.memory_space<semaphore_mem>> -> memref<1x!tpu.dma_semaphore, #tpu.memory_space<semaphore_mem>>
            %dma_wait3A_472 = tpu.memref_squeeze %dma_wait3A_471 : memref<1x!tpu.dma_semaphore, #tpu.memory_space<semaphore_mem>> -> memref<!tpu.dma_semaphore, #tpu.memory_space<semaphore_mem>>
            %dma_wait3A_473 = arith.constant 0 : i32
            %dma_wait3A_474 = arith.constant 0 : i32
            %dma_wait3A_475 = tpu.memref_slice %run_scoped3A[%rem3A_465, %dma_wait3A_473, %dma_wait3A_474] : memref<2x128x256xi32, #tpu.memory_space<vmem>> -> memref<1x128x256xi32, #tpu.memory_space<vmem>>
            %dma_wait3A_476 = tpu.memref_squeeze %dma_wait3A_475 : memref<1x128x256xi32, #tpu.memory_space<vmem>> -> memref<128x256xi32, #tpu.memory_space<vmem>>
            %dma_wait3A_477 = arith.constant 256 : i32
            %dma_wait3A_478 = tpu.memref_slice %arg2[%mul3A_463, %dma_wait3A_477] : memref<2048x512xi32, #tpu.memory_space<hbm>> -> memref<128x256xi32, #tpu.memory_space<hbm>>
            tpu.wait_dma2 semaphore(%dma_wait3A_472 : memref<!tpu.dma_semaphore, #tpu.memory_space<semaphore_mem>>) src(%dma_wait3A_478 : memref<128x256xi32, #tpu.memory_space<hbm>>) dst(%dma_wait3A_476 : memref<128x256xi32, #tpu.memory_space<vmem>>)
            "tpu.trace_stop"() : () -> ()
          } else {
          }
          %ne3A_368 = arith.cmpi ne, %add3A_267, %add3A_286 : i32
          %ne3A_369 = arith.cmpi ne, %add3A_268, %add3A_287 : i32
          %or3A_370 = arith.constant false
          %or3A_371 = arith.ori %or3A_370, %ne3A_368 : i1
          %or3A_372 = arith.ori %or3A_371, %ne3A_369 : i1
          %or3A_373 = arith.ori %or3A_372, %eq3A_262 : i1
          %convert_element_type3A_374 = arith.extui %or3A_373 : i1 to i32
          %cond3A_375 = arith.constant 0 : i32
          %cond3A_376 = arith.cmpi ne, %convert_element_type3A_374, %cond3A_375 : i32
          scf.if %cond3A_376 {
            "tpu.trace_start"() <{level = 10 : i32, message = "ep_wait_in"}> : () -> ()
            %mul3A_462 = arith.constant 1 : i32
            %mul3A_463 = arith.muli %mul3A_462, %add3A_267 : i32
            %mul3A_464 = arith.constant 128 : i32
            %mul3A_465 = arith.muli %mul3A_464, %add3A_268 : i32
            %rem3A_466 = arith.constant 2 : i32
            %rem3A_467 = arith.remui %while3A_256, %rem3A_466 : i32
            %dma_wait3A = arith.constant 0 : i32
            %dma_wait3A_468 = arith.constant 0 : i32
            %dma_wait3A_469 = tpu.memref_slice %run_scoped3A_40[%rem3A_467, %dma_wait3A, %dma_wait3A_468] : memref<2x1x128xi32, #tpu.memory_space<vmem>> -> memref<1x1x128xi32, #tpu.memory_space<vmem>>
            %dma_wait3A_470 = tpu.memref_squeeze %dma_wait3A_469 : memref<1x1x128xi32, #tpu.memory_space<vmem>> -> memref<1x128xi32, #tpu.memory_space<vmem>>
            %dma_wait3A_471 = tpu.memref_slice %arg3[%mul3A_463, %mul3A_465] : memref<2x2048xi32, #tpu.memory_space<hbm>> -> memref<1x128xi32, #tpu.memory_space<hbm>>
            %dma_wait3A_472 = tpu.memref_slice %run_scoped3A_41[%rem3A_467] : memref<2x!tpu.dma_semaphore, #tpu.memory_space<semaphore_mem>> -> memref<1x!tpu.dma_semaphore, #tpu.memory_space<semaphore_mem>>
            %dma_wait3A_473 = tpu.memref_squeeze %dma_wait3A_472 : memref<1x!tpu.dma_semaphore, #tpu.memory_space<semaphore_mem>> -> memref<!tpu.dma_semaphore, #tpu.memory_space<semaphore_mem>>
            %dma_wait3A_474 = arith.constant 0 : i32
            %dma_wait3A_475 = arith.constant 0 : i32
            %dma_wait3A_476 = tpu.memref_slice %run_scoped3A_40[%rem3A_467, %dma_wait3A_474, %dma_wait3A_475] : memref<2x1x128xi32, #tpu.memory_space<vmem>> -> memref<1x1x128xi32, #tpu.memory_space<vmem>>
            %dma_wait3A_477 = tpu.memref_squeeze %dma_wait3A_476 : memref<1x1x128xi32, #tpu.memory_space<vmem>> -> memref<1x128xi32, #tpu.memory_space<vmem>>
            %dma_wait3A_478 = tpu.memref_slice %arg3[%mul3A_463, %mul3A_465] : memref<2x2048xi32, #tpu.memory_space<hbm>> -> memref<1x128xi32, #tpu.memory_space<hbm>>
            tpu.wait_dma2 semaphore(%dma_wait3A_473 : memref<!tpu.dma_semaphore, #tpu.memory_space<semaphore_mem>>) src(%dma_wait3A_478 : memref<1x128xi32, #tpu.memory_space<hbm>>) dst(%dma_wait3A_477 : memref<1x128xi32, #tpu.memory_space<vmem>>)
            "tpu.trace_stop"() : () -> ()
          } else {
          }
          %rem3A_377 = arith.constant 2 : i32
          %rem3A_378 = arith.remui %while3A_254, %rem3A_377 : i32
          %rem3A_379 = arith.constant 2 : i32
          %rem3A_380 = arith.remui %while3A_256, %rem3A_379 : i32
          %run_scoped3A_381 = arith.constant 0 : i32
          "tpu.trace_start"() <{level = 10 : i32, message = "ep_run_kernel"}> : () -> ()
          "tpu.region"() ({
            %run_scoped3A_462 = tpu.sem_alloc : memref<!tpu.dma_semaphore, #tpu.memory_space<semaphore_mem>>
            %dma_start3A_463 = arith.constant 0 : i32
            %dma_start3A_464 = arith.constant 0 : i32
            %dma_start3A_465 = tpu.memref_slice %run_scoped3A[%rem3A_378, %dma_start3A_463, %dma_start3A_464] : memref<2x128x256xi32, #tpu.memory_space<vmem>> -> memref<1x128x256xi32, #tpu.memory_space<vmem>>
            %dma_start3A_466 = tpu.memref_squeeze %dma_start3A_465 : memref<1x128x256xi32, #tpu.memory_space<vmem>> -> memref<128x256xi32, #tpu.memory_space<vmem>>
            %dma_start3A_467 = arith.constant 0 : i32
            %dma_start3A_468 = arith.constant 0 : i32
            %dma_start3A_469 = tpu.memref_slice %run_scoped3A_40[%rem3A_380, %dma_start3A_467, %dma_start3A_468] : memref<2x1x128xi32, #tpu.memory_space<vmem>> -> memref<1x1x128xi32, #tpu.memory_space<vmem>>
            %dma_start3A_470 = tpu.memref_squeeze %dma_start3A_469 : memref<1x1x128xi32, #tpu.memory_space<vmem>> -> memref<1x128xi32, #tpu.memory_space<vmem>>
            %dma_start3A_471 = arith.constant 0 : i32
            %dma_start3A_472 = tpu.memref_slice %dma_start3A_470[%run_scoped3A_381, %dma_start3A_471] : memref<1x128xi32, #tpu.memory_space<vmem>> -> memref<1x128xi32, #tpu.memory_space<vmem>>
            %dma_start3A_473 = tpu.memref_squeeze %dma_start3A_472 : memref<1x128xi32, #tpu.memory_space<vmem>> -> memref<128xi32, #tpu.memory_space<vmem>>
            %dma_start3A_474 = arith.constant 0 : i32
            %dma_start3A_475 = arith.constant 0 : i32
            %dma_start3A_476 = tpu.memref_slice %arg5[%dma_start3A_474, %dma_start3A_475] : memref<8192x256xi32, #tpu.memory_space<hbm>> -> memref<8192x256xi32, #tpu.memory_space<hbm>>
            tpu.enqueue_indirect_dma source(%dma_start3A_466 : memref<128x256xi32, #tpu.memory_space<vmem>>) target(%dma_start3A_476 : memref<8192x256xi32, #tpu.memory_space<hbm>>) offsets(%dma_start3A_473 : memref<128xi32, #tpu.memory_space<vmem>>) semaphore(%run_scoped3A_462 : memref<!tpu.dma_semaphore, #tpu.memory_space<semaphore_mem>>)
            %dma_wait3A = arith.constant 0 : i32
            %dma_wait3A_477 = arith.constant 0 : i32
            %dma_wait3A_478 = tpu.memref_slice %run_scoped3A[%rem3A_378, %dma_wait3A, %dma_wait3A_477] : memref<2x128x256xi32, #tpu.memory_space<vmem>> -> memref<1x128x256xi32, #tpu.memory_space<vmem>>
            %dma_wait3A_479 = tpu.memref_squeeze %dma_wait3A_478 : memref<1x128x256xi32, #tpu.memory_space<vmem>> -> memref<128x256xi32, #tpu.memory_space<vmem>>
            %dma_wait3A_480 = arith.constant 0 : i32
            %dma_wait3A_481 = arith.constant 0 : i32
            %dma_wait3A_482 = tpu.memref_slice %run_scoped3A_40[%rem3A_380, %dma_wait3A_480, %dma_wait3A_481] : memref<2x1x128xi32, #tpu.memory_space<vmem>> -> memref<1x1x128xi32, #tpu.memory_space<vmem>>
            %dma_wait3A_483 = tpu.memref_squeeze %dma_wait3A_482 : memref<1x1x128xi32, #tpu.memory_space<vmem>> -> memref<1x128xi32, #tpu.memory_space<vmem>>
            %dma_wait3A_484 = arith.constant 0 : i32
            %dma_wait3A_485 = tpu.memref_slice %dma_wait3A_483[%run_scoped3A_381, %dma_wait3A_484] : memref<1x128xi32, #tpu.memory_space<vmem>> -> memref<1x128xi32, #tpu.memory_space<vmem>>
            %dma_wait3A_486 = tpu.memref_squeeze %dma_wait3A_485 : memref<1x128xi32, #tpu.memory_space<vmem>> -> memref<128xi32, #tpu.memory_space<vmem>>
            %dma_wait3A_487 = arith.constant 0 : i32
            %dma_wait3A_488 = arith.constant 0 : i32
            %dma_wait3A_489 = tpu.memref_slice %arg5[%dma_wait3A_487, %dma_wait3A_488] : memref<8192x256xi32, #tpu.memory_space<hbm>> -> memref<8192x256xi32, #tpu.memory_space<hbm>>
            tpu.wait_indirect_dma semaphore(%run_scoped3A_462 : memref<!tpu.dma_semaphore, #tpu.memory_space<semaphore_mem>>) src(%dma_wait3A_479 : memref<128x256xi32, #tpu.memory_space<vmem>>) dst(%dma_wait3A_489 : memref<8192x256xi32, #tpu.memory_space<hbm>>)
            tpu.yield
          }) : () -> ()
          "tpu.trace_stop"() : () -> ()
          %ne3A_382 = arith.cmpi ne, %add3A_268, %add3A_304 : i32
          %or3A_383 = arith.constant false
          %or3A_384 = arith.ori %or3A_383, %ne3A_382 : i1
          %or3A_385 = arith.constant false
          %or3A_386 = arith.ori %or3A_384, %or3A_385 : i1
          %or3A_387 = arith.ori %or3A_386, %eq3A_265 : i1
          %convert_element_type3A_388 = arith.extui %or3A_387 : i1 to i32
          %cond3A_389 = arith.constant 0 : i32
          %cond3A_390 = arith.cmpi ne, %convert_element_type3A_388, %cond3A_389 : i32
          scf.if %cond3A_390 {
          } else {
          }
          %and3A_391 = arith.constant false
          %and3A_392 = arith.andi %or3A_387, %and3A_391 : i1
          %ne3A_393 = arith.cmpi ne, %add3A_267, %add3A_303 : i32
          %ne3A_394 = arith.cmpi ne, %add3A_268, %add3A_304 : i32
          %or3A_395 = arith.constant false
          %or3A_396 = arith.ori %or3A_395, %ne3A_393 : i1
          %or3A_397 = arith.ori %or3A_396, %ne3A_394 : i1
          %or3A_398 = arith.ori %or3A_397, %eq3A_265 : i1
          %convert_element_type3A_399 = arith.extui %or3A_398 : i1 to i32
          %cond3A_400 = arith.constant 0 : i32
          %cond3A_401 = arith.cmpi ne, %convert_element_type3A_399, %cond3A_400 : i32
          scf.if %cond3A_401 {
          } else {
          }
          %and3A_402 = arith.constant false
          %and3A_403 = arith.andi %or3A_398, %and3A_402 : i1
          %ne3A_404 = arith.cmpi ne, %add3A_268, %add3A_287 : i32
          %or3A_405 = arith.constant false
          %or3A_406 = arith.ori %or3A_405, %ne3A_404 : i1
          %or3A_407 = arith.constant false
          %or3A_408 = arith.ori %or3A_406, %or3A_407 : i1
          %not3A_409 = arith.constant true
          %not3A_410 = arith.xori %eq3A_262, %not3A_409 : i1
          %and3A_411 = arith.andi %or3A_408, %not3A_410 : i1
          %convert_element_type3A_412 = arith.extui %and3A_411 : i1 to i32
          %cond3A_413 = arith.constant 0 : i32
          %cond3A_414 = arith.cmpi ne, %convert_element_type3A_412, %cond3A_413 : i32
          scf.if %cond3A_414 {
          } else {
          }
          %and3A_415 = arith.constant false
          %and3A_416 = arith.andi %and3A_411, %and3A_415 : i1
          %ne3A_417 = arith.cmpi ne, %add3A_267, %add3A_286 : i32
          %ne3A_418 = arith.cmpi ne, %add3A_268, %add3A_287 : i32
          %or3A_419 = arith.constant false
          %or3A_420 = arith.ori %or3A_419, %ne3A_417 : i1
          %or3A_421 = arith.ori %or3A_420, %ne3A_418 : i1
          %not3A_422 = arith.constant true
          %not3A_423 = arith.xori %eq3A_262, %not3A_422 : i1
          %and3A_424 = arith.andi %or3A_421, %not3A_423 : i1
          %convert_element_type3A_425 = arith.extui %and3A_424 : i1 to i32
          %cond3A_426 = arith.constant 0 : i32
          %cond3A_427 = arith.cmpi ne, %convert_element_type3A_425, %cond3A_426 : i32
          scf.if %cond3A_427 {
          } else {
          }
          %and3A_428 = arith.constant false
          %and3A_429 = arith.andi %and3A_424, %and3A_428 : i1
          %ne3A_430 = arith.cmpi ne, %add3A_268, %add3A_304 : i32
          %or3A_431 = arith.constant false
          %or3A_432 = arith.ori %or3A_431, %ne3A_430 : i1
          %or3A_433 = arith.constant false
          %or3A_434 = arith.ori %or3A_432, %or3A_433 : i1
          %or3A_435 = arith.ori %or3A_434, %eq3A_265 : i1
          %add3A_436 = arith.constant 1 : i32
          %add3A_437 = arith.addi %while3A_254, %add3A_436 : i32
          %select_n3A_438 = arith.select %or3A_435, %add3A_437, %while3A_254 : i32
          %ne3A_439 = arith.cmpi ne, %add3A_267, %add3A_303 : i32
          %ne3A_440 = arith.cmpi ne, %add3A_268, %add3A_304 : i32
          %or3A_441 = arith.constant false
          %or3A_442 = arith.ori %or3A_441, %ne3A_439 : i1
          %or3A_443 = arith.ori %or3A_442, %ne3A_440 : i1
          %or3A_444 = arith.ori %or3A_443, %eq3A_265 : i1
          %add3A_445 = arith.constant 1 : i32
          %add3A_446 = arith.addi %while3A_256, %add3A_445 : i32
          %select_n3A_447 = arith.select %or3A_444, %add3A_446, %while3A_256 : i32
          %add3A_448 = arith.constant 1 : i32
          %add3A_449 = arith.addi %while3A_258, %add3A_448 : i32
          %select_n3A_450 = arith.constant true
          %select_n3A_451 = arith.select %select_n3A_450, %add3A_449, %while3A_258 : i32
          %eq3A_452 = arith.cmpi eq, %select_n3A_451, %select_n3A_28 : i32
          %select_n3A_453 = arith.constant 0 : i32
          %select_n3A_454 = arith.select %eq3A_452, %select_n3A_453, %select_n3A_451 : i32
          %add3A_455 = arith.constant 1 : i32
          %add3A_456 = arith.addi %while3A_257, %add3A_455 : i32
          %select_n3A_457 = arith.select %eq3A_452, %add3A_456, %while3A_257 : i32
          %eq3A_458 = arith.constant 2 : i32
          %eq3A_459 = arith.cmpi eq, %select_n3A_457, %eq3A_458 : i32
          %select_n3A_460 = arith.constant 0 : i32
          %select_n3A_461 = arith.select %eq3A_459, %select_n3A_460, %select_n3A_457 : i32
          scf.yield %select_n3A_337, %select_n3A_438, %select_n3A_358, %select_n3A_447, %select_n3A_461, %select_n3A_454 : i32, i32, i32, i32, i32, i32
        }
        %sub3A_165 = arith.constant 1 : i32
        %sub3A_166 = arith.subi %while3A_164#5, %sub3A_165 : i32
        %select_n3A_167 = arith.constant true
        %select_n3A_168 = arith.select %select_n3A_167, %sub3A_166, %while3A_164#5 : i32
        %eq3A_169 = arith.constant -1 : i32
        %eq3A_170 = arith.cmpi eq, %select_n3A_168, %eq3A_169 : i32
        %sub3A_171 = arith.constant 1 : i32
        %sub3A_172 = arith.subi %select_n3A_28, %sub3A_171 : i32
        %select_n3A_173 = arith.select %eq3A_170, %sub3A_172, %select_n3A_168 : i32
        %sub3A_174 = arith.constant 1 : i32
        %sub3A_175 = arith.subi %while3A_164#4, %sub3A_174 : i32
        %select_n3A_176 = arith.select %eq3A_170, %sub3A_175, %while3A_164#4 : i32
        %eq3A_177 = arith.constant -1 : i32
        %eq3A_178 = arith.cmpi eq, %select_n3A_176, %eq3A_177 : i32
        %select_n3A_179 = arith.constant 1 : i32
        %select_n3A_180 = arith.select %eq3A_178, %select_n3A_179, %select_n3A_176 : i32
        %sub3A_181 = arith.constant 1 : i32
        %sub3A_182 = arith.subi %mul3A_38, %sub3A_181 : i32
        %mul3A_183 = arith.constant 2 : i32
        %mul3A_184 = arith.muli %mul3A_183, %select_n3A_28 : i32
        %eq3A_185 = arith.constant 0 : i32
        %eq3A_186 = arith.cmpi eq, %sub3A_182, %eq3A_185 : i32
        %sub3A_187 = arith.constant 1 : i32
        %sub3A_188 = arith.subi %mul3A_184, %sub3A_187 : i32
        %eq3A_189 = arith.cmpi eq, %sub3A_182, %sub3A_188 : i32
        %add3A_190 = arith.constant 0 : i32
        %add3A_191 = arith.addi %select_n3A_180, %add3A_190 : i32
        %add3A_192 = arith.addi %select_n3A_173, %select_n3A_36 : i32
        %sub3A_193 = arith.constant 1 : i32
        %sub3A_194 = arith.subi %select_n3A_173, %sub3A_193 : i32
        %select_n3A_195 = arith.constant true
        %select_n3A_196 = arith.select %select_n3A_195, %sub3A_194, %select_n3A_173 : i32
        %eq3A_197 = arith.constant -1 : i32
        %eq3A_198 = arith.cmpi eq, %select_n3A_196, %eq3A_197 : i32
        %sub3A_199 = arith.constant 1 : i32
        %sub3A_200 = arith.subi %select_n3A_28, %sub3A_199 : i32
        %select_n3A_201 = arith.select %eq3A_198, %sub3A_200, %select_n3A_196 : i32
        %sub3A_202 = arith.constant 1 : i32
        %sub3A_203 = arith.subi %select_n3A_180, %sub3A_202 : i32
        %select_n3A_204 = arith.select %eq3A_198, %sub3A_203, %select_n3A_180 : i32
        %eq3A_205 = arith.constant -1 : i32
        %eq3A_206 = arith.cmpi eq, %select_n3A_204, %eq3A_205 : i32
        %select_n3A_207 = arith.constant 1 : i32
        %select_n3A_208 = arith.select %eq3A_206, %select_n3A_207, %select_n3A_204 : i32
        %add3A_209 = arith.constant 0 : i32
        %add3A_210 = arith.addi %select_n3A_208, %add3A_209 : i32
        %add3A_211 = arith.addi %select_n3A_201, %select_n3A_36 : i32
        %add3A_212 = arith.constant 1 : i32
        %add3A_213 = arith.addi %select_n3A_173, %add3A_212 : i32
        %select_n3A_214 = arith.constant true
        %select_n3A_215 = arith.select %select_n3A_214, %add3A_213, %select_n3A_173 : i32
        %eq3A_216 = arith.cmpi eq, %select_n3A_215, %select_n3A_28 : i32
        %select_n3A_217 = arith.constant 0 : i32
        %select_n3A_218 = arith.select %eq3A_216, %select_n3A_217, %select_n3A_215 : i32
        %add3A_219 = arith.constant 1 : i32
        %add3A_220 = arith.addi %select_n3A_180, %add3A_219 : i32
        %select_n3A_221 = arith.select %eq3A_216, %add3A_220, %select_n3A_180 : i32
        %eq3A_222 = arith.constant 2 : i32
        %eq3A_223 = arith.cmpi eq, %select_n3A_221, %eq3A_222 : i32
        %select_n3A_224 = arith.constant 0 : i32
        %select_n3A_225 = arith.select %eq3A_223, %select_n3A_224, %select_n3A_221 : i32
        %add3A_226 = arith.constant 0 : i32
        %add3A_227 = arith.addi %select_n3A_225, %add3A_226 : i32
        %add3A_228 = arith.addi %select_n3A_218, %select_n3A_36 : i32
        %add3A_229 = arith.constant 1 : i32
        %add3A_230 = arith.addi %select_n3A_218, %add3A_229 : i32
        %select_n3A_231 = arith.constant true
        %select_n3A_232 = arith.select %select_n3A_231, %add3A_230, %select_n3A_218 : i32
        %eq3A_233 = arith.cmpi eq, %select_n3A_232, %select_n3A_28 : i32
        %select_n3A_234 = arith.constant 0 : i32
        %select_n3A_235 = arith.select %eq3A_233, %select_n3A_234, %select_n3A_232 : i32
        %add3A_236 = arith.constant 1 : i32
        %add3A_237 = arith.addi %select_n3A_225, %add3A_236 : i32
        %select_n3A_238 = arith.select %eq3A_233, %add3A_237, %select_n3A_225 : i32
        %eq3A_239 = arith.constant 2 : i32
        %eq3A_240 = arith.cmpi eq, %select_n3A_238, %eq3A_239 : i32
        %select_n3A_241 = arith.constant 0 : i32
        %select_n3A_242 = arith.select %eq3A_240, %select_n3A_241, %select_n3A_238 : i32
        %add3A_243 = arith.constant 0 : i32
        %add3A_244 = arith.addi %select_n3A_242, %add3A_243 : i32
        %add3A_245 = arith.addi %select_n3A_235, %select_n3A_36 : i32
        %convert_element_type3A_246 = arith.extui %eq3A_189 : i1 to i32
        %cond3A_247 = arith.constant 0 : i32
        %cond3A_248 = arith.cmpi ne, %convert_element_type3A_246, %cond3A_247 : i32
        scf.if %cond3A_248 {
        } else {
        }
        %convert_element_type3A_249 = arith.extui %eq3A_189 : i1 to i32
        %cond3A_250 = arith.constant 0 : i32
        %cond3A_251 = arith.cmpi ne, %convert_element_type3A_249, %cond3A_250 : i32
        scf.if %cond3A_251 {
        } else {
        }
      } else {
      }
      tpu.yield
    }) : () -> ()
    return
  }
}

#map = affine_map<(d0, d1) -> (0, 0)>
#map1 = affine_map<(d0, d1) -> (0, 0, 0)>
module attributes {stable_mosaic.version = 14 : i64} {
  func.func @kern(%arg0: i32, %arg1: i32, %arg2: memref<8192x256xi32, #tpu.memory_space<hbm>>, %arg3: memref<8192x256xi32, #tpu.memory_space<hbm>>, %arg4: memref<2x2048xi32, #tpu.memory_space<hbm>>, %arg5: memref<2x2048x256xi32, #tpu.memory_space<hbm>>, %arg6: memref<2x2048x256xi32, #tpu.memory_space<hbm>>) attributes {dimension_semantics = [#tpu.dimension_semantics<core_parallel>, #tpu.dimension_semantics<subcore_parallel>], iteration_bounds = array<i64: 2, 16>, scalar_prefetch = 0 : i64, scratch_operands = 0 : i64, tpu.core_type = #tpu.core_type<sc_vector_subcore>, window_params = [{transform_indices = #map}, {transform_indices = #map}, {transform_indices = #map}, {transform_indices = #map1}, {transform_indices = #map1}]} {
    %mul3A = arith.constant 1 : i32
    %mul3A_0 = arith.muli %arg1, %mul3A : i32
    %add3A = arith.constant 0 : i32
    %add3A_1 = arith.addi %add3A, %mul3A_0 : i32
    %mul3A_2 = arith.constant 16 : i32
    %mul3A_3 = arith.muli %arg0, %mul3A_2 : i32
    %add3A_4 = arith.addi %add3A_1, %mul3A_3 : i32
    %lt3A = arith.constant 16 : i32
    %lt3A_5 = arith.cmpi slt, %add3A_4, %lt3A : i32
    %jit3A = arith.constant 1 : i32
    %jit3A_6 = arith.constant 0 : i32
    %select_n3A = arith.select %lt3A_5, %jit3A, %jit3A_6 : i32
    %lt3A_7 = arith.constant 16 : i32
    %lt3A_8 = arith.cmpi slt, %add3A_4, %lt3A_7 : i32
    %mul3A_9 = arith.muli %add3A_4, %select_n3A : i32
    %mul3A_10 = arith.constant 0 : i32
    %mul3A_11 = arith.muli %add3A_4, %mul3A_10 : i32
    %add3A_12 = arith.constant 16 : i32
    %add3A_13 = arith.addi %mul3A_11, %add3A_12 : i32
    %select_n3A_14 = arith.select %lt3A_8, %mul3A_9, %add3A_13 : i32
    %mul3A_15 = arith.constant 2 : i32
    %mul3A_16 = arith.muli %mul3A_15, %select_n3A : i32
    "tpu.region"() ({
      %run_scoped3A = memref.alloca() : memref<2x1x128xi32, #tpu.memory_space<vmem>>
      %run_scoped3A_39 = tpu.sem_alloc : memref<2x!tpu.dma_semaphore, #tpu.memory_space<semaphore_mem>>
      %run_scoped3A_40 = memref.alloca() : memref<2x1x128x256xi32, #tpu.memory_space<vmem>>
      %run_scoped3A_41 = tpu.sem_alloc : memref<2x!tpu.dma_semaphore, #tpu.memory_space<semaphore_mem>>
      %gt3A = arith.constant 0 : i32
      %gt3A_42 = arith.cmpi sgt, %mul3A_16, %gt3A : i32
      %convert_element_type3A = arith.extui %gt3A_42 : i1 to i32
      %cond3A = arith.constant 0 : i32
      %cond3A_43 = arith.cmpi ne, %convert_element_type3A, %cond3A : i32
      scf.if %cond3A_43 {
        %mul3A_44 = arith.constant 2 : i32
        %mul3A_45 = arith.muli %mul3A_44, %select_n3A : i32
        %sub3A = arith.constant 1 : i32
        %sub3A_46 = arith.subi %mul3A_45, %sub3A : i32
        %eq3A = arith.constant 0 : i32
        %eq3A_47 = arith.cmpi eq, %sub3A_46, %eq3A : i32
        %add3A_48 = arith.constant 0 : i32
        %add3A_49 = arith.addi %add3A_48, %select_n3A_14 : i32
        %select_n3A_50 = arith.constant true
        %select_n3A_51 = arith.constant 0 : i32
        %select_n3A_52 = arith.constant -1 : i32
        %select_n3A_53 = arith.select %select_n3A_50, %select_n3A_52, %select_n3A_51 : i32
        %eq3A_54 = arith.constant -1 : i32
        %eq3A_55 = arith.cmpi eq, %select_n3A_53, %eq3A_54 : i32
        %sub3A_56 = arith.constant 1 : i32
        %sub3A_57 = arith.subi %select_n3A, %sub3A_56 : i32
        %select_n3A_58 = arith.select %eq3A_55, %sub3A_57, %select_n3A_53 : i32
        %select_n3A_59 = arith.constant 0 : i32
        %select_n3A_60 = arith.constant -1 : i32
        %select_n3A_61 = arith.select %eq3A_55, %select_n3A_60, %select_n3A_59 : i32
        %eq3A_62 = arith.constant -1 : i32
        %eq3A_63 = arith.cmpi eq, %select_n3A_61, %eq3A_62 : i32
        %select_n3A_64 = arith.constant 1 : i32
        %select_n3A_65 = arith.select %eq3A_63, %select_n3A_64, %select_n3A_61 : i32
        %add3A_66 = arith.constant 0 : i32
        %add3A_67 = arith.addi %select_n3A_65, %add3A_66 : i32
        %add3A_68 = arith.addi %select_n3A_58, %select_n3A_14 : i32
        %select_n3A_69 = arith.constant true
        %select_n3A_70 = arith.constant 0 : i32
        %select_n3A_71 = arith.constant 1 : i32
        %select_n3A_72 = arith.select %select_n3A_69, %select_n3A_71, %select_n3A_70 : i32
        %eq3A_73 = arith.cmpi eq, %select_n3A_72, %select_n3A : i32
        %select_n3A_74 = arith.constant 0 : i32
        %select_n3A_75 = arith.select %eq3A_73, %select_n3A_74, %select_n3A_72 : i32
        %select_n3A_76 = arith.constant 0 : i32
        %select_n3A_77 = arith.constant 1 : i32
        %select_n3A_78 = arith.select %eq3A_73, %select_n3A_77, %select_n3A_76 : i32
        %eq3A_79 = arith.constant 2 : i32
        %eq3A_80 = arith.cmpi eq, %select_n3A_78, %eq3A_79 : i32
        %select_n3A_81 = arith.constant 0 : i32
        %select_n3A_82 = arith.select %eq3A_80, %select_n3A_81, %select_n3A_78 : i32
        %add3A_83 = arith.constant 0 : i32
        %add3A_84 = arith.addi %select_n3A_82, %add3A_83 : i32
        %add3A_85 = arith.addi %select_n3A_75, %select_n3A_14 : i32
        %add3A_86 = arith.constant 1 : i32
        %add3A_87 = arith.addi %select_n3A_75, %add3A_86 : i32
        %select_n3A_88 = arith.constant true
        %select_n3A_89 = arith.select %select_n3A_88, %add3A_87, %select_n3A_75 : i32
        %eq3A_90 = arith.cmpi eq, %select_n3A_89, %select_n3A : i32
        %select_n3A_91 = arith.constant 0 : i32
        %select_n3A_92 = arith.select %eq3A_90, %select_n3A_91, %select_n3A_89 : i32
        %add3A_93 = arith.constant 1 : i32
        %add3A_94 = arith.addi %select_n3A_82, %add3A_93 : i32
        %select_n3A_95 = arith.select %eq3A_90, %add3A_94, %select_n3A_82 : i32
        %eq3A_96 = arith.constant 2 : i32
        %eq3A_97 = arith.cmpi eq, %select_n3A_95, %eq3A_96 : i32
        %select_n3A_98 = arith.constant 0 : i32
        %select_n3A_99 = arith.select %eq3A_97, %select_n3A_98, %select_n3A_95 : i32
        %add3A_100 = arith.constant 0 : i32
        %add3A_101 = arith.addi %select_n3A_99, %add3A_100 : i32
        %add3A_102 = arith.addi %select_n3A_92, %select_n3A_14 : i32
        "tpu.trace_start"() <{level = 10 : i32, message = "ep_initialize_0"}> : () -> ()
        %rem3A = arith.constant 0 : i32
        %rem3A_103 = arith.constant 2 : i32
        %rem3A_104 = arith.remui %rem3A, %rem3A_103 : i32
        %mul3A_105 = arith.constant 128 : i32
        %mul3A_106 = arith.muli %mul3A_105, %add3A_49 : i32
        %dma_start3A = arith.constant 0 : i32
        %dma_start3A_107 = arith.constant 0 : i32
        %dma_start3A_108 = tpu.memref_slice %run_scoped3A[%rem3A_104, %dma_start3A, %dma_start3A_107] : memref<2x1x128xi32, #tpu.memory_space<vmem>> -> memref<1x1x128xi32, #tpu.memory_space<vmem>>
        %dma_start3A_109 = tpu.memref_squeeze %dma_start3A_108 : memref<1x1x128xi32, #tpu.memory_space<vmem>> -> memref<1x128xi32, #tpu.memory_space<vmem>>
        %dma_start3A_110 = arith.constant 0 : i32
        %dma_start3A_111 = tpu.memref_slice %arg4[%dma_start3A_110, %mul3A_106] : memref<2x2048xi32, #tpu.memory_space<hbm>> -> memref<1x128xi32, #tpu.memory_space<hbm>>
        %dma_start3A_112 = tpu.memref_slice %run_scoped3A_39[%rem3A_104] : memref<2x!tpu.dma_semaphore, #tpu.memory_space<semaphore_mem>> -> memref<1x!tpu.dma_semaphore, #tpu.memory_space<semaphore_mem>>
        %dma_start3A_113 = tpu.memref_squeeze %dma_start3A_112 : memref<1x!tpu.dma_semaphore, #tpu.memory_space<semaphore_mem>> -> memref<!tpu.dma_semaphore, #tpu.memory_space<semaphore_mem>>
        %dma_start3A_114 = arith.constant 0 : i32
        %dma_start3A_115 = arith.constant 0 : i32
        %dma_start3A_116 = tpu.memref_slice %run_scoped3A[%rem3A_104, %dma_start3A_114, %dma_start3A_115] : memref<2x1x128xi32, #tpu.memory_space<vmem>> -> memref<1x1x128xi32, #tpu.memory_space<vmem>>
        %dma_start3A_117 = tpu.memref_squeeze %dma_start3A_116 : memref<1x1x128xi32, #tpu.memory_space<vmem>> -> memref<1x128xi32, #tpu.memory_space<vmem>>
        %dma_start3A_118 = arith.constant 0 : i32
        %dma_start3A_119 = tpu.memref_slice %arg4[%dma_start3A_118, %mul3A_106] : memref<2x2048xi32, #tpu.memory_space<hbm>> -> memref<1x128xi32, #tpu.memory_space<hbm>>
        tpu.enqueue_dma source(%dma_start3A_119 : memref<1x128xi32, #tpu.memory_space<hbm>>) target(%dma_start3A_117 : memref<1x128xi32, #tpu.memory_space<vmem>>) target_semaphore(%dma_start3A_113 : memref<!tpu.dma_semaphore, #tpu.memory_space<semaphore_mem>>)
        %add3A_120 = arith.constant 0 : i32
        %add3A_121 = arith.constant 1 : i32
        %add3A_122 = arith.addi %add3A_120, %add3A_121 : i32
        %select_n3A_123 = arith.constant true
        %select_n3A_124 = arith.constant 0 : i32
        %select_n3A_125 = arith.select %select_n3A_123, %add3A_122, %select_n3A_124 : i32
        %while3A = arith.constant 0 : i32
        %while3A_126 = arith.constant 0 : i32
        %while3A_127 = arith.constant 0 : i32
        %while3A_128 = arith.constant 0 : i32
        %while3A_129 = arith.constant 0 : i32
        %while3A_130 = arith.constant 0 : i32
        "tpu.trace_stop"() : () -> ()
        %while3A_131 = arith.subi %mul3A_16, %while3A : i32
        %while3A_132 = arith.addi %while3A, %while3A_131 : i32
        %while3A_133 = arith.constant 1 : i32
        %while3A_134 = arith.divsi %while3A_131, %while3A_133 : i32
        %while3A_135 = arith.muli %while3A_134, %while3A_133 : i32
        %while3A_136 = arith.addi %while3A, %while3A_135 : i32
        %while3A_137 = arith.constant 1 : i32
        %while3A_138:6 = scf.for %while3A_228 = %while3A to %while3A_136 step %while3A_137 iter_args(%while3A_229 = %select_n3A_125, %while3A_230 = %while3A_126, %while3A_231 = %while3A_127, %while3A_232 = %while3A_128, %while3A_233 = %while3A_129, %while3A_234 = %while3A_130) -> (i32, i32, i32, i32, i32, i32)  : i32 {
          %mul3A_235 = arith.constant 2 : i32
          %mul3A_236 = arith.muli %mul3A_235, %select_n3A : i32
          %eq3A_237 = arith.constant 0 : i32
          %eq3A_238 = arith.cmpi eq, %while3A_228, %eq3A_237 : i32
          %sub3A_239 = arith.constant 1 : i32
          %sub3A_240 = arith.subi %mul3A_236, %sub3A_239 : i32
          %eq3A_241 = arith.cmpi eq, %while3A_228, %sub3A_240 : i32
          %add3A_242 = arith.constant 0 : i32
          %add3A_243 = arith.addi %while3A_233, %add3A_242 : i32
          %add3A_244 = arith.addi %while3A_234, %select_n3A_14 : i32
          %sub3A_245 = arith.constant 1 : i32
          %sub3A_246 = arith.subi %while3A_234, %sub3A_245 : i32
          %select_n3A_247 = arith.constant true
          %select_n3A_248 = arith.select %select_n3A_247, %sub3A_246, %while3A_234 : i32
          %eq3A_249 = arith.constant -1 : i32
          %eq3A_250 = arith.cmpi eq, %select_n3A_248, %eq3A_249 : i32
          %sub3A_251 = arith.constant 1 : i32
          %sub3A_252 = arith.subi %select_n3A, %sub3A_251 : i32
          %select_n3A_253 = arith.select %eq3A_250, %sub3A_252, %select_n3A_248 : i32
          %sub3A_254 = arith.constant 1 : i32
          %sub3A_255 = arith.subi %while3A_233, %sub3A_254 : i32
          %select_n3A_256 = arith.select %eq3A_250, %sub3A_255, %while3A_233 : i32
          %eq3A_257 = arith.constant -1 : i32
          %eq3A_258 = arith.cmpi eq, %select_n3A_256, %eq3A_257 : i32
          %select_n3A_259 = arith.constant 1 : i32
          %select_n3A_260 = arith.select %eq3A_258, %select_n3A_259, %select_n3A_256 : i32
          %add3A_261 = arith.constant 0 : i32
          %add3A_262 = arith.addi %select_n3A_260, %add3A_261 : i32
          %add3A_263 = arith.addi %select_n3A_253, %select_n3A_14 : i32
          %add3A_264 = arith.constant 1 : i32
          %add3A_265 = arith.addi %while3A_234, %add3A_264 : i32
          %select_n3A_266 = arith.constant true
          %select_n3A_267 = arith.select %select_n3A_266, %add3A_265, %while3A_234 : i32
          %eq3A_268 = arith.cmpi eq, %select_n3A_267, %select_n3A : i32
          %select_n3A_269 = arith.constant 0 : i32
          %select_n3A_270 = arith.select %eq3A_268, %select_n3A_269, %select_n3A_267 : i32
          %add3A_271 = arith.constant 1 : i32
          %add3A_272 = arith.addi %while3A_233, %add3A_271 : i32
          %select_n3A_273 = arith.select %eq3A_268, %add3A_272, %while3A_233 : i32
          %eq3A_274 = arith.constant 2 : i32
          %eq3A_275 = arith.cmpi eq, %select_n3A_273, %eq3A_274 : i32
          %select_n3A_276 = arith.constant 0 : i32
          %select_n3A_277 = arith.select %eq3A_275, %select_n3A_276, %select_n3A_273 : i32
          %add3A_278 = arith.constant 0 : i32
          %add3A_279 = arith.addi %select_n3A_277, %add3A_278 : i32
          %add3A_280 = arith.addi %select_n3A_270, %select_n3A_14 : i32
          %add3A_281 = arith.constant 1 : i32
          %add3A_282 = arith.addi %select_n3A_270, %add3A_281 : i32
          %select_n3A_283 = arith.constant true
          %select_n3A_284 = arith.select %select_n3A_283, %add3A_282, %select_n3A_270 : i32
          %eq3A_285 = arith.cmpi eq, %select_n3A_284, %select_n3A : i32
          %select_n3A_286 = arith.constant 0 : i32
          %select_n3A_287 = arith.select %eq3A_285, %select_n3A_286, %select_n3A_284 : i32
          %add3A_288 = arith.constant 1 : i32
          %add3A_289 = arith.addi %select_n3A_277, %add3A_288 : i32
          %select_n3A_290 = arith.select %eq3A_285, %add3A_289, %select_n3A_277 : i32
          %eq3A_291 = arith.constant 2 : i32
          %eq3A_292 = arith.cmpi eq, %select_n3A_290, %eq3A_291 : i32
          %select_n3A_293 = arith.constant 0 : i32
          %select_n3A_294 = arith.select %eq3A_292, %select_n3A_293, %select_n3A_290 : i32
          %add3A_295 = arith.constant 0 : i32
          %add3A_296 = arith.addi %select_n3A_294, %add3A_295 : i32
          %add3A_297 = arith.addi %select_n3A_287, %select_n3A_14 : i32
          %ne3A = arith.cmpi ne, %add3A_243, %add3A_279 : i32
          %ne3A_298 = arith.cmpi ne, %add3A_244, %add3A_280 : i32
          %or3A = arith.constant false
          %or3A_299 = arith.ori %or3A, %ne3A : i1
          %or3A_300 = arith.ori %or3A_299, %ne3A_298 : i1
          %sub3A_301 = arith.constant 2 : i32
          %sub3A_302 = arith.subi %mul3A_236, %sub3A_301 : i32
          %add3A_303 = arith.constant 1 : i32
          %add3A_304 = arith.addi %sub3A_302, %add3A_303 : i32
          %ge3A = arith.cmpi sge, %while3A_228, %add3A_304 : i32
          %not3A = arith.constant true
          %not3A_305 = arith.xori %ge3A, %not3A : i1
          %and3A = arith.andi %or3A_300, %not3A_305 : i1
          %convert_element_type3A_306 = arith.extui %and3A : i1 to i32
          %cond3A_307 = arith.constant 0 : i32
          %cond3A_308 = arith.cmpi ne, %convert_element_type3A_306, %cond3A_307 : i32
          scf.if %cond3A_308 {
            "tpu.trace_start"() <{level = 10 : i32, message = "ep_copy_in"}> : () -> ()
            %rem3A_436 = arith.constant 2 : i32
            %rem3A_437 = arith.remui %while3A_229, %rem3A_436 : i32
            %mul3A_438 = arith.constant 1 : i32
            %mul3A_439 = arith.muli %mul3A_438, %add3A_279 : i32
            %mul3A_440 = arith.constant 128 : i32
            %mul3A_441 = arith.muli %mul3A_440, %add3A_280 : i32
            %dma_start3A_442 = arith.constant 0 : i32
            %dma_start3A_443 = arith.constant 0 : i32
            %dma_start3A_444 = tpu.memref_slice %run_scoped3A[%rem3A_437, %dma_start3A_442, %dma_start3A_443] : memref<2x1x128xi32, #tpu.memory_space<vmem>> -> memref<1x1x128xi32, #tpu.memory_space<vmem>>
            %dma_start3A_445 = tpu.memref_squeeze %dma_start3A_444 : memref<1x1x128xi32, #tpu.memory_space<vmem>> -> memref<1x128xi32, #tpu.memory_space<vmem>>
            %dma_start3A_446 = tpu.memref_slice %arg4[%mul3A_439, %mul3A_441] : memref<2x2048xi32, #tpu.memory_space<hbm>> -> memref<1x128xi32, #tpu.memory_space<hbm>>
            %dma_start3A_447 = tpu.memref_slice %run_scoped3A_39[%rem3A_437] : memref<2x!tpu.dma_semaphore, #tpu.memory_space<semaphore_mem>> -> memref<1x!tpu.dma_semaphore, #tpu.memory_space<semaphore_mem>>
            %dma_start3A_448 = tpu.memref_squeeze %dma_start3A_447 : memref<1x!tpu.dma_semaphore, #tpu.memory_space<semaphore_mem>> -> memref<!tpu.dma_semaphore, #tpu.memory_space<semaphore_mem>>
            %dma_start3A_449 = arith.constant 0 : i32
            %dma_start3A_450 = arith.constant 0 : i32
            %dma_start3A_451 = tpu.memref_slice %run_scoped3A[%rem3A_437, %dma_start3A_449, %dma_start3A_450] : memref<2x1x128xi32, #tpu.memory_space<vmem>> -> memref<1x1x128xi32, #tpu.memory_space<vmem>>
            %dma_start3A_452 = tpu.memref_squeeze %dma_start3A_451 : memref<1x1x128xi32, #tpu.memory_space<vmem>> -> memref<1x128xi32, #tpu.memory_space<vmem>>
            %dma_start3A_453 = tpu.memref_slice %arg4[%mul3A_439, %mul3A_441] : memref<2x2048xi32, #tpu.memory_space<hbm>> -> memref<1x128xi32, #tpu.memory_space<hbm>>
            tpu.enqueue_dma source(%dma_start3A_453 : memref<1x128xi32, #tpu.memory_space<hbm>>) target(%dma_start3A_452 : memref<1x128xi32, #tpu.memory_space<vmem>>) target_semaphore(%dma_start3A_448 : memref<!tpu.dma_semaphore, #tpu.memory_space<semaphore_mem>>)
            "tpu.trace_stop"() : () -> ()
          } else {
          }
          %and3A_309 = arith.constant true
          %and3A_310 = arith.andi %and3A, %and3A_309 : i1
          %add3A_311 = arith.constant 1 : i32
          %add3A_312 = arith.addi %while3A_229, %add3A_311 : i32
          %select_n3A_313 = arith.select %and3A_310, %add3A_312, %while3A_229 : i32
          %ne3A_314 = arith.cmpi ne, %add3A_243, %add3A_279 : i32
          %ne3A_315 = arith.cmpi ne, %add3A_244, %add3A_280 : i32
          %or3A_316 = arith.constant false
          %or3A_317 = arith.ori %or3A_316, %ne3A_314 : i1
          %or3A_318 = arith.ori %or3A_317, %ne3A_315 : i1
          %or3A_319 = arith.constant false
          %or3A_320 = arith.ori %or3A_318, %or3A_319 : i1
          %sub3A_321 = arith.constant 2 : i32
          %sub3A_322 = arith.subi %mul3A_236, %sub3A_321 : i32
          %add3A_323 = arith.constant 1 : i32
          %add3A_324 = arith.addi %sub3A_322, %add3A_323 : i32
          %ge3A_325 = arith.cmpi sge, %while3A_228, %add3A_324 : i32
          %not3A_326 = arith.constant true
          %not3A_327 = arith.xori %ge3A_325, %not3A_326 : i1
          %and3A_328 = arith.andi %or3A_320, %not3A_327 : i1
          %ne3A_329 = arith.cmpi ne, %add3A_243, %add3A_262 : i32
          %ne3A_330 = arith.cmpi ne, %add3A_244, %add3A_263 : i32
          %or3A_331 = arith.constant false
          %or3A_332 = arith.ori %or3A_331, %ne3A_329 : i1
          %or3A_333 = arith.ori %or3A_332, %ne3A_330 : i1
          %or3A_334 = arith.ori %or3A_333, %eq3A_238 : i1
          %convert_element_type3A_335 = arith.extui %or3A_334 : i1 to i32
          %cond3A_336 = arith.constant 0 : i32
          %cond3A_337 = arith.cmpi ne, %convert_element_type3A_335, %cond3A_336 : i32
          scf.if %cond3A_337 {
            "tpu.trace_start"() <{level = 10 : i32, message = "ep_wait_in"}> : () -> ()
            %mul3A_436 = arith.constant 1 : i32
            %mul3A_437 = arith.muli %mul3A_436, %add3A_243 : i32
            %mul3A_438 = arith.constant 128 : i32
            %mul3A_439 = arith.muli %mul3A_438, %add3A_244 : i32
            %rem3A_440 = arith.constant 2 : i32
            %rem3A_441 = arith.remui %while3A_230, %rem3A_440 : i32
            %dma_wait3A = arith.constant 0 : i32
            %dma_wait3A_442 = arith.constant 0 : i32
            %dma_wait3A_443 = tpu.memref_slice %run_scoped3A[%rem3A_441, %dma_wait3A, %dma_wait3A_442] : memref<2x1x128xi32, #tpu.memory_space<vmem>> -> memref<1x1x128xi32, #tpu.memory_space<vmem>>
            %dma_wait3A_444 = tpu.memref_squeeze %dma_wait3A_443 : memref<1x1x128xi32, #tpu.memory_space<vmem>> -> memref<1x128xi32, #tpu.memory_space<vmem>>
            %dma_wait3A_445 = tpu.memref_slice %arg4[%mul3A_437, %mul3A_439] : memref<2x2048xi32, #tpu.memory_space<hbm>> -> memref<1x128xi32, #tpu.memory_space<hbm>>
            %dma_wait3A_446 = tpu.memref_slice %run_scoped3A_39[%rem3A_441] : memref<2x!tpu.dma_semaphore, #tpu.memory_space<semaphore_mem>> -> memref<1x!tpu.dma_semaphore, #tpu.memory_space<semaphore_mem>>
            %dma_wait3A_447 = tpu.memref_squeeze %dma_wait3A_446 : memref<1x!tpu.dma_semaphore, #tpu.memory_space<semaphore_mem>> -> memref<!tpu.dma_semaphore, #tpu.memory_space<semaphore_mem>>
            %dma_wait3A_448 = arith.constant 0 : i32
            %dma_wait3A_449 = arith.constant 0 : i32
            %dma_wait3A_450 = tpu.memref_slice %run_scoped3A[%rem3A_441, %dma_wait3A_448, %dma_wait3A_449] : memref<2x1x128xi32, #tpu.memory_space<vmem>> -> memref<1x1x128xi32, #tpu.memory_space<vmem>>
            %dma_wait3A_451 = tpu.memref_squeeze %dma_wait3A_450 : memref<1x1x128xi32, #tpu.memory_space<vmem>> -> memref<1x128xi32, #tpu.memory_space<vmem>>
            %dma_wait3A_452 = tpu.memref_slice %arg4[%mul3A_437, %mul3A_439] : memref<2x2048xi32, #tpu.memory_space<hbm>> -> memref<1x128xi32, #tpu.memory_space<hbm>>
            tpu.wait_dma2 semaphore(%dma_wait3A_447 : memref<!tpu.dma_semaphore, #tpu.memory_space<semaphore_mem>>) src(%dma_wait3A_452 : memref<1x128xi32, #tpu.memory_space<hbm>>) dst(%dma_wait3A_451 : memref<1x128xi32, #tpu.memory_space<vmem>>)
            "tpu.trace_stop"() : () -> ()
          } else {
          }
          %ne3A_338 = arith.cmpi ne, %add3A_243, %add3A_262 : i32
          %ne3A_339 = arith.cmpi ne, %add3A_244, %add3A_263 : i32
          %or3A_340 = arith.constant false
          %or3A_341 = arith.ori %or3A_340, %ne3A_338 : i1
          %or3A_342 = arith.ori %or3A_341, %ne3A_339 : i1
          %or3A_343 = arith.constant false
          %or3A_344 = arith.ori %or3A_342, %or3A_343 : i1
          %or3A_345 = arith.ori %or3A_344, %eq3A_238 : i1
          %convert_element_type3A_346 = arith.extui %or3A_345 : i1 to i32
          %cond3A_347 = arith.constant 0 : i32
          %cond3A_348 = arith.cmpi ne, %convert_element_type3A_346, %cond3A_347 : i32
          scf.if %cond3A_348 {
          } else {
          }
          %rem3A_349 = arith.constant 2 : i32
          %rem3A_350 = arith.remui %while3A_230, %rem3A_349 : i32
          %rem3A_351 = arith.constant 2 : i32
          %rem3A_352 = arith.remui %while3A_231, %rem3A_351 : i32
          %run_scoped3A_353 = arith.constant 0 : i32
          %run_scoped3A_354 = arith.constant 0 : i32
          "tpu.trace_start"() <{level = 10 : i32, message = "ep_run_kernel"}> : () -> ()
          "tpu.region"() ({
            %run_scoped3A_436 = tpu.sem_alloc : memref<!tpu.dma_semaphore, #tpu.memory_space<semaphore_mem>>
            %dma_start3A_437 = arith.constant 0 : i32
            %dma_start3A_438 = arith.constant 0 : i32
            %dma_start3A_439 = arith.constant 0 : i32
            %dma_start3A_440 = tpu.memref_slice %run_scoped3A_40[%rem3A_352, %dma_start3A_437, %dma_start3A_438, %dma_start3A_439] : memref<2x1x128x256xi32, #tpu.memory_space<vmem>> -> memref<1x1x128x256xi32, #tpu.memory_space<vmem>>
            %dma_start3A_441 = tpu.memref_squeeze %dma_start3A_440 : memref<1x1x128x256xi32, #tpu.memory_space<vmem>> -> memref<1x128x256xi32, #tpu.memory_space<vmem>>
            %dma_start3A_442 = arith.constant 0 : i32
            %dma_start3A_443 = arith.constant 0 : i32
            %dma_start3A_444 = tpu.memref_slice %dma_start3A_441[%run_scoped3A_354, %dma_start3A_442, %dma_start3A_443] : memref<1x128x256xi32, #tpu.memory_space<vmem>> -> memref<1x128x256xi32, #tpu.memory_space<vmem>>
            %dma_start3A_445 = tpu.memref_squeeze %dma_start3A_444 : memref<1x128x256xi32, #tpu.memory_space<vmem>> -> memref<128x256xi32, #tpu.memory_space<vmem>>
            %dma_start3A_446 = arith.constant 0 : i32
            %dma_start3A_447 = arith.constant 0 : i32
            %dma_start3A_448 = tpu.memref_slice %run_scoped3A[%rem3A_350, %dma_start3A_446, %dma_start3A_447] : memref<2x1x128xi32, #tpu.memory_space<vmem>> -> memref<1x1x128xi32, #tpu.memory_space<vmem>>
            %dma_start3A_449 = tpu.memref_squeeze %dma_start3A_448 : memref<1x1x128xi32, #tpu.memory_space<vmem>> -> memref<1x128xi32, #tpu.memory_space<vmem>>
            %dma_start3A_450 = arith.constant 0 : i32
            %dma_start3A_451 = tpu.memref_slice %dma_start3A_449[%run_scoped3A_353, %dma_start3A_450] : memref<1x128xi32, #tpu.memory_space<vmem>> -> memref<1x128xi32, #tpu.memory_space<vmem>>
            %dma_start3A_452 = tpu.memref_squeeze %dma_start3A_451 : memref<1x128xi32, #tpu.memory_space<vmem>> -> memref<128xi32, #tpu.memory_space<vmem>>
            %dma_start3A_453 = arith.constant 0 : i32
            %dma_start3A_454 = arith.constant 0 : i32
            %dma_start3A_455 = tpu.memref_slice %arg2[%dma_start3A_453, %dma_start3A_454] : memref<8192x256xi32, #tpu.memory_space<hbm>> -> memref<8192x256xi32, #tpu.memory_space<hbm>>
            tpu.enqueue_indirect_dma source(%dma_start3A_455 : memref<8192x256xi32, #tpu.memory_space<hbm>>) target(%dma_start3A_445 : memref<128x256xi32, #tpu.memory_space<vmem>>) offsets(%dma_start3A_452 : memref<128xi32, #tpu.memory_space<vmem>>) semaphore(%run_scoped3A_436 : memref<!tpu.dma_semaphore, #tpu.memory_space<semaphore_mem>>)
            %dma_wait3A = arith.constant 0 : i32
            %dma_wait3A_456 = arith.constant 0 : i32
            %dma_wait3A_457 = arith.constant 0 : i32
            %dma_wait3A_458 = tpu.memref_slice %run_scoped3A_40[%rem3A_352, %dma_wait3A, %dma_wait3A_456, %dma_wait3A_457] : memref<2x1x128x256xi32, #tpu.memory_space<vmem>> -> memref<1x1x128x256xi32, #tpu.memory_space<vmem>>
            %dma_wait3A_459 = tpu.memref_squeeze %dma_wait3A_458 : memref<1x1x128x256xi32, #tpu.memory_space<vmem>> -> memref<1x128x256xi32, #tpu.memory_space<vmem>>
            %dma_wait3A_460 = arith.constant 0 : i32
            %dma_wait3A_461 = arith.constant 0 : i32
            %dma_wait3A_462 = tpu.memref_slice %dma_wait3A_459[%run_scoped3A_354, %dma_wait3A_460, %dma_wait3A_461] : memref<1x128x256xi32, #tpu.memory_space<vmem>> -> memref<1x128x256xi32, #tpu.memory_space<vmem>>
            %dma_wait3A_463 = tpu.memref_squeeze %dma_wait3A_462 : memref<1x128x256xi32, #tpu.memory_space<vmem>> -> memref<128x256xi32, #tpu.memory_space<vmem>>
            %dma_wait3A_464 = arith.constant 0 : i32
            %dma_wait3A_465 = arith.constant 0 : i32
            %dma_wait3A_466 = tpu.memref_slice %run_scoped3A[%rem3A_350, %dma_wait3A_464, %dma_wait3A_465] : memref<2x1x128xi32, #tpu.memory_space<vmem>> -> memref<1x1x128xi32, #tpu.memory_space<vmem>>
            %dma_wait3A_467 = tpu.memref_squeeze %dma_wait3A_466 : memref<1x1x128xi32, #tpu.memory_space<vmem>> -> memref<1x128xi32, #tpu.memory_space<vmem>>
            %dma_wait3A_468 = arith.constant 0 : i32
            %dma_wait3A_469 = tpu.memref_slice %dma_wait3A_467[%run_scoped3A_353, %dma_wait3A_468] : memref<1x128xi32, #tpu.memory_space<vmem>> -> memref<1x128xi32, #tpu.memory_space<vmem>>
            %dma_wait3A_470 = tpu.memref_squeeze %dma_wait3A_469 : memref<1x128xi32, #tpu.memory_space<vmem>> -> memref<128xi32, #tpu.memory_space<vmem>>
            %dma_wait3A_471 = arith.constant 0 : i32
            %dma_wait3A_472 = arith.constant 0 : i32
            %dma_wait3A_473 = tpu.memref_slice %arg2[%dma_wait3A_471, %dma_wait3A_472] : memref<8192x256xi32, #tpu.memory_space<hbm>> -> memref<8192x256xi32, #tpu.memory_space<hbm>>
            tpu.wait_indirect_dma semaphore(%run_scoped3A_436 : memref<!tpu.dma_semaphore, #tpu.memory_space<semaphore_mem>>) src(%dma_wait3A_473 : memref<8192x256xi32, #tpu.memory_space<hbm>>) dst(%dma_wait3A_463 : memref<128x256xi32, #tpu.memory_space<vmem>>)
            tpu.yield
          }) : () -> ()
          "tpu.trace_stop"() : () -> ()
          %ne3A_355 = arith.cmpi ne, %add3A_243, %add3A_279 : i32
          %ne3A_356 = arith.cmpi ne, %add3A_244, %add3A_280 : i32
          %or3A_357 = arith.constant false
          %or3A_358 = arith.ori %or3A_357, %ne3A_355 : i1
          %or3A_359 = arith.ori %or3A_358, %ne3A_356 : i1
          %or3A_360 = arith.ori %or3A_359, %eq3A_241 : i1
          %convert_element_type3A_361 = arith.extui %or3A_360 : i1 to i32
          %cond3A_362 = arith.constant 0 : i32
          %cond3A_363 = arith.cmpi ne, %convert_element_type3A_361, %cond3A_362 : i32
          scf.if %cond3A_363 {
          } else {
          }
          %and3A_364 = arith.constant false
          %and3A_365 = arith.andi %or3A_360, %and3A_364 : i1
          %ne3A_366 = arith.cmpi ne, %add3A_243, %add3A_279 : i32
          %ne3A_367 = arith.cmpi ne, %add3A_244, %add3A_280 : i32
          %or3A_368 = arith.constant false
          %or3A_369 = arith.ori %or3A_368, %ne3A_366 : i1
          %or3A_370 = arith.ori %or3A_369, %ne3A_367 : i1
          %or3A_371 = arith.constant false
          %or3A_372 = arith.ori %or3A_370, %or3A_371 : i1
          %or3A_373 = arith.ori %or3A_372, %eq3A_241 : i1
          %convert_element_type3A_374 = arith.extui %or3A_373 : i1 to i32
          %cond3A_375 = arith.constant 0 : i32
          %cond3A_376 = arith.cmpi ne, %convert_element_type3A_374, %cond3A_375 : i32
          scf.if %cond3A_376 {
            "tpu.trace_start"() <{level = 10 : i32, message = "ep_copy_out"}> : () -> ()
            %rem3A_436 = arith.constant 2 : i32
            %rem3A_437 = arith.remui %while3A_231, %rem3A_436 : i32
            %mul3A_438 = arith.constant 1 : i32
            %mul3A_439 = arith.muli %mul3A_438, %add3A_243 : i32
            %mul3A_440 = arith.constant 128 : i32
            %mul3A_441 = arith.muli %mul3A_440, %add3A_244 : i32
            %dma_start3A_442 = arith.constant 0 : i32
            %dma_start3A_443 = arith.constant 0 : i32
            %dma_start3A_444 = arith.constant 0 : i32
            %dma_start3A_445 = tpu.memref_slice %run_scoped3A_40[%rem3A_437, %dma_start3A_442, %dma_start3A_443, %dma_start3A_444] : memref<2x1x128x256xi32, #tpu.memory_space<vmem>> -> memref<1x1x128x256xi32, #tpu.memory_space<vmem>>
            %dma_start3A_446 = tpu.memref_squeeze %dma_start3A_445 : memref<1x1x128x256xi32, #tpu.memory_space<vmem>> -> memref<1x128x256xi32, #tpu.memory_space<vmem>>
            %dma_start3A_447 = arith.constant 0 : i32
            %dma_start3A_448 = tpu.memref_slice %arg5[%mul3A_439, %mul3A_441, %dma_start3A_447] : memref<2x2048x256xi32, #tpu.memory_space<hbm>> -> memref<1x128x256xi32, #tpu.memory_space<hbm>>
            %dma_start3A_449 = tpu.memref_slice %run_scoped3A_41[%rem3A_437] : memref<2x!tpu.dma_semaphore, #tpu.memory_space<semaphore_mem>> -> memref<1x!tpu.dma_semaphore, #tpu.memory_space<semaphore_mem>>
            %dma_start3A_450 = tpu.memref_squeeze %dma_start3A_449 : memref<1x!tpu.dma_semaphore, #tpu.memory_space<semaphore_mem>> -> memref<!tpu.dma_semaphore, #tpu.memory_space<semaphore_mem>>
            %dma_start3A_451 = arith.constant 0 : i32
            %dma_start3A_452 = tpu.memref_slice %arg5[%mul3A_439, %mul3A_441, %dma_start3A_451] : memref<2x2048x256xi32, #tpu.memory_space<hbm>> -> memref<1x128x256xi32, #tpu.memory_space<hbm>>
            %dma_start3A_453 = arith.constant 0 : i32
            %dma_start3A_454 = arith.constant 0 : i32
            %dma_start3A_455 = arith.constant 0 : i32
            %dma_start3A_456 = tpu.memref_slice %run_scoped3A_40[%rem3A_437, %dma_start3A_453, %dma_start3A_454, %dma_start3A_455] : memref<2x1x128x256xi32, #tpu.memory_space<vmem>> -> memref<1x1x128x256xi32, #tpu.memory_space<vmem>>
            %dma_start3A_457 = tpu.memref_squeeze %dma_start3A_456 : memref<1x1x128x256xi32, #tpu.memory_space<vmem>> -> memref<1x128x256xi32, #tpu.memory_space<vmem>>
            tpu.enqueue_dma source(%dma_start3A_457 : memref<1x128x256xi32, #tpu.memory_space<vmem>>) target(%dma_start3A_452 : memref<1x128x256xi32, #tpu.memory_space<hbm>>) target_semaphore(%dma_start3A_450 : memref<!tpu.dma_semaphore, #tpu.memory_space<semaphore_mem>>)
            "tpu.trace_stop"() : () -> ()
          } else {
          }
          %and3A_377 = arith.constant true
          %and3A_378 = arith.andi %or3A_373, %and3A_377 : i1
          %add3A_379 = arith.constant 1 : i32
          %add3A_380 = arith.addi %while3A_231, %add3A_379 : i32
          %select_n3A_381 = arith.select %and3A_378, %add3A_380, %while3A_231 : i32
          %ne3A_382 = arith.cmpi ne, %add3A_243, %add3A_262 : i32
          %ne3A_383 = arith.cmpi ne, %add3A_244, %add3A_263 : i32
          %or3A_384 = arith.constant false
          %or3A_385 = arith.ori %or3A_384, %ne3A_382 : i1
          %or3A_386 = arith.ori %or3A_385, %ne3A_383 : i1
          %not3A_387 = arith.constant true
          %not3A_388 = arith.xori %eq3A_238, %not3A_387 : i1
          %and3A_389 = arith.andi %or3A_386, %not3A_388 : i1
          %convert_element_type3A_390 = arith.extui %and3A_389 : i1 to i32
          %cond3A_391 = arith.constant 0 : i32
          %cond3A_392 = arith.cmpi ne, %convert_element_type3A_390, %cond3A_391 : i32
          scf.if %cond3A_392 {
          } else {
          }
          %and3A_393 = arith.constant false
          %and3A_394 = arith.andi %and3A_389, %and3A_393 : i1
          %ne3A_395 = arith.cmpi ne, %add3A_243, %add3A_262 : i32
          %ne3A_396 = arith.cmpi ne, %add3A_244, %add3A_263 : i32
          %or3A_397 = arith.constant false
          %or3A_398 = arith.ori %or3A_397, %ne3A_395 : i1
          %or3A_399 = arith.ori %or3A_398, %ne3A_396 : i1
          %or3A_400 = arith.constant false
          %or3A_401 = arith.ori %or3A_399, %or3A_400 : i1
          %not3A_402 = arith.constant true
          %not3A_403 = arith.xori %eq3A_238, %not3A_402 : i1
          %and3A_404 = arith.andi %or3A_401, %not3A_403 : i1
          %convert_element_type3A_405 = arith.extui %and3A_404 : i1 to i32
          %cond3A_406 = arith.constant 0 : i32
          %cond3A_407 = arith.cmpi ne, %convert_element_type3A_405, %cond3A_406 : i32
          scf.if %cond3A_407 {
            "tpu.trace_start"() <{level = 10 : i32, message = "ep_wait_out"}> : () -> ()
            %rem3A_436 = arith.constant 2 : i32
            %rem3A_437 = arith.remui %while3A_232, %rem3A_436 : i32
            %mul3A_438 = arith.constant 1 : i32
            %mul3A_439 = arith.muli %mul3A_438, %add3A_262 : i32
            %mul3A_440 = arith.constant 128 : i32
            %mul3A_441 = arith.muli %mul3A_440, %add3A_263 : i32
            %dma_wait3A = arith.constant 0 : i32
            %dma_wait3A_442 = arith.constant 0 : i32
            %dma_wait3A_443 = arith.constant 0 : i32
            %dma_wait3A_444 = tpu.memref_slice %run_scoped3A_40[%rem3A_437, %dma_wait3A, %dma_wait3A_442, %dma_wait3A_443] : memref<2x1x128x256xi32, #tpu.memory_space<vmem>> -> memref<1x1x128x256xi32, #tpu.memory_space<vmem>>
            %dma_wait3A_445 = tpu.memref_squeeze %dma_wait3A_444 : memref<1x1x128x256xi32, #tpu.memory_space<vmem>> -> memref<1x128x256xi32, #tpu.memory_space<vmem>>
            %dma_wait3A_446 = arith.constant 0 : i32
            %dma_wait3A_447 = tpu.memref_slice %arg5[%mul3A_439, %mul3A_441, %dma_wait3A_446] : memref<2x2048x256xi32, #tpu.memory_space<hbm>> -> memref<1x128x256xi32, #tpu.memory_space<hbm>>
            %dma_wait3A_448 = tpu.memref_slice %run_scoped3A_41[%rem3A_437] : memref<2x!tpu.dma_semaphore, #tpu.memory_space<semaphore_mem>> -> memref<1x!tpu.dma_semaphore, #tpu.memory_space<semaphore_mem>>
            %dma_wait3A_449 = tpu.memref_squeeze %dma_wait3A_448 : memref<1x!tpu.dma_semaphore, #tpu.memory_space<semaphore_mem>> -> memref<!tpu.dma_semaphore, #tpu.memory_space<semaphore_mem>>
            %dma_wait3A_450 = arith.constant 0 : i32
            %dma_wait3A_451 = tpu.memref_slice %arg5[%mul3A_439, %mul3A_441, %dma_wait3A_450] : memref<2x2048x256xi32, #tpu.memory_space<hbm>> -> memref<1x128x256xi32, #tpu.memory_space<hbm>>
            %dma_wait3A_452 = arith.constant 0 : i32
            %dma_wait3A_453 = arith.constant 0 : i32
            %dma_wait3A_454 = arith.constant 0 : i32
            %dma_wait3A_455 = tpu.memref_slice %run_scoped3A_40[%rem3A_437, %dma_wait3A_452, %dma_wait3A_453, %dma_wait3A_454] : memref<2x1x128x256xi32, #tpu.memory_space<vmem>> -> memref<1x1x128x256xi32, #tpu.memory_space<vmem>>
            %dma_wait3A_456 = tpu.memref_squeeze %dma_wait3A_455 : memref<1x1x128x256xi32, #tpu.memory_space<vmem>> -> memref<1x128x256xi32, #tpu.memory_space<vmem>>
            tpu.wait_dma2 semaphore(%dma_wait3A_449 : memref<!tpu.dma_semaphore, #tpu.memory_space<semaphore_mem>>) src(%dma_wait3A_456 : memref<1x128x256xi32, #tpu.memory_space<vmem>>) dst(%dma_wait3A_451 : memref<1x128x256xi32, #tpu.memory_space<hbm>>)
            "tpu.trace_stop"() : () -> ()
          } else {
          }
          %and3A_408 = arith.constant true
          %and3A_409 = arith.andi %and3A_404, %and3A_408 : i1
          %add3A_410 = arith.constant 1 : i32
          %add3A_411 = arith.addi %while3A_232, %add3A_410 : i32
          %select_n3A_412 = arith.select %and3A_409, %add3A_411, %while3A_232 : i32
          %ne3A_413 = arith.cmpi ne, %add3A_243, %add3A_279 : i32
          %ne3A_414 = arith.cmpi ne, %add3A_244, %add3A_280 : i32
          %or3A_415 = arith.constant false
          %or3A_416 = arith.ori %or3A_415, %ne3A_413 : i1
          %or3A_417 = arith.ori %or3A_416, %ne3A_414 : i1
          %or3A_418 = arith.ori %or3A_417, %eq3A_241 : i1
          %add3A_419 = arith.constant 1 : i32
          %add3A_420 = arith.addi %while3A_230, %add3A_419 : i32
          %select_n3A_421 = arith.select %or3A_418, %add3A_420, %while3A_230 : i32
          %add3A_422 = arith.constant 1 : i32
          %add3A_423 = arith.addi %while3A_234, %add3A_422 : i32
          %select_n3A_424 = arith.constant true
          %select_n3A_425 = arith.select %select_n3A_424, %add3A_423, %while3A_234 : i32
          %eq3A_426 = arith.cmpi eq, %select_n3A_425, %select_n3A : i32
          %select_n3A_427 = arith.constant 0 : i32
          %select_n3A_428 = arith.select %eq3A_426, %select_n3A_427, %select_n3A_425 : i32
          %add3A_429 = arith.constant 1 : i32
          %add3A_430 = arith.addi %while3A_233, %add3A_429 : i32
          %select_n3A_431 = arith.select %eq3A_426, %add3A_430, %while3A_233 : i32
          %eq3A_432 = arith.constant 2 : i32
          %eq3A_433 = arith.cmpi eq, %select_n3A_431, %eq3A_432 : i32
          %select_n3A_434 = arith.constant 0 : i32
          %select_n3A_435 = arith.select %eq3A_433, %select_n3A_434, %select_n3A_431 : i32
          scf.yield %select_n3A_313, %select_n3A_421, %select_n3A_381, %select_n3A_412, %select_n3A_435, %select_n3A_428 : i32, i32, i32, i32, i32, i32
        }
        %while3A_139 = arith.constant 1 : i32
        %while3A_140:6 = scf.for %while3A_228 = %while3A_136 to %while3A_132 step %while3A_139 iter_args(%while3A_229 = %while3A_138#0, %while3A_230 = %while3A_138#1, %while3A_231 = %while3A_138#2, %while3A_232 = %while3A_138#3, %while3A_233 = %while3A_138#4, %while3A_234 = %while3A_138#5) -> (i32, i32, i32, i32, i32, i32)  : i32 {
          %mul3A_235 = arith.constant 2 : i32
          %mul3A_236 = arith.muli %mul3A_235, %select_n3A : i32
          %eq3A_237 = arith.constant 0 : i32
          %eq3A_238 = arith.cmpi eq, %while3A_228, %eq3A_237 : i32
          %sub3A_239 = arith.constant 1 : i32
          %sub3A_240 = arith.subi %mul3A_236, %sub3A_239 : i32
          %eq3A_241 = arith.cmpi eq, %while3A_228, %sub3A_240 : i32
          %add3A_242 = arith.constant 0 : i32
          %add3A_243 = arith.addi %while3A_233, %add3A_242 : i32
          %add3A_244 = arith.addi %while3A_234, %select_n3A_14 : i32
          %sub3A_245 = arith.constant 1 : i32
          %sub3A_246 = arith.subi %while3A_234, %sub3A_245 : i32
          %select_n3A_247 = arith.constant true
          %select_n3A_248 = arith.select %select_n3A_247, %sub3A_246, %while3A_234 : i32
          %eq3A_249 = arith.constant -1 : i32
          %eq3A_250 = arith.cmpi eq, %select_n3A_248, %eq3A_249 : i32
          %sub3A_251 = arith.constant 1 : i32
          %sub3A_252 = arith.subi %select_n3A, %sub3A_251 : i32
          %select_n3A_253 = arith.select %eq3A_250, %sub3A_252, %select_n3A_248 : i32
          %sub3A_254 = arith.constant 1 : i32
          %sub3A_255 = arith.subi %while3A_233, %sub3A_254 : i32
          %select_n3A_256 = arith.select %eq3A_250, %sub3A_255, %while3A_233 : i32
          %eq3A_257 = arith.constant -1 : i32
          %eq3A_258 = arith.cmpi eq, %select_n3A_256, %eq3A_257 : i32
          %select_n3A_259 = arith.constant 1 : i32
          %select_n3A_260 = arith.select %eq3A_258, %select_n3A_259, %select_n3A_256 : i32
          %add3A_261 = arith.constant 0 : i32
          %add3A_262 = arith.addi %select_n3A_260, %add3A_261 : i32
          %add3A_263 = arith.addi %select_n3A_253, %select_n3A_14 : i32
          %add3A_264 = arith.constant 1 : i32
          %add3A_265 = arith.addi %while3A_234, %add3A_264 : i32
          %select_n3A_266 = arith.constant true
          %select_n3A_267 = arith.select %select_n3A_266, %add3A_265, %while3A_234 : i32
          %eq3A_268 = arith.cmpi eq, %select_n3A_267, %select_n3A : i32
          %select_n3A_269 = arith.constant 0 : i32
          %select_n3A_270 = arith.select %eq3A_268, %select_n3A_269, %select_n3A_267 : i32
          %add3A_271 = arith.constant 1 : i32
          %add3A_272 = arith.addi %while3A_233, %add3A_271 : i32
          %select_n3A_273 = arith.select %eq3A_268, %add3A_272, %while3A_233 : i32
          %eq3A_274 = arith.constant 2 : i32
          %eq3A_275 = arith.cmpi eq, %select_n3A_273, %eq3A_274 : i32
          %select_n3A_276 = arith.constant 0 : i32
          %select_n3A_277 = arith.select %eq3A_275, %select_n3A_276, %select_n3A_273 : i32
          %add3A_278 = arith.constant 0 : i32
          %add3A_279 = arith.addi %select_n3A_277, %add3A_278 : i32
          %add3A_280 = arith.addi %select_n3A_270, %select_n3A_14 : i32
          %add3A_281 = arith.constant 1 : i32
          %add3A_282 = arith.addi %select_n3A_270, %add3A_281 : i32
          %select_n3A_283 = arith.constant true
          %select_n3A_284 = arith.select %select_n3A_283, %add3A_282, %select_n3A_270 : i32
          %eq3A_285 = arith.cmpi eq, %select_n3A_284, %select_n3A : i32
          %select_n3A_286 = arith.constant 0 : i32
          %select_n3A_287 = arith.select %eq3A_285, %select_n3A_286, %select_n3A_284 : i32
          %add3A_288 = arith.constant 1 : i32
          %add3A_289 = arith.addi %select_n3A_277, %add3A_288 : i32
          %select_n3A_290 = arith.select %eq3A_285, %add3A_289, %select_n3A_277 : i32
          %eq3A_291 = arith.constant 2 : i32
          %eq3A_292 = arith.cmpi eq, %select_n3A_290, %eq3A_291 : i32
          %select_n3A_293 = arith.constant 0 : i32
          %select_n3A_294 = arith.select %eq3A_292, %select_n3A_293, %select_n3A_290 : i32
          %add3A_295 = arith.constant 0 : i32
          %add3A_296 = arith.addi %select_n3A_294, %add3A_295 : i32
          %add3A_297 = arith.addi %select_n3A_287, %select_n3A_14 : i32
          %ne3A = arith.cmpi ne, %add3A_243, %add3A_279 : i32
          %ne3A_298 = arith.cmpi ne, %add3A_244, %add3A_280 : i32
          %or3A = arith.constant false
          %or3A_299 = arith.ori %or3A, %ne3A : i1
          %or3A_300 = arith.ori %or3A_299, %ne3A_298 : i1
          %sub3A_301 = arith.constant 2 : i32
          %sub3A_302 = arith.subi %mul3A_236, %sub3A_301 : i32
          %add3A_303 = arith.constant 1 : i32
          %add3A_304 = arith.addi %sub3A_302, %add3A_303 : i32
          %ge3A = arith.cmpi sge, %while3A_228, %add3A_304 : i32
          %not3A = arith.constant true
          %not3A_305 = arith.xori %ge3A, %not3A : i1
          %and3A = arith.andi %or3A_300, %not3A_305 : i1
          %convert_element_type3A_306 = arith.extui %and3A : i1 to i32
          %cond3A_307 = arith.constant 0 : i32
          %cond3A_308 = arith.cmpi ne, %convert_element_type3A_306, %cond3A_307 : i32
          scf.if %cond3A_308 {
            "tpu.trace_start"() <{level = 10 : i32, message = "ep_copy_in"}> : () -> ()
            %rem3A_436 = arith.constant 2 : i32
            %rem3A_437 = arith.remui %while3A_229, %rem3A_436 : i32
            %mul3A_438 = arith.constant 1 : i32
            %mul3A_439 = arith.muli %mul3A_438, %add3A_279 : i32
            %mul3A_440 = arith.constant 128 : i32
            %mul3A_441 = arith.muli %mul3A_440, %add3A_280 : i32
            %dma_start3A_442 = arith.constant 0 : i32
            %dma_start3A_443 = arith.constant 0 : i32
            %dma_start3A_444 = tpu.memref_slice %run_scoped3A[%rem3A_437, %dma_start3A_442, %dma_start3A_443] : memref<2x1x128xi32, #tpu.memory_space<vmem>> -> memref<1x1x128xi32, #tpu.memory_space<vmem>>
            %dma_start3A_445 = tpu.memref_squeeze %dma_start3A_444 : memref<1x1x128xi32, #tpu.memory_space<vmem>> -> memref<1x128xi32, #tpu.memory_space<vmem>>
            %dma_start3A_446 = tpu.memref_slice %arg4[%mul3A_439, %mul3A_441] : memref<2x2048xi32, #tpu.memory_space<hbm>> -> memref<1x128xi32, #tpu.memory_space<hbm>>
            %dma_start3A_447 = tpu.memref_slice %run_scoped3A_39[%rem3A_437] : memref<2x!tpu.dma_semaphore, #tpu.memory_space<semaphore_mem>> -> memref<1x!tpu.dma_semaphore, #tpu.memory_space<semaphore_mem>>
            %dma_start3A_448 = tpu.memref_squeeze %dma_start3A_447 : memref<1x!tpu.dma_semaphore, #tpu.memory_space<semaphore_mem>> -> memref<!tpu.dma_semaphore, #tpu.memory_space<semaphore_mem>>
            %dma_start3A_449 = arith.constant 0 : i32
            %dma_start3A_450 = arith.constant 0 : i32
            %dma_start3A_451 = tpu.memref_slice %run_scoped3A[%rem3A_437, %dma_start3A_449, %dma_start3A_450] : memref<2x1x128xi32, #tpu.memory_space<vmem>> -> memref<1x1x128xi32, #tpu.memory_space<vmem>>
            %dma_start3A_452 = tpu.memref_squeeze %dma_start3A_451 : memref<1x1x128xi32, #tpu.memory_space<vmem>> -> memref<1x128xi32, #tpu.memory_space<vmem>>
            %dma_start3A_453 = tpu.memref_slice %arg4[%mul3A_439, %mul3A_441] : memref<2x2048xi32, #tpu.memory_space<hbm>> -> memref<1x128xi32, #tpu.memory_space<hbm>>
            tpu.enqueue_dma source(%dma_start3A_453 : memref<1x128xi32, #tpu.memory_space<hbm>>) target(%dma_start3A_452 : memref<1x128xi32, #tpu.memory_space<vmem>>) target_semaphore(%dma_start3A_448 : memref<!tpu.dma_semaphore, #tpu.memory_space<semaphore_mem>>)
            "tpu.trace_stop"() : () -> ()
          } else {
          }
          %and3A_309 = arith.constant true
          %and3A_310 = arith.andi %and3A, %and3A_309 : i1
          %add3A_311 = arith.constant 1 : i32
          %add3A_312 = arith.addi %while3A_229, %add3A_311 : i32
          %select_n3A_313 = arith.select %and3A_310, %add3A_312, %while3A_229 : i32
          %ne3A_314 = arith.cmpi ne, %add3A_243, %add3A_279 : i32
          %ne3A_315 = arith.cmpi ne, %add3A_244, %add3A_280 : i32
          %or3A_316 = arith.constant false
          %or3A_317 = arith.ori %or3A_316, %ne3A_314 : i1
          %or3A_318 = arith.ori %or3A_317, %ne3A_315 : i1
          %or3A_319 = arith.constant false
          %or3A_320 = arith.ori %or3A_318, %or3A_319 : i1
          %sub3A_321 = arith.constant 2 : i32
          %sub3A_322 = arith.subi %mul3A_236, %sub3A_321 : i32
          %add3A_323 = arith.constant 1 : i32
          %add3A_324 = arith.addi %sub3A_322, %add3A_323 : i32
          %ge3A_325 = arith.cmpi sge, %while3A_228, %add3A_324 : i32
          %not3A_326 = arith.constant true
          %not3A_327 = arith.xori %ge3A_325, %not3A_326 : i1
          %and3A_328 = arith.andi %or3A_320, %not3A_327 : i1
          %ne3A_329 = arith.cmpi ne, %add3A_243, %add3A_262 : i32
          %ne3A_330 = arith.cmpi ne, %add3A_244, %add3A_263 : i32
          %or3A_331 = arith.constant false
          %or3A_332 = arith.ori %or3A_331, %ne3A_329 : i1
          %or3A_333 = arith.ori %or3A_332, %ne3A_330 : i1
          %or3A_334 = arith.ori %or3A_333, %eq3A_238 : i1
          %convert_element_type3A_335 = arith.extui %or3A_334 : i1 to i32
          %cond3A_336 = arith.constant 0 : i32
          %cond3A_337 = arith.cmpi ne, %convert_element_type3A_335, %cond3A_336 : i32
          scf.if %cond3A_337 {
            "tpu.trace_start"() <{level = 10 : i32, message = "ep_wait_in"}> : () -> ()
            %mul3A_436 = arith.constant 1 : i32
            %mul3A_437 = arith.muli %mul3A_436, %add3A_243 : i32
            %mul3A_438 = arith.constant 128 : i32
            %mul3A_439 = arith.muli %mul3A_438, %add3A_244 : i32
            %rem3A_440 = arith.constant 2 : i32
            %rem3A_441 = arith.remui %while3A_230, %rem3A_440 : i32
            %dma_wait3A = arith.constant 0 : i32
            %dma_wait3A_442 = arith.constant 0 : i32
            %dma_wait3A_443 = tpu.memref_slice %run_scoped3A[%rem3A_441, %dma_wait3A, %dma_wait3A_442] : memref<2x1x128xi32, #tpu.memory_space<vmem>> -> memref<1x1x128xi32, #tpu.memory_space<vmem>>
            %dma_wait3A_444 = tpu.memref_squeeze %dma_wait3A_443 : memref<1x1x128xi32, #tpu.memory_space<vmem>> -> memref<1x128xi32, #tpu.memory_space<vmem>>
            %dma_wait3A_445 = tpu.memref_slice %arg4[%mul3A_437, %mul3A_439] : memref<2x2048xi32, #tpu.memory_space<hbm>> -> memref<1x128xi32, #tpu.memory_space<hbm>>
            %dma_wait3A_446 = tpu.memref_slice %run_scoped3A_39[%rem3A_441] : memref<2x!tpu.dma_semaphore, #tpu.memory_space<semaphore_mem>> -> memref<1x!tpu.dma_semaphore, #tpu.memory_space<semaphore_mem>>
            %dma_wait3A_447 = tpu.memref_squeeze %dma_wait3A_446 : memref<1x!tpu.dma_semaphore, #tpu.memory_space<semaphore_mem>> -> memref<!tpu.dma_semaphore, #tpu.memory_space<semaphore_mem>>
            %dma_wait3A_448 = arith.constant 0 : i32
            %dma_wait3A_449 = arith.constant 0 : i32
            %dma_wait3A_450 = tpu.memref_slice %run_scoped3A[%rem3A_441, %dma_wait3A_448, %dma_wait3A_449] : memref<2x1x128xi32, #tpu.memory_space<vmem>> -> memref<1x1x128xi32, #tpu.memory_space<vmem>>
            %dma_wait3A_451 = tpu.memref_squeeze %dma_wait3A_450 : memref<1x1x128xi32, #tpu.memory_space<vmem>> -> memref<1x128xi32, #tpu.memory_space<vmem>>
            %dma_wait3A_452 = tpu.memref_slice %arg4[%mul3A_437, %mul3A_439] : memref<2x2048xi32, #tpu.memory_space<hbm>> -> memref<1x128xi32, #tpu.memory_space<hbm>>
            tpu.wait_dma2 semaphore(%dma_wait3A_447 : memref<!tpu.dma_semaphore, #tpu.memory_space<semaphore_mem>>) src(%dma_wait3A_452 : memref<1x128xi32, #tpu.memory_space<hbm>>) dst(%dma_wait3A_451 : memref<1x128xi32, #tpu.memory_space<vmem>>)
            "tpu.trace_stop"() : () -> ()
          } else {
          }
          %ne3A_338 = arith.cmpi ne, %add3A_243, %add3A_262 : i32
          %ne3A_339 = arith.cmpi ne, %add3A_244, %add3A_263 : i32
          %or3A_340 = arith.constant false
          %or3A_341 = arith.ori %or3A_340, %ne3A_338 : i1
          %or3A_342 = arith.ori %or3A_341, %ne3A_339 : i1
          %or3A_343 = arith.constant false
          %or3A_344 = arith.ori %or3A_342, %or3A_343 : i1
          %or3A_345 = arith.ori %or3A_344, %eq3A_238 : i1
          %convert_element_type3A_346 = arith.extui %or3A_345 : i1 to i32
          %cond3A_347 = arith.constant 0 : i32
          %cond3A_348 = arith.cmpi ne, %convert_element_type3A_346, %cond3A_347 : i32
          scf.if %cond3A_348 {
          } else {
          }
          %rem3A_349 = arith.constant 2 : i32
          %rem3A_350 = arith.remui %while3A_230, %rem3A_349 : i32
          %rem3A_351 = arith.constant 2 : i32
          %rem3A_352 = arith.remui %while3A_231, %rem3A_351 : i32
          %run_scoped3A_353 = arith.constant 0 : i32
          %run_scoped3A_354 = arith.constant 0 : i32
          "tpu.trace_start"() <{level = 10 : i32, message = "ep_run_kernel"}> : () -> ()
          "tpu.region"() ({
            %run_scoped3A_436 = tpu.sem_alloc : memref<!tpu.dma_semaphore, #tpu.memory_space<semaphore_mem>>
            %dma_start3A_437 = arith.constant 0 : i32
            %dma_start3A_438 = arith.constant 0 : i32
            %dma_start3A_439 = arith.constant 0 : i32
            %dma_start3A_440 = tpu.memref_slice %run_scoped3A_40[%rem3A_352, %dma_start3A_437, %dma_start3A_438, %dma_start3A_439] : memref<2x1x128x256xi32, #tpu.memory_space<vmem>> -> memref<1x1x128x256xi32, #tpu.memory_space<vmem>>
            %dma_start3A_441 = tpu.memref_squeeze %dma_start3A_440 : memref<1x1x128x256xi32, #tpu.memory_space<vmem>> -> memref<1x128x256xi32, #tpu.memory_space<vmem>>
            %dma_start3A_442 = arith.constant 0 : i32
            %dma_start3A_443 = arith.constant 0 : i32
            %dma_start3A_444 = tpu.memref_slice %dma_start3A_441[%run_scoped3A_354, %dma_start3A_442, %dma_start3A_443] : memref<1x128x256xi32, #tpu.memory_space<vmem>> -> memref<1x128x256xi32, #tpu.memory_space<vmem>>
            %dma_start3A_445 = tpu.memref_squeeze %dma_start3A_444 : memref<1x128x256xi32, #tpu.memory_space<vmem>> -> memref<128x256xi32, #tpu.memory_space<vmem>>
            %dma_start3A_446 = arith.constant 0 : i32
            %dma_start3A_447 = arith.constant 0 : i32
            %dma_start3A_448 = tpu.memref_slice %run_scoped3A[%rem3A_350, %dma_start3A_446, %dma_start3A_447] : memref<2x1x128xi32, #tpu.memory_space<vmem>> -> memref<1x1x128xi32, #tpu.memory_space<vmem>>
            %dma_start3A_449 = tpu.memref_squeeze %dma_start3A_448 : memref<1x1x128xi32, #tpu.memory_space<vmem>> -> memref<1x128xi32, #tpu.memory_space<vmem>>
            %dma_start3A_450 = arith.constant 0 : i32
            %dma_start3A_451 = tpu.memref_slice %dma_start3A_449[%run_scoped3A_353, %dma_start3A_450] : memref<1x128xi32, #tpu.memory_space<vmem>> -> memref<1x128xi32, #tpu.memory_space<vmem>>
            %dma_start3A_452 = tpu.memref_squeeze %dma_start3A_451 : memref<1x128xi32, #tpu.memory_space<vmem>> -> memref<128xi32, #tpu.memory_space<vmem>>
            %dma_start3A_453 = arith.constant 0 : i32
            %dma_start3A_454 = arith.constant 0 : i32
            %dma_start3A_455 = tpu.memref_slice %arg2[%dma_start3A_453, %dma_start3A_454] : memref<8192x256xi32, #tpu.memory_space<hbm>> -> memref<8192x256xi32, #tpu.memory_space<hbm>>
            tpu.enqueue_indirect_dma source(%dma_start3A_455 : memref<8192x256xi32, #tpu.memory_space<hbm>>) target(%dma_start3A_445 : memref<128x256xi32, #tpu.memory_space<vmem>>) offsets(%dma_start3A_452 : memref<128xi32, #tpu.memory_space<vmem>>) semaphore(%run_scoped3A_436 : memref<!tpu.dma_semaphore, #tpu.memory_space<semaphore_mem>>)
            %dma_wait3A = arith.constant 0 : i32
            %dma_wait3A_456 = arith.constant 0 : i32
            %dma_wait3A_457 = arith.constant 0 : i32
            %dma_wait3A_458 = tpu.memref_slice %run_scoped3A_40[%rem3A_352, %dma_wait3A, %dma_wait3A_456, %dma_wait3A_457] : memref<2x1x128x256xi32, #tpu.memory_space<vmem>> -> memref<1x1x128x256xi32, #tpu.memory_space<vmem>>
            %dma_wait3A_459 = tpu.memref_squeeze %dma_wait3A_458 : memref<1x1x128x256xi32, #tpu.memory_space<vmem>> -> memref<1x128x256xi32, #tpu.memory_space<vmem>>
            %dma_wait3A_460 = arith.constant 0 : i32
            %dma_wait3A_461 = arith.constant 0 : i32
            %dma_wait3A_462 = tpu.memref_slice %dma_wait3A_459[%run_scoped3A_354, %dma_wait3A_460, %dma_wait3A_461] : memref<1x128x256xi32, #tpu.memory_space<vmem>> -> memref<1x128x256xi32, #tpu.memory_space<vmem>>
            %dma_wait3A_463 = tpu.memref_squeeze %dma_wait3A_462 : memref<1x128x256xi32, #tpu.memory_space<vmem>> -> memref<128x256xi32, #tpu.memory_space<vmem>>
            %dma_wait3A_464 = arith.constant 0 : i32
            %dma_wait3A_465 = arith.constant 0 : i32
            %dma_wait3A_466 = tpu.memref_slice %run_scoped3A[%rem3A_350, %dma_wait3A_464, %dma_wait3A_465] : memref<2x1x128xi32, #tpu.memory_space<vmem>> -> memref<1x1x128xi32, #tpu.memory_space<vmem>>
            %dma_wait3A_467 = tpu.memref_squeeze %dma_wait3A_466 : memref<1x1x128xi32, #tpu.memory_space<vmem>> -> memref<1x128xi32, #tpu.memory_space<vmem>>
            %dma_wait3A_468 = arith.constant 0 : i32
            %dma_wait3A_469 = tpu.memref_slice %dma_wait3A_467[%run_scoped3A_353, %dma_wait3A_468] : memref<1x128xi32, #tpu.memory_space<vmem>> -> memref<1x128xi32, #tpu.memory_space<vmem>>
            %dma_wait3A_470 = tpu.memref_squeeze %dma_wait3A_469 : memref<1x128xi32, #tpu.memory_space<vmem>> -> memref<128xi32, #tpu.memory_space<vmem>>
            %dma_wait3A_471 = arith.constant 0 : i32
            %dma_wait3A_472 = arith.constant 0 : i32
            %dma_wait3A_473 = tpu.memref_slice %arg2[%dma_wait3A_471, %dma_wait3A_472] : memref<8192x256xi32, #tpu.memory_space<hbm>> -> memref<8192x256xi32, #tpu.memory_space<hbm>>
            tpu.wait_indirect_dma semaphore(%run_scoped3A_436 : memref<!tpu.dma_semaphore, #tpu.memory_space<semaphore_mem>>) src(%dma_wait3A_473 : memref<8192x256xi32, #tpu.memory_space<hbm>>) dst(%dma_wait3A_463 : memref<128x256xi32, #tpu.memory_space<vmem>>)
            tpu.yield
          }) : () -> ()
          "tpu.trace_stop"() : () -> ()
          %ne3A_355 = arith.cmpi ne, %add3A_243, %add3A_279 : i32
          %ne3A_356 = arith.cmpi ne, %add3A_244, %add3A_280 : i32
          %or3A_357 = arith.constant false
          %or3A_358 = arith.ori %or3A_357, %ne3A_355 : i1
          %or3A_359 = arith.ori %or3A_358, %ne3A_356 : i1
          %or3A_360 = arith.ori %or3A_359, %eq3A_241 : i1
          %convert_element_type3A_361 = arith.extui %or3A_360 : i1 to i32
          %cond3A_362 = arith.constant 0 : i32
          %cond3A_363 = arith.cmpi ne, %convert_element_type3A_361, %cond3A_362 : i32
          scf.if %cond3A_363 {
          } else {
          }
          %and3A_364 = arith.constant false
          %and3A_365 = arith.andi %or3A_360, %and3A_364 : i1
          %ne3A_366 = arith.cmpi ne, %add3A_243, %add3A_279 : i32
          %ne3A_367 = arith.cmpi ne, %add3A_244, %add3A_280 : i32
          %or3A_368 = arith.constant false
          %or3A_369 = arith.ori %or3A_368, %ne3A_366 : i1
          %or3A_370 = arith.ori %or3A_369, %ne3A_367 : i1
          %or3A_371 = arith.constant false
          %or3A_372 = arith.ori %or3A_370, %or3A_371 : i1
          %or3A_373 = arith.ori %or3A_372, %eq3A_241 : i1
          %convert_element_type3A_374 = arith.extui %or3A_373 : i1 to i32
          %cond3A_375 = arith.constant 0 : i32
          %cond3A_376 = arith.cmpi ne, %convert_element_type3A_374, %cond3A_375 : i32
          scf.if %cond3A_376 {
            "tpu.trace_start"() <{level = 10 : i32, message = "ep_copy_out"}> : () -> ()
            %rem3A_436 = arith.constant 2 : i32
            %rem3A_437 = arith.remui %while3A_231, %rem3A_436 : i32
            %mul3A_438 = arith.constant 1 : i32
            %mul3A_439 = arith.muli %mul3A_438, %add3A_243 : i32
            %mul3A_440 = arith.constant 128 : i32
            %mul3A_441 = arith.muli %mul3A_440, %add3A_244 : i32
            %dma_start3A_442 = arith.constant 0 : i32
            %dma_start3A_443 = arith.constant 0 : i32
            %dma_start3A_444 = arith.constant 0 : i32
            %dma_start3A_445 = tpu.memref_slice %run_scoped3A_40[%rem3A_437, %dma_start3A_442, %dma_start3A_443, %dma_start3A_444] : memref<2x1x128x256xi32, #tpu.memory_space<vmem>> -> memref<1x1x128x256xi32, #tpu.memory_space<vmem>>
            %dma_start3A_446 = tpu.memref_squeeze %dma_start3A_445 : memref<1x1x128x256xi32, #tpu.memory_space<vmem>> -> memref<1x128x256xi32, #tpu.memory_space<vmem>>
            %dma_start3A_447 = arith.constant 0 : i32
            %dma_start3A_448 = tpu.memref_slice %arg5[%mul3A_439, %mul3A_441, %dma_start3A_447] : memref<2x2048x256xi32, #tpu.memory_space<hbm>> -> memref<1x128x256xi32, #tpu.memory_space<hbm>>
            %dma_start3A_449 = tpu.memref_slice %run_scoped3A_41[%rem3A_437] : memref<2x!tpu.dma_semaphore, #tpu.memory_space<semaphore_mem>> -> memref<1x!tpu.dma_semaphore, #tpu.memory_space<semaphore_mem>>
            %dma_start3A_450 = tpu.memref_squeeze %dma_start3A_449 : memref<1x!tpu.dma_semaphore, #tpu.memory_space<semaphore_mem>> -> memref<!tpu.dma_semaphore, #tpu.memory_space<semaphore_mem>>
            %dma_start3A_451 = arith.constant 0 : i32
            %dma_start3A_452 = tpu.memref_slice %arg5[%mul3A_439, %mul3A_441, %dma_start3A_451] : memref<2x2048x256xi32, #tpu.memory_space<hbm>> -> memref<1x128x256xi32, #tpu.memory_space<hbm>>
            %dma_start3A_453 = arith.constant 0 : i32
            %dma_start3A_454 = arith.constant 0 : i32
            %dma_start3A_455 = arith.constant 0 : i32
            %dma_start3A_456 = tpu.memref_slice %run_scoped3A_40[%rem3A_437, %dma_start3A_453, %dma_start3A_454, %dma_start3A_455] : memref<2x1x128x256xi32, #tpu.memory_space<vmem>> -> memref<1x1x128x256xi32, #tpu.memory_space<vmem>>
            %dma_start3A_457 = tpu.memref_squeeze %dma_start3A_456 : memref<1x1x128x256xi32, #tpu.memory_space<vmem>> -> memref<1x128x256xi32, #tpu.memory_space<vmem>>
            tpu.enqueue_dma source(%dma_start3A_457 : memref<1x128x256xi32, #tpu.memory_space<vmem>>) target(%dma_start3A_452 : memref<1x128x256xi32, #tpu.memory_space<hbm>>) target_semaphore(%dma_start3A_450 : memref<!tpu.dma_semaphore, #tpu.memory_space<semaphore_mem>>)
            "tpu.trace_stop"() : () -> ()
          } else {
          }
          %and3A_377 = arith.constant true
          %and3A_378 = arith.andi %or3A_373, %and3A_377 : i1
          %add3A_379 = arith.constant 1 : i32
          %add3A_380 = arith.addi %while3A_231, %add3A_379 : i32
          %select_n3A_381 = arith.select %and3A_378, %add3A_380, %while3A_231 : i32
          %ne3A_382 = arith.cmpi ne, %add3A_243, %add3A_262 : i32
          %ne3A_383 = arith.cmpi ne, %add3A_244, %add3A_263 : i32
          %or3A_384 = arith.constant false
          %or3A_385 = arith.ori %or3A_384, %ne3A_382 : i1
          %or3A_386 = arith.ori %or3A_385, %ne3A_383 : i1
          %not3A_387 = arith.constant true
          %not3A_388 = arith.xori %eq3A_238, %not3A_387 : i1
          %and3A_389 = arith.andi %or3A_386, %not3A_388 : i1
          %convert_element_type3A_390 = arith.extui %and3A_389 : i1 to i32
          %cond3A_391 = arith.constant 0 : i32
          %cond3A_392 = arith.cmpi ne, %convert_element_type3A_390, %cond3A_391 : i32
          scf.if %cond3A_392 {
          } else {
          }
          %and3A_393 = arith.constant false
          %and3A_394 = arith.andi %and3A_389, %and3A_393 : i1
          %ne3A_395 = arith.cmpi ne, %add3A_243, %add3A_262 : i32
          %ne3A_396 = arith.cmpi ne, %add3A_244, %add3A_263 : i32
          %or3A_397 = arith.constant false
          %or3A_398 = arith.ori %or3A_397, %ne3A_395 : i1
          %or3A_399 = arith.ori %or3A_398, %ne3A_396 : i1
          %or3A_400 = arith.constant false
          %or3A_401 = arith.ori %or3A_399, %or3A_400 : i1
          %not3A_402 = arith.constant true
          %not3A_403 = arith.xori %eq3A_238, %not3A_402 : i1
          %and3A_404 = arith.andi %or3A_401, %not3A_403 : i1
          %convert_element_type3A_405 = arith.extui %and3A_404 : i1 to i32
          %cond3A_406 = arith.constant 0 : i32
          %cond3A_407 = arith.cmpi ne, %convert_element_type3A_405, %cond3A_406 : i32
          scf.if %cond3A_407 {
            "tpu.trace_start"() <{level = 10 : i32, message = "ep_wait_out"}> : () -> ()
            %rem3A_436 = arith.constant 2 : i32
            %rem3A_437 = arith.remui %while3A_232, %rem3A_436 : i32
            %mul3A_438 = arith.constant 1 : i32
            %mul3A_439 = arith.muli %mul3A_438, %add3A_262 : i32
            %mul3A_440 = arith.constant 128 : i32
            %mul3A_441 = arith.muli %mul3A_440, %add3A_263 : i32
            %dma_wait3A = arith.constant 0 : i32
            %dma_wait3A_442 = arith.constant 0 : i32
            %dma_wait3A_443 = arith.constant 0 : i32
            %dma_wait3A_444 = tpu.memref_slice %run_scoped3A_40[%rem3A_437, %dma_wait3A, %dma_wait3A_442, %dma_wait3A_443] : memref<2x1x128x256xi32, #tpu.memory_space<vmem>> -> memref<1x1x128x256xi32, #tpu.memory_space<vmem>>
            %dma_wait3A_445 = tpu.memref_squeeze %dma_wait3A_444 : memref<1x1x128x256xi32, #tpu.memory_space<vmem>> -> memref<1x128x256xi32, #tpu.memory_space<vmem>>
            %dma_wait3A_446 = arith.constant 0 : i32
            %dma_wait3A_447 = tpu.memref_slice %arg5[%mul3A_439, %mul3A_441, %dma_wait3A_446] : memref<2x2048x256xi32, #tpu.memory_space<hbm>> -> memref<1x128x256xi32, #tpu.memory_space<hbm>>
            %dma_wait3A_448 = tpu.memref_slice %run_scoped3A_41[%rem3A_437] : memref<2x!tpu.dma_semaphore, #tpu.memory_space<semaphore_mem>> -> memref<1x!tpu.dma_semaphore, #tpu.memory_space<semaphore_mem>>
            %dma_wait3A_449 = tpu.memref_squeeze %dma_wait3A_448 : memref<1x!tpu.dma_semaphore, #tpu.memory_space<semaphore_mem>> -> memref<!tpu.dma_semaphore, #tpu.memory_space<semaphore_mem>>
            %dma_wait3A_450 = arith.constant 0 : i32
            %dma_wait3A_451 = tpu.memref_slice %arg5[%mul3A_439, %mul3A_441, %dma_wait3A_450] : memref<2x2048x256xi32, #tpu.memory_space<hbm>> -> memref<1x128x256xi32, #tpu.memory_space<hbm>>
            %dma_wait3A_452 = arith.constant 0 : i32
            %dma_wait3A_453 = arith.constant 0 : i32
            %dma_wait3A_454 = arith.constant 0 : i32
            %dma_wait3A_455 = tpu.memref_slice %run_scoped3A_40[%rem3A_437, %dma_wait3A_452, %dma_wait3A_453, %dma_wait3A_454] : memref<2x1x128x256xi32, #tpu.memory_space<vmem>> -> memref<1x1x128x256xi32, #tpu.memory_space<vmem>>
            %dma_wait3A_456 = tpu.memref_squeeze %dma_wait3A_455 : memref<1x1x128x256xi32, #tpu.memory_space<vmem>> -> memref<1x128x256xi32, #tpu.memory_space<vmem>>
            tpu.wait_dma2 semaphore(%dma_wait3A_449 : memref<!tpu.dma_semaphore, #tpu.memory_space<semaphore_mem>>) src(%dma_wait3A_456 : memref<1x128x256xi32, #tpu.memory_space<vmem>>) dst(%dma_wait3A_451 : memref<1x128x256xi32, #tpu.memory_space<hbm>>)
            "tpu.trace_stop"() : () -> ()
          } else {
          }
          %and3A_408 = arith.constant true
          %and3A_409 = arith.andi %and3A_404, %and3A_408 : i1
          %add3A_410 = arith.constant 1 : i32
          %add3A_411 = arith.addi %while3A_232, %add3A_410 : i32
          %select_n3A_412 = arith.select %and3A_409, %add3A_411, %while3A_232 : i32
          %ne3A_413 = arith.cmpi ne, %add3A_243, %add3A_279 : i32
          %ne3A_414 = arith.cmpi ne, %add3A_244, %add3A_280 : i32
          %or3A_415 = arith.constant false
          %or3A_416 = arith.ori %or3A_415, %ne3A_413 : i1
          %or3A_417 = arith.ori %or3A_416, %ne3A_414 : i1
          %or3A_418 = arith.ori %or3A_417, %eq3A_241 : i1
          %add3A_419 = arith.constant 1 : i32
          %add3A_420 = arith.addi %while3A_230, %add3A_419 : i32
          %select_n3A_421 = arith.select %or3A_418, %add3A_420, %while3A_230 : i32
          %add3A_422 = arith.constant 1 : i32
          %add3A_423 = arith.addi %while3A_234, %add3A_422 : i32
          %select_n3A_424 = arith.constant true
          %select_n3A_425 = arith.select %select_n3A_424, %add3A_423, %while3A_234 : i32
          %eq3A_426 = arith.cmpi eq, %select_n3A_425, %select_n3A : i32
          %select_n3A_427 = arith.constant 0 : i32
          %select_n3A_428 = arith.select %eq3A_426, %select_n3A_427, %select_n3A_425 : i32
          %add3A_429 = arith.constant 1 : i32
          %add3A_430 = arith.addi %while3A_233, %add3A_429 : i32
          %select_n3A_431 = arith.select %eq3A_426, %add3A_430, %while3A_233 : i32
          %eq3A_432 = arith.constant 2 : i32
          %eq3A_433 = arith.cmpi eq, %select_n3A_431, %eq3A_432 : i32
          %select_n3A_434 = arith.constant 0 : i32
          %select_n3A_435 = arith.select %eq3A_433, %select_n3A_434, %select_n3A_431 : i32
          scf.yield %select_n3A_313, %select_n3A_421, %select_n3A_381, %select_n3A_412, %select_n3A_435, %select_n3A_428 : i32, i32, i32, i32, i32, i32
        }
        %sub3A_141 = arith.constant 1 : i32
        %sub3A_142 = arith.subi %while3A_140#5, %sub3A_141 : i32
        %select_n3A_143 = arith.constant true
        %select_n3A_144 = arith.select %select_n3A_143, %sub3A_142, %while3A_140#5 : i32
        %eq3A_145 = arith.constant -1 : i32
        %eq3A_146 = arith.cmpi eq, %select_n3A_144, %eq3A_145 : i32
        %sub3A_147 = arith.constant 1 : i32
        %sub3A_148 = arith.subi %select_n3A, %sub3A_147 : i32
        %select_n3A_149 = arith.select %eq3A_146, %sub3A_148, %select_n3A_144 : i32
        %sub3A_150 = arith.constant 1 : i32
        %sub3A_151 = arith.subi %while3A_140#4, %sub3A_150 : i32
        %select_n3A_152 = arith.select %eq3A_146, %sub3A_151, %while3A_140#4 : i32
        %eq3A_153 = arith.constant -1 : i32
        %eq3A_154 = arith.cmpi eq, %select_n3A_152, %eq3A_153 : i32
        %select_n3A_155 = arith.constant 1 : i32
        %select_n3A_156 = arith.select %eq3A_154, %select_n3A_155, %select_n3A_152 : i32
        %sub3A_157 = arith.constant 1 : i32
        %sub3A_158 = arith.subi %mul3A_16, %sub3A_157 : i32
        %mul3A_159 = arith.constant 2 : i32
        %mul3A_160 = arith.muli %mul3A_159, %select_n3A : i32
        %eq3A_161 = arith.constant 0 : i32
        %eq3A_162 = arith.cmpi eq, %sub3A_158, %eq3A_161 : i32
        %sub3A_163 = arith.constant 1 : i32
        %sub3A_164 = arith.subi %mul3A_160, %sub3A_163 : i32
        %eq3A_165 = arith.cmpi eq, %sub3A_158, %sub3A_164 : i32
        %add3A_166 = arith.constant 0 : i32
        %add3A_167 = arith.addi %select_n3A_156, %add3A_166 : i32
        %add3A_168 = arith.addi %select_n3A_149, %select_n3A_14 : i32
        %sub3A_169 = arith.constant 1 : i32
        %sub3A_170 = arith.subi %select_n3A_149, %sub3A_169 : i32
        %select_n3A_171 = arith.constant true
        %select_n3A_172 = arith.select %select_n3A_171, %sub3A_170, %select_n3A_149 : i32
        %eq3A_173 = arith.constant -1 : i32
        %eq3A_174 = arith.cmpi eq, %select_n3A_172, %eq3A_173 : i32
        %sub3A_175 = arith.constant 1 : i32
        %sub3A_176 = arith.subi %select_n3A, %sub3A_175 : i32
        %select_n3A_177 = arith.select %eq3A_174, %sub3A_176, %select_n3A_172 : i32
        %sub3A_178 = arith.constant 1 : i32
        %sub3A_179 = arith.subi %select_n3A_156, %sub3A_178 : i32
        %select_n3A_180 = arith.select %eq3A_174, %sub3A_179, %select_n3A_156 : i32
        %eq3A_181 = arith.constant -1 : i32
        %eq3A_182 = arith.cmpi eq, %select_n3A_180, %eq3A_181 : i32
        %select_n3A_183 = arith.constant 1 : i32
        %select_n3A_184 = arith.select %eq3A_182, %select_n3A_183, %select_n3A_180 : i32
        %add3A_185 = arith.constant 0 : i32
        %add3A_186 = arith.addi %select_n3A_184, %add3A_185 : i32
        %add3A_187 = arith.addi %select_n3A_177, %select_n3A_14 : i32
        %add3A_188 = arith.constant 1 : i32
        %add3A_189 = arith.addi %select_n3A_149, %add3A_188 : i32
        %select_n3A_190 = arith.constant true
        %select_n3A_191 = arith.select %select_n3A_190, %add3A_189, %select_n3A_149 : i32
        %eq3A_192 = arith.cmpi eq, %select_n3A_191, %select_n3A : i32
        %select_n3A_193 = arith.constant 0 : i32
        %select_n3A_194 = arith.select %eq3A_192, %select_n3A_193, %select_n3A_191 : i32
        %add3A_195 = arith.constant 1 : i32
        %add3A_196 = arith.addi %select_n3A_156, %add3A_195 : i32
        %select_n3A_197 = arith.select %eq3A_192, %add3A_196, %select_n3A_156 : i32
        %eq3A_198 = arith.constant 2 : i32
        %eq3A_199 = arith.cmpi eq, %select_n3A_197, %eq3A_198 : i32
        %select_n3A_200 = arith.constant 0 : i32
        %select_n3A_201 = arith.select %eq3A_199, %select_n3A_200, %select_n3A_197 : i32
        %add3A_202 = arith.constant 0 : i32
        %add3A_203 = arith.addi %select_n3A_201, %add3A_202 : i32
        %add3A_204 = arith.addi %select_n3A_194, %select_n3A_14 : i32
        %add3A_205 = arith.constant 1 : i32
        %add3A_206 = arith.addi %select_n3A_194, %add3A_205 : i32
        %select_n3A_207 = arith.constant true
        %select_n3A_208 = arith.select %select_n3A_207, %add3A_206, %select_n3A_194 : i32
        %eq3A_209 = arith.cmpi eq, %select_n3A_208, %select_n3A : i32
        %select_n3A_210 = arith.constant 0 : i32
        %select_n3A_211 = arith.select %eq3A_209, %select_n3A_210, %select_n3A_208 : i32
        %add3A_212 = arith.constant 1 : i32
        %add3A_213 = arith.addi %select_n3A_201, %add3A_212 : i32
        %select_n3A_214 = arith.select %eq3A_209, %add3A_213, %select_n3A_201 : i32
        %eq3A_215 = arith.constant 2 : i32
        %eq3A_216 = arith.cmpi eq, %select_n3A_214, %eq3A_215 : i32
        %select_n3A_217 = arith.constant 0 : i32
        %select_n3A_218 = arith.select %eq3A_216, %select_n3A_217, %select_n3A_214 : i32
        %add3A_219 = arith.constant 0 : i32
        %add3A_220 = arith.addi %select_n3A_218, %add3A_219 : i32
        %add3A_221 = arith.addi %select_n3A_211, %select_n3A_14 : i32
        %convert_element_type3A_222 = arith.extui %eq3A_165 : i1 to i32
        %cond3A_223 = arith.constant 0 : i32
        %cond3A_224 = arith.cmpi ne, %convert_element_type3A_222, %cond3A_223 : i32
        scf.if %cond3A_224 {
        } else {
        }
        %convert_element_type3A_225 = arith.extui %eq3A_165 : i1 to i32
        %cond3A_226 = arith.constant 0 : i32
        %cond3A_227 = arith.cmpi ne, %convert_element_type3A_225, %cond3A_226 : i32
        scf.if %cond3A_227 {
          "tpu.trace_start"() <{level = 10 : i32, message = "ep_finalize"}> : () -> ()
          %rem3A_228 = arith.constant 2 : i32
          %rem3A_229 = arith.remui %while3A_140#3, %rem3A_228 : i32
          %mul3A_230 = arith.constant 1 : i32
          %mul3A_231 = arith.muli %mul3A_230, %add3A_167 : i32
          %mul3A_232 = arith.constant 128 : i32
          %mul3A_233 = arith.muli %mul3A_232, %add3A_168 : i32
          %dma_wait3A = arith.constant 0 : i32
          %dma_wait3A_234 = arith.constant 0 : i32
          %dma_wait3A_235 = arith.constant 0 : i32
          %dma_wait3A_236 = tpu.memref_slice %run_scoped3A_40[%rem3A_229, %dma_wait3A, %dma_wait3A_234, %dma_wait3A_235] : memref<2x1x128x256xi32, #tpu.memory_space<vmem>> -> memref<1x1x128x256xi32, #tpu.memory_space<vmem>>
          %dma_wait3A_237 = tpu.memref_squeeze %dma_wait3A_236 : memref<1x1x128x256xi32, #tpu.memory_space<vmem>> -> memref<1x128x256xi32, #tpu.memory_space<vmem>>
          %dma_wait3A_238 = arith.constant 0 : i32
          %dma_wait3A_239 = tpu.memref_slice %arg5[%mul3A_231, %mul3A_233, %dma_wait3A_238] : memref<2x2048x256xi32, #tpu.memory_space<hbm>> -> memref<1x128x256xi32, #tpu.memory_space<hbm>>
          %dma_wait3A_240 = tpu.memref_slice %run_scoped3A_41[%rem3A_229] : memref<2x!tpu.dma_semaphore, #tpu.memory_space<semaphore_mem>> -> memref<1x!tpu.dma_semaphore, #tpu.memory_space<semaphore_mem>>
          %dma_wait3A_241 = tpu.memref_squeeze %dma_wait3A_240 : memref<1x!tpu.dma_semaphore, #tpu.memory_space<semaphore_mem>> -> memref<!tpu.dma_semaphore, #tpu.memory_space<semaphore_mem>>
          %dma_wait3A_242 = arith.constant 0 : i32
          %dma_wait3A_243 = tpu.memref_slice %arg5[%mul3A_231, %mul3A_233, %dma_wait3A_242] : memref<2x2048x256xi32, #tpu.memory_space<hbm>> -> memref<1x128x256xi32, #tpu.memory_space<hbm>>
          %dma_wait3A_244 = arith.constant 0 : i32
          %dma_wait3A_245 = arith.constant 0 : i32
          %dma_wait3A_246 = arith.constant 0 : i32
          %dma_wait3A_247 = tpu.memref_slice %run_scoped3A_40[%rem3A_229, %dma_wait3A_244, %dma_wait3A_245, %dma_wait3A_246] : memref<2x1x128x256xi32, #tpu.memory_space<vmem>> -> memref<1x1x128x256xi32, #tpu.memory_space<vmem>>
          %dma_wait3A_248 = tpu.memref_squeeze %dma_wait3A_247 : memref<1x1x128x256xi32, #tpu.memory_space<vmem>> -> memref<1x128x256xi32, #tpu.memory_space<vmem>>
          tpu.wait_dma2 semaphore(%dma_wait3A_241 : memref<!tpu.dma_semaphore, #tpu.memory_space<semaphore_mem>>) src(%dma_wait3A_248 : memref<1x128x256xi32, #tpu.memory_space<vmem>>) dst(%dma_wait3A_243 : memref<1x128x256xi32, #tpu.memory_space<hbm>>)
          "tpu.trace_stop"() : () -> ()
        } else {
        }
      } else {
      }
      tpu.yield
    }) : () -> ()
    %mul3A_17 = arith.constant 1 : i32
    %mul3A_18 = arith.muli %arg1, %mul3A_17 : i32
    %add3A_19 = arith.constant 0 : i32
    %add3A_20 = arith.addi %add3A_19, %mul3A_18 : i32
    %mul3A_21 = arith.constant 16 : i32
    %mul3A_22 = arith.muli %arg0, %mul3A_21 : i32
    %add3A_23 = arith.addi %add3A_20, %mul3A_22 : i32
    %lt3A_24 = arith.constant 16 : i32
    %lt3A_25 = arith.cmpi slt, %add3A_23, %lt3A_24 : i32
    %jit3A_26 = arith.constant 1 : i32
    %jit3A_27 = arith.constant 0 : i32
    %select_n3A_28 = arith.select %lt3A_25, %jit3A_26, %jit3A_27 : i32
    %lt3A_29 = arith.constant 16 : i32
    %lt3A_30 = arith.cmpi slt, %add3A_23, %lt3A_29 : i32
    %mul3A_31 = arith.muli %add3A_23, %select_n3A_28 : i32
    %mul3A_32 = arith.constant 0 : i32
    %mul3A_33 = arith.muli %add3A_23, %mul3A_32 : i32
    %add3A_34 = arith.constant 16 : i32
    %add3A_35 = arith.addi %mul3A_33, %add3A_34 : i32
    %select_n3A_36 = arith.select %lt3A_30, %mul3A_31, %add3A_35 : i32
    %mul3A_37 = arith.constant 2 : i32
    %mul3A_38 = arith.muli %mul3A_37, %select_n3A_28 : i32
    "tpu.region"() ({
      %run_scoped3A = memref.alloca() : memref<2x1x128xi32, #tpu.memory_space<vmem>>
      %run_scoped3A_39 = tpu.sem_alloc : memref<2x!tpu.dma_semaphore, #tpu.memory_space<semaphore_mem>>
      %run_scoped3A_40 = memref.alloca() : memref<2x1x128x256xi32, #tpu.memory_space<vmem>>
      %run_scoped3A_41 = tpu.sem_alloc : memref<2x!tpu.dma_semaphore, #tpu.memory_space<semaphore_mem>>
      %gt3A = arith.constant 0 : i32
      %gt3A_42 = arith.cmpi sgt, %mul3A_38, %gt3A : i32
      %convert_element_type3A = arith.extui %gt3A_42 : i1 to i32
      %cond3A = arith.constant 0 : i32
      %cond3A_43 = arith.cmpi ne, %convert_element_type3A, %cond3A : i32
      scf.if %cond3A_43 {
        %mul3A_44 = arith.constant 2 : i32
        %mul3A_45 = arith.muli %mul3A_44, %select_n3A_28 : i32
        %sub3A = arith.constant 1 : i32
        %sub3A_46 = arith.subi %mul3A_45, %sub3A : i32
        %eq3A = arith.constant 0 : i32
        %eq3A_47 = arith.cmpi eq, %sub3A_46, %eq3A : i32
        %add3A_48 = arith.constant 0 : i32
        %add3A_49 = arith.addi %add3A_48, %select_n3A_36 : i32
        %select_n3A_50 = arith.constant true
        %select_n3A_51 = arith.constant 0 : i32
        %select_n3A_52 = arith.constant -1 : i32
        %select_n3A_53 = arith.select %select_n3A_50, %select_n3A_52, %select_n3A_51 : i32
        %eq3A_54 = arith.constant -1 : i32
        %eq3A_55 = arith.cmpi eq, %select_n3A_53, %eq3A_54 : i32
        %sub3A_56 = arith.constant 1 : i32
        %sub3A_57 = arith.subi %select_n3A_28, %sub3A_56 : i32
        %select_n3A_58 = arith.select %eq3A_55, %sub3A_57, %select_n3A_53 : i32
        %select_n3A_59 = arith.constant 0 : i32
        %select_n3A_60 = arith.constant -1 : i32
        %select_n3A_61 = arith.select %eq3A_55, %select_n3A_60, %select_n3A_59 : i32
        %eq3A_62 = arith.constant -1 : i32
        %eq3A_63 = arith.cmpi eq, %select_n3A_61, %eq3A_62 : i32
        %select_n3A_64 = arith.constant 1 : i32
        %select_n3A_65 = arith.select %eq3A_63, %select_n3A_64, %select_n3A_61 : i32
        %add3A_66 = arith.constant 0 : i32
        %add3A_67 = arith.addi %select_n3A_65, %add3A_66 : i32
        %add3A_68 = arith.addi %select_n3A_58, %select_n3A_36 : i32
        %select_n3A_69 = arith.constant true
        %select_n3A_70 = arith.constant 0 : i32
        %select_n3A_71 = arith.constant 1 : i32
        %select_n3A_72 = arith.select %select_n3A_69, %select_n3A_71, %select_n3A_70 : i32
        %eq3A_73 = arith.cmpi eq, %select_n3A_72, %select_n3A_28 : i32
        %select_n3A_74 = arith.constant 0 : i32
        %select_n3A_75 = arith.select %eq3A_73, %select_n3A_74, %select_n3A_72 : i32
        %select_n3A_76 = arith.constant 0 : i32
        %select_n3A_77 = arith.constant 1 : i32
        %select_n3A_78 = arith.select %eq3A_73, %select_n3A_77, %select_n3A_76 : i32
        %eq3A_79 = arith.constant 2 : i32
        %eq3A_80 = arith.cmpi eq, %select_n3A_78, %eq3A_79 : i32
        %select_n3A_81 = arith.constant 0 : i32
        %select_n3A_82 = arith.select %eq3A_80, %select_n3A_81, %select_n3A_78 : i32
        %add3A_83 = arith.constant 0 : i32
        %add3A_84 = arith.addi %select_n3A_82, %add3A_83 : i32
        %add3A_85 = arith.addi %select_n3A_75, %select_n3A_36 : i32
        %add3A_86 = arith.constant 1 : i32
        %add3A_87 = arith.addi %select_n3A_75, %add3A_86 : i32
        %select_n3A_88 = arith.constant true
        %select_n3A_89 = arith.select %select_n3A_88, %add3A_87, %select_n3A_75 : i32
        %eq3A_90 = arith.cmpi eq, %select_n3A_89, %select_n3A_28 : i32
        %select_n3A_91 = arith.constant 0 : i32
        %select_n3A_92 = arith.select %eq3A_90, %select_n3A_91, %select_n3A_89 : i32
        %add3A_93 = arith.constant 1 : i32
        %add3A_94 = arith.addi %select_n3A_82, %add3A_93 : i32
        %select_n3A_95 = arith.select %eq3A_90, %add3A_94, %select_n3A_82 : i32
        %eq3A_96 = arith.constant 2 : i32
        %eq3A_97 = arith.cmpi eq, %select_n3A_95, %eq3A_96 : i32
        %select_n3A_98 = arith.constant 0 : i32
        %select_n3A_99 = arith.select %eq3A_97, %select_n3A_98, %select_n3A_95 : i32
        %add3A_100 = arith.constant 0 : i32
        %add3A_101 = arith.addi %select_n3A_99, %add3A_100 : i32
        %add3A_102 = arith.addi %select_n3A_92, %select_n3A_36 : i32
        "tpu.trace_start"() <{level = 10 : i32, message = "ep_initialize_0"}> : () -> ()
        %rem3A = arith.constant 0 : i32
        %rem3A_103 = arith.constant 2 : i32
        %rem3A_104 = arith.remui %rem3A, %rem3A_103 : i32
        %mul3A_105 = arith.constant 128 : i32
        %mul3A_106 = arith.muli %mul3A_105, %add3A_49 : i32
        %dma_start3A = arith.constant 0 : i32
        %dma_start3A_107 = arith.constant 0 : i32
        %dma_start3A_108 = tpu.memref_slice %run_scoped3A[%rem3A_104, %dma_start3A, %dma_start3A_107] : memref<2x1x128xi32, #tpu.memory_space<vmem>> -> memref<1x1x128xi32, #tpu.memory_space<vmem>>
        %dma_start3A_109 = tpu.memref_squeeze %dma_start3A_108 : memref<1x1x128xi32, #tpu.memory_space<vmem>> -> memref<1x128xi32, #tpu.memory_space<vmem>>
        %dma_start3A_110 = arith.constant 0 : i32
        %dma_start3A_111 = tpu.memref_slice %arg4[%dma_start3A_110, %mul3A_106] : memref<2x2048xi32, #tpu.memory_space<hbm>> -> memref<1x128xi32, #tpu.memory_space<hbm>>
        %dma_start3A_112 = tpu.memref_slice %run_scoped3A_39[%rem3A_104] : memref<2x!tpu.dma_semaphore, #tpu.memory_space<semaphore_mem>> -> memref<1x!tpu.dma_semaphore, #tpu.memory_space<semaphore_mem>>
        %dma_start3A_113 = tpu.memref_squeeze %dma_start3A_112 : memref<1x!tpu.dma_semaphore, #tpu.memory_space<semaphore_mem>> -> memref<!tpu.dma_semaphore, #tpu.memory_space<semaphore_mem>>
        %dma_start3A_114 = arith.constant 0 : i32
        %dma_start3A_115 = arith.constant 0 : i32
        %dma_start3A_116 = tpu.memref_slice %run_scoped3A[%rem3A_104, %dma_start3A_114, %dma_start3A_115] : memref<2x1x128xi32, #tpu.memory_space<vmem>> -> memref<1x1x128xi32, #tpu.memory_space<vmem>>
        %dma_start3A_117 = tpu.memref_squeeze %dma_start3A_116 : memref<1x1x128xi32, #tpu.memory_space<vmem>> -> memref<1x128xi32, #tpu.memory_space<vmem>>
        %dma_start3A_118 = arith.constant 0 : i32
        %dma_start3A_119 = tpu.memref_slice %arg4[%dma_start3A_118, %mul3A_106] : memref<2x2048xi32, #tpu.memory_space<hbm>> -> memref<1x128xi32, #tpu.memory_space<hbm>>
        tpu.enqueue_dma source(%dma_start3A_119 : memref<1x128xi32, #tpu.memory_space<hbm>>) target(%dma_start3A_117 : memref<1x128xi32, #tpu.memory_space<vmem>>) target_semaphore(%dma_start3A_113 : memref<!tpu.dma_semaphore, #tpu.memory_space<semaphore_mem>>)
        %add3A_120 = arith.constant 0 : i32
        %add3A_121 = arith.constant 1 : i32
        %add3A_122 = arith.addi %add3A_120, %add3A_121 : i32
        %select_n3A_123 = arith.constant true
        %select_n3A_124 = arith.constant 0 : i32
        %select_n3A_125 = arith.select %select_n3A_123, %add3A_122, %select_n3A_124 : i32
        %while3A = arith.constant 0 : i32
        %while3A_126 = arith.constant 0 : i32
        %while3A_127 = arith.constant 0 : i32
        %while3A_128 = arith.constant 0 : i32
        %while3A_129 = arith.constant 0 : i32
        %while3A_130 = arith.constant 0 : i32
        "tpu.trace_stop"() : () -> ()
        %while3A_131 = arith.subi %mul3A_38, %while3A : i32
        %while3A_132 = arith.addi %while3A, %while3A_131 : i32
        %while3A_133 = arith.constant 1 : i32
        %while3A_134 = arith.divsi %while3A_131, %while3A_133 : i32
        %while3A_135 = arith.muli %while3A_134, %while3A_133 : i32
        %while3A_136 = arith.addi %while3A, %while3A_135 : i32
        %while3A_137 = arith.constant 1 : i32
        %while3A_138:6 = scf.for %while3A_228 = %while3A to %while3A_136 step %while3A_137 iter_args(%while3A_229 = %select_n3A_125, %while3A_230 = %while3A_126, %while3A_231 = %while3A_127, %while3A_232 = %while3A_128, %while3A_233 = %while3A_129, %while3A_234 = %while3A_130) -> (i32, i32, i32, i32, i32, i32)  : i32 {
          %mul3A_235 = arith.constant 2 : i32
          %mul3A_236 = arith.muli %mul3A_235, %select_n3A_28 : i32
          %eq3A_237 = arith.constant 0 : i32
          %eq3A_238 = arith.cmpi eq, %while3A_228, %eq3A_237 : i32
          %sub3A_239 = arith.constant 1 : i32
          %sub3A_240 = arith.subi %mul3A_236, %sub3A_239 : i32
          %eq3A_241 = arith.cmpi eq, %while3A_228, %sub3A_240 : i32
          %add3A_242 = arith.constant 0 : i32
          %add3A_243 = arith.addi %while3A_233, %add3A_242 : i32
          %add3A_244 = arith.addi %while3A_234, %select_n3A_36 : i32
          %sub3A_245 = arith.constant 1 : i32
          %sub3A_246 = arith.subi %while3A_234, %sub3A_245 : i32
          %select_n3A_247 = arith.constant true
          %select_n3A_248 = arith.select %select_n3A_247, %sub3A_246, %while3A_234 : i32
          %eq3A_249 = arith.constant -1 : i32
          %eq3A_250 = arith.cmpi eq, %select_n3A_248, %eq3A_249 : i32
          %sub3A_251 = arith.constant 1 : i32
          %sub3A_252 = arith.subi %select_n3A_28, %sub3A_251 : i32
          %select_n3A_253 = arith.select %eq3A_250, %sub3A_252, %select_n3A_248 : i32
          %sub3A_254 = arith.constant 1 : i32
          %sub3A_255 = arith.subi %while3A_233, %sub3A_254 : i32
          %select_n3A_256 = arith.select %eq3A_250, %sub3A_255, %while3A_233 : i32
          %eq3A_257 = arith.constant -1 : i32
          %eq3A_258 = arith.cmpi eq, %select_n3A_256, %eq3A_257 : i32
          %select_n3A_259 = arith.constant 1 : i32
          %select_n3A_260 = arith.select %eq3A_258, %select_n3A_259, %select_n3A_256 : i32
          %add3A_261 = arith.constant 0 : i32
          %add3A_262 = arith.addi %select_n3A_260, %add3A_261 : i32
          %add3A_263 = arith.addi %select_n3A_253, %select_n3A_36 : i32
          %add3A_264 = arith.constant 1 : i32
          %add3A_265 = arith.addi %while3A_234, %add3A_264 : i32
          %select_n3A_266 = arith.constant true
          %select_n3A_267 = arith.select %select_n3A_266, %add3A_265, %while3A_234 : i32
          %eq3A_268 = arith.cmpi eq, %select_n3A_267, %select_n3A_28 : i32
          %select_n3A_269 = arith.constant 0 : i32
          %select_n3A_270 = arith.select %eq3A_268, %select_n3A_269, %select_n3A_267 : i32
          %add3A_271 = arith.constant 1 : i32
          %add3A_272 = arith.addi %while3A_233, %add3A_271 : i32
          %select_n3A_273 = arith.select %eq3A_268, %add3A_272, %while3A_233 : i32
          %eq3A_274 = arith.constant 2 : i32
          %eq3A_275 = arith.cmpi eq, %select_n3A_273, %eq3A_274 : i32
          %select_n3A_276 = arith.constant 0 : i32
          %select_n3A_277 = arith.select %eq3A_275, %select_n3A_276, %select_n3A_273 : i32
          %add3A_278 = arith.constant 0 : i32
          %add3A_279 = arith.addi %select_n3A_277, %add3A_278 : i32
          %add3A_280 = arith.addi %select_n3A_270, %select_n3A_36 : i32
          %add3A_281 = arith.constant 1 : i32
          %add3A_282 = arith.addi %select_n3A_270, %add3A_281 : i32
          %select_n3A_283 = arith.constant true
          %select_n3A_284 = arith.select %select_n3A_283, %add3A_282, %select_n3A_270 : i32
          %eq3A_285 = arith.cmpi eq, %select_n3A_284, %select_n3A_28 : i32
          %select_n3A_286 = arith.constant 0 : i32
          %select_n3A_287 = arith.select %eq3A_285, %select_n3A_286, %select_n3A_284 : i32
          %add3A_288 = arith.constant 1 : i32
          %add3A_289 = arith.addi %select_n3A_277, %add3A_288 : i32
          %select_n3A_290 = arith.select %eq3A_285, %add3A_289, %select_n3A_277 : i32
          %eq3A_291 = arith.constant 2 : i32
          %eq3A_292 = arith.cmpi eq, %select_n3A_290, %eq3A_291 : i32
          %select_n3A_293 = arith.constant 0 : i32
          %select_n3A_294 = arith.select %eq3A_292, %select_n3A_293, %select_n3A_290 : i32
          %add3A_295 = arith.constant 0 : i32
          %add3A_296 = arith.addi %select_n3A_294, %add3A_295 : i32
          %add3A_297 = arith.addi %select_n3A_287, %select_n3A_36 : i32
          %ne3A = arith.cmpi ne, %add3A_243, %add3A_279 : i32
          %ne3A_298 = arith.cmpi ne, %add3A_244, %add3A_280 : i32
          %or3A = arith.constant false
          %or3A_299 = arith.ori %or3A, %ne3A : i1
          %or3A_300 = arith.ori %or3A_299, %ne3A_298 : i1
          %sub3A_301 = arith.constant 2 : i32
          %sub3A_302 = arith.subi %mul3A_236, %sub3A_301 : i32
          %add3A_303 = arith.constant 1 : i32
          %add3A_304 = arith.addi %sub3A_302, %add3A_303 : i32
          %ge3A = arith.cmpi sge, %while3A_228, %add3A_304 : i32
          %not3A = arith.constant true
          %not3A_305 = arith.xori %ge3A, %not3A : i1
          %and3A = arith.andi %or3A_300, %not3A_305 : i1
          %convert_element_type3A_306 = arith.extui %and3A : i1 to i32
          %cond3A_307 = arith.constant 0 : i32
          %cond3A_308 = arith.cmpi ne, %convert_element_type3A_306, %cond3A_307 : i32
          scf.if %cond3A_308 {
            "tpu.trace_start"() <{level = 10 : i32, message = "ep_copy_in"}> : () -> ()
            %rem3A_436 = arith.constant 2 : i32
            %rem3A_437 = arith.remui %while3A_229, %rem3A_436 : i32
            %mul3A_438 = arith.constant 1 : i32
            %mul3A_439 = arith.muli %mul3A_438, %add3A_279 : i32
            %mul3A_440 = arith.constant 128 : i32
            %mul3A_441 = arith.muli %mul3A_440, %add3A_280 : i32
            %dma_start3A_442 = arith.constant 0 : i32
            %dma_start3A_443 = arith.constant 0 : i32
            %dma_start3A_444 = tpu.memref_slice %run_scoped3A[%rem3A_437, %dma_start3A_442, %dma_start3A_443] : memref<2x1x128xi32, #tpu.memory_space<vmem>> -> memref<1x1x128xi32, #tpu.memory_space<vmem>>
            %dma_start3A_445 = tpu.memref_squeeze %dma_start3A_444 : memref<1x1x128xi32, #tpu.memory_space<vmem>> -> memref<1x128xi32, #tpu.memory_space<vmem>>
            %dma_start3A_446 = tpu.memref_slice %arg4[%mul3A_439, %mul3A_441] : memref<2x2048xi32, #tpu.memory_space<hbm>> -> memref<1x128xi32, #tpu.memory_space<hbm>>
            %dma_start3A_447 = tpu.memref_slice %run_scoped3A_39[%rem3A_437] : memref<2x!tpu.dma_semaphore, #tpu.memory_space<semaphore_mem>> -> memref<1x!tpu.dma_semaphore, #tpu.memory_space<semaphore_mem>>
            %dma_start3A_448 = tpu.memref_squeeze %dma_start3A_447 : memref<1x!tpu.dma_semaphore, #tpu.memory_space<semaphore_mem>> -> memref<!tpu.dma_semaphore, #tpu.memory_space<semaphore_mem>>
            %dma_start3A_449 = arith.constant 0 : i32
            %dma_start3A_450 = arith.constant 0 : i32
            %dma_start3A_451 = tpu.memref_slice %run_scoped3A[%rem3A_437, %dma_start3A_449, %dma_start3A_450] : memref<2x1x128xi32, #tpu.memory_space<vmem>> -> memref<1x1x128xi32, #tpu.memory_space<vmem>>
            %dma_start3A_452 = tpu.memref_squeeze %dma_start3A_451 : memref<1x1x128xi32, #tpu.memory_space<vmem>> -> memref<1x128xi32, #tpu.memory_space<vmem>>
            %dma_start3A_453 = tpu.memref_slice %arg4[%mul3A_439, %mul3A_441] : memref<2x2048xi32, #tpu.memory_space<hbm>> -> memref<1x128xi32, #tpu.memory_space<hbm>>
            tpu.enqueue_dma source(%dma_start3A_453 : memref<1x128xi32, #tpu.memory_space<hbm>>) target(%dma_start3A_452 : memref<1x128xi32, #tpu.memory_space<vmem>>) target_semaphore(%dma_start3A_448 : memref<!tpu.dma_semaphore, #tpu.memory_space<semaphore_mem>>)
            "tpu.trace_stop"() : () -> ()
          } else {
          }
          %and3A_309 = arith.constant true
          %and3A_310 = arith.andi %and3A, %and3A_309 : i1
          %add3A_311 = arith.constant 1 : i32
          %add3A_312 = arith.addi %while3A_229, %add3A_311 : i32
          %select_n3A_313 = arith.select %and3A_310, %add3A_312, %while3A_229 : i32
          %ne3A_314 = arith.cmpi ne, %add3A_243, %add3A_279 : i32
          %ne3A_315 = arith.cmpi ne, %add3A_244, %add3A_280 : i32
          %or3A_316 = arith.constant false
          %or3A_317 = arith.ori %or3A_316, %ne3A_314 : i1
          %or3A_318 = arith.ori %or3A_317, %ne3A_315 : i1
          %or3A_319 = arith.constant false
          %or3A_320 = arith.ori %or3A_318, %or3A_319 : i1
          %sub3A_321 = arith.constant 2 : i32
          %sub3A_322 = arith.subi %mul3A_236, %sub3A_321 : i32
          %add3A_323 = arith.constant 1 : i32
          %add3A_324 = arith.addi %sub3A_322, %add3A_323 : i32
          %ge3A_325 = arith.cmpi sge, %while3A_228, %add3A_324 : i32
          %not3A_326 = arith.constant true
          %not3A_327 = arith.xori %ge3A_325, %not3A_326 : i1
          %and3A_328 = arith.andi %or3A_320, %not3A_327 : i1
          %ne3A_329 = arith.cmpi ne, %add3A_243, %add3A_262 : i32
          %ne3A_330 = arith.cmpi ne, %add3A_244, %add3A_263 : i32
          %or3A_331 = arith.constant false
          %or3A_332 = arith.ori %or3A_331, %ne3A_329 : i1
          %or3A_333 = arith.ori %or3A_332, %ne3A_330 : i1
          %or3A_334 = arith.ori %or3A_333, %eq3A_238 : i1
          %convert_element_type3A_335 = arith.extui %or3A_334 : i1 to i32
          %cond3A_336 = arith.constant 0 : i32
          %cond3A_337 = arith.cmpi ne, %convert_element_type3A_335, %cond3A_336 : i32
          scf.if %cond3A_337 {
            "tpu.trace_start"() <{level = 10 : i32, message = "ep_wait_in"}> : () -> ()
            %mul3A_436 = arith.constant 1 : i32
            %mul3A_437 = arith.muli %mul3A_436, %add3A_243 : i32
            %mul3A_438 = arith.constant 128 : i32
            %mul3A_439 = arith.muli %mul3A_438, %add3A_244 : i32
            %rem3A_440 = arith.constant 2 : i32
            %rem3A_441 = arith.remui %while3A_230, %rem3A_440 : i32
            %dma_wait3A = arith.constant 0 : i32
            %dma_wait3A_442 = arith.constant 0 : i32
            %dma_wait3A_443 = tpu.memref_slice %run_scoped3A[%rem3A_441, %dma_wait3A, %dma_wait3A_442] : memref<2x1x128xi32, #tpu.memory_space<vmem>> -> memref<1x1x128xi32, #tpu.memory_space<vmem>>
            %dma_wait3A_444 = tpu.memref_squeeze %dma_wait3A_443 : memref<1x1x128xi32, #tpu.memory_space<vmem>> -> memref<1x128xi32, #tpu.memory_space<vmem>>
            %dma_wait3A_445 = tpu.memref_slice %arg4[%mul3A_437, %mul3A_439] : memref<2x2048xi32, #tpu.memory_space<hbm>> -> memref<1x128xi32, #tpu.memory_space<hbm>>
            %dma_wait3A_446 = tpu.memref_slice %run_scoped3A_39[%rem3A_441] : memref<2x!tpu.dma_semaphore, #tpu.memory_space<semaphore_mem>> -> memref<1x!tpu.dma_semaphore, #tpu.memory_space<semaphore_mem>>
            %dma_wait3A_447 = tpu.memref_squeeze %dma_wait3A_446 : memref<1x!tpu.dma_semaphore, #tpu.memory_space<semaphore_mem>> -> memref<!tpu.dma_semaphore, #tpu.memory_space<semaphore_mem>>
            %dma_wait3A_448 = arith.constant 0 : i32
            %dma_wait3A_449 = arith.constant 0 : i32
            %dma_wait3A_450 = tpu.memref_slice %run_scoped3A[%rem3A_441, %dma_wait3A_448, %dma_wait3A_449] : memref<2x1x128xi32, #tpu.memory_space<vmem>> -> memref<1x1x128xi32, #tpu.memory_space<vmem>>
            %dma_wait3A_451 = tpu.memref_squeeze %dma_wait3A_450 : memref<1x1x128xi32, #tpu.memory_space<vmem>> -> memref<1x128xi32, #tpu.memory_space<vmem>>
            %dma_wait3A_452 = tpu.memref_slice %arg4[%mul3A_437, %mul3A_439] : memref<2x2048xi32, #tpu.memory_space<hbm>> -> memref<1x128xi32, #tpu.memory_space<hbm>>
            tpu.wait_dma2 semaphore(%dma_wait3A_447 : memref<!tpu.dma_semaphore, #tpu.memory_space<semaphore_mem>>) src(%dma_wait3A_452 : memref<1x128xi32, #tpu.memory_space<hbm>>) dst(%dma_wait3A_451 : memref<1x128xi32, #tpu.memory_space<vmem>>)
            "tpu.trace_stop"() : () -> ()
          } else {
          }
          %ne3A_338 = arith.cmpi ne, %add3A_243, %add3A_262 : i32
          %ne3A_339 = arith.cmpi ne, %add3A_244, %add3A_263 : i32
          %or3A_340 = arith.constant false
          %or3A_341 = arith.ori %or3A_340, %ne3A_338 : i1
          %or3A_342 = arith.ori %or3A_341, %ne3A_339 : i1
          %or3A_343 = arith.constant false
          %or3A_344 = arith.ori %or3A_342, %or3A_343 : i1
          %or3A_345 = arith.ori %or3A_344, %eq3A_238 : i1
          %convert_element_type3A_346 = arith.extui %or3A_345 : i1 to i32
          %cond3A_347 = arith.constant 0 : i32
          %cond3A_348 = arith.cmpi ne, %convert_element_type3A_346, %cond3A_347 : i32
          scf.if %cond3A_348 {
          } else {
          }
          %rem3A_349 = arith.constant 2 : i32
          %rem3A_350 = arith.remui %while3A_230, %rem3A_349 : i32
          %rem3A_351 = arith.constant 2 : i32
          %rem3A_352 = arith.remui %while3A_231, %rem3A_351 : i32
          %run_scoped3A_353 = arith.constant 0 : i32
          %run_scoped3A_354 = arith.constant 0 : i32
          "tpu.trace_start"() <{level = 10 : i32, message = "ep_run_kernel"}> : () -> ()
          "tpu.region"() ({
            %run_scoped3A_436 = tpu.sem_alloc : memref<!tpu.dma_semaphore, #tpu.memory_space<semaphore_mem>>
            %dma_start3A_437 = arith.constant 0 : i32
            %dma_start3A_438 = arith.constant 0 : i32
            %dma_start3A_439 = arith.constant 0 : i32
            %dma_start3A_440 = tpu.memref_slice %run_scoped3A_40[%rem3A_352, %dma_start3A_437, %dma_start3A_438, %dma_start3A_439] : memref<2x1x128x256xi32, #tpu.memory_space<vmem>> -> memref<1x1x128x256xi32, #tpu.memory_space<vmem>>
            %dma_start3A_441 = tpu.memref_squeeze %dma_start3A_440 : memref<1x1x128x256xi32, #tpu.memory_space<vmem>> -> memref<1x128x256xi32, #tpu.memory_space<vmem>>
            %dma_start3A_442 = arith.constant 0 : i32
            %dma_start3A_443 = arith.constant 0 : i32
            %dma_start3A_444 = tpu.memref_slice %dma_start3A_441[%run_scoped3A_354, %dma_start3A_442, %dma_start3A_443] : memref<1x128x256xi32, #tpu.memory_space<vmem>> -> memref<1x128x256xi32, #tpu.memory_space<vmem>>
            %dma_start3A_445 = tpu.memref_squeeze %dma_start3A_444 : memref<1x128x256xi32, #tpu.memory_space<vmem>> -> memref<128x256xi32, #tpu.memory_space<vmem>>
            %dma_start3A_446 = arith.constant 0 : i32
            %dma_start3A_447 = arith.constant 0 : i32
            %dma_start3A_448 = tpu.memref_slice %run_scoped3A[%rem3A_350, %dma_start3A_446, %dma_start3A_447] : memref<2x1x128xi32, #tpu.memory_space<vmem>> -> memref<1x1x128xi32, #tpu.memory_space<vmem>>
            %dma_start3A_449 = tpu.memref_squeeze %dma_start3A_448 : memref<1x1x128xi32, #tpu.memory_space<vmem>> -> memref<1x128xi32, #tpu.memory_space<vmem>>
            %dma_start3A_450 = arith.constant 0 : i32
            %dma_start3A_451 = tpu.memref_slice %dma_start3A_449[%run_scoped3A_353, %dma_start3A_450] : memref<1x128xi32, #tpu.memory_space<vmem>> -> memref<1x128xi32, #tpu.memory_space<vmem>>
            %dma_start3A_452 = tpu.memref_squeeze %dma_start3A_451 : memref<1x128xi32, #tpu.memory_space<vmem>> -> memref<128xi32, #tpu.memory_space<vmem>>
            %dma_start3A_453 = arith.constant 0 : i32
            %dma_start3A_454 = arith.constant 0 : i32
            %dma_start3A_455 = tpu.memref_slice %arg3[%dma_start3A_453, %dma_start3A_454] : memref<8192x256xi32, #tpu.memory_space<hbm>> -> memref<8192x256xi32, #tpu.memory_space<hbm>>
            tpu.enqueue_indirect_dma source(%dma_start3A_455 : memref<8192x256xi32, #tpu.memory_space<hbm>>) target(%dma_start3A_445 : memref<128x256xi32, #tpu.memory_space<vmem>>) offsets(%dma_start3A_452 : memref<128xi32, #tpu.memory_space<vmem>>) semaphore(%run_scoped3A_436 : memref<!tpu.dma_semaphore, #tpu.memory_space<semaphore_mem>>)
            %dma_wait3A = arith.constant 0 : i32
            %dma_wait3A_456 = arith.constant 0 : i32
            %dma_wait3A_457 = arith.constant 0 : i32
            %dma_wait3A_458 = tpu.memref_slice %run_scoped3A_40[%rem3A_352, %dma_wait3A, %dma_wait3A_456, %dma_wait3A_457] : memref<2x1x128x256xi32, #tpu.memory_space<vmem>> -> memref<1x1x128x256xi32, #tpu.memory_space<vmem>>
            %dma_wait3A_459 = tpu.memref_squeeze %dma_wait3A_458 : memref<1x1x128x256xi32, #tpu.memory_space<vmem>> -> memref<1x128x256xi32, #tpu.memory_space<vmem>>
            %dma_wait3A_460 = arith.constant 0 : i32
            %dma_wait3A_461 = arith.constant 0 : i32
            %dma_wait3A_462 = tpu.memref_slice %dma_wait3A_459[%run_scoped3A_354, %dma_wait3A_460, %dma_wait3A_461] : memref<1x128x256xi32, #tpu.memory_space<vmem>> -> memref<1x128x256xi32, #tpu.memory_space<vmem>>
            %dma_wait3A_463 = tpu.memref_squeeze %dma_wait3A_462 : memref<1x128x256xi32, #tpu.memory_space<vmem>> -> memref<128x256xi32, #tpu.memory_space<vmem>>
            %dma_wait3A_464 = arith.constant 0 : i32
            %dma_wait3A_465 = arith.constant 0 : i32
            %dma_wait3A_466 = tpu.memref_slice %run_scoped3A[%rem3A_350, %dma_wait3A_464, %dma_wait3A_465] : memref<2x1x128xi32, #tpu.memory_space<vmem>> -> memref<1x1x128xi32, #tpu.memory_space<vmem>>
            %dma_wait3A_467 = tpu.memref_squeeze %dma_wait3A_466 : memref<1x1x128xi32, #tpu.memory_space<vmem>> -> memref<1x128xi32, #tpu.memory_space<vmem>>
            %dma_wait3A_468 = arith.constant 0 : i32
            %dma_wait3A_469 = tpu.memref_slice %dma_wait3A_467[%run_scoped3A_353, %dma_wait3A_468] : memref<1x128xi32, #tpu.memory_space<vmem>> -> memref<1x128xi32, #tpu.memory_space<vmem>>
            %dma_wait3A_470 = tpu.memref_squeeze %dma_wait3A_469 : memref<1x128xi32, #tpu.memory_space<vmem>> -> memref<128xi32, #tpu.memory_space<vmem>>
            %dma_wait3A_471 = arith.constant 0 : i32
            %dma_wait3A_472 = arith.constant 0 : i32
            %dma_wait3A_473 = tpu.memref_slice %arg3[%dma_wait3A_471, %dma_wait3A_472] : memref<8192x256xi32, #tpu.memory_space<hbm>> -> memref<8192x256xi32, #tpu.memory_space<hbm>>
            tpu.wait_indirect_dma semaphore(%run_scoped3A_436 : memref<!tpu.dma_semaphore, #tpu.memory_space<semaphore_mem>>) src(%dma_wait3A_473 : memref<8192x256xi32, #tpu.memory_space<hbm>>) dst(%dma_wait3A_463 : memref<128x256xi32, #tpu.memory_space<vmem>>)
            tpu.yield
          }) : () -> ()
          "tpu.trace_stop"() : () -> ()
          %ne3A_355 = arith.cmpi ne, %add3A_243, %add3A_279 : i32
          %ne3A_356 = arith.cmpi ne, %add3A_244, %add3A_280 : i32
          %or3A_357 = arith.constant false
          %or3A_358 = arith.ori %or3A_357, %ne3A_355 : i1
          %or3A_359 = arith.ori %or3A_358, %ne3A_356 : i1
          %or3A_360 = arith.ori %or3A_359, %eq3A_241 : i1
          %convert_element_type3A_361 = arith.extui %or3A_360 : i1 to i32
          %cond3A_362 = arith.constant 0 : i32
          %cond3A_363 = arith.cmpi ne, %convert_element_type3A_361, %cond3A_362 : i32
          scf.if %cond3A_363 {
          } else {
          }
          %and3A_364 = arith.constant false
          %and3A_365 = arith.andi %or3A_360, %and3A_364 : i1
          %ne3A_366 = arith.cmpi ne, %add3A_243, %add3A_279 : i32
          %ne3A_367 = arith.cmpi ne, %add3A_244, %add3A_280 : i32
          %or3A_368 = arith.constant false
          %or3A_369 = arith.ori %or3A_368, %ne3A_366 : i1
          %or3A_370 = arith.ori %or3A_369, %ne3A_367 : i1
          %or3A_371 = arith.constant false
          %or3A_372 = arith.ori %or3A_370, %or3A_371 : i1
          %or3A_373 = arith.ori %or3A_372, %eq3A_241 : i1
          %convert_element_type3A_374 = arith.extui %or3A_373 : i1 to i32
          %cond3A_375 = arith.constant 0 : i32
          %cond3A_376 = arith.cmpi ne, %convert_element_type3A_374, %cond3A_375 : i32
          scf.if %cond3A_376 {
            "tpu.trace_start"() <{level = 10 : i32, message = "ep_copy_out"}> : () -> ()
            %rem3A_436 = arith.constant 2 : i32
            %rem3A_437 = arith.remui %while3A_231, %rem3A_436 : i32
            %mul3A_438 = arith.constant 1 : i32
            %mul3A_439 = arith.muli %mul3A_438, %add3A_243 : i32
            %mul3A_440 = arith.constant 128 : i32
            %mul3A_441 = arith.muli %mul3A_440, %add3A_244 : i32
            %dma_start3A_442 = arith.constant 0 : i32
            %dma_start3A_443 = arith.constant 0 : i32
            %dma_start3A_444 = arith.constant 0 : i32
            %dma_start3A_445 = tpu.memref_slice %run_scoped3A_40[%rem3A_437, %dma_start3A_442, %dma_start3A_443, %dma_start3A_444] : memref<2x1x128x256xi32, #tpu.memory_space<vmem>> -> memref<1x1x128x256xi32, #tpu.memory_space<vmem>>
            %dma_start3A_446 = tpu.memref_squeeze %dma_start3A_445 : memref<1x1x128x256xi32, #tpu.memory_space<vmem>> -> memref<1x128x256xi32, #tpu.memory_space<vmem>>
            %dma_start3A_447 = arith.constant 0 : i32
            %dma_start3A_448 = tpu.memref_slice %arg6[%mul3A_439, %mul3A_441, %dma_start3A_447] : memref<2x2048x256xi32, #tpu.memory_space<hbm>> -> memref<1x128x256xi32, #tpu.memory_space<hbm>>
            %dma_start3A_449 = tpu.memref_slice %run_scoped3A_41[%rem3A_437] : memref<2x!tpu.dma_semaphore, #tpu.memory_space<semaphore_mem>> -> memref<1x!tpu.dma_semaphore, #tpu.memory_space<semaphore_mem>>
            %dma_start3A_450 = tpu.memref_squeeze %dma_start3A_449 : memref<1x!tpu.dma_semaphore, #tpu.memory_space<semaphore_mem>> -> memref<!tpu.dma_semaphore, #tpu.memory_space<semaphore_mem>>
            %dma_start3A_451 = arith.constant 0 : i32
            %dma_start3A_452 = tpu.memref_slice %arg6[%mul3A_439, %mul3A_441, %dma_start3A_451] : memref<2x2048x256xi32, #tpu.memory_space<hbm>> -> memref<1x128x256xi32, #tpu.memory_space<hbm>>
            %dma_start3A_453 = arith.constant 0 : i32
            %dma_start3A_454 = arith.constant 0 : i32
            %dma_start3A_455 = arith.constant 0 : i32
            %dma_start3A_456 = tpu.memref_slice %run_scoped3A_40[%rem3A_437, %dma_start3A_453, %dma_start3A_454, %dma_start3A_455] : memref<2x1x128x256xi32, #tpu.memory_space<vmem>> -> memref<1x1x128x256xi32, #tpu.memory_space<vmem>>
            %dma_start3A_457 = tpu.memref_squeeze %dma_start3A_456 : memref<1x1x128x256xi32, #tpu.memory_space<vmem>> -> memref<1x128x256xi32, #tpu.memory_space<vmem>>
            tpu.enqueue_dma source(%dma_start3A_457 : memref<1x128x256xi32, #tpu.memory_space<vmem>>) target(%dma_start3A_452 : memref<1x128x256xi32, #tpu.memory_space<hbm>>) target_semaphore(%dma_start3A_450 : memref<!tpu.dma_semaphore, #tpu.memory_space<semaphore_mem>>)
            "tpu.trace_stop"() : () -> ()
          } else {
          }
          %and3A_377 = arith.constant true
          %and3A_378 = arith.andi %or3A_373, %and3A_377 : i1
          %add3A_379 = arith.constant 1 : i32
          %add3A_380 = arith.addi %while3A_231, %add3A_379 : i32
          %select_n3A_381 = arith.select %and3A_378, %add3A_380, %while3A_231 : i32
          %ne3A_382 = arith.cmpi ne, %add3A_243, %add3A_262 : i32
          %ne3A_383 = arith.cmpi ne, %add3A_244, %add3A_263 : i32
          %or3A_384 = arith.constant false
          %or3A_385 = arith.ori %or3A_384, %ne3A_382 : i1
          %or3A_386 = arith.ori %or3A_385, %ne3A_383 : i1
          %not3A_387 = arith.constant true
          %not3A_388 = arith.xori %eq3A_238, %not3A_387 : i1
          %and3A_389 = arith.andi %or3A_386, %not3A_388 : i1
          %convert_element_type3A_390 = arith.extui %and3A_389 : i1 to i32
          %cond3A_391 = arith.constant 0 : i32
          %cond3A_392 = arith.cmpi ne, %convert_element_type3A_390, %cond3A_391 : i32
          scf.if %cond3A_392 {
          } else {
          }
          %and3A_393 = arith.constant false
          %and3A_394 = arith.andi %and3A_389, %and3A_393 : i1
          %ne3A_395 = arith.cmpi ne, %add3A_243, %add3A_262 : i32
          %ne3A_396 = arith.cmpi ne, %add3A_244, %add3A_263 : i32
          %or3A_397 = arith.constant false
          %or3A_398 = arith.ori %or3A_397, %ne3A_395 : i1
          %or3A_399 = arith.ori %or3A_398, %ne3A_396 : i1
          %or3A_400 = arith.constant false
          %or3A_401 = arith.ori %or3A_399, %or3A_400 : i1
          %not3A_402 = arith.constant true
          %not3A_403 = arith.xori %eq3A_238, %not3A_402 : i1
          %and3A_404 = arith.andi %or3A_401, %not3A_403 : i1
          %convert_element_type3A_405 = arith.extui %and3A_404 : i1 to i32
          %cond3A_406 = arith.constant 0 : i32
          %cond3A_407 = arith.cmpi ne, %convert_element_type3A_405, %cond3A_406 : i32
          scf.if %cond3A_407 {
            "tpu.trace_start"() <{level = 10 : i32, message = "ep_wait_out"}> : () -> ()
            %rem3A_436 = arith.constant 2 : i32
            %rem3A_437 = arith.remui %while3A_232, %rem3A_436 : i32
            %mul3A_438 = arith.constant 1 : i32
            %mul3A_439 = arith.muli %mul3A_438, %add3A_262 : i32
            %mul3A_440 = arith.constant 128 : i32
            %mul3A_441 = arith.muli %mul3A_440, %add3A_263 : i32
            %dma_wait3A = arith.constant 0 : i32
            %dma_wait3A_442 = arith.constant 0 : i32
            %dma_wait3A_443 = arith.constant 0 : i32
            %dma_wait3A_444 = tpu.memref_slice %run_scoped3A_40[%rem3A_437, %dma_wait3A, %dma_wait3A_442, %dma_wait3A_443] : memref<2x1x128x256xi32, #tpu.memory_space<vmem>> -> memref<1x1x128x256xi32, #tpu.memory_space<vmem>>
            %dma_wait3A_445 = tpu.memref_squeeze %dma_wait3A_444 : memref<1x1x128x256xi32, #tpu.memory_space<vmem>> -> memref<1x128x256xi32, #tpu.memory_space<vmem>>
            %dma_wait3A_446 = arith.constant 0 : i32
            %dma_wait3A_447 = tpu.memref_slice %arg6[%mul3A_439, %mul3A_441, %dma_wait3A_446] : memref<2x2048x256xi32, #tpu.memory_space<hbm>> -> memref<1x128x256xi32, #tpu.memory_space<hbm>>
            %dma_wait3A_448 = tpu.memref_slice %run_scoped3A_41[%rem3A_437] : memref<2x!tpu.dma_semaphore, #tpu.memory_space<semaphore_mem>> -> memref<1x!tpu.dma_semaphore, #tpu.memory_space<semaphore_mem>>
            %dma_wait3A_449 = tpu.memref_squeeze %dma_wait3A_448 : memref<1x!tpu.dma_semaphore, #tpu.memory_space<semaphore_mem>> -> memref<!tpu.dma_semaphore, #tpu.memory_space<semaphore_mem>>
            %dma_wait3A_450 = arith.constant 0 : i32
            %dma_wait3A_451 = tpu.memref_slice %arg6[%mul3A_439, %mul3A_441, %dma_wait3A_450] : memref<2x2048x256xi32, #tpu.memory_space<hbm>> -> memref<1x128x256xi32, #tpu.memory_space<hbm>>
            %dma_wait3A_452 = arith.constant 0 : i32
            %dma_wait3A_453 = arith.constant 0 : i32
            %dma_wait3A_454 = arith.constant 0 : i32
            %dma_wait3A_455 = tpu.memref_slice %run_scoped3A_40[%rem3A_437, %dma_wait3A_452, %dma_wait3A_453, %dma_wait3A_454] : memref<2x1x128x256xi32, #tpu.memory_space<vmem>> -> memref<1x1x128x256xi32, #tpu.memory_space<vmem>>
            %dma_wait3A_456 = tpu.memref_squeeze %dma_wait3A_455 : memref<1x1x128x256xi32, #tpu.memory_space<vmem>> -> memref<1x128x256xi32, #tpu.memory_space<vmem>>
            tpu.wait_dma2 semaphore(%dma_wait3A_449 : memref<!tpu.dma_semaphore, #tpu.memory_space<semaphore_mem>>) src(%dma_wait3A_456 : memref<1x128x256xi32, #tpu.memory_space<vmem>>) dst(%dma_wait3A_451 : memref<1x128x256xi32, #tpu.memory_space<hbm>>)
            "tpu.trace_stop"() : () -> ()
          } else {
          }
          %and3A_408 = arith.constant true
          %and3A_409 = arith.andi %and3A_404, %and3A_408 : i1
          %add3A_410 = arith.constant 1 : i32
          %add3A_411 = arith.addi %while3A_232, %add3A_410 : i32
          %select_n3A_412 = arith.select %and3A_409, %add3A_411, %while3A_232 : i32
          %ne3A_413 = arith.cmpi ne, %add3A_243, %add3A_279 : i32
          %ne3A_414 = arith.cmpi ne, %add3A_244, %add3A_280 : i32
          %or3A_415 = arith.constant false
          %or3A_416 = arith.ori %or3A_415, %ne3A_413 : i1
          %or3A_417 = arith.ori %or3A_416, %ne3A_414 : i1
          %or3A_418 = arith.ori %or3A_417, %eq3A_241 : i1
          %add3A_419 = arith.constant 1 : i32
          %add3A_420 = arith.addi %while3A_230, %add3A_419 : i32
          %select_n3A_421 = arith.select %or3A_418, %add3A_420, %while3A_230 : i32
          %add3A_422 = arith.constant 1 : i32
          %add3A_423 = arith.addi %while3A_234, %add3A_422 : i32
          %select_n3A_424 = arith.constant true
          %select_n3A_425 = arith.select %select_n3A_424, %add3A_423, %while3A_234 : i32
          %eq3A_426 = arith.cmpi eq, %select_n3A_425, %select_n3A_28 : i32
          %select_n3A_427 = arith.constant 0 : i32
          %select_n3A_428 = arith.select %eq3A_426, %select_n3A_427, %select_n3A_425 : i32
          %add3A_429 = arith.constant 1 : i32
          %add3A_430 = arith.addi %while3A_233, %add3A_429 : i32
          %select_n3A_431 = arith.select %eq3A_426, %add3A_430, %while3A_233 : i32
          %eq3A_432 = arith.constant 2 : i32
          %eq3A_433 = arith.cmpi eq, %select_n3A_431, %eq3A_432 : i32
          %select_n3A_434 = arith.constant 0 : i32
          %select_n3A_435 = arith.select %eq3A_433, %select_n3A_434, %select_n3A_431 : i32
          scf.yield %select_n3A_313, %select_n3A_421, %select_n3A_381, %select_n3A_412, %select_n3A_435, %select_n3A_428 : i32, i32, i32, i32, i32, i32
        }
        %while3A_139 = arith.constant 1 : i32
        %while3A_140:6 = scf.for %while3A_228 = %while3A_136 to %while3A_132 step %while3A_139 iter_args(%while3A_229 = %while3A_138#0, %while3A_230 = %while3A_138#1, %while3A_231 = %while3A_138#2, %while3A_232 = %while3A_138#3, %while3A_233 = %while3A_138#4, %while3A_234 = %while3A_138#5) -> (i32, i32, i32, i32, i32, i32)  : i32 {
          %mul3A_235 = arith.constant 2 : i32
          %mul3A_236 = arith.muli %mul3A_235, %select_n3A_28 : i32
          %eq3A_237 = arith.constant 0 : i32
          %eq3A_238 = arith.cmpi eq, %while3A_228, %eq3A_237 : i32
          %sub3A_239 = arith.constant 1 : i32
          %sub3A_240 = arith.subi %mul3A_236, %sub3A_239 : i32
          %eq3A_241 = arith.cmpi eq, %while3A_228, %sub3A_240 : i32
          %add3A_242 = arith.constant 0 : i32
          %add3A_243 = arith.addi %while3A_233, %add3A_242 : i32
          %add3A_244 = arith.addi %while3A_234, %select_n3A_36 : i32
          %sub3A_245 = arith.constant 1 : i32
          %sub3A_246 = arith.subi %while3A_234, %sub3A_245 : i32
          %select_n3A_247 = arith.constant true
          %select_n3A_248 = arith.select %select_n3A_247, %sub3A_246, %while3A_234 : i32
          %eq3A_249 = arith.constant -1 : i32
          %eq3A_250 = arith.cmpi eq, %select_n3A_248, %eq3A_249 : i32
          %sub3A_251 = arith.constant 1 : i32
          %sub3A_252 = arith.subi %select_n3A_28, %sub3A_251 : i32
          %select_n3A_253 = arith.select %eq3A_250, %sub3A_252, %select_n3A_248 : i32
          %sub3A_254 = arith.constant 1 : i32
          %sub3A_255 = arith.subi %while3A_233, %sub3A_254 : i32
          %select_n3A_256 = arith.select %eq3A_250, %sub3A_255, %while3A_233 : i32
          %eq3A_257 = arith.constant -1 : i32
          %eq3A_258 = arith.cmpi eq, %select_n3A_256, %eq3A_257 : i32
          %select_n3A_259 = arith.constant 1 : i32
          %select_n3A_260 = arith.select %eq3A_258, %select_n3A_259, %select_n3A_256 : i32
          %add3A_261 = arith.constant 0 : i32
          %add3A_262 = arith.addi %select_n3A_260, %add3A_261 : i32
          %add3A_263 = arith.addi %select_n3A_253, %select_n3A_36 : i32
          %add3A_264 = arith.constant 1 : i32
          %add3A_265 = arith.addi %while3A_234, %add3A_264 : i32
          %select_n3A_266 = arith.constant true
          %select_n3A_267 = arith.select %select_n3A_266, %add3A_265, %while3A_234 : i32
          %eq3A_268 = arith.cmpi eq, %select_n3A_267, %select_n3A_28 : i32
          %select_n3A_269 = arith.constant 0 : i32
          %select_n3A_270 = arith.select %eq3A_268, %select_n3A_269, %select_n3A_267 : i32
          %add3A_271 = arith.constant 1 : i32
          %add3A_272 = arith.addi %while3A_233, %add3A_271 : i32
          %select_n3A_273 = arith.select %eq3A_268, %add3A_272, %while3A_233 : i32
          %eq3A_274 = arith.constant 2 : i32
          %eq3A_275 = arith.cmpi eq, %select_n3A_273, %eq3A_274 : i32
          %select_n3A_276 = arith.constant 0 : i32
          %select_n3A_277 = arith.select %eq3A_275, %select_n3A_276, %select_n3A_273 : i32
          %add3A_278 = arith.constant 0 : i32
          %add3A_279 = arith.addi %select_n3A_277, %add3A_278 : i32
          %add3A_280 = arith.addi %select_n3A_270, %select_n3A_36 : i32
          %add3A_281 = arith.constant 1 : i32
          %add3A_282 = arith.addi %select_n3A_270, %add3A_281 : i32
          %select_n3A_283 = arith.constant true
          %select_n3A_284 = arith.select %select_n3A_283, %add3A_282, %select_n3A_270 : i32
          %eq3A_285 = arith.cmpi eq, %select_n3A_284, %select_n3A_28 : i32
          %select_n3A_286 = arith.constant 0 : i32
          %select_n3A_287 = arith.select %eq3A_285, %select_n3A_286, %select_n3A_284 : i32
          %add3A_288 = arith.constant 1 : i32
          %add3A_289 = arith.addi %select_n3A_277, %add3A_288 : i32
          %select_n3A_290 = arith.select %eq3A_285, %add3A_289, %select_n3A_277 : i32
          %eq3A_291 = arith.constant 2 : i32
          %eq3A_292 = arith.cmpi eq, %select_n3A_290, %eq3A_291 : i32
          %select_n3A_293 = arith.constant 0 : i32
          %select_n3A_294 = arith.select %eq3A_292, %select_n3A_293, %select_n3A_290 : i32
          %add3A_295 = arith.constant 0 : i32
          %add3A_296 = arith.addi %select_n3A_294, %add3A_295 : i32
          %add3A_297 = arith.addi %select_n3A_287, %select_n3A_36 : i32
          %ne3A = arith.cmpi ne, %add3A_243, %add3A_279 : i32
          %ne3A_298 = arith.cmpi ne, %add3A_244, %add3A_280 : i32
          %or3A = arith.constant false
          %or3A_299 = arith.ori %or3A, %ne3A : i1
          %or3A_300 = arith.ori %or3A_299, %ne3A_298 : i1
          %sub3A_301 = arith.constant 2 : i32
          %sub3A_302 = arith.subi %mul3A_236, %sub3A_301 : i32
          %add3A_303 = arith.constant 1 : i32
          %add3A_304 = arith.addi %sub3A_302, %add3A_303 : i32
          %ge3A = arith.cmpi sge, %while3A_228, %add3A_304 : i32
          %not3A = arith.constant true
          %not3A_305 = arith.xori %ge3A, %not3A : i1
          %and3A = arith.andi %or3A_300, %not3A_305 : i1
          %convert_element_type3A_306 = arith.extui %and3A : i1 to i32
          %cond3A_307 = arith.constant 0 : i32
          %cond3A_308 = arith.cmpi ne, %convert_element_type3A_306, %cond3A_307 : i32
          scf.if %cond3A_308 {
            "tpu.trace_start"() <{level = 10 : i32, message = "ep_copy_in"}> : () -> ()
            %rem3A_436 = arith.constant 2 : i32
            %rem3A_437 = arith.remui %while3A_229, %rem3A_436 : i32
            %mul3A_438 = arith.constant 1 : i32
            %mul3A_439 = arith.muli %mul3A_438, %add3A_279 : i32
            %mul3A_440 = arith.constant 128 : i32
            %mul3A_441 = arith.muli %mul3A_440, %add3A_280 : i32
            %dma_start3A_442 = arith.constant 0 : i32
            %dma_start3A_443 = arith.constant 0 : i32
            %dma_start3A_444 = tpu.memref_slice %run_scoped3A[%rem3A_437, %dma_start3A_442, %dma_start3A_443] : memref<2x1x128xi32, #tpu.memory_space<vmem>> -> memref<1x1x128xi32, #tpu.memory_space<vmem>>
            %dma_start3A_445 = tpu.memref_squeeze %dma_start3A_444 : memref<1x1x128xi32, #tpu.memory_space<vmem>> -> memref<1x128xi32, #tpu.memory_space<vmem>>
            %dma_start3A_446 = tpu.memref_slice %arg4[%mul3A_439, %mul3A_441] : memref<2x2048xi32, #tpu.memory_space<hbm>> -> memref<1x128xi32, #tpu.memory_space<hbm>>
            %dma_start3A_447 = tpu.memref_slice %run_scoped3A_39[%rem3A_437] : memref<2x!tpu.dma_semaphore, #tpu.memory_space<semaphore_mem>> -> memref<1x!tpu.dma_semaphore, #tpu.memory_space<semaphore_mem>>
            %dma_start3A_448 = tpu.memref_squeeze %dma_start3A_447 : memref<1x!tpu.dma_semaphore, #tpu.memory_space<semaphore_mem>> -> memref<!tpu.dma_semaphore, #tpu.memory_space<semaphore_mem>>
            %dma_start3A_449 = arith.constant 0 : i32
            %dma_start3A_450 = arith.constant 0 : i32
            %dma_start3A_451 = tpu.memref_slice %run_scoped3A[%rem3A_437, %dma_start3A_449, %dma_start3A_450] : memref<2x1x128xi32, #tpu.memory_space<vmem>> -> memref<1x1x128xi32, #tpu.memory_space<vmem>>
            %dma_start3A_452 = tpu.memref_squeeze %dma_start3A_451 : memref<1x1x128xi32, #tpu.memory_space<vmem>> -> memref<1x128xi32, #tpu.memory_space<vmem>>
            %dma_start3A_453 = tpu.memref_slice %arg4[%mul3A_439, %mul3A_441] : memref<2x2048xi32, #tpu.memory_space<hbm>> -> memref<1x128xi32, #tpu.memory_space<hbm>>
            tpu.enqueue_dma source(%dma_start3A_453 : memref<1x128xi32, #tpu.memory_space<hbm>>) target(%dma_start3A_452 : memref<1x128xi32, #tpu.memory_space<vmem>>) target_semaphore(%dma_start3A_448 : memref<!tpu.dma_semaphore, #tpu.memory_space<semaphore_mem>>)
            "tpu.trace_stop"() : () -> ()
          } else {
          }
          %and3A_309 = arith.constant true
          %and3A_310 = arith.andi %and3A, %and3A_309 : i1
          %add3A_311 = arith.constant 1 : i32
          %add3A_312 = arith.addi %while3A_229, %add3A_311 : i32
          %select_n3A_313 = arith.select %and3A_310, %add3A_312, %while3A_229 : i32
          %ne3A_314 = arith.cmpi ne, %add3A_243, %add3A_279 : i32
          %ne3A_315 = arith.cmpi ne, %add3A_244, %add3A_280 : i32
          %or3A_316 = arith.constant false
          %or3A_317 = arith.ori %or3A_316, %ne3A_314 : i1
          %or3A_318 = arith.ori %or3A_317, %ne3A_315 : i1
          %or3A_319 = arith.constant false
          %or3A_320 = arith.ori %or3A_318, %or3A_319 : i1
          %sub3A_321 = arith.constant 2 : i32
          %sub3A_322 = arith.subi %mul3A_236, %sub3A_321 : i32
          %add3A_323 = arith.constant 1 : i32
          %add3A_324 = arith.addi %sub3A_322, %add3A_323 : i32
          %ge3A_325 = arith.cmpi sge, %while3A_228, %add3A_324 : i32
          %not3A_326 = arith.constant true
          %not3A_327 = arith.xori %ge3A_325, %not3A_326 : i1
          %and3A_328 = arith.andi %or3A_320, %not3A_327 : i1
          %ne3A_329 = arith.cmpi ne, %add3A_243, %add3A_262 : i32
          %ne3A_330 = arith.cmpi ne, %add3A_244, %add3A_263 : i32
          %or3A_331 = arith.constant false
          %or3A_332 = arith.ori %or3A_331, %ne3A_329 : i1
          %or3A_333 = arith.ori %or3A_332, %ne3A_330 : i1
          %or3A_334 = arith.ori %or3A_333, %eq3A_238 : i1
          %convert_element_type3A_335 = arith.extui %or3A_334 : i1 to i32
          %cond3A_336 = arith.constant 0 : i32
          %cond3A_337 = arith.cmpi ne, %convert_element_type3A_335, %cond3A_336 : i32
          scf.if %cond3A_337 {
            "tpu.trace_start"() <{level = 10 : i32, message = "ep_wait_in"}> : () -> ()
            %mul3A_436 = arith.constant 1 : i32
            %mul3A_437 = arith.muli %mul3A_436, %add3A_243 : i32
            %mul3A_438 = arith.constant 128 : i32
            %mul3A_439 = arith.muli %mul3A_438, %add3A_244 : i32
            %rem3A_440 = arith.constant 2 : i32
            %rem3A_441 = arith.remui %while3A_230, %rem3A_440 : i32
            %dma_wait3A = arith.constant 0 : i32
            %dma_wait3A_442 = arith.constant 0 : i32
            %dma_wait3A_443 = tpu.memref_slice %run_scoped3A[%rem3A_441, %dma_wait3A, %dma_wait3A_442] : memref<2x1x128xi32, #tpu.memory_space<vmem>> -> memref<1x1x128xi32, #tpu.memory_space<vmem>>
            %dma_wait3A_444 = tpu.memref_squeeze %dma_wait3A_443 : memref<1x1x128xi32, #tpu.memory_space<vmem>> -> memref<1x128xi32, #tpu.memory_space<vmem>>
            %dma_wait3A_445 = tpu.memref_slice %arg4[%mul3A_437, %mul3A_439] : memref<2x2048xi32, #tpu.memory_space<hbm>> -> memref<1x128xi32, #tpu.memory_space<hbm>>
            %dma_wait3A_446 = tpu.memref_slice %run_scoped3A_39[%rem3A_441] : memref<2x!tpu.dma_semaphore, #tpu.memory_space<semaphore_mem>> -> memref<1x!tpu.dma_semaphore, #tpu.memory_space<semaphore_mem>>
            %dma_wait3A_447 = tpu.memref_squeeze %dma_wait3A_446 : memref<1x!tpu.dma_semaphore, #tpu.memory_space<semaphore_mem>> -> memref<!tpu.dma_semaphore, #tpu.memory_space<semaphore_mem>>
            %dma_wait3A_448 = arith.constant 0 : i32
            %dma_wait3A_449 = arith.constant 0 : i32
            %dma_wait3A_450 = tpu.memref_slice %run_scoped3A[%rem3A_441, %dma_wait3A_448, %dma_wait3A_449] : memref<2x1x128xi32, #tpu.memory_space<vmem>> -> memref<1x1x128xi32, #tpu.memory_space<vmem>>
            %dma_wait3A_451 = tpu.memref_squeeze %dma_wait3A_450 : memref<1x1x128xi32, #tpu.memory_space<vmem>> -> memref<1x128xi32, #tpu.memory_space<vmem>>
            %dma_wait3A_452 = tpu.memref_slice %arg4[%mul3A_437, %mul3A_439] : memref<2x2048xi32, #tpu.memory_space<hbm>> -> memref<1x128xi32, #tpu.memory_space<hbm>>
            tpu.wait_dma2 semaphore(%dma_wait3A_447 : memref<!tpu.dma_semaphore, #tpu.memory_space<semaphore_mem>>) src(%dma_wait3A_452 : memref<1x128xi32, #tpu.memory_space<hbm>>) dst(%dma_wait3A_451 : memref<1x128xi32, #tpu.memory_space<vmem>>)
            "tpu.trace_stop"() : () -> ()
          } else {
          }
          %ne3A_338 = arith.cmpi ne, %add3A_243, %add3A_262 : i32
          %ne3A_339 = arith.cmpi ne, %add3A_244, %add3A_263 : i32
          %or3A_340 = arith.constant false
          %or3A_341 = arith.ori %or3A_340, %ne3A_338 : i1
          %or3A_342 = arith.ori %or3A_341, %ne3A_339 : i1
          %or3A_343 = arith.constant false
          %or3A_344 = arith.ori %or3A_342, %or3A_343 : i1
          %or3A_345 = arith.ori %or3A_344, %eq3A_238 : i1
          %convert_element_type3A_346 = arith.extui %or3A_345 : i1 to i32
          %cond3A_347 = arith.constant 0 : i32
          %cond3A_348 = arith.cmpi ne, %convert_element_type3A_346, %cond3A_347 : i32
          scf.if %cond3A_348 {
          } else {
          }
          %rem3A_349 = arith.constant 2 : i32
          %rem3A_350 = arith.remui %while3A_230, %rem3A_349 : i32
          %rem3A_351 = arith.constant 2 : i32
          %rem3A_352 = arith.remui %while3A_231, %rem3A_351 : i32
          %run_scoped3A_353 = arith.constant 0 : i32
          %run_scoped3A_354 = arith.constant 0 : i32
          "tpu.trace_start"() <{level = 10 : i32, message = "ep_run_kernel"}> : () -> ()
          "tpu.region"() ({
            %run_scoped3A_436 = tpu.sem_alloc : memref<!tpu.dma_semaphore, #tpu.memory_space<semaphore_mem>>
            %dma_start3A_437 = arith.constant 0 : i32
            %dma_start3A_438 = arith.constant 0 : i32
            %dma_start3A_439 = arith.constant 0 : i32
            %dma_start3A_440 = tpu.memref_slice %run_scoped3A_40[%rem3A_352, %dma_start3A_437, %dma_start3A_438, %dma_start3A_439] : memref<2x1x128x256xi32, #tpu.memory_space<vmem>> -> memref<1x1x128x256xi32, #tpu.memory_space<vmem>>
            %dma_start3A_441 = tpu.memref_squeeze %dma_start3A_440 : memref<1x1x128x256xi32, #tpu.memory_space<vmem>> -> memref<1x128x256xi32, #tpu.memory_space<vmem>>
            %dma_start3A_442 = arith.constant 0 : i32
            %dma_start3A_443 = arith.constant 0 : i32
            %dma_start3A_444 = tpu.memref_slice %dma_start3A_441[%run_scoped3A_354, %dma_start3A_442, %dma_start3A_443] : memref<1x128x256xi32, #tpu.memory_space<vmem>> -> memref<1x128x256xi32, #tpu.memory_space<vmem>>
            %dma_start3A_445 = tpu.memref_squeeze %dma_start3A_444 : memref<1x128x256xi32, #tpu.memory_space<vmem>> -> memref<128x256xi32, #tpu.memory_space<vmem>>
            %dma_start3A_446 = arith.constant 0 : i32
            %dma_start3A_447 = arith.constant 0 : i32
            %dma_start3A_448 = tpu.memref_slice %run_scoped3A[%rem3A_350, %dma_start3A_446, %dma_start3A_447] : memref<2x1x128xi32, #tpu.memory_space<vmem>> -> memref<1x1x128xi32, #tpu.memory_space<vmem>>
            %dma_start3A_449 = tpu.memref_squeeze %dma_start3A_448 : memref<1x1x128xi32, #tpu.memory_space<vmem>> -> memref<1x128xi32, #tpu.memory_space<vmem>>
            %dma_start3A_450 = arith.constant 0 : i32
            %dma_start3A_451 = tpu.memref_slice %dma_start3A_449[%run_scoped3A_353, %dma_start3A_450] : memref<1x128xi32, #tpu.memory_space<vmem>> -> memref<1x128xi32, #tpu.memory_space<vmem>>
            %dma_start3A_452 = tpu.memref_squeeze %dma_start3A_451 : memref<1x128xi32, #tpu.memory_space<vmem>> -> memref<128xi32, #tpu.memory_space<vmem>>
            %dma_start3A_453 = arith.constant 0 : i32
            %dma_start3A_454 = arith.constant 0 : i32
            %dma_start3A_455 = tpu.memref_slice %arg3[%dma_start3A_453, %dma_start3A_454] : memref<8192x256xi32, #tpu.memory_space<hbm>> -> memref<8192x256xi32, #tpu.memory_space<hbm>>
            tpu.enqueue_indirect_dma source(%dma_start3A_455 : memref<8192x256xi32, #tpu.memory_space<hbm>>) target(%dma_start3A_445 : memref<128x256xi32, #tpu.memory_space<vmem>>) offsets(%dma_start3A_452 : memref<128xi32, #tpu.memory_space<vmem>>) semaphore(%run_scoped3A_436 : memref<!tpu.dma_semaphore, #tpu.memory_space<semaphore_mem>>)
            %dma_wait3A = arith.constant 0 : i32
            %dma_wait3A_456 = arith.constant 0 : i32
            %dma_wait3A_457 = arith.constant 0 : i32
            %dma_wait3A_458 = tpu.memref_slice %run_scoped3A_40[%rem3A_352, %dma_wait3A, %dma_wait3A_456, %dma_wait3A_457] : memref<2x1x128x256xi32, #tpu.memory_space<vmem>> -> memref<1x1x128x256xi32, #tpu.memory_space<vmem>>
            %dma_wait3A_459 = tpu.memref_squeeze %dma_wait3A_458 : memref<1x1x128x256xi32, #tpu.memory_space<vmem>> -> memref<1x128x256xi32, #tpu.memory_space<vmem>>
            %dma_wait3A_460 = arith.constant 0 : i32
            %dma_wait3A_461 = arith.constant 0 : i32
            %dma_wait3A_462 = tpu.memref_slice %dma_wait3A_459[%run_scoped3A_354, %dma_wait3A_460, %dma_wait3A_461] : memref<1x128x256xi32, #tpu.memory_space<vmem>> -> memref<1x128x256xi32, #tpu.memory_space<vmem>>
            %dma_wait3A_463 = tpu.memref_squeeze %dma_wait3A_462 : memref<1x128x256xi32, #tpu.memory_space<vmem>> -> memref<128x256xi32, #tpu.memory_space<vmem>>
            %dma_wait3A_464 = arith.constant 0 : i32
            %dma_wait3A_465 = arith.constant 0 : i32
            %dma_wait3A_466 = tpu.memref_slice %run_scoped3A[%rem3A_350, %dma_wait3A_464, %dma_wait3A_465] : memref<2x1x128xi32, #tpu.memory_space<vmem>> -> memref<1x1x128xi32, #tpu.memory_space<vmem>>
            %dma_wait3A_467 = tpu.memref_squeeze %dma_wait3A_466 : memref<1x1x128xi32, #tpu.memory_space<vmem>> -> memref<1x128xi32, #tpu.memory_space<vmem>>
            %dma_wait3A_468 = arith.constant 0 : i32
            %dma_wait3A_469 = tpu.memref_slice %dma_wait3A_467[%run_scoped3A_353, %dma_wait3A_468] : memref<1x128xi32, #tpu.memory_space<vmem>> -> memref<1x128xi32, #tpu.memory_space<vmem>>
            %dma_wait3A_470 = tpu.memref_squeeze %dma_wait3A_469 : memref<1x128xi32, #tpu.memory_space<vmem>> -> memref<128xi32, #tpu.memory_space<vmem>>
            %dma_wait3A_471 = arith.constant 0 : i32
            %dma_wait3A_472 = arith.constant 0 : i32
            %dma_wait3A_473 = tpu.memref_slice %arg3[%dma_wait3A_471, %dma_wait3A_472] : memref<8192x256xi32, #tpu.memory_space<hbm>> -> memref<8192x256xi32, #tpu.memory_space<hbm>>
            tpu.wait_indirect_dma semaphore(%run_scoped3A_436 : memref<!tpu.dma_semaphore, #tpu.memory_space<semaphore_mem>>) src(%dma_wait3A_473 : memref<8192x256xi32, #tpu.memory_space<hbm>>) dst(%dma_wait3A_463 : memref<128x256xi32, #tpu.memory_space<vmem>>)
            tpu.yield
          }) : () -> ()
          "tpu.trace_stop"() : () -> ()
          %ne3A_355 = arith.cmpi ne, %add3A_243, %add3A_279 : i32
          %ne3A_356 = arith.cmpi ne, %add3A_244, %add3A_280 : i32
          %or3A_357 = arith.constant false
          %or3A_358 = arith.ori %or3A_357, %ne3A_355 : i1
          %or3A_359 = arith.ori %or3A_358, %ne3A_356 : i1
          %or3A_360 = arith.ori %or3A_359, %eq3A_241 : i1
          %convert_element_type3A_361 = arith.extui %or3A_360 : i1 to i32
          %cond3A_362 = arith.constant 0 : i32
          %cond3A_363 = arith.cmpi ne, %convert_element_type3A_361, %cond3A_362 : i32
          scf.if %cond3A_363 {
          } else {
          }
          %and3A_364 = arith.constant false
          %and3A_365 = arith.andi %or3A_360, %and3A_364 : i1
          %ne3A_366 = arith.cmpi ne, %add3A_243, %add3A_279 : i32
          %ne3A_367 = arith.cmpi ne, %add3A_244, %add3A_280 : i32
          %or3A_368 = arith.constant false
          %or3A_369 = arith.ori %or3A_368, %ne3A_366 : i1
          %or3A_370 = arith.ori %or3A_369, %ne3A_367 : i1
          %or3A_371 = arith.constant false
          %or3A_372 = arith.ori %or3A_370, %or3A_371 : i1
          %or3A_373 = arith.ori %or3A_372, %eq3A_241 : i1
          %convert_element_type3A_374 = arith.extui %or3A_373 : i1 to i32
          %cond3A_375 = arith.constant 0 : i32
          %cond3A_376 = arith.cmpi ne, %convert_element_type3A_374, %cond3A_375 : i32
          scf.if %cond3A_376 {
            "tpu.trace_start"() <{level = 10 : i32, message = "ep_copy_out"}> : () -> ()
            %rem3A_436 = arith.constant 2 : i32
            %rem3A_437 = arith.remui %while3A_231, %rem3A_436 : i32
            %mul3A_438 = arith.constant 1 : i32
            %mul3A_439 = arith.muli %mul3A_438, %add3A_243 : i32
            %mul3A_440 = arith.constant 128 : i32
            %mul3A_441 = arith.muli %mul3A_440, %add3A_244 : i32
            %dma_start3A_442 = arith.constant 0 : i32
            %dma_start3A_443 = arith.constant 0 : i32
            %dma_start3A_444 = arith.constant 0 : i32
            %dma_start3A_445 = tpu.memref_slice %run_scoped3A_40[%rem3A_437, %dma_start3A_442, %dma_start3A_443, %dma_start3A_444] : memref<2x1x128x256xi32, #tpu.memory_space<vmem>> -> memref<1x1x128x256xi32, #tpu.memory_space<vmem>>
            %dma_start3A_446 = tpu.memref_squeeze %dma_start3A_445 : memref<1x1x128x256xi32, #tpu.memory_space<vmem>> -> memref<1x128x256xi32, #tpu.memory_space<vmem>>
            %dma_start3A_447 = arith.constant 0 : i32
            %dma_start3A_448 = tpu.memref_slice %arg6[%mul3A_439, %mul3A_441, %dma_start3A_447] : memref<2x2048x256xi32, #tpu.memory_space<hbm>> -> memref<1x128x256xi32, #tpu.memory_space<hbm>>
            %dma_start3A_449 = tpu.memref_slice %run_scoped3A_41[%rem3A_437] : memref<2x!tpu.dma_semaphore, #tpu.memory_space<semaphore_mem>> -> memref<1x!tpu.dma_semaphore, #tpu.memory_space<semaphore_mem>>
            %dma_start3A_450 = tpu.memref_squeeze %dma_start3A_449 : memref<1x!tpu.dma_semaphore, #tpu.memory_space<semaphore_mem>> -> memref<!tpu.dma_semaphore, #tpu.memory_space<semaphore_mem>>
            %dma_start3A_451 = arith.constant 0 : i32
            %dma_start3A_452 = tpu.memref_slice %arg6[%mul3A_439, %mul3A_441, %dma_start3A_451] : memref<2x2048x256xi32, #tpu.memory_space<hbm>> -> memref<1x128x256xi32, #tpu.memory_space<hbm>>
            %dma_start3A_453 = arith.constant 0 : i32
            %dma_start3A_454 = arith.constant 0 : i32
            %dma_start3A_455 = arith.constant 0 : i32
            %dma_start3A_456 = tpu.memref_slice %run_scoped3A_40[%rem3A_437, %dma_start3A_453, %dma_start3A_454, %dma_start3A_455] : memref<2x1x128x256xi32, #tpu.memory_space<vmem>> -> memref<1x1x128x256xi32, #tpu.memory_space<vmem>>
            %dma_start3A_457 = tpu.memref_squeeze %dma_start3A_456 : memref<1x1x128x256xi32, #tpu.memory_space<vmem>> -> memref<1x128x256xi32, #tpu.memory_space<vmem>>
            tpu.enqueue_dma source(%dma_start3A_457 : memref<1x128x256xi32, #tpu.memory_space<vmem>>) target(%dma_start3A_452 : memref<1x128x256xi32, #tpu.memory_space<hbm>>) target_semaphore(%dma_start3A_450 : memref<!tpu.dma_semaphore, #tpu.memory_space<semaphore_mem>>)
            "tpu.trace_stop"() : () -> ()
          } else {
          }
          %and3A_377 = arith.constant true
          %and3A_378 = arith.andi %or3A_373, %and3A_377 : i1
          %add3A_379 = arith.constant 1 : i32
          %add3A_380 = arith.addi %while3A_231, %add3A_379 : i32
          %select_n3A_381 = arith.select %and3A_378, %add3A_380, %while3A_231 : i32
          %ne3A_382 = arith.cmpi ne, %add3A_243, %add3A_262 : i32
          %ne3A_383 = arith.cmpi ne, %add3A_244, %add3A_263 : i32
          %or3A_384 = arith.constant false
          %or3A_385 = arith.ori %or3A_384, %ne3A_382 : i1
          %or3A_386 = arith.ori %or3A_385, %ne3A_383 : i1
          %not3A_387 = arith.constant true
          %not3A_388 = arith.xori %eq3A_238, %not3A_387 : i1
          %and3A_389 = arith.andi %or3A_386, %not3A_388 : i1
          %convert_element_type3A_390 = arith.extui %and3A_389 : i1 to i32
          %cond3A_391 = arith.constant 0 : i32
          %cond3A_392 = arith.cmpi ne, %convert_element_type3A_390, %cond3A_391 : i32
          scf.if %cond3A_392 {
          } else {
          }
          %and3A_393 = arith.constant false
          %and3A_394 = arith.andi %and3A_389, %and3A_393 : i1
          %ne3A_395 = arith.cmpi ne, %add3A_243, %add3A_262 : i32
          %ne3A_396 = arith.cmpi ne, %add3A_244, %add3A_263 : i32
          %or3A_397 = arith.constant false
          %or3A_398 = arith.ori %or3A_397, %ne3A_395 : i1
          %or3A_399 = arith.ori %or3A_398, %ne3A_396 : i1
          %or3A_400 = arith.constant false
          %or3A_401 = arith.ori %or3A_399, %or3A_400 : i1
          %not3A_402 = arith.constant true
          %not3A_403 = arith.xori %eq3A_238, %not3A_402 : i1
          %and3A_404 = arith.andi %or3A_401, %not3A_403 : i1
          %convert_element_type3A_405 = arith.extui %and3A_404 : i1 to i32
          %cond3A_406 = arith.constant 0 : i32
          %cond3A_407 = arith.cmpi ne, %convert_element_type3A_405, %cond3A_406 : i32
          scf.if %cond3A_407 {
            "tpu.trace_start"() <{level = 10 : i32, message = "ep_wait_out"}> : () -> ()
            %rem3A_436 = arith.constant 2 : i32
            %rem3A_437 = arith.remui %while3A_232, %rem3A_436 : i32
            %mul3A_438 = arith.constant 1 : i32
            %mul3A_439 = arith.muli %mul3A_438, %add3A_262 : i32
            %mul3A_440 = arith.constant 128 : i32
            %mul3A_441 = arith.muli %mul3A_440, %add3A_263 : i32
            %dma_wait3A = arith.constant 0 : i32
            %dma_wait3A_442 = arith.constant 0 : i32
            %dma_wait3A_443 = arith.constant 0 : i32
            %dma_wait3A_444 = tpu.memref_slice %run_scoped3A_40[%rem3A_437, %dma_wait3A, %dma_wait3A_442, %dma_wait3A_443] : memref<2x1x128x256xi32, #tpu.memory_space<vmem>> -> memref<1x1x128x256xi32, #tpu.memory_space<vmem>>
            %dma_wait3A_445 = tpu.memref_squeeze %dma_wait3A_444 : memref<1x1x128x256xi32, #tpu.memory_space<vmem>> -> memref<1x128x256xi32, #tpu.memory_space<vmem>>
            %dma_wait3A_446 = arith.constant 0 : i32
            %dma_wait3A_447 = tpu.memref_slice %arg6[%mul3A_439, %mul3A_441, %dma_wait3A_446] : memref<2x2048x256xi32, #tpu.memory_space<hbm>> -> memref<1x128x256xi32, #tpu.memory_space<hbm>>
            %dma_wait3A_448 = tpu.memref_slice %run_scoped3A_41[%rem3A_437] : memref<2x!tpu.dma_semaphore, #tpu.memory_space<semaphore_mem>> -> memref<1x!tpu.dma_semaphore, #tpu.memory_space<semaphore_mem>>
            %dma_wait3A_449 = tpu.memref_squeeze %dma_wait3A_448 : memref<1x!tpu.dma_semaphore, #tpu.memory_space<semaphore_mem>> -> memref<!tpu.dma_semaphore, #tpu.memory_space<semaphore_mem>>
            %dma_wait3A_450 = arith.constant 0 : i32
            %dma_wait3A_451 = tpu.memref_slice %arg6[%mul3A_439, %mul3A_441, %dma_wait3A_450] : memref<2x2048x256xi32, #tpu.memory_space<hbm>> -> memref<1x128x256xi32, #tpu.memory_space<hbm>>
            %dma_wait3A_452 = arith.constant 0 : i32
            %dma_wait3A_453 = arith.constant 0 : i32
            %dma_wait3A_454 = arith.constant 0 : i32
            %dma_wait3A_455 = tpu.memref_slice %run_scoped3A_40[%rem3A_437, %dma_wait3A_452, %dma_wait3A_453, %dma_wait3A_454] : memref<2x1x128x256xi32, #tpu.memory_space<vmem>> -> memref<1x1x128x256xi32, #tpu.memory_space<vmem>>
            %dma_wait3A_456 = tpu.memref_squeeze %dma_wait3A_455 : memref<1x1x128x256xi32, #tpu.memory_space<vmem>> -> memref<1x128x256xi32, #tpu.memory_space<vmem>>
            tpu.wait_dma2 semaphore(%dma_wait3A_449 : memref<!tpu.dma_semaphore, #tpu.memory_space<semaphore_mem>>) src(%dma_wait3A_456 : memref<1x128x256xi32, #tpu.memory_space<vmem>>) dst(%dma_wait3A_451 : memref<1x128x256xi32, #tpu.memory_space<hbm>>)
            "tpu.trace_stop"() : () -> ()
          } else {
          }
          %and3A_408 = arith.constant true
          %and3A_409 = arith.andi %and3A_404, %and3A_408 : i1
          %add3A_410 = arith.constant 1 : i32
          %add3A_411 = arith.addi %while3A_232, %add3A_410 : i32
          %select_n3A_412 = arith.select %and3A_409, %add3A_411, %while3A_232 : i32
          %ne3A_413 = arith.cmpi ne, %add3A_243, %add3A_279 : i32
          %ne3A_414 = arith.cmpi ne, %add3A_244, %add3A_280 : i32
          %or3A_415 = arith.constant false
          %or3A_416 = arith.ori %or3A_415, %ne3A_413 : i1
          %or3A_417 = arith.ori %or3A_416, %ne3A_414 : i1
          %or3A_418 = arith.ori %or3A_417, %eq3A_241 : i1
          %add3A_419 = arith.constant 1 : i32
          %add3A_420 = arith.addi %while3A_230, %add3A_419 : i32
          %select_n3A_421 = arith.select %or3A_418, %add3A_420, %while3A_230 : i32
          %add3A_422 = arith.constant 1 : i32
          %add3A_423 = arith.addi %while3A_234, %add3A_422 : i32
          %select_n3A_424 = arith.constant true
          %select_n3A_425 = arith.select %select_n3A_424, %add3A_423, %while3A_234 : i32
          %eq3A_426 = arith.cmpi eq, %select_n3A_425, %select_n3A_28 : i32
          %select_n3A_427 = arith.constant 0 : i32
          %select_n3A_428 = arith.select %eq3A_426, %select_n3A_427, %select_n3A_425 : i32
          %add3A_429 = arith.constant 1 : i32
          %add3A_430 = arith.addi %while3A_233, %add3A_429 : i32
          %select_n3A_431 = arith.select %eq3A_426, %add3A_430, %while3A_233 : i32
          %eq3A_432 = arith.constant 2 : i32
          %eq3A_433 = arith.cmpi eq, %select_n3A_431, %eq3A_432 : i32
          %select_n3A_434 = arith.constant 0 : i32
          %select_n3A_435 = arith.select %eq3A_433, %select_n3A_434, %select_n3A_431 : i32
          scf.yield %select_n3A_313, %select_n3A_421, %select_n3A_381, %select_n3A_412, %select_n3A_435, %select_n3A_428 : i32, i32, i32, i32, i32, i32
        }
        %sub3A_141 = arith.constant 1 : i32
        %sub3A_142 = arith.subi %while3A_140#5, %sub3A_141 : i32
        %select_n3A_143 = arith.constant true
        %select_n3A_144 = arith.select %select_n3A_143, %sub3A_142, %while3A_140#5 : i32
        %eq3A_145 = arith.constant -1 : i32
        %eq3A_146 = arith.cmpi eq, %select_n3A_144, %eq3A_145 : i32
        %sub3A_147 = arith.constant 1 : i32
        %sub3A_148 = arith.subi %select_n3A_28, %sub3A_147 : i32
        %select_n3A_149 = arith.select %eq3A_146, %sub3A_148, %select_n3A_144 : i32
        %sub3A_150 = arith.constant 1 : i32
        %sub3A_151 = arith.subi %while3A_140#4, %sub3A_150 : i32
        %select_n3A_152 = arith.select %eq3A_146, %sub3A_151, %while3A_140#4 : i32
        %eq3A_153 = arith.constant -1 : i32
        %eq3A_154 = arith.cmpi eq, %select_n3A_152, %eq3A_153 : i32
        %select_n3A_155 = arith.constant 1 : i32
        %select_n3A_156 = arith.select %eq3A_154, %select_n3A_155, %select_n3A_152 : i32
        %sub3A_157 = arith.constant 1 : i32
        %sub3A_158 = arith.subi %mul3A_38, %sub3A_157 : i32
        %mul3A_159 = arith.constant 2 : i32
        %mul3A_160 = arith.muli %mul3A_159, %select_n3A_28 : i32
        %eq3A_161 = arith.constant 0 : i32
        %eq3A_162 = arith.cmpi eq, %sub3A_158, %eq3A_161 : i32
        %sub3A_163 = arith.constant 1 : i32
        %sub3A_164 = arith.subi %mul3A_160, %sub3A_163 : i32
        %eq3A_165 = arith.cmpi eq, %sub3A_158, %sub3A_164 : i32
        %add3A_166 = arith.constant 0 : i32
        %add3A_167 = arith.addi %select_n3A_156, %add3A_166 : i32
        %add3A_168 = arith.addi %select_n3A_149, %select_n3A_36 : i32
        %sub3A_169 = arith.constant 1 : i32
        %sub3A_170 = arith.subi %select_n3A_149, %sub3A_169 : i32
        %select_n3A_171 = arith.constant true
        %select_n3A_172 = arith.select %select_n3A_171, %sub3A_170, %select_n3A_149 : i32
        %eq3A_173 = arith.constant -1 : i32
        %eq3A_174 = arith.cmpi eq, %select_n3A_172, %eq3A_173 : i32
        %sub3A_175 = arith.constant 1 : i32
        %sub3A_176 = arith.subi %select_n3A_28, %sub3A_175 : i32
        %select_n3A_177 = arith.select %eq3A_174, %sub3A_176, %select_n3A_172 : i32
        %sub3A_178 = arith.constant 1 : i32
        %sub3A_179 = arith.subi %select_n3A_156, %sub3A_178 : i32
        %select_n3A_180 = arith.select %eq3A_174, %sub3A_179, %select_n3A_156 : i32
        %eq3A_181 = arith.constant -1 : i32
        %eq3A_182 = arith.cmpi eq, %select_n3A_180, %eq3A_181 : i32
        %select_n3A_183 = arith.constant 1 : i32
        %select_n3A_184 = arith.select %eq3A_182, %select_n3A_183, %select_n3A_180 : i32
        %add3A_185 = arith.constant 0 : i32
        %add3A_186 = arith.addi %select_n3A_184, %add3A_185 : i32
        %add3A_187 = arith.addi %select_n3A_177, %select_n3A_36 : i32
        %add3A_188 = arith.constant 1 : i32
        %add3A_189 = arith.addi %select_n3A_149, %add3A_188 : i32
        %select_n3A_190 = arith.constant true
        %select_n3A_191 = arith.select %select_n3A_190, %add3A_189, %select_n3A_149 : i32
        %eq3A_192 = arith.cmpi eq, %select_n3A_191, %select_n3A_28 : i32
        %select_n3A_193 = arith.constant 0 : i32
        %select_n3A_194 = arith.select %eq3A_192, %select_n3A_193, %select_n3A_191 : i32
        %add3A_195 = arith.constant 1 : i32
        %add3A_196 = arith.addi %select_n3A_156, %add3A_195 : i32
        %select_n3A_197 = arith.select %eq3A_192, %add3A_196, %select_n3A_156 : i32
        %eq3A_198 = arith.constant 2 : i32
        %eq3A_199 = arith.cmpi eq, %select_n3A_197, %eq3A_198 : i32
        %select_n3A_200 = arith.constant 0 : i32
        %select_n3A_201 = arith.select %eq3A_199, %select_n3A_200, %select_n3A_197 : i32
        %add3A_202 = arith.constant 0 : i32
        %add3A_203 = arith.addi %select_n3A_201, %add3A_202 : i32
        %add3A_204 = arith.addi %select_n3A_194, %select_n3A_36 : i32
        %add3A_205 = arith.constant 1 : i32
        %add3A_206 = arith.addi %select_n3A_194, %add3A_205 : i32
        %select_n3A_207 = arith.constant true
        %select_n3A_208 = arith.select %select_n3A_207, %add3A_206, %select_n3A_194 : i32
        %eq3A_209 = arith.cmpi eq, %select_n3A_208, %select_n3A_28 : i32
        %select_n3A_210 = arith.constant 0 : i32
        %select_n3A_211 = arith.select %eq3A_209, %select_n3A_210, %select_n3A_208 : i32
        %add3A_212 = arith.constant 1 : i32
        %add3A_213 = arith.addi %select_n3A_201, %add3A_212 : i32
        %select_n3A_214 = arith.select %eq3A_209, %add3A_213, %select_n3A_201 : i32
        %eq3A_215 = arith.constant 2 : i32
        %eq3A_216 = arith.cmpi eq, %select_n3A_214, %eq3A_215 : i32
        %select_n3A_217 = arith.constant 0 : i32
        %select_n3A_218 = arith.select %eq3A_216, %select_n3A_217, %select_n3A_214 : i32
        %add3A_219 = arith.constant 0 : i32
        %add3A_220 = arith.addi %select_n3A_218, %add3A_219 : i32
        %add3A_221 = arith.addi %select_n3A_211, %select_n3A_36 : i32
        %convert_element_type3A_222 = arith.extui %eq3A_165 : i1 to i32
        %cond3A_223 = arith.constant 0 : i32
        %cond3A_224 = arith.cmpi ne, %convert_element_type3A_222, %cond3A_223 : i32
        scf.if %cond3A_224 {
        } else {
        }
        %convert_element_type3A_225 = arith.extui %eq3A_165 : i1 to i32
        %cond3A_226 = arith.constant 0 : i32
        %cond3A_227 = arith.cmpi ne, %convert_element_type3A_225, %cond3A_226 : i32
        scf.if %cond3A_227 {
          "tpu.trace_start"() <{level = 10 : i32, message = "ep_finalize"}> : () -> ()
          %rem3A_228 = arith.constant 2 : i32
          %rem3A_229 = arith.remui %while3A_140#3, %rem3A_228 : i32
          %mul3A_230 = arith.constant 1 : i32
          %mul3A_231 = arith.muli %mul3A_230, %add3A_167 : i32
          %mul3A_232 = arith.constant 128 : i32
          %mul3A_233 = arith.muli %mul3A_232, %add3A_168 : i32
          %dma_wait3A = arith.constant 0 : i32
          %dma_wait3A_234 = arith.constant 0 : i32
          %dma_wait3A_235 = arith.constant 0 : i32
          %dma_wait3A_236 = tpu.memref_slice %run_scoped3A_40[%rem3A_229, %dma_wait3A, %dma_wait3A_234, %dma_wait3A_235] : memref<2x1x128x256xi32, #tpu.memory_space<vmem>> -> memref<1x1x128x256xi32, #tpu.memory_space<vmem>>
          %dma_wait3A_237 = tpu.memref_squeeze %dma_wait3A_236 : memref<1x1x128x256xi32, #tpu.memory_space<vmem>> -> memref<1x128x256xi32, #tpu.memory_space<vmem>>
          %dma_wait3A_238 = arith.constant 0 : i32
          %dma_wait3A_239 = tpu.memref_slice %arg6[%mul3A_231, %mul3A_233, %dma_wait3A_238] : memref<2x2048x256xi32, #tpu.memory_space<hbm>> -> memref<1x128x256xi32, #tpu.memory_space<hbm>>
          %dma_wait3A_240 = tpu.memref_slice %run_scoped3A_41[%rem3A_229] : memref<2x!tpu.dma_semaphore, #tpu.memory_space<semaphore_mem>> -> memref<1x!tpu.dma_semaphore, #tpu.memory_space<semaphore_mem>>
          %dma_wait3A_241 = tpu.memref_squeeze %dma_wait3A_240 : memref<1x!tpu.dma_semaphore, #tpu.memory_space<semaphore_mem>> -> memref<!tpu.dma_semaphore, #tpu.memory_space<semaphore_mem>>
          %dma_wait3A_242 = arith.constant 0 : i32
          %dma_wait3A_243 = tpu.memref_slice %arg6[%mul3A_231, %mul3A_233, %dma_wait3A_242] : memref<2x2048x256xi32, #tpu.memory_space<hbm>> -> memref<1x128x256xi32, #tpu.memory_space<hbm>>
          %dma_wait3A_244 = arith.constant 0 : i32
          %dma_wait3A_245 = arith.constant 0 : i32
          %dma_wait3A_246 = arith.constant 0 : i32
          %dma_wait3A_247 = tpu.memref_slice %run_scoped3A_40[%rem3A_229, %dma_wait3A_244, %dma_wait3A_245, %dma_wait3A_246] : memref<2x1x128x256xi32, #tpu.memory_space<vmem>> -> memref<1x1x128x256xi32, #tpu.memory_space<vmem>>
          %dma_wait3A_248 = tpu.memref_squeeze %dma_wait3A_247 : memref<1x1x128x256xi32, #tpu.memory_space<vmem>> -> memref<1x128x256xi32, #tpu.memory_space<vmem>>
          tpu.wait_dma2 semaphore(%dma_wait3A_241 : memref<!tpu.dma_semaphore, #tpu.memory_space<semaphore_mem>>) src(%dma_wait3A_248 : memref<1x128x256xi32, #tpu.memory_space<vmem>>) dst(%dma_wait3A_243 : memref<1x128x256xi32, #tpu.memory_space<hbm>>)
          "tpu.trace_stop"() : () -> ()
        } else {
        }
      } else {
      }
      tpu.yield
    }) : () -> ()
    return
  }
}

module attributes {stable_mosaic.version = 14 : i64} {
  func.func @_gate_kernel(%arg0: memref<2048x128xf32, #tpu.memory_space<vmem>>, %arg1: memref<1x128xf32, #tpu.memory_space<vmem>>, %arg2: memref<2048x1024xf32, #tpu.memory_space<vmem>>, %arg3: memref<2048x128xf32, #tpu.memory_space<vmem>>, %arg4: memref<8x128xf32, #tpu.memory_space<vmem>>, %arg5: memref<2048x512xi32, #tpu.memory_space<vmem>>) attributes {dimension_semantics = [], scalar_prefetch = 0 : i64, scratch_operands = 0 : i64, tpu.core_type = #tpu.core_type<tc>} {
    %get3A = arith.constant 0 : index
    %get3A_0 = arith.constant 0 : index
    %get3A_1 = vector.load %arg0[%get3A, %get3A_0] : memref<2048x128xf32, #tpu.memory_space<vmem>>, vector<2048x128xf32>
    %logistic3A = arith.negf %get3A_1 : vector<2048x128xf32>
    %logistic3A_2 = math.exp %logistic3A : vector<2048x128xf32>
    %logistic3A_3 = arith.constant 1.000000e+00 : f32
    %logistic3A_4 = vector.broadcast %logistic3A_3 : f32 to vector<2048x128xf32>
    %logistic3A_5 = arith.addf %logistic3A_4, %logistic3A_2 : vector<2048x128xf32>
    %logistic3A_6 = arith.divf %logistic3A_4, %logistic3A_5 : vector<2048x128xf32>
    %get3A_7 = arith.constant 0 : index
    %get3A_8 = arith.constant 0 : index
    %get3A_9 = vector.load %arg1[%get3A_7, %get3A_8] : memref<1x128xf32, #tpu.memory_space<vmem>>, vector<1x128xf32>
    %add3A = vector.broadcast %get3A_9 : vector<1x128xf32> to vector<2048x128xf32>
    %add3A_10 = arith.addf %logistic3A_6, %add3A : vector<2048x128xf32>
    %iota3A = tpu.iota {dimensions = array<i32: 0>} : vector<128x128xi32>
    %iota3A_11 = tpu.iota {dimensions = array<i32: 1>} : vector<128x128xi32>
    %iota3A_12 = tpu.iota {dimensions = array<i32: 1>} : vector<1x128xi32>
    %jit3A = arith.constant 2 : i32
    %div3A = vector.broadcast %jit3A : i32 to vector<128x128xi32>
    %div3A_13 = arith.divsi %iota3A, %div3A : vector<128x128xi32>
    %sign3A = arith.constant 0 : i32
    %sign3A_14 = vector.broadcast %sign3A : i32 to vector<128x128xi32>
    %sign3A_15 = arith.cmpi sgt, %iota3A, %sign3A_14 : vector<128x128xi32>
    %sign3A_16 = arith.extui %sign3A_15 : vector<128x128xi1> to vector<128x128xi32>
    %sign3A_17 = arith.constant 0 : i32
    %sign3A_18 = vector.broadcast %sign3A_17 : i32 to vector<128x128xi32>
    %sign3A_19 = arith.cmpi slt, %iota3A, %sign3A_18 : vector<128x128xi32>
    %sign3A_20 = arith.extui %sign3A_19 : vector<128x128xi1> to vector<128x128xi32>
    %sign3A_21 = arith.subi %sign3A_16, %sign3A_20 : vector<128x128xi32>
    %sign3A_22 = arith.constant 0 : i32
    %sign3A_23 = arith.cmpi sgt, %jit3A, %sign3A_22 : i32
    %sign3A_24 = arith.extui %sign3A_23 : i1 to i32
    %sign3A_25 = arith.constant 0 : i32
    %sign3A_26 = arith.cmpi slt, %jit3A, %sign3A_25 : i32
    %sign3A_27 = arith.extui %sign3A_26 : i1 to i32
    %sign3A_28 = arith.subi %sign3A_24, %sign3A_27 : i32
    %ne3A = vector.broadcast %sign3A_28 : i32 to vector<128x128xi32>
    %ne3A_29 = arith.cmpi ne, %sign3A_21, %ne3A : vector<128x128xi32>
    %rem3A = vector.broadcast %jit3A : i32 to vector<128x128xi32>
    %rem3A_30 = arith.remsi %iota3A, %rem3A : vector<128x128xi32>
    %ne3A_31 = arith.constant 0 : i32
    %ne3A_32 = vector.broadcast %ne3A_31 : i32 to vector<128x128xi32>
    %ne3A_33 = arith.cmpi ne, %rem3A_30, %ne3A_32 : vector<128x128xi32>
    %and3A = arith.andi %ne3A_29, %ne3A_33 : vector<128x128xi1>
    %sub3A = arith.constant 1 : i32
    %sub3A_34 = vector.broadcast %sub3A : i32 to vector<128x128xi32>
    %sub3A_35 = arith.subi %div3A_13, %sub3A_34 : vector<128x128xi32>
    %select_n3A = arith.select %and3A, %sub3A_35, %div3A_13 : vector<128x128xi1>, vector<128x128xi32>
    %eq3A = arith.cmpi eq, %select_n3A, %iota3A_11 : vector<128x128xi32>
    %lt3A = arith.constant 8 : i32
    %lt3A_36 = vector.broadcast %lt3A : i32 to vector<128x128xi32>
    %lt3A_37 = arith.cmpi slt, %iota3A, %lt3A_36 : vector<128x128xi32>
    %and3A_38 = arith.andi %eq3A, %lt3A_37 : vector<128x128xi1>
    %convert_element_type3A = arith.extui %and3A_38 : vector<128x128xi1> to vector<128x128xi32>
    %convert_element_type3A_39 = arith.sitofp %convert_element_type3A : vector<128x128xi32> to vector<128x128xf32>
    %dot_general3A = arith.constant dense<0.000000e+00> : vector<2048x128xf32>
    %dot_general3A_40 = tpu.matmul %add3A_10, %convert_element_type3A_39, %dot_general3A {dimension_numbers = #tpu.dot_dimension_numbers<[1], [0], [0], [1], [0, 0, 1, 1], [], []>, precision = #tpu.contract_precision<fp32>, transpose_lhs_hint = false} : vector<2048x128xf32>, vector<128x128xf32>, vector<2048x128xf32> -> vector<2048x128xf32>
    %jit3A_41 = arith.constant 4 : i32
    %div3A_42 = vector.broadcast %jit3A_41 : i32 to vector<128x128xi32>
    %div3A_43 = arith.divsi %iota3A_11, %div3A_42 : vector<128x128xi32>
    %sign3A_44 = arith.constant 0 : i32
    %sign3A_45 = vector.broadcast %sign3A_44 : i32 to vector<128x128xi32>
    %sign3A_46 = arith.cmpi sgt, %iota3A_11, %sign3A_45 : vector<128x128xi32>
    %sign3A_47 = arith.extui %sign3A_46 : vector<128x128xi1> to vector<128x128xi32>
    %sign3A_48 = arith.constant 0 : i32
    %sign3A_49 = vector.broadcast %sign3A_48 : i32 to vector<128x128xi32>
    %sign3A_50 = arith.cmpi slt, %iota3A_11, %sign3A_49 : vector<128x128xi32>
    %sign3A_51 = arith.extui %sign3A_50 : vector<128x128xi1> to vector<128x128xi32>
    %sign3A_52 = arith.subi %sign3A_47, %sign3A_51 : vector<128x128xi32>
    %sign3A_53 = arith.constant 0 : i32
    %sign3A_54 = arith.cmpi sgt, %jit3A_41, %sign3A_53 : i32
    %sign3A_55 = arith.extui %sign3A_54 : i1 to i32
    %sign3A_56 = arith.constant 0 : i32
    %sign3A_57 = arith.cmpi slt, %jit3A_41, %sign3A_56 : i32
    %sign3A_58 = arith.extui %sign3A_57 : i1 to i32
    %sign3A_59 = arith.subi %sign3A_55, %sign3A_58 : i32
    %ne3A_60 = vector.broadcast %sign3A_59 : i32 to vector<128x128xi32>
    %ne3A_61 = arith.cmpi ne, %sign3A_52, %ne3A_60 : vector<128x128xi32>
    %rem3A_62 = vector.broadcast %jit3A_41 : i32 to vector<128x128xi32>
    %rem3A_63 = arith.remsi %iota3A_11, %rem3A_62 : vector<128x128xi32>
    %ne3A_64 = arith.constant 0 : i32
    %ne3A_65 = vector.broadcast %ne3A_64 : i32 to vector<128x128xi32>
    %ne3A_66 = arith.cmpi ne, %rem3A_63, %ne3A_65 : vector<128x128xi32>
    %and3A_67 = arith.andi %ne3A_61, %ne3A_66 : vector<128x128xi1>
    %sub3A_68 = arith.constant 1 : i32
    %sub3A_69 = vector.broadcast %sub3A_68 : i32 to vector<128x128xi32>
    %sub3A_70 = arith.subi %div3A_43, %sub3A_69 : vector<128x128xi32>
    %select_n3A_71 = arith.select %and3A_67, %sub3A_70, %div3A_43 : vector<128x128xi1>, vector<128x128xi32>
    %eq3A_72 = arith.cmpi eq, %select_n3A_71, %iota3A : vector<128x128xi32>
    %convert_element_type3A_73 = arith.extui %eq3A_72 : vector<128x128xi1> to vector<128x128xi32>
    %convert_element_type3A_74 = arith.sitofp %convert_element_type3A_73 : vector<128x128xi32> to vector<128x128xf32>
    %jit3A_75 = arith.constant 4 : i32
    %eq3A_76 = arith.constant 0 : i32
    %eq3A_77 = arith.cmpi eq, %jit3A_75, %eq3A_76 : i32
    %jit3A_78 = arith.constant 1 : i32
    %select_n3A_79 = arith.select %eq3A_77, %jit3A_78, %jit3A_75 : i32
    %rem3A_80 = vector.broadcast %select_n3A_79 : i32 to vector<128x128xi32>
    %rem3A_81 = arith.remsi %iota3A_11, %rem3A_80 : vector<128x128xi32>
    %ne3A_82 = arith.constant 0 : i32
    %ne3A_83 = vector.broadcast %ne3A_82 : i32 to vector<128x128xi32>
    %ne3A_84 = arith.cmpi ne, %rem3A_81, %ne3A_83 : vector<128x128xi32>
    %lt3A_85 = arith.constant 0 : i32
    %lt3A_86 = vector.broadcast %lt3A_85 : i32 to vector<128x128xi32>
    %lt3A_87 = arith.cmpi slt, %rem3A_81, %lt3A_86 : vector<128x128xi32>
    %lt3A_88 = arith.constant 0 : i32
    %lt3A_89 = arith.cmpi slt, %select_n3A_79, %lt3A_88 : i32
    %ne3A_90 = vector.broadcast %lt3A_89 : i1 to vector<128x128xi1>
    %ne3A_91 = vector.broadcast %ne3A_90 : vector<128x128xi1> to vector<128x128xi1>
    %ne3A_92 = arith.xori %lt3A_87, %ne3A_91 : vector<128x128xi1>
    %and3A_93 = arith.andi %ne3A_92, %ne3A_84 : vector<128x128xi1>
    %add3A_94 = vector.broadcast %select_n3A_79 : i32 to vector<128x128xi32>
    %add3A_95 = arith.addi %rem3A_81, %add3A_94 : vector<128x128xi32>
    %select_n3A_96 = arith.select %and3A_93, %add3A_95, %rem3A_81 : vector<128x128xi1>, vector<128x128xi32>
    %eq3A_97 = arith.cmpi eq, %select_n3A_96, %iota3A : vector<128x128xi32>
    %convert_element_type3A_98 = arith.extui %eq3A_97 : vector<128x128xi1> to vector<128x128xi32>
    %convert_element_type3A_99 = arith.sitofp %convert_element_type3A_98 : vector<128x128xi32> to vector<128x128xf32>
    %dot_general3A_100 = arith.constant dense<0.000000e+00> : vector<2048x128xf32>
    %dot_general3A_101 = tpu.matmul %dot_general3A_40, %convert_element_type3A_74, %dot_general3A_100 {dimension_numbers = #tpu.dot_dimension_numbers<[1], [0], [0], [1], [0, 0, 1, 1], [], []>, precision = #tpu.contract_precision<fp32>, transpose_lhs_hint = false} : vector<2048x128xf32>, vector<128x128xf32>, vector<2048x128xf32> -> vector<2048x128xf32>
    %dot_general3A_102 = arith.constant dense<0.000000e+00> : vector<2048x128xf32>
    %dot_general3A_103 = tpu.matmul %dot_general3A_40, %convert_element_type3A_99, %dot_general3A_102 {dimension_numbers = #tpu.dot_dimension_numbers<[1], [0], [0], [1], [0, 0, 1, 1], [], []>, precision = #tpu.contract_precision<fp32>, transpose_lhs_hint = false} : vector<2048x128xf32>, vector<128x128xf32>, vector<2048x128xf32> -> vector<2048x128xf32>
    %jit3A_104 = arith.constant 4 : i32
    %eq3A_105 = arith.constant 0 : i32
    %eq3A_106 = arith.cmpi eq, %jit3A_104, %eq3A_105 : i32
    %jit3A_107 = arith.constant 1 : i32
    %select_n3A_108 = arith.select %eq3A_106, %jit3A_107, %jit3A_104 : i32
    %rem3A_109 = vector.broadcast %select_n3A_108 : i32 to vector<1x128xi32>
    %rem3A_110 = arith.remsi %iota3A_12, %rem3A_109 : vector<1x128xi32>
    %ne3A_111 = arith.constant 0 : i32
    %ne3A_112 = vector.broadcast %ne3A_111 : i32 to vector<1x128xi32>
    %ne3A_113 = arith.cmpi ne, %rem3A_110, %ne3A_112 : vector<1x128xi32>
    %lt3A_114 = arith.constant 0 : i32
    %lt3A_115 = vector.broadcast %lt3A_114 : i32 to vector<1x128xi32>
    %lt3A_116 = arith.cmpi slt, %rem3A_110, %lt3A_115 : vector<1x128xi32>
    %lt3A_117 = arith.constant 0 : i32
    %lt3A_118 = arith.cmpi slt, %select_n3A_108, %lt3A_117 : i32
    %ne3A_119 = vector.broadcast %lt3A_118 : i1 to vector<1x128xi1>
    %ne3A_120 = vector.broadcast %ne3A_119 : vector<1x128xi1> to vector<1x128xi1>
    %ne3A_121 = arith.xori %lt3A_116, %ne3A_120 : vector<1x128xi1>
    %and3A_122 = arith.andi %ne3A_121, %ne3A_113 : vector<1x128xi1>
    %add3A_123 = vector.broadcast %select_n3A_108 : i32 to vector<1x128xi32>
    %add3A_124 = arith.addi %rem3A_110, %add3A_123 : vector<1x128xi32>
    %select_n3A_125 = arith.select %and3A_122, %add3A_124, %rem3A_110 : vector<1x128xi1>, vector<1x128xi32>
    %jit3A_126 = arith.constant 4 : i32
    %div3A_127 = vector.broadcast %jit3A_126 : i32 to vector<1x128xi32>
    %div3A_128 = arith.divsi %iota3A_12, %div3A_127 : vector<1x128xi32>
    %sign3A_129 = arith.constant 0 : i32
    %sign3A_130 = vector.broadcast %sign3A_129 : i32 to vector<1x128xi32>
    %sign3A_131 = arith.cmpi sgt, %iota3A_12, %sign3A_130 : vector<1x128xi32>
    %sign3A_132 = arith.extui %sign3A_131 : vector<1x128xi1> to vector<1x128xi32>
    %sign3A_133 = arith.constant 0 : i32
    %sign3A_134 = vector.broadcast %sign3A_133 : i32 to vector<1x128xi32>
    %sign3A_135 = arith.cmpi slt, %iota3A_12, %sign3A_134 : vector<1x128xi32>
    %sign3A_136 = arith.extui %sign3A_135 : vector<1x128xi1> to vector<1x128xi32>
    %sign3A_137 = arith.subi %sign3A_132, %sign3A_136 : vector<1x128xi32>
    %sign3A_138 = arith.constant 0 : i32
    %sign3A_139 = arith.cmpi sgt, %jit3A_126, %sign3A_138 : i32
    %sign3A_140 = arith.extui %sign3A_139 : i1 to i32
    %sign3A_141 = arith.constant 0 : i32
    %sign3A_142 = arith.cmpi slt, %jit3A_126, %sign3A_141 : i32
    %sign3A_143 = arith.extui %sign3A_142 : i1 to i32
    %sign3A_144 = arith.subi %sign3A_140, %sign3A_143 : i32
    %ne3A_145 = vector.broadcast %sign3A_144 : i32 to vector<1x128xi32>
    %ne3A_146 = arith.cmpi ne, %sign3A_137, %ne3A_145 : vector<1x128xi32>
    %rem3A_147 = vector.broadcast %jit3A_126 : i32 to vector<1x128xi32>
    %rem3A_148 = arith.remsi %iota3A_12, %rem3A_147 : vector<1x128xi32>
    %ne3A_149 = arith.constant 0 : i32
    %ne3A_150 = vector.broadcast %ne3A_149 : i32 to vector<1x128xi32>
    %ne3A_151 = arith.cmpi ne, %rem3A_148, %ne3A_150 : vector<1x128xi32>
    %and3A_152 = arith.andi %ne3A_146, %ne3A_151 : vector<1x128xi1>
    %sub3A_153 = arith.constant 1 : i32
    %sub3A_154 = vector.broadcast %sub3A_153 : i32 to vector<1x128xi32>
    %sub3A_155 = arith.subi %div3A_128, %sub3A_154 : vector<1x128xi32>
    %select_n3A_156 = arith.select %and3A_152, %sub3A_155, %div3A_128 : vector<1x128xi1>, vector<1x128xi32>
    %lt3A_157 = arith.cmpi slt, %select_n3A_125, %select_n3A_156 : vector<1x128xi32>
    %convert_element_type3A_158 = arith.extui %lt3A_157 : vector<1x128xi1> to vector<1x128xi32>
    %convert_element_type3A_159 = arith.sitofp %convert_element_type3A_158 : vector<1x128xi32> to vector<1x128xf32>
    %lt3A_160 = arith.constant 16 : i32
    %lt3A_161 = vector.broadcast %lt3A_160 : i32 to vector<1x128xi32>
    %lt3A_162 = arith.cmpi slt, %iota3A_12, %lt3A_161 : vector<1x128xi32>
    %jit3A_163 = arith.constant 4 : i32
    %eq3A_164 = arith.constant 0 : i32
    %eq3A_165 = arith.cmpi eq, %jit3A_163, %eq3A_164 : i32
    %jit3A_166 = arith.constant 1 : i32
    %select_n3A_167 = arith.select %eq3A_165, %jit3A_166, %jit3A_163 : i32
    %rem3A_168 = vector.broadcast %select_n3A_167 : i32 to vector<1x128xi32>
    %rem3A_169 = arith.remsi %iota3A_12, %rem3A_168 : vector<1x128xi32>
    %ne3A_170 = arith.constant 0 : i32
    %ne3A_171 = vector.broadcast %ne3A_170 : i32 to vector<1x128xi32>
    %ne3A_172 = arith.cmpi ne, %rem3A_169, %ne3A_171 : vector<1x128xi32>
    %lt3A_173 = arith.constant 0 : i32
    %lt3A_174 = vector.broadcast %lt3A_173 : i32 to vector<1x128xi32>
    %lt3A_175 = arith.cmpi slt, %rem3A_169, %lt3A_174 : vector<1x128xi32>
    %lt3A_176 = arith.constant 0 : i32
    %lt3A_177 = arith.cmpi slt, %select_n3A_167, %lt3A_176 : i32
    %ne3A_178 = vector.broadcast %lt3A_177 : i1 to vector<1x128xi1>
    %ne3A_179 = vector.broadcast %ne3A_178 : vector<1x128xi1> to vector<1x128xi1>
    %ne3A_180 = arith.xori %lt3A_175, %ne3A_179 : vector<1x128xi1>
    %and3A_181 = arith.andi %ne3A_180, %ne3A_172 : vector<1x128xi1>
    %add3A_182 = vector.broadcast %select_n3A_167 : i32 to vector<1x128xi32>
    %add3A_183 = arith.addi %rem3A_169, %add3A_182 : vector<1x128xi32>
    %select_n3A_184 = arith.select %and3A_181, %add3A_183, %rem3A_169 : vector<1x128xi1>, vector<1x128xi32>
    %jit3A_185 = arith.constant 4 : i32
    %div3A_186 = vector.broadcast %jit3A_185 : i32 to vector<1x128xi32>
    %div3A_187 = arith.divsi %iota3A_12, %div3A_186 : vector<1x128xi32>
    %sign3A_188 = arith.constant 0 : i32
    %sign3A_189 = vector.broadcast %sign3A_188 : i32 to vector<1x128xi32>
    %sign3A_190 = arith.cmpi sgt, %iota3A_12, %sign3A_189 : vector<1x128xi32>
    %sign3A_191 = arith.extui %sign3A_190 : vector<1x128xi1> to vector<1x128xi32>
    %sign3A_192 = arith.constant 0 : i32
    %sign3A_193 = vector.broadcast %sign3A_192 : i32 to vector<1x128xi32>
    %sign3A_194 = arith.cmpi slt, %iota3A_12, %sign3A_193 : vector<1x128xi32>
    %sign3A_195 = arith.extui %sign3A_194 : vector<1x128xi1> to vector<1x128xi32>
    %sign3A_196 = arith.subi %sign3A_191, %sign3A_195 : vector<1x128xi32>
    %sign3A_197 = arith.constant 0 : i32
    %sign3A_198 = arith.cmpi sgt, %jit3A_185, %sign3A_197 : i32
    %sign3A_199 = arith.extui %sign3A_198 : i1 to i32
    %sign3A_200 = arith.constant 0 : i32
    %sign3A_201 = arith.cmpi slt, %jit3A_185, %sign3A_200 : i32
    %sign3A_202 = arith.extui %sign3A_201 : i1 to i32
    %sign3A_203 = arith.subi %sign3A_199, %sign3A_202 : i32
    %ne3A_204 = vector.broadcast %sign3A_203 : i32 to vector<1x128xi32>
    %ne3A_205 = arith.cmpi ne, %sign3A_196, %ne3A_204 : vector<1x128xi32>
    %rem3A_206 = vector.broadcast %jit3A_185 : i32 to vector<1x128xi32>
    %rem3A_207 = arith.remsi %iota3A_12, %rem3A_206 : vector<1x128xi32>
    %ne3A_208 = arith.constant 0 : i32
    %ne3A_209 = vector.broadcast %ne3A_208 : i32 to vector<1x128xi32>
    %ne3A_210 = arith.cmpi ne, %rem3A_207, %ne3A_209 : vector<1x128xi32>
    %and3A_211 = arith.andi %ne3A_205, %ne3A_210 : vector<1x128xi1>
    %sub3A_212 = arith.constant 1 : i32
    %sub3A_213 = vector.broadcast %sub3A_212 : i32 to vector<1x128xi32>
    %sub3A_214 = arith.subi %div3A_187, %sub3A_213 : vector<1x128xi32>
    %select_n3A_215 = arith.select %and3A_211, %sub3A_214, %div3A_187 : vector<1x128xi1>, vector<1x128xi32>
    %ne3A_216 = arith.cmpi ne, %select_n3A_184, %select_n3A_215 : vector<1x128xi32>
    %and3A_217 = arith.andi %lt3A_162, %ne3A_216 : vector<1x128xi1>
    %gt3A = arith.cmpf ogt, %dot_general3A_103, %dot_general3A_101 : vector<2048x128xf32>
    %eq3A_218 = arith.cmpf oeq, %dot_general3A_103, %dot_general3A_101 : vector<2048x128xf32>
    %gt3A_219 = arith.constant 0.000000e+00 : f32
    %gt3A_220 = vector.broadcast %gt3A_219 : f32 to vector<1x128xf32>
    %gt3A_221 = arith.cmpf ogt, %convert_element_type3A_159, %gt3A_220 : vector<1x128xf32>
    %and3A_222 = vector.broadcast %gt3A_221 : vector<1x128xi1> to vector<2048x128xi1>
    %and3A_223 = arith.andi %eq3A_218, %and3A_222 : vector<2048x128xi1>
    %or3A = arith.ori %gt3A, %and3A_223 : vector<2048x128xi1>
    %jit3A_224 = arith.constant 1.000000e+00 : f32
    %jit3A_225 = arith.constant 0.000000e+00 : f32
    %broadcast_in_dim3A = vector.broadcast %jit3A_224 : f32 to vector<2048x128xf32>
    %broadcast_in_dim3A_226 = vector.broadcast %jit3A_225 : f32 to vector<2048x128xf32>
    %select_n3A_227 = arith.select %or3A, %broadcast_in_dim3A, %broadcast_in_dim3A_226 : vector<2048x128xi1>, vector<2048x128xf32>
    %jit3A_228 = arith.constant 0.000000e+00 : f32
    %broadcast_in_dim3A_229 = vector.shape_cast %and3A_217 : vector<1x128xi1> to vector<1x128xi1>
    %broadcast_in_dim3A_230 = vector.broadcast %broadcast_in_dim3A_229 : vector<1x128xi1> to vector<2048x128xi1>
    %broadcast_in_dim3A_231 = vector.broadcast %jit3A_228 : f32 to vector<2048x128xf32>
    %select_n3A_232 = arith.select %broadcast_in_dim3A_230, %select_n3A_227, %broadcast_in_dim3A_231 : vector<2048x128xi1>, vector<2048x128xf32>
    %jit3A_233 = arith.constant 4 : i32
    %div3A_234 = vector.broadcast %jit3A_233 : i32 to vector<128x128xi32>
    %div3A_235 = arith.divsi %iota3A, %div3A_234 : vector<128x128xi32>
    %sign3A_236 = arith.constant 0 : i32
    %sign3A_237 = vector.broadcast %sign3A_236 : i32 to vector<128x128xi32>
    %sign3A_238 = arith.cmpi sgt, %iota3A, %sign3A_237 : vector<128x128xi32>
    %sign3A_239 = arith.extui %sign3A_238 : vector<128x128xi1> to vector<128x128xi32>
    %sign3A_240 = arith.constant 0 : i32
    %sign3A_241 = vector.broadcast %sign3A_240 : i32 to vector<128x128xi32>
    %sign3A_242 = arith.cmpi slt, %iota3A, %sign3A_241 : vector<128x128xi32>
    %sign3A_243 = arith.extui %sign3A_242 : vector<128x128xi1> to vector<128x128xi32>
    %sign3A_244 = arith.subi %sign3A_239, %sign3A_243 : vector<128x128xi32>
    %sign3A_245 = arith.constant 0 : i32
    %sign3A_246 = arith.cmpi sgt, %jit3A_233, %sign3A_245 : i32
    %sign3A_247 = arith.extui %sign3A_246 : i1 to i32
    %sign3A_248 = arith.constant 0 : i32
    %sign3A_249 = arith.cmpi slt, %jit3A_233, %sign3A_248 : i32
    %sign3A_250 = arith.extui %sign3A_249 : i1 to i32
    %sign3A_251 = arith.subi %sign3A_247, %sign3A_250 : i32
    %ne3A_252 = vector.broadcast %sign3A_251 : i32 to vector<128x128xi32>
    %ne3A_253 = arith.cmpi ne, %sign3A_244, %ne3A_252 : vector<128x128xi32>
    %rem3A_254 = vector.broadcast %jit3A_233 : i32 to vector<128x128xi32>
    %rem3A_255 = arith.remsi %iota3A, %rem3A_254 : vector<128x128xi32>
    %ne3A_256 = arith.constant 0 : i32
    %ne3A_257 = vector.broadcast %ne3A_256 : i32 to vector<128x128xi32>
    %ne3A_258 = arith.cmpi ne, %rem3A_255, %ne3A_257 : vector<128x128xi32>
    %and3A_259 = arith.andi %ne3A_253, %ne3A_258 : vector<128x128xi1>
    %sub3A_260 = arith.constant 1 : i32
    %sub3A_261 = vector.broadcast %sub3A_260 : i32 to vector<128x128xi32>
    %sub3A_262 = arith.subi %div3A_235, %sub3A_261 : vector<128x128xi32>
    %select_n3A_263 = arith.select %and3A_259, %sub3A_262, %div3A_235 : vector<128x128xi1>, vector<128x128xi32>
    %eq3A_264 = arith.cmpi eq, %select_n3A_263, %iota3A_11 : vector<128x128xi32>
    %convert_element_type3A_265 = arith.extui %eq3A_264 : vector<128x128xi1> to vector<128x128xi32>
    %convert_element_type3A_266 = arith.sitofp %convert_element_type3A_265 : vector<128x128xi32> to vector<128x128xf32>
    %lt3A_267 = arith.constant 16 : i32
    %lt3A_268 = vector.broadcast %lt3A_267 : i32 to vector<128x128xi32>
    %lt3A_269 = arith.cmpi slt, %iota3A, %lt3A_268 : vector<128x128xi32>
    %convert_element_type3A_270 = arith.extui %lt3A_269 : vector<128x128xi1> to vector<128x128xi32>
    %convert_element_type3A_271 = arith.sitofp %convert_element_type3A_270 : vector<128x128xi32> to vector<128x128xf32>
    %mul3A = arith.mulf %convert_element_type3A_266, %convert_element_type3A_271 : vector<128x128xf32>
    %dot_general3A_272 = arith.constant dense<0.000000e+00> : vector<2048x128xf32>
    %dot_general3A_273 = tpu.matmul %select_n3A_232, %mul3A, %dot_general3A_272 {dimension_numbers = #tpu.dot_dimension_numbers<[1], [0], [0], [1], [0, 0, 1, 1], [], []>, precision = #tpu.contract_precision<fp32>, transpose_lhs_hint = false} : vector<2048x128xf32>, vector<128x128xf32>, vector<2048x128xf32> -> vector<2048x128xf32>
    %lt3A_274 = arith.constant 2.000000e+00 : f32
    %lt3A_275 = vector.broadcast %lt3A_274 : f32 to vector<2048x128xf32>
    %lt3A_276 = arith.cmpf olt, %dot_general3A_273, %lt3A_275 : vector<2048x128xf32>
    %lt3A_277 = arith.constant 4 : i32
    %lt3A_278 = vector.broadcast %lt3A_277 : i32 to vector<1x128xi32>
    %lt3A_279 = arith.cmpi slt, %iota3A_12, %lt3A_278 : vector<1x128xi32>
    %and3A_280 = vector.broadcast %lt3A_279 : vector<1x128xi1> to vector<2048x128xi1>
    %and3A_281 = arith.andi %lt3A_276, %and3A_280 : vector<2048x128xi1>
    %jit3A_282 = arith.constant 1.000000e+00 : f32
    %jit3A_283 = arith.constant 0.000000e+00 : f32
    %broadcast_in_dim3A_284 = vector.broadcast %jit3A_282 : f32 to vector<2048x128xf32>
    %broadcast_in_dim3A_285 = vector.broadcast %jit3A_283 : f32 to vector<2048x128xf32>
    %select_n3A_286 = arith.select %and3A_281, %broadcast_in_dim3A_284, %broadcast_in_dim3A_285 : vector<2048x128xi1>, vector<2048x128xf32>
    %jit3A_287 = arith.constant 2 : i32
    %div3A_288 = vector.broadcast %jit3A_287 : i32 to vector<128x128xi32>
    %div3A_289 = arith.divsi %iota3A_11, %div3A_288 : vector<128x128xi32>
    %sign3A_290 = arith.constant 0 : i32
    %sign3A_291 = vector.broadcast %sign3A_290 : i32 to vector<128x128xi32>
    %sign3A_292 = arith.cmpi sgt, %iota3A_11, %sign3A_291 : vector<128x128xi32>
    %sign3A_293 = arith.extui %sign3A_292 : vector<128x128xi1> to vector<128x128xi32>
    %sign3A_294 = arith.constant 0 : i32
    %sign3A_295 = vector.broadcast %sign3A_294 : i32 to vector<128x128xi32>
    %sign3A_296 = arith.cmpi slt, %iota3A_11, %sign3A_295 : vector<128x128xi32>
    %sign3A_297 = arith.extui %sign3A_296 : vector<128x128xi1> to vector<128x128xi32>
    %sign3A_298 = arith.subi %sign3A_293, %sign3A_297 : vector<128x128xi32>
    %sign3A_299 = arith.constant 0 : i32
    %sign3A_300 = arith.cmpi sgt, %jit3A_287, %sign3A_299 : i32
    %sign3A_301 = arith.extui %sign3A_300 : i1 to i32
    %sign3A_302 = arith.constant 0 : i32
    %sign3A_303 = arith.cmpi slt, %jit3A_287, %sign3A_302 : i32
    %sign3A_304 = arith.extui %sign3A_303 : i1 to i32
    %sign3A_305 = arith.subi %sign3A_301, %sign3A_304 : i32
    %ne3A_306 = vector.broadcast %sign3A_305 : i32 to vector<128x128xi32>
    %ne3A_307 = arith.cmpi ne, %sign3A_298, %ne3A_306 : vector<128x128xi32>
    %rem3A_308 = vector.broadcast %jit3A_287 : i32 to vector<128x128xi32>
    %rem3A_309 = arith.remsi %iota3A_11, %rem3A_308 : vector<128x128xi32>
    %ne3A_310 = arith.constant 0 : i32
    %ne3A_311 = vector.broadcast %ne3A_310 : i32 to vector<128x128xi32>
    %ne3A_312 = arith.cmpi ne, %rem3A_309, %ne3A_311 : vector<128x128xi32>
    %and3A_313 = arith.andi %ne3A_307, %ne3A_312 : vector<128x128xi1>
    %sub3A_314 = arith.constant 1 : i32
    %sub3A_315 = vector.broadcast %sub3A_314 : i32 to vector<128x128xi32>
    %sub3A_316 = arith.subi %div3A_289, %sub3A_315 : vector<128x128xi32>
    %select_n3A_317 = arith.select %and3A_313, %sub3A_316, %div3A_289 : vector<128x128xi1>, vector<128x128xi32>
    %eq3A_318 = arith.cmpi eq, %iota3A, %select_n3A_317 : vector<128x128xi32>
    %lt3A_319 = arith.constant 8 : i32
    %lt3A_320 = vector.broadcast %lt3A_319 : i32 to vector<128x128xi32>
    %lt3A_321 = arith.cmpi slt, %iota3A_11, %lt3A_320 : vector<128x128xi32>
    %and3A_322 = arith.andi %eq3A_318, %lt3A_321 : vector<128x128xi1>
    %convert_element_type3A_323 = arith.extui %and3A_322 : vector<128x128xi1> to vector<128x128xi32>
    %convert_element_type3A_324 = arith.sitofp %convert_element_type3A_323 : vector<128x128xi32> to vector<128x128xf32>
    %dot_general3A_325 = arith.constant dense<0.000000e+00> : vector<2048x128xf32>
    %dot_general3A_326 = tpu.matmul %select_n3A_286, %convert_element_type3A_324, %dot_general3A_325 {dimension_numbers = #tpu.dot_dimension_numbers<[1], [0], [0], [1], [0, 0, 1, 1], [], []>, precision = #tpu.contract_precision<fp32>, transpose_lhs_hint = false} : vector<2048x128xf32>, vector<128x128xf32>, vector<2048x128xf32> -> vector<2048x128xf32>
    %gt3A_327 = arith.constant 0.000000e+00 : f32
    %gt3A_328 = vector.broadcast %gt3A_327 : f32 to vector<2048x128xf32>
    %gt3A_329 = arith.cmpf ogt, %dot_general3A_326, %gt3A_328 : vector<2048x128xf32>
    %lt3A_330 = arith.constant 8 : i32
    %lt3A_331 = vector.broadcast %lt3A_330 : i32 to vector<1x128xi32>
    %lt3A_332 = arith.cmpi slt, %iota3A_12, %lt3A_331 : vector<1x128xi32>
    %and3A_333 = vector.broadcast %lt3A_332 : vector<1x128xi1> to vector<2048x128xi1>
    %and3A_334 = arith.andi %gt3A_329, %and3A_333 : vector<2048x128xi1>
    %jit3A_335 = arith.constant -1.000000e+09 : f32
    %broadcast_in_dim3A_336 = vector.broadcast %jit3A_335 : f32 to vector<2048x128xf32>
    %select_n3A_337 = arith.select %and3A_334, %add3A_10, %broadcast_in_dim3A_336 : vector<2048x128xi1>, vector<2048x128xf32>
    %jit3A_338 = arith.constant 8 : i32
    %div3A_339 = vector.broadcast %jit3A_338 : i32 to vector<128x128xi32>
    %div3A_340 = arith.divsi %iota3A_11, %div3A_339 : vector<128x128xi32>
    %sign3A_341 = arith.constant 0 : i32
    %sign3A_342 = vector.broadcast %sign3A_341 : i32 to vector<128x128xi32>
    %sign3A_343 = arith.cmpi sgt, %iota3A_11, %sign3A_342 : vector<128x128xi32>
    %sign3A_344 = arith.extui %sign3A_343 : vector<128x128xi1> to vector<128x128xi32>
    %sign3A_345 = arith.constant 0 : i32
    %sign3A_346 = vector.broadcast %sign3A_345 : i32 to vector<128x128xi32>
    %sign3A_347 = arith.cmpi slt, %iota3A_11, %sign3A_346 : vector<128x128xi32>
    %sign3A_348 = arith.extui %sign3A_347 : vector<128x128xi1> to vector<128x128xi32>
    %sign3A_349 = arith.subi %sign3A_344, %sign3A_348 : vector<128x128xi32>
    %sign3A_350 = arith.constant 0 : i32
    %sign3A_351 = arith.cmpi sgt, %jit3A_338, %sign3A_350 : i32
    %sign3A_352 = arith.extui %sign3A_351 : i1 to i32
    %sign3A_353 = arith.constant 0 : i32
    %sign3A_354 = arith.cmpi slt, %jit3A_338, %sign3A_353 : i32
    %sign3A_355 = arith.extui %sign3A_354 : i1 to i32
    %sign3A_356 = arith.subi %sign3A_352, %sign3A_355 : i32
    %ne3A_357 = vector.broadcast %sign3A_356 : i32 to vector<128x128xi32>
    %ne3A_358 = arith.cmpi ne, %sign3A_349, %ne3A_357 : vector<128x128xi32>
    %rem3A_359 = vector.broadcast %jit3A_338 : i32 to vector<128x128xi32>
    %rem3A_360 = arith.remsi %iota3A_11, %rem3A_359 : vector<128x128xi32>
    %ne3A_361 = arith.constant 0 : i32
    %ne3A_362 = vector.broadcast %ne3A_361 : i32 to vector<128x128xi32>
    %ne3A_363 = arith.cmpi ne, %rem3A_360, %ne3A_362 : vector<128x128xi32>
    %and3A_364 = arith.andi %ne3A_358, %ne3A_363 : vector<128x128xi1>
    %sub3A_365 = arith.constant 1 : i32
    %sub3A_366 = vector.broadcast %sub3A_365 : i32 to vector<128x128xi32>
    %sub3A_367 = arith.subi %div3A_340, %sub3A_366 : vector<128x128xi32>
    %select_n3A_368 = arith.select %and3A_364, %sub3A_367, %div3A_340 : vector<128x128xi1>, vector<128x128xi32>
    %eq3A_369 = arith.cmpi eq, %select_n3A_368, %iota3A : vector<128x128xi32>
    %convert_element_type3A_370 = arith.extui %eq3A_369 : vector<128x128xi1> to vector<128x128xi32>
    %convert_element_type3A_371 = arith.sitofp %convert_element_type3A_370 : vector<128x128xi32> to vector<128x128xf32>
    %jit3A_372 = arith.constant 8 : i32
    %eq3A_373 = arith.constant 0 : i32
    %eq3A_374 = arith.cmpi eq, %jit3A_372, %eq3A_373 : i32
    %jit3A_375 = arith.constant 1 : i32
    %select_n3A_376 = arith.select %eq3A_374, %jit3A_375, %jit3A_372 : i32
    %rem3A_377 = vector.broadcast %select_n3A_376 : i32 to vector<128x128xi32>
    %rem3A_378 = arith.remsi %iota3A_11, %rem3A_377 : vector<128x128xi32>
    %ne3A_379 = arith.constant 0 : i32
    %ne3A_380 = vector.broadcast %ne3A_379 : i32 to vector<128x128xi32>
    %ne3A_381 = arith.cmpi ne, %rem3A_378, %ne3A_380 : vector<128x128xi32>
    %lt3A_382 = arith.constant 0 : i32
    %lt3A_383 = vector.broadcast %lt3A_382 : i32 to vector<128x128xi32>
    %lt3A_384 = arith.cmpi slt, %rem3A_378, %lt3A_383 : vector<128x128xi32>
    %lt3A_385 = arith.constant 0 : i32
    %lt3A_386 = arith.cmpi slt, %select_n3A_376, %lt3A_385 : i32
    %ne3A_387 = vector.broadcast %lt3A_386 : i1 to vector<128x128xi1>
    %ne3A_388 = vector.broadcast %ne3A_387 : vector<128x128xi1> to vector<128x128xi1>
    %ne3A_389 = arith.xori %lt3A_384, %ne3A_388 : vector<128x128xi1>
    %and3A_390 = arith.andi %ne3A_389, %ne3A_381 : vector<128x128xi1>
    %add3A_391 = vector.broadcast %select_n3A_376 : i32 to vector<128x128xi32>
    %add3A_392 = arith.addi %rem3A_378, %add3A_391 : vector<128x128xi32>
    %select_n3A_393 = arith.select %and3A_390, %add3A_392, %rem3A_378 : vector<128x128xi1>, vector<128x128xi32>
    %eq3A_394 = arith.cmpi eq, %select_n3A_393, %iota3A : vector<128x128xi32>
    %convert_element_type3A_395 = arith.extui %eq3A_394 : vector<128x128xi1> to vector<128x128xi32>
    %convert_element_type3A_396 = arith.sitofp %convert_element_type3A_395 : vector<128x128xi32> to vector<128x128xf32>
    %dot_general3A_397 = arith.constant dense<0.000000e+00> : vector<2048x128xf32>
    %dot_general3A_398 = tpu.matmul %select_n3A_337, %convert_element_type3A_371, %dot_general3A_397 {dimension_numbers = #tpu.dot_dimension_numbers<[1], [0], [0], [1], [0, 0, 1, 1], [], []>, precision = #tpu.contract_precision<fp32>, transpose_lhs_hint = false} : vector<2048x128xf32>, vector<128x128xf32>, vector<2048x128xf32> -> vector<2048x128xf32>
    %dot_general3A_399 = arith.constant dense<0.000000e+00> : vector<2048x128xf32>
    %dot_general3A_400 = tpu.matmul %select_n3A_337, %convert_element_type3A_396, %dot_general3A_399 {dimension_numbers = #tpu.dot_dimension_numbers<[1], [0], [0], [1], [0, 0, 1, 1], [], []>, precision = #tpu.contract_precision<fp32>, transpose_lhs_hint = false} : vector<2048x128xf32>, vector<128x128xf32>, vector<2048x128xf32> -> vector<2048x128xf32>
    %jit3A_401 = arith.constant 8 : i32
    %eq3A_402 = arith.constant 0 : i32
    %eq3A_403 = arith.cmpi eq, %jit3A_401, %eq3A_402 : i32
    %jit3A_404 = arith.constant 1 : i32
    %select_n3A_405 = arith.select %eq3A_403, %jit3A_404, %jit3A_401 : i32
    %rem3A_406 = vector.broadcast %select_n3A_405 : i32 to vector<1x128xi32>
    %rem3A_407 = arith.remsi %iota3A_12, %rem3A_406 : vector<1x128xi32>
    %ne3A_408 = arith.constant 0 : i32
    %ne3A_409 = vector.broadcast %ne3A_408 : i32 to vector<1x128xi32>
    %ne3A_410 = arith.cmpi ne, %rem3A_407, %ne3A_409 : vector<1x128xi32>
    %lt3A_411 = arith.constant 0 : i32
    %lt3A_412 = vector.broadcast %lt3A_411 : i32 to vector<1x128xi32>
    %lt3A_413 = arith.cmpi slt, %rem3A_407, %lt3A_412 : vector<1x128xi32>
    %lt3A_414 = arith.constant 0 : i32
    %lt3A_415 = arith.cmpi slt, %select_n3A_405, %lt3A_414 : i32
    %ne3A_416 = vector.broadcast %lt3A_415 : i1 to vector<1x128xi1>
    %ne3A_417 = vector.broadcast %ne3A_416 : vector<1x128xi1> to vector<1x128xi1>
    %ne3A_418 = arith.xori %lt3A_413, %ne3A_417 : vector<1x128xi1>
    %and3A_419 = arith.andi %ne3A_418, %ne3A_410 : vector<1x128xi1>
    %add3A_420 = vector.broadcast %select_n3A_405 : i32 to vector<1x128xi32>
    %add3A_421 = arith.addi %rem3A_407, %add3A_420 : vector<1x128xi32>
    %select_n3A_422 = arith.select %and3A_419, %add3A_421, %rem3A_407 : vector<1x128xi1>, vector<1x128xi32>
    %jit3A_423 = arith.constant 8 : i32
    %div3A_424 = vector.broadcast %jit3A_423 : i32 to vector<1x128xi32>
    %div3A_425 = arith.divsi %iota3A_12, %div3A_424 : vector<1x128xi32>
    %sign3A_426 = arith.constant 0 : i32
    %sign3A_427 = vector.broadcast %sign3A_426 : i32 to vector<1x128xi32>
    %sign3A_428 = arith.cmpi sgt, %iota3A_12, %sign3A_427 : vector<1x128xi32>
    %sign3A_429 = arith.extui %sign3A_428 : vector<1x128xi1> to vector<1x128xi32>
    %sign3A_430 = arith.constant 0 : i32
    %sign3A_431 = vector.broadcast %sign3A_430 : i32 to vector<1x128xi32>
    %sign3A_432 = arith.cmpi slt, %iota3A_12, %sign3A_431 : vector<1x128xi32>
    %sign3A_433 = arith.extui %sign3A_432 : vector<1x128xi1> to vector<1x128xi32>
    %sign3A_434 = arith.subi %sign3A_429, %sign3A_433 : vector<1x128xi32>
    %sign3A_435 = arith.constant 0 : i32
    %sign3A_436 = arith.cmpi sgt, %jit3A_423, %sign3A_435 : i32
    %sign3A_437 = arith.extui %sign3A_436 : i1 to i32
    %sign3A_438 = arith.constant 0 : i32
    %sign3A_439 = arith.cmpi slt, %jit3A_423, %sign3A_438 : i32
    %sign3A_440 = arith.extui %sign3A_439 : i1 to i32
    %sign3A_441 = arith.subi %sign3A_437, %sign3A_440 : i32
    %ne3A_442 = vector.broadcast %sign3A_441 : i32 to vector<1x128xi32>
    %ne3A_443 = arith.cmpi ne, %sign3A_434, %ne3A_442 : vector<1x128xi32>
    %rem3A_444 = vector.broadcast %jit3A_423 : i32 to vector<1x128xi32>
    %rem3A_445 = arith.remsi %iota3A_12, %rem3A_444 : vector<1x128xi32>
    %ne3A_446 = arith.constant 0 : i32
    %ne3A_447 = vector.broadcast %ne3A_446 : i32 to vector<1x128xi32>
    %ne3A_448 = arith.cmpi ne, %rem3A_445, %ne3A_447 : vector<1x128xi32>
    %and3A_449 = arith.andi %ne3A_443, %ne3A_448 : vector<1x128xi1>
    %sub3A_450 = arith.constant 1 : i32
    %sub3A_451 = vector.broadcast %sub3A_450 : i32 to vector<1x128xi32>
    %sub3A_452 = arith.subi %div3A_425, %sub3A_451 : vector<1x128xi32>
    %select_n3A_453 = arith.select %and3A_449, %sub3A_452, %div3A_425 : vector<1x128xi1>, vector<1x128xi32>
    %lt3A_454 = arith.cmpi slt, %select_n3A_422, %select_n3A_453 : vector<1x128xi32>
    %convert_element_type3A_455 = arith.extui %lt3A_454 : vector<1x128xi1> to vector<1x128xi32>
    %convert_element_type3A_456 = arith.sitofp %convert_element_type3A_455 : vector<1x128xi32> to vector<1x128xf32>
    %lt3A_457 = arith.constant 64 : i32
    %lt3A_458 = vector.broadcast %lt3A_457 : i32 to vector<1x128xi32>
    %lt3A_459 = arith.cmpi slt, %iota3A_12, %lt3A_458 : vector<1x128xi32>
    %jit3A_460 = arith.constant 8 : i32
    %eq3A_461 = arith.constant 0 : i32
    %eq3A_462 = arith.cmpi eq, %jit3A_460, %eq3A_461 : i32
    %jit3A_463 = arith.constant 1 : i32
    %select_n3A_464 = arith.select %eq3A_462, %jit3A_463, %jit3A_460 : i32
    %rem3A_465 = vector.broadcast %select_n3A_464 : i32 to vector<1x128xi32>
    %rem3A_466 = arith.remsi %iota3A_12, %rem3A_465 : vector<1x128xi32>
    %ne3A_467 = arith.constant 0 : i32
    %ne3A_468 = vector.broadcast %ne3A_467 : i32 to vector<1x128xi32>
    %ne3A_469 = arith.cmpi ne, %rem3A_466, %ne3A_468 : vector<1x128xi32>
    %lt3A_470 = arith.constant 0 : i32
    %lt3A_471 = vector.broadcast %lt3A_470 : i32 to vector<1x128xi32>
    %lt3A_472 = arith.cmpi slt, %rem3A_466, %lt3A_471 : vector<1x128xi32>
    %lt3A_473 = arith.constant 0 : i32
    %lt3A_474 = arith.cmpi slt, %select_n3A_464, %lt3A_473 : i32
    %ne3A_475 = vector.broadcast %lt3A_474 : i1 to vector<1x128xi1>
    %ne3A_476 = vector.broadcast %ne3A_475 : vector<1x128xi1> to vector<1x128xi1>
    %ne3A_477 = arith.xori %lt3A_472, %ne3A_476 : vector<1x128xi1>
    %and3A_478 = arith.andi %ne3A_477, %ne3A_469 : vector<1x128xi1>
    %add3A_479 = vector.broadcast %select_n3A_464 : i32 to vector<1x128xi32>
    %add3A_480 = arith.addi %rem3A_466, %add3A_479 : vector<1x128xi32>
    %select_n3A_481 = arith.select %and3A_478, %add3A_480, %rem3A_466 : vector<1x128xi1>, vector<1x128xi32>
    %jit3A_482 = arith.constant 8 : i32
    %div3A_483 = vector.broadcast %jit3A_482 : i32 to vector<1x128xi32>
    %div3A_484 = arith.divsi %iota3A_12, %div3A_483 : vector<1x128xi32>
    %sign3A_485 = arith.constant 0 : i32
    %sign3A_486 = vector.broadcast %sign3A_485 : i32 to vector<1x128xi32>
    %sign3A_487 = arith.cmpi sgt, %iota3A_12, %sign3A_486 : vector<1x128xi32>
    %sign3A_488 = arith.extui %sign3A_487 : vector<1x128xi1> to vector<1x128xi32>
    %sign3A_489 = arith.constant 0 : i32
    %sign3A_490 = vector.broadcast %sign3A_489 : i32 to vector<1x128xi32>
    %sign3A_491 = arith.cmpi slt, %iota3A_12, %sign3A_490 : vector<1x128xi32>
    %sign3A_492 = arith.extui %sign3A_491 : vector<1x128xi1> to vector<1x128xi32>
    %sign3A_493 = arith.subi %sign3A_488, %sign3A_492 : vector<1x128xi32>
    %sign3A_494 = arith.constant 0 : i32
    %sign3A_495 = arith.cmpi sgt, %jit3A_482, %sign3A_494 : i32
    %sign3A_496 = arith.extui %sign3A_495 : i1 to i32
    %sign3A_497 = arith.constant 0 : i32
    %sign3A_498 = arith.cmpi slt, %jit3A_482, %sign3A_497 : i32
    %sign3A_499 = arith.extui %sign3A_498 : i1 to i32
    %sign3A_500 = arith.subi %sign3A_496, %sign3A_499 : i32
    %ne3A_501 = vector.broadcast %sign3A_500 : i32 to vector<1x128xi32>
    %ne3A_502 = arith.cmpi ne, %sign3A_493, %ne3A_501 : vector<1x128xi32>
    %rem3A_503 = vector.broadcast %jit3A_482 : i32 to vector<1x128xi32>
    %rem3A_504 = arith.remsi %iota3A_12, %rem3A_503 : vector<1x128xi32>
    %ne3A_505 = arith.constant 0 : i32
    %ne3A_506 = vector.broadcast %ne3A_505 : i32 to vector<1x128xi32>
    %ne3A_507 = arith.cmpi ne, %rem3A_504, %ne3A_506 : vector<1x128xi32>
    %and3A_508 = arith.andi %ne3A_502, %ne3A_507 : vector<1x128xi1>
    %sub3A_509 = arith.constant 1 : i32
    %sub3A_510 = vector.broadcast %sub3A_509 : i32 to vector<1x128xi32>
    %sub3A_511 = arith.subi %div3A_484, %sub3A_510 : vector<1x128xi32>
    %select_n3A_512 = arith.select %and3A_508, %sub3A_511, %div3A_484 : vector<1x128xi1>, vector<1x128xi32>
    %ne3A_513 = arith.cmpi ne, %select_n3A_481, %select_n3A_512 : vector<1x128xi32>
    %and3A_514 = arith.andi %lt3A_459, %ne3A_513 : vector<1x128xi1>
    %gt3A_515 = arith.cmpf ogt, %dot_general3A_400, %dot_general3A_398 : vector<2048x128xf32>
    %eq3A_516 = arith.cmpf oeq, %dot_general3A_400, %dot_general3A_398 : vector<2048x128xf32>
    %gt3A_517 = arith.constant 0.000000e+00 : f32
    %gt3A_518 = vector.broadcast %gt3A_517 : f32 to vector<1x128xf32>
    %gt3A_519 = arith.cmpf ogt, %convert_element_type3A_456, %gt3A_518 : vector<1x128xf32>
    %and3A_520 = vector.broadcast %gt3A_519 : vector<1x128xi1> to vector<2048x128xi1>
    %and3A_521 = arith.andi %eq3A_516, %and3A_520 : vector<2048x128xi1>
    %or3A_522 = arith.ori %gt3A_515, %and3A_521 : vector<2048x128xi1>
    %jit3A_523 = arith.constant 1.000000e+00 : f32
    %jit3A_524 = arith.constant 0.000000e+00 : f32
    %broadcast_in_dim3A_525 = vector.broadcast %jit3A_523 : f32 to vector<2048x128xf32>
    %broadcast_in_dim3A_526 = vector.broadcast %jit3A_524 : f32 to vector<2048x128xf32>
    %select_n3A_527 = arith.select %or3A_522, %broadcast_in_dim3A_525, %broadcast_in_dim3A_526 : vector<2048x128xi1>, vector<2048x128xf32>
    %jit3A_528 = arith.constant 0.000000e+00 : f32
    %broadcast_in_dim3A_529 = vector.shape_cast %and3A_514 : vector<1x128xi1> to vector<1x128xi1>
    %broadcast_in_dim3A_530 = vector.broadcast %broadcast_in_dim3A_529 : vector<1x128xi1> to vector<2048x128xi1>
    %broadcast_in_dim3A_531 = vector.broadcast %jit3A_528 : f32 to vector<2048x128xf32>
    %select_n3A_532 = arith.select %broadcast_in_dim3A_530, %select_n3A_527, %broadcast_in_dim3A_531 : vector<2048x128xi1>, vector<2048x128xf32>
    %jit3A_533 = arith.constant 8 : i32
    %div3A_534 = vector.broadcast %jit3A_533 : i32 to vector<128x128xi32>
    %div3A_535 = arith.divsi %iota3A, %div3A_534 : vector<128x128xi32>
    %sign3A_536 = arith.constant 0 : i32
    %sign3A_537 = vector.broadcast %sign3A_536 : i32 to vector<128x128xi32>
    %sign3A_538 = arith.cmpi sgt, %iota3A, %sign3A_537 : vector<128x128xi32>
    %sign3A_539 = arith.extui %sign3A_538 : vector<128x128xi1> to vector<128x128xi32>
    %sign3A_540 = arith.constant 0 : i32
    %sign3A_541 = vector.broadcast %sign3A_540 : i32 to vector<128x128xi32>
    %sign3A_542 = arith.cmpi slt, %iota3A, %sign3A_541 : vector<128x128xi32>
    %sign3A_543 = arith.extui %sign3A_542 : vector<128x128xi1> to vector<128x128xi32>
    %sign3A_544 = arith.subi %sign3A_539, %sign3A_543 : vector<128x128xi32>
    %sign3A_545 = arith.constant 0 : i32
    %sign3A_546 = arith.cmpi sgt, %jit3A_533, %sign3A_545 : i32
    %sign3A_547 = arith.extui %sign3A_546 : i1 to i32
    %sign3A_548 = arith.constant 0 : i32
    %sign3A_549 = arith.cmpi slt, %jit3A_533, %sign3A_548 : i32
    %sign3A_550 = arith.extui %sign3A_549 : i1 to i32
    %sign3A_551 = arith.subi %sign3A_547, %sign3A_550 : i32
    %ne3A_552 = vector.broadcast %sign3A_551 : i32 to vector<128x128xi32>
    %ne3A_553 = arith.cmpi ne, %sign3A_544, %ne3A_552 : vector<128x128xi32>
    %rem3A_554 = vector.broadcast %jit3A_533 : i32 to vector<128x128xi32>
    %rem3A_555 = arith.remsi %iota3A, %rem3A_554 : vector<128x128xi32>
    %ne3A_556 = arith.constant 0 : i32
    %ne3A_557 = vector.broadcast %ne3A_556 : i32 to vector<128x128xi32>
    %ne3A_558 = arith.cmpi ne, %rem3A_555, %ne3A_557 : vector<128x128xi32>
    %and3A_559 = arith.andi %ne3A_553, %ne3A_558 : vector<128x128xi1>
    %sub3A_560 = arith.constant 1 : i32
    %sub3A_561 = vector.broadcast %sub3A_560 : i32 to vector<128x128xi32>
    %sub3A_562 = arith.subi %div3A_535, %sub3A_561 : vector<128x128xi32>
    %select_n3A_563 = arith.select %and3A_559, %sub3A_562, %div3A_535 : vector<128x128xi1>, vector<128x128xi32>
    %eq3A_564 = arith.cmpi eq, %select_n3A_563, %iota3A_11 : vector<128x128xi32>
    %convert_element_type3A_565 = arith.extui %eq3A_564 : vector<128x128xi1> to vector<128x128xi32>
    %convert_element_type3A_566 = arith.sitofp %convert_element_type3A_565 : vector<128x128xi32> to vector<128x128xf32>
    %lt3A_567 = arith.constant 64 : i32
    %lt3A_568 = vector.broadcast %lt3A_567 : i32 to vector<128x128xi32>
    %lt3A_569 = arith.cmpi slt, %iota3A, %lt3A_568 : vector<128x128xi32>
    %convert_element_type3A_570 = arith.extui %lt3A_569 : vector<128x128xi1> to vector<128x128xi32>
    %convert_element_type3A_571 = arith.sitofp %convert_element_type3A_570 : vector<128x128xi32> to vector<128x128xf32>
    %mul3A_572 = arith.mulf %convert_element_type3A_566, %convert_element_type3A_571 : vector<128x128xf32>
    %dot_general3A_573 = arith.constant dense<0.000000e+00> : vector<2048x128xf32>
    %dot_general3A_574 = tpu.matmul %select_n3A_532, %mul3A_572, %dot_general3A_573 {dimension_numbers = #tpu.dot_dimension_numbers<[1], [0], [0], [1], [0, 0, 1, 1], [], []>, precision = #tpu.contract_precision<fp32>, transpose_lhs_hint = false} : vector<2048x128xf32>, vector<128x128xf32>, vector<2048x128xf32> -> vector<2048x128xf32>
    %lt3A_575 = arith.constant 2.000000e+00 : f32
    %lt3A_576 = vector.broadcast %lt3A_575 : f32 to vector<2048x128xf32>
    %lt3A_577 = arith.cmpf olt, %dot_general3A_574, %lt3A_576 : vector<2048x128xf32>
    %lt3A_578 = arith.constant 8 : i32
    %lt3A_579 = vector.broadcast %lt3A_578 : i32 to vector<1x128xi32>
    %lt3A_580 = arith.cmpi slt, %iota3A_12, %lt3A_579 : vector<1x128xi32>
    %and3A_581 = vector.broadcast %lt3A_580 : vector<1x128xi1> to vector<2048x128xi1>
    %and3A_582 = arith.andi %lt3A_577, %and3A_581 : vector<2048x128xi1>
    %jit3A_583 = arith.constant 1.000000e+00 : f32
    %jit3A_584 = arith.constant 0.000000e+00 : f32
    %broadcast_in_dim3A_585 = vector.broadcast %jit3A_583 : f32 to vector<2048x128xf32>
    %broadcast_in_dim3A_586 = vector.broadcast %jit3A_584 : f32 to vector<2048x128xf32>
    %select_n3A_587 = arith.select %and3A_582, %broadcast_in_dim3A_585, %broadcast_in_dim3A_586 : vector<2048x128xi1>, vector<2048x128xf32>
    %mul3A_588 = arith.mulf %select_n3A_587, %logistic3A_6 : vector<2048x128xf32>
    %lt3A_589 = arith.constant 8 : i32
    %lt3A_590 = vector.broadcast %lt3A_589 : i32 to vector<128x128xi32>
    %lt3A_591 = arith.cmpi slt, %iota3A, %lt3A_590 : vector<128x128xi32>
    %lt3A_592 = arith.constant 8 : i32
    %lt3A_593 = vector.broadcast %lt3A_592 : i32 to vector<128x128xi32>
    %lt3A_594 = arith.cmpi slt, %iota3A_11, %lt3A_593 : vector<128x128xi32>
    %and3A_595 = arith.andi %lt3A_591, %lt3A_594 : vector<128x128xi1>
    %convert_element_type3A_596 = arith.extui %and3A_595 : vector<128x128xi1> to vector<128x128xi32>
    %convert_element_type3A_597 = arith.sitofp %convert_element_type3A_596 : vector<128x128xi32> to vector<128x128xf32>
    %dot_general3A_598 = arith.constant dense<0.000000e+00> : vector<2048x128xf32>
    %dot_general3A_599 = tpu.matmul %mul3A_588, %convert_element_type3A_597, %dot_general3A_598 {dimension_numbers = #tpu.dot_dimension_numbers<[1], [0], [0], [1], [0, 0, 1, 1], [], []>, precision = #tpu.contract_precision<fp32>, transpose_lhs_hint = false} : vector<2048x128xf32>, vector<128x128xf32>, vector<2048x128xf32> -> vector<2048x128xf32>
    %add3A_600 = arith.constant 9.99999968E-21 : f32
    %add3A_601 = vector.broadcast %add3A_600 : f32 to vector<2048x128xf32>
    %add3A_602 = arith.addf %dot_general3A_599, %add3A_601 : vector<2048x128xf32>
    %div3A_603 = arith.constant 2.500000e+00 : f32
    %div3A_604 = vector.broadcast %div3A_603 : f32 to vector<2048x128xf32>
    %div3A_605 = arith.divf %div3A_604, %add3A_602 : vector<2048x128xf32>
    %mul3A_606 = arith.mulf %mul3A_588, %div3A_605 : vector<2048x128xf32>
    %iota3A_607 = tpu.iota {dimensions = array<i32: 0>} : vector<2048x2048xi32>
    %iota3A_608 = tpu.iota {dimensions = array<i32: 1>} : vector<2048x2048xi32>
    %lt3A_609 = arith.cmpi slt, %iota3A_608, %iota3A_607 : vector<2048x2048xi32>
    %convert_element_type3A_610 = arith.extui %lt3A_609 : vector<2048x2048xi1> to vector<2048x2048xi32>
    %convert_element_type3A_611 = arith.sitofp %convert_element_type3A_610 : vector<2048x2048xi32> to vector<2048x2048xf32>
    %convert_element_type3A_612 = arith.truncf %convert_element_type3A_611 : vector<2048x2048xf32> to vector<2048x2048xbf16>
    %convert_element_type3A_613 = arith.truncf %select_n3A_587 : vector<2048x128xf32> to vector<2048x128xbf16>
    %dot_general3A_614 = arith.constant dense<0.000000e+00> : vector<2048x128xf32>
    %dot_general3A_615 = tpu.matmul %convert_element_type3A_612, %convert_element_type3A_613, %dot_general3A_614 {dimension_numbers = #tpu.dot_dimension_numbers<[1], [0], [0], [1], [0, 0, 1, 1], [], []>, transpose_lhs_hint = false} : vector<2048x2048xbf16>, vector<2048x128xbf16>, vector<2048x128xf32> -> vector<2048x128xf32>
    %reduce_sum3A = arith.constant dense<0.000000e+00> : vector<128xf32>
    %reduce_sum3A_616 = vector.multi_reduction <add>, %select_n3A_587, %reduce_sum3A [0] : vector<2048x128xf32> to vector<128xf32>
    %broadcast_in_dim3A_617 = vector.shape_cast %reduce_sum3A_616 : vector<128xf32> to vector<1x128xf32>
    %mul3A_618 = arith.constant 0.001953125 : f32
    %mul3A_619 = vector.broadcast %mul3A_618 : f32 to vector<1x128xf32>
    %mul3A_620 = arith.mulf %broadcast_in_dim3A_617, %mul3A_619 : vector<1x128xf32>
    %ceil3A = math.ceil %mul3A_620 : vector<1x128xf32>
    %mul3A_621 = arith.constant 5.120000e+02 : f32
    %mul3A_622 = vector.broadcast %mul3A_621 : f32 to vector<1x128xf32>
    %mul3A_623 = arith.mulf %ceil3A, %mul3A_622 : vector<1x128xf32>
    %le3A = arith.cmpi sle, %iota3A, %iota3A_11 : vector<128x128xi32>
    %lt3A_624 = arith.constant 8 : i32
    %lt3A_625 = vector.broadcast %lt3A_624 : i32 to vector<128x128xi32>
    %lt3A_626 = arith.cmpi slt, %iota3A, %lt3A_625 : vector<128x128xi32>
    %and3A_627 = arith.andi %le3A, %lt3A_626 : vector<128x128xi1>
    %convert_element_type3A_628 = arith.extui %and3A_627 : vector<128x128xi1> to vector<128x128xi32>
    %convert_element_type3A_629 = arith.sitofp %convert_element_type3A_628 : vector<128x128xi32> to vector<128x128xf32>
    %dot_general3A_630 = arith.constant dense<0.000000e+00> : vector<1x128xf32>
    %dot_general3A_631 = tpu.matmul %mul3A_623, %convert_element_type3A_629, %dot_general3A_630 {dimension_numbers = #tpu.dot_dimension_numbers<[1], [0], [0], [1], [0, 0, 1, 1], [], []>, precision = #tpu.contract_precision<fp32>, transpose_lhs_hint = false} : vector<1x128xf32>, vector<128x128xf32>, vector<1x128xf32> -> vector<1x128xf32>
    %sub3A_632 = arith.subf %dot_general3A_631, %mul3A_623 : vector<1x128xf32>
    %add3A_633 = vector.broadcast %sub3A_632 : vector<1x128xf32> to vector<2048x128xf32>
    %add3A_634 = arith.addf %add3A_633, %dot_general3A_615 : vector<2048x128xf32>
    %convert_element_type3A_635 = arith.sitofp %iota3A_12 : vector<1x128xi32> to vector<1x128xf32>
    %gt3A_636 = arith.constant 0.000000e+00 : f32
    %gt3A_637 = vector.broadcast %gt3A_636 : f32 to vector<2048x128xf32>
    %gt3A_638 = arith.cmpf ogt, %select_n3A_587, %gt3A_637 : vector<2048x128xf32>
    %jit3A_639 = arith.constant 1.000000e+09 : f32
    %broadcast_in_dim3A_640 = vector.shape_cast %convert_element_type3A_635 : vector<1x128xf32> to vector<1x128xf32>
    %broadcast_in_dim3A_641 = vector.broadcast %broadcast_in_dim3A_640 : vector<1x128xf32> to vector<2048x128xf32>
    %broadcast_in_dim3A_642 = vector.broadcast %jit3A_639 : f32 to vector<2048x128xf32>
    %select_n3A_643 = arith.select %gt3A_638, %broadcast_in_dim3A_641, %broadcast_in_dim3A_642 : vector<2048x128xi1>, vector<2048x128xf32>
    %reduce_min3A = arith.constant dense<0x7F800000> : vector<2048xf32>
    %reduce_min3A_644 = vector.multi_reduction <minimumf>, %select_n3A_643, %reduce_min3A [1] : vector<2048x128xf32> to vector<2048xf32>
    %broadcast_in_dim3A_645 = vector.shape_cast %reduce_min3A_644 : vector<2048xf32> to vector<2048x1xf32>
    %gt3A_646 = arith.constant 0.000000e+00 : f32
    %gt3A_647 = vector.broadcast %gt3A_646 : f32 to vector<2048x128xf32>
    %gt3A_648 = arith.cmpf ogt, %select_n3A_587, %gt3A_647 : vector<2048x128xf32>
    %jit3A_649 = arith.constant -1.000000e+00 : f32
    %broadcast_in_dim3A_650 = vector.shape_cast %convert_element_type3A_635 : vector<1x128xf32> to vector<1x128xf32>
    %broadcast_in_dim3A_651 = vector.broadcast %broadcast_in_dim3A_650 : vector<1x128xf32> to vector<2048x128xf32>
    %broadcast_in_dim3A_652 = vector.broadcast %jit3A_649 : f32 to vector<2048x128xf32>
    %select_n3A_653 = arith.select %gt3A_648, %broadcast_in_dim3A_651, %broadcast_in_dim3A_652 : vector<2048x128xi1>, vector<2048x128xf32>
    %reduce_max3A = arith.constant dense<0xFF800000> : vector<2048xf32>
    %reduce_max3A_654 = vector.multi_reduction <maximumf>, %select_n3A_653, %reduce_max3A [1] : vector<2048x128xf32> to vector<2048xf32>
    %broadcast_in_dim3A_655 = vector.shape_cast %reduce_max3A_654 : vector<2048xf32> to vector<2048x1xf32>
    %eq3A_656 = vector.broadcast %convert_element_type3A_635 : vector<1x128xf32> to vector<2048x128xf32>
    %eq3A_657 = vector.broadcast %broadcast_in_dim3A_645 : vector<2048x1xf32> to vector<2048x128xf32>
    %eq3A_658 = arith.cmpf oeq, %eq3A_656, %eq3A_657 : vector<2048x128xf32>
    %convert_element_type3A_659 = arith.extui %eq3A_658 : vector<2048x128xi1> to vector<2048x128xi32>
    %convert_element_type3A_660 = arith.sitofp %convert_element_type3A_659 : vector<2048x128xi32> to vector<2048x128xf32>
    %eq3A_661 = vector.broadcast %convert_element_type3A_635 : vector<1x128xf32> to vector<2048x128xf32>
    %eq3A_662 = vector.broadcast %broadcast_in_dim3A_655 : vector<2048x1xf32> to vector<2048x128xf32>
    %eq3A_663 = arith.cmpf oeq, %eq3A_661, %eq3A_662 : vector<2048x128xf32>
    %convert_element_type3A_664 = arith.extui %eq3A_663 : vector<2048x128xi1> to vector<2048x128xi32>
    %convert_element_type3A_665 = arith.sitofp %convert_element_type3A_664 : vector<2048x128xi32> to vector<2048x128xf32>
    %mul3A_666 = arith.mulf %add3A_634, %convert_element_type3A_660 : vector<2048x128xf32>
    %reduce_sum3A_667 = arith.constant dense<0.000000e+00> : vector<2048xf32>
    %reduce_sum3A_668 = vector.multi_reduction <add>, %mul3A_666, %reduce_sum3A_667 [1] : vector<2048x128xf32> to vector<2048xf32>
    %broadcast_in_dim3A_669 = vector.shape_cast %reduce_sum3A_668 : vector<2048xf32> to vector<2048x1xf32>
    %mul3A_670 = arith.mulf %add3A_634, %convert_element_type3A_665 : vector<2048x128xf32>
    %reduce_sum3A_671 = arith.constant dense<0.000000e+00> : vector<2048xf32>
    %reduce_sum3A_672 = vector.multi_reduction <add>, %mul3A_670, %reduce_sum3A_671 [1] : vector<2048x128xf32> to vector<2048xf32>
    %broadcast_in_dim3A_673 = vector.shape_cast %reduce_sum3A_672 : vector<2048xf32> to vector<2048x1xf32>
    %mul3A_674 = arith.mulf %mul3A_606, %convert_element_type3A_660 : vector<2048x128xf32>
    %reduce_sum3A_675 = arith.constant dense<0.000000e+00> : vector<2048xf32>
    %reduce_sum3A_676 = vector.multi_reduction <add>, %mul3A_674, %reduce_sum3A_675 [1] : vector<2048x128xf32> to vector<2048xf32>
    %broadcast_in_dim3A_677 = vector.shape_cast %reduce_sum3A_676 : vector<2048xf32> to vector<2048x1xf32>
    %mul3A_678 = arith.mulf %mul3A_606, %convert_element_type3A_665 : vector<2048x128xf32>
    %reduce_sum3A_679 = arith.constant dense<0.000000e+00> : vector<2048xf32>
    %reduce_sum3A_680 = vector.multi_reduction <add>, %mul3A_678, %reduce_sum3A_679 [1] : vector<2048x128xf32> to vector<2048xf32>
    %broadcast_in_dim3A_681 = vector.shape_cast %reduce_sum3A_680 : vector<2048xf32> to vector<2048x1xf32>
    %eq3A_682 = arith.constant 0 : i32
    %eq3A_683 = vector.broadcast %eq3A_682 : i32 to vector<1x128xi32>
    %eq3A_684 = arith.cmpi eq, %iota3A_12, %eq3A_683 : vector<1x128xi32>
    %convert_element_type3A_685 = arith.extui %eq3A_684 : vector<1x128xi1> to vector<1x128xi32>
    %convert_element_type3A_686 = arith.sitofp %convert_element_type3A_685 : vector<1x128xi32> to vector<1x128xf32>
    %mul3A_687 = vector.broadcast %broadcast_in_dim3A_669 : vector<2048x1xf32> to vector<2048x128xf32>
    %mul3A_688 = vector.broadcast %convert_element_type3A_686 : vector<1x128xf32> to vector<2048x128xf32>
    %mul3A_689 = arith.mulf %mul3A_687, %mul3A_688 : vector<2048x128xf32>
    %eq3A_690 = arith.constant 1 : i32
    %eq3A_691 = vector.broadcast %eq3A_690 : i32 to vector<1x128xi32>
    %eq3A_692 = arith.cmpi eq, %iota3A_12, %eq3A_691 : vector<1x128xi32>
    %convert_element_type3A_693 = arith.extui %eq3A_692 : vector<1x128xi1> to vector<1x128xi32>
    %convert_element_type3A_694 = arith.sitofp %convert_element_type3A_693 : vector<1x128xi32> to vector<1x128xf32>
    %mul3A_695 = vector.broadcast %broadcast_in_dim3A_673 : vector<2048x1xf32> to vector<2048x128xf32>
    %mul3A_696 = vector.broadcast %convert_element_type3A_694 : vector<1x128xf32> to vector<2048x128xf32>
    %mul3A_697 = arith.mulf %mul3A_695, %mul3A_696 : vector<2048x128xf32>
    %add3A_698 = arith.addf %mul3A_689, %mul3A_697 : vector<2048x128xf32>
    %eq3A_699 = arith.constant 2 : i32
    %eq3A_700 = vector.broadcast %eq3A_699 : i32 to vector<1x128xi32>
    %eq3A_701 = arith.cmpi eq, %iota3A_12, %eq3A_700 : vector<1x128xi32>
    %convert_element_type3A_702 = arith.extui %eq3A_701 : vector<1x128xi1> to vector<1x128xi32>
    %convert_element_type3A_703 = arith.sitofp %convert_element_type3A_702 : vector<1x128xi32> to vector<1x128xf32>
    %mul3A_704 = vector.broadcast %broadcast_in_dim3A_677 : vector<2048x1xf32> to vector<2048x128xf32>
    %mul3A_705 = vector.broadcast %convert_element_type3A_703 : vector<1x128xf32> to vector<2048x128xf32>
    %mul3A_706 = arith.mulf %mul3A_704, %mul3A_705 : vector<2048x128xf32>
    %add3A_707 = arith.addf %add3A_698, %mul3A_706 : vector<2048x128xf32>
    %eq3A_708 = arith.constant 3 : i32
    %eq3A_709 = vector.broadcast %eq3A_708 : i32 to vector<1x128xi32>
    %eq3A_710 = arith.cmpi eq, %iota3A_12, %eq3A_709 : vector<1x128xi32>
    %convert_element_type3A_711 = arith.extui %eq3A_710 : vector<1x128xi1> to vector<1x128xi32>
    %convert_element_type3A_712 = arith.sitofp %convert_element_type3A_711 : vector<1x128xi32> to vector<1x128xf32>
    %mul3A_713 = vector.broadcast %broadcast_in_dim3A_681 : vector<2048x1xf32> to vector<2048x128xf32>
    %mul3A_714 = vector.broadcast %convert_element_type3A_712 : vector<1x128xf32> to vector<2048x128xf32>
    %mul3A_715 = arith.mulf %mul3A_713, %mul3A_714 : vector<2048x128xf32>
    %add3A_716 = arith.addf %add3A_707, %mul3A_715 : vector<2048x128xf32>
    %swap3A = arith.constant 0 : index
    %swap3A_717 = arith.constant 0 : index
    %swap3A_718 = vector.load %arg3[%swap3A, %swap3A_717] : memref<2048x128xf32, #tpu.memory_space<vmem>>, vector<2048x128xf32>
    tpu.vector_store %arg3[%swap3A, %swap3A_717], %add3A_716 {strides = array<i32>} : memref<2048x128xf32, #tpu.memory_space<vmem>>, vector<2048x128xf32>,
    %mul3A_719 = arith.constant 5.120000e+02 : f32
    %mul3A_720 = vector.broadcast %mul3A_719 : f32 to vector<1x128xf32>
    %mul3A_721 = arith.mulf %convert_element_type3A_635, %mul3A_720 : vector<1x128xf32>
    %broadcast_in_dim3A_722 = arith.constant 0.000000e+00 : f32
    %broadcast_in_dim3A_723 = vector.broadcast %broadcast_in_dim3A_722 : f32 to vector<1x128xf32>
    %slice3A = vector.extract_strided_slice %dot_general3A_631 {offsets = [0, 0], sizes = [1, 1], strides = [1, 1]} : vector<1x128xf32> to vector<1x1xf32>
    %ge3A = vector.broadcast %slice3A : vector<1x1xf32> to vector<1x128xf32>
    %ge3A_724 = arith.cmpf oge, %mul3A_721, %ge3A : vector<1x128xf32>
    %convert_element_type3A_725 = arith.extui %ge3A_724 : vector<1x128xi1> to vector<1x128xi32>
    %convert_element_type3A_726 = arith.sitofp %convert_element_type3A_725 : vector<1x128xi32> to vector<1x128xf32>
    %add3A_727 = arith.addf %broadcast_in_dim3A_723, %convert_element_type3A_726 : vector<1x128xf32>
    %slice3A_728 = vector.extract_strided_slice %dot_general3A_631 {offsets = [0, 1], sizes = [1, 1], strides = [1, 1]} : vector<1x128xf32> to vector<1x1xf32>
    %ge3A_729 = vector.broadcast %slice3A_728 : vector<1x1xf32> to vector<1x128xf32>
    %ge3A_730 = arith.cmpf oge, %mul3A_721, %ge3A_729 : vector<1x128xf32>
    %convert_element_type3A_731 = arith.extui %ge3A_730 : vector<1x128xi1> to vector<1x128xi32>
    %convert_element_type3A_732 = arith.sitofp %convert_element_type3A_731 : vector<1x128xi32> to vector<1x128xf32>
    %add3A_733 = arith.addf %add3A_727, %convert_element_type3A_732 : vector<1x128xf32>
    %slice3A_734 = vector.extract_strided_slice %dot_general3A_631 {offsets = [0, 2], sizes = [1, 1], strides = [1, 1]} : vector<1x128xf32> to vector<1x1xf32>
    %ge3A_735 = vector.broadcast %slice3A_734 : vector<1x1xf32> to vector<1x128xf32>
    %ge3A_736 = arith.cmpf oge, %mul3A_721, %ge3A_735 : vector<1x128xf32>
    %convert_element_type3A_737 = arith.extui %ge3A_736 : vector<1x128xi1> to vector<1x128xi32>
    %convert_element_type3A_738 = arith.sitofp %convert_element_type3A_737 : vector<1x128xi32> to vector<1x128xf32>
    %add3A_739 = arith.addf %add3A_733, %convert_element_type3A_738 : vector<1x128xf32>
    %slice3A_740 = vector.extract_strided_slice %dot_general3A_631 {offsets = [0, 3], sizes = [1, 1], strides = [1, 1]} : vector<1x128xf32> to vector<1x1xf32>
    %ge3A_741 = vector.broadcast %slice3A_740 : vector<1x1xf32> to vector<1x128xf32>
    %ge3A_742 = arith.cmpf oge, %mul3A_721, %ge3A_741 : vector<1x128xf32>
    %convert_element_type3A_743 = arith.extui %ge3A_742 : vector<1x128xi1> to vector<1x128xi32>
    %convert_element_type3A_744 = arith.sitofp %convert_element_type3A_743 : vector<1x128xi32> to vector<1x128xf32>
    %add3A_745 = arith.addf %add3A_739, %convert_element_type3A_744 : vector<1x128xf32>
    %slice3A_746 = vector.extract_strided_slice %dot_general3A_631 {offsets = [0, 4], sizes = [1, 1], strides = [1, 1]} : vector<1x128xf32> to vector<1x1xf32>
    %ge3A_747 = vector.broadcast %slice3A_746 : vector<1x1xf32> to vector<1x128xf32>
    %ge3A_748 = arith.cmpf oge, %mul3A_721, %ge3A_747 : vector<1x128xf32>
    %convert_element_type3A_749 = arith.extui %ge3A_748 : vector<1x128xi1> to vector<1x128xi32>
    %convert_element_type3A_750 = arith.sitofp %convert_element_type3A_749 : vector<1x128xi32> to vector<1x128xf32>
    %add3A_751 = arith.addf %add3A_745, %convert_element_type3A_750 : vector<1x128xf32>
    %slice3A_752 = vector.extract_strided_slice %dot_general3A_631 {offsets = [0, 5], sizes = [1, 1], strides = [1, 1]} : vector<1x128xf32> to vector<1x1xf32>
    %ge3A_753 = vector.broadcast %slice3A_752 : vector<1x1xf32> to vector<1x128xf32>
    %ge3A_754 = arith.cmpf oge, %mul3A_721, %ge3A_753 : vector<1x128xf32>
    %convert_element_type3A_755 = arith.extui %ge3A_754 : vector<1x128xi1> to vector<1x128xi32>
    %convert_element_type3A_756 = arith.sitofp %convert_element_type3A_755 : vector<1x128xi32> to vector<1x128xf32>
    %add3A_757 = arith.addf %add3A_751, %convert_element_type3A_756 : vector<1x128xf32>
    %slice3A_758 = vector.extract_strided_slice %dot_general3A_631 {offsets = [0, 6], sizes = [1, 1], strides = [1, 1]} : vector<1x128xf32> to vector<1x1xf32>
    %ge3A_759 = vector.broadcast %slice3A_758 : vector<1x1xf32> to vector<1x128xf32>
    %ge3A_760 = arith.cmpf oge, %mul3A_721, %ge3A_759 : vector<1x128xf32>
    %convert_element_type3A_761 = arith.extui %ge3A_760 : vector<1x128xi1> to vector<1x128xi32>
    %convert_element_type3A_762 = arith.sitofp %convert_element_type3A_761 : vector<1x128xi32> to vector<1x128xf32>
    %add3A_763 = arith.addf %add3A_757, %convert_element_type3A_762 : vector<1x128xf32>
    %slice3A_764 = vector.extract_strided_slice %dot_general3A_631 {offsets = [0, 7], sizes = [1, 1], strides = [1, 1]} : vector<1x128xf32> to vector<1x1xf32>
    %ge3A_765 = vector.broadcast %slice3A_764 : vector<1x1xf32> to vector<1x128xf32>
    %ge3A_766 = arith.cmpf oge, %mul3A_721, %ge3A_765 : vector<1x128xf32>
    %convert_element_type3A_767 = arith.extui %ge3A_766 : vector<1x128xi1> to vector<1x128xi32>
    %convert_element_type3A_768 = arith.sitofp %convert_element_type3A_767 : vector<1x128xi32> to vector<1x128xf32>
    %add3A_769 = arith.addf %add3A_763, %convert_element_type3A_768 : vector<1x128xf32>
    %slice3A_770 = vector.extract_strided_slice %dot_general3A_631 {offsets = [0, 7], sizes = [1, 1], strides = [1, 1]} : vector<1x128xf32> to vector<1x1xf32>
    %iota3A_771 = tpu.iota {dimensions = array<i32: 0>} : vector<8x128xi32>
    %eq3A_772 = arith.constant 0 : i32
    %eq3A_773 = vector.broadcast %eq3A_772 : i32 to vector<8x128xi32>
    %eq3A_774 = arith.cmpi eq, %iota3A_771, %eq3A_773 : vector<8x128xi32>
    %min3A = arith.constant 7.000000e+00 : f32
    %min3A_775 = vector.broadcast %min3A : f32 to vector<1x128xf32>
    %min3A_776 = arith.minimumf %add3A_769, %min3A_775 : vector<1x128xf32>
    %eq3A_777 = arith.constant 1 : i32
    %eq3A_778 = vector.broadcast %eq3A_777 : i32 to vector<8x128xi32>
    %eq3A_779 = arith.cmpi eq, %iota3A_771, %eq3A_778 : vector<8x128xi32>
    %lt3A_780 = vector.broadcast %slice3A_770 : vector<1x1xf32> to vector<1x128xf32>
    %lt3A_781 = arith.cmpf olt, %mul3A_721, %lt3A_780 : vector<1x128xf32>
    %convert_element_type3A_782 = arith.extui %lt3A_781 : vector<1x128xi1> to vector<1x128xi32>
    %convert_element_type3A_783 = arith.sitofp %convert_element_type3A_782 : vector<1x128xi32> to vector<1x128xf32>
    %jit3A_784 = arith.constant 0.000000e+00 : f32
    %broadcast_in_dim3A_785 = vector.shape_cast %convert_element_type3A_783 : vector<1x128xf32> to vector<1x128xf32>
    %broadcast_in_dim3A_786 = vector.broadcast %broadcast_in_dim3A_785 : vector<1x128xf32> to vector<8x128xf32>
    %broadcast_in_dim3A_787 = vector.broadcast %jit3A_784 : f32 to vector<8x128xf32>
    %select_n3A_788 = arith.select %eq3A_779, %broadcast_in_dim3A_786, %broadcast_in_dim3A_787 : vector<8x128xi1>, vector<8x128xf32>
    %broadcast_in_dim3A_789 = vector.shape_cast %min3A_776 : vector<1x128xf32> to vector<1x128xf32>
    %broadcast_in_dim3A_790 = vector.broadcast %broadcast_in_dim3A_789 : vector<1x128xf32> to vector<8x128xf32>
    %select_n3A_791 = arith.select %eq3A_774, %broadcast_in_dim3A_790, %select_n3A_788 : vector<8x128xi1>, vector<8x128xf32>
    %swap3A_792 = arith.constant 0 : index
    %swap3A_793 = arith.constant 0 : index
    %swap3A_794 = vector.load %arg4[%swap3A_792, %swap3A_793] : memref<8x128xf32, #tpu.memory_space<vmem>>, vector<8x128xf32>
    tpu.vector_store %arg4[%swap3A_792, %swap3A_793], %select_n3A_791 {strides = array<i32>} : memref<8x128xf32, #tpu.memory_space<vmem>>, vector<8x128xf32>,
    %get3A_795 = arith.constant 0 : index
    %get3A_796 = arith.constant 0 : index
    %get3A_797 = vector.load %arg2[%get3A_795, %get3A_796] : memref<2048x1024xf32, #tpu.memory_space<vmem>>, vector<2048x1024xf32>
    %slice3A_798 = vector.extract_strided_slice %get3A_797 {offsets = [0, 0], sizes = [2048, 512], strides = [1, 1]} : vector<2048x1024xf32> to vector<2048x512xf32>
    %convert_element_type3A_799 = arith.truncf %slice3A_798 : vector<2048x512xf32> to vector<2048x512xbf16>
    %slice3A_800 = vector.extract_strided_slice %get3A_797 {offsets = [0, 512], sizes = [2048, 512], strides = [1, 1]} : vector<2048x1024xf32> to vector<2048x512xf32>
    %convert_element_type3A_801 = arith.truncf %slice3A_800 : vector<2048x512xf32> to vector<2048x512xbf16>
    %bitcast_convert_type3A = tpu.bitcast %convert_element_type3A_799 : vector<2048x512xbf16> -> vector<2048x512xi16>
    %convert_element_type3A_802 = arith.extui %bitcast_convert_type3A : vector<2048x512xi16> to vector<2048x512xi32>
    %bitcast_convert_type3A_803 = tpu.bitcast %convert_element_type3A_801 : vector<2048x512xbf16> -> vector<2048x512xi16>
    %convert_element_type3A_804 = arith.extui %bitcast_convert_type3A_803 : vector<2048x512xi16> to vector<2048x512xi32>
    %shift_left3A = arith.constant 16 : i32
    %shift_left3A_805 = vector.broadcast %shift_left3A : i32 to vector<2048x512xi32>
    %shift_left3A_806 = arith.shli %convert_element_type3A_804, %shift_left3A_805 : vector<2048x512xi32>
    %or3A_807 = arith.ori %convert_element_type3A_802, %shift_left3A_806 : vector<2048x512xi32>
    %bitcast_convert_type3A_808 = tpu.bitcast %or3A_807 : vector<2048x512xi32> -> vector<2048x512xi32>
    %swap3A_809 = arith.constant 0 : index
    %swap3A_810 = arith.constant 0 : index
    %swap3A_811 = vector.load %arg5[%swap3A_809, %swap3A_810] : memref<2048x512xi32, #tpu.memory_space<vmem>>, vector<2048x512xi32>
    tpu.vector_store %arg5[%swap3A_809, %swap3A_810], %bitcast_convert_type3A_808 {strides = array<i32>} : memref<2048x512xi32, #tpu.memory_space<vmem>>, vector<2048x512xi32>,
    return
  }
}

module attributes {stable_mosaic.version = 14 : i64} {
  func.func @_routed_kernel(%arg0: i32, %arg1: memref<16xi32, #tpu.memory_space<smem>>, %arg2: memref<16xi32, #tpu.memory_space<smem>>, %arg3: memref<512x256xi32, #tpu.memory_space<vmem>>, %arg4: memref<512x256xi32, #tpu.memory_space<vmem>>, %arg5: memref<1x1024x512xf32, #tpu.memory_space<vmem>>, %arg6: memref<1x1024x512xf32, #tpu.memory_space<vmem>>, %arg7: memref<1x512x1024xf32, #tpu.memory_space<vmem>>, %arg8: memref<512x256xi32, #tpu.memory_space<vmem>>, %arg9: memref<512x256xi32, #tpu.memory_space<vmem>>, %arg10: memref<1024x512xbf16, #tpu.memory_space<vmem>>, %arg11: memref<1024x512xbf16, #tpu.memory_space<vmem>>, %arg12: memref<512x1024xbf16, #tpu.memory_space<vmem>>, %arg13: memref<512x1024xbf16, #tpu.memory_space<vmem>>) attributes {dimension_semantics = [#tpu.dimension_semantics<arbitrary>], iteration_bounds = array<i64: 16>, scalar_prefetch = 2 : i64, scratch_operands = 4 : i64, tpu.core_type = #tpu.core_type<tc>, window_params = [{transform_indices = @transform_0, window_bounds = array<i64: 512, 256>}, {transform_indices = @transform_1, window_bounds = array<i64: 512, 256>}, {transform_indices = @transform_2, window_bounds = array<i64: 1, 1024, 512>}, {transform_indices = @transform_3, window_bounds = array<i64: 1, 1024, 512>}, {transform_indices = @transform_4, window_bounds = array<i64: 1, 512, 1024>}, {transform_indices = @transform_5, window_bounds = array<i64: 512, 256>}, {transform_indices = @transform_6, window_bounds = array<i64: 512, 256>}]} {
    %eq3A = arith.constant 0 : i32
    %eq3A_0 = arith.cmpi eq, %arg0, %eq3A : i32
    %get3A = arith.index_cast %arg0 : i32 to index
    %get3A_1 = memref.load %arg1[%get3A] : memref<16xi32, #tpu.memory_space<smem>>
    %sub3A = arith.constant 1 : i32
    %sub3A_2 = arith.subi %arg0, %sub3A : i32
    %max3A = arith.constant 0 : i32
    %max3A_3 = arith.maxsi %sub3A_2, %max3A : i32
    %get3A_4 = arith.index_cast %max3A_3 : i32 to index
    %get3A_5 = memref.load %arg1[%get3A_4] : memref<16xi32, #tpu.memory_space<smem>>
    %ne3A = arith.cmpi ne, %get3A_1, %get3A_5 : i32
    %or3A = arith.ori %eq3A_0, %ne3A : i1
    %convert_element_type3A = arith.extui %or3A : i1 to i32
    %cond3A = arith.constant 0 : i32
    %cond3A_6 = arith.cmpi ne, %convert_element_type3A, %cond3A : i32
    scf.if %cond3A_6 {
      %get3A_14 = arith.constant 0 : index
      %get3A_15 = arith.constant 0 : index
      %get3A_16 = arith.constant 0 : index
      %get3A_17 = vector.load %arg5[%get3A_14, %get3A_15, %get3A_16] : memref<1x1024x512xf32, #tpu.memory_space<vmem>>, vector<1x1024x512xf32>
      %get3A_18 = vector.shape_cast %get3A_17 : vector<1x1024x512xf32> to vector<1024x512xf32>
      %convert_element_type3A_19 = arith.truncf %get3A_18 : vector<1024x512xf32> to vector<1024x512xbf16>
      %swap3A = arith.constant 0 : index
      %swap3A_20 = arith.constant 0 : index
      %swap3A_21 = vector.load %arg10[%swap3A, %swap3A_20] : memref<1024x512xbf16, #tpu.memory_space<vmem>>, vector<1024x512xbf16>
      tpu.vector_store %arg10[%swap3A, %swap3A_20], %convert_element_type3A_19 {strides = array<i32>} : memref<1024x512xbf16, #tpu.memory_space<vmem>>, vector<1024x512xbf16>,
      %get3A_22 = arith.constant 0 : index
      %get3A_23 = arith.constant 0 : index
      %get3A_24 = arith.constant 0 : index
      %get3A_25 = vector.load %arg6[%get3A_22, %get3A_23, %get3A_24] : memref<1x1024x512xf32, #tpu.memory_space<vmem>>, vector<1x1024x512xf32>
      %get3A_26 = vector.shape_cast %get3A_25 : vector<1x1024x512xf32> to vector<1024x512xf32>
      %convert_element_type3A_27 = arith.truncf %get3A_26 : vector<1024x512xf32> to vector<1024x512xbf16>
      %swap3A_28 = arith.constant 0 : index
      %swap3A_29 = arith.constant 0 : index
      %swap3A_30 = vector.load %arg11[%swap3A_28, %swap3A_29] : memref<1024x512xbf16, #tpu.memory_space<vmem>>, vector<1024x512xbf16>
      tpu.vector_store %arg11[%swap3A_28, %swap3A_29], %convert_element_type3A_27 {strides = array<i32>} : memref<1024x512xbf16, #tpu.memory_space<vmem>>, vector<1024x512xbf16>,
      %get3A_31 = arith.constant 0 : index
      %get3A_32 = arith.constant 0 : index
      %get3A_33 = arith.constant 0 : index
      %get3A_34 = vector.load %arg7[%get3A_31, %get3A_32, %get3A_33] : memref<1x512x1024xf32, #tpu.memory_space<vmem>>, vector<1x512x1024xf32>
      %get3A_35 = vector.shape_cast %get3A_34 : vector<1x512x1024xf32> to vector<512x1024xf32>
      %convert_element_type3A_36 = arith.truncf %get3A_35 : vector<512x1024xf32> to vector<512x1024xbf16>
      %swap3A_37 = arith.constant 0 : index
      %swap3A_38 = arith.constant 0 : index
      %swap3A_39 = vector.load %arg12[%swap3A_37, %swap3A_38] : memref<512x1024xbf16, #tpu.memory_space<vmem>>, vector<512x1024xbf16>
      tpu.vector_store %arg12[%swap3A_37, %swap3A_38], %convert_element_type3A_36 {strides = array<i32>} : memref<512x1024xbf16, #tpu.memory_space<vmem>>, vector<512x1024xbf16>,
    } else {
    }
    %get3A_7 = arith.index_cast %arg0 : i32 to index
    %get3A_8 = memref.load %arg2[%get3A_7] : memref<16xi32, #tpu.memory_space<smem>>
    %eq3A_9 = arith.constant 1 : i32
    %eq3A_10 = arith.cmpi eq, %get3A_8, %eq3A_9 : i32
    %convert_element_type3A_11 = arith.extui %eq3A_10 : i1 to i32
    %cond3A_12 = arith.constant 0 : i32
    %cond3A_13 = arith.cmpi ne, %convert_element_type3A_11, %cond3A_12 : i32
    scf.if %cond3A_13 {
      %get3A_14 = arith.constant 0 : index
      %get3A_15 = arith.constant 0 : index
      %get3A_16 = vector.load %arg3[%get3A_14, %get3A_15] : memref<512x256xi32, #tpu.memory_space<vmem>>, vector<512x256xi32>
      %bitcast_convert_type3A = tpu.bitcast %get3A_16 : vector<512x256xi32> -> vector<512x256xi32>
      %and3A = arith.constant 65535 : i32
      %and3A_17 = vector.broadcast %and3A : i32 to vector<512x256xi32>
      %and3A_18 = arith.andi %bitcast_convert_type3A, %and3A_17 : vector<512x256xi32>
      %convert_element_type3A_19 = arith.trunci %and3A_18 : vector<512x256xi32> to vector<512x256xi16>
      %bitcast_convert_type3A_20 = tpu.bitcast %convert_element_type3A_19 : vector<512x256xi16> -> vector<512x256xbf16>
      %shift_right_logical3A = arith.constant 16 : i32
      %shift_right_logical3A_21 = vector.broadcast %shift_right_logical3A : i32 to vector<512x256xi32>
      %shift_right_logical3A_22 = arith.shrui %bitcast_convert_type3A, %shift_right_logical3A_21 : vector<512x256xi32>
      %convert_element_type3A_23 = arith.trunci %shift_right_logical3A_22 : vector<512x256xi32> to vector<512x256xi16>
      %bitcast_convert_type3A_24 = tpu.bitcast %convert_element_type3A_23 : vector<512x256xi16> -> vector<512x256xbf16>
      %get3A_25 = arith.constant 0 : index
      %get3A_26 = arith.constant 0 : index
      %get3A_27 = vector.load %arg4[%get3A_25, %get3A_26] : memref<512x256xi32, #tpu.memory_space<vmem>>, vector<512x256xi32>
      %bitcast_convert_type3A_28 = tpu.bitcast %get3A_27 : vector<512x256xi32> -> vector<512x256xi32>
      %and3A_29 = arith.constant 65535 : i32
      %and3A_30 = vector.broadcast %and3A_29 : i32 to vector<512x256xi32>
      %and3A_31 = arith.andi %bitcast_convert_type3A_28, %and3A_30 : vector<512x256xi32>
      %convert_element_type3A_32 = arith.trunci %and3A_31 : vector<512x256xi32> to vector<512x256xi16>
      %bitcast_convert_type3A_33 = tpu.bitcast %convert_element_type3A_32 : vector<512x256xi16> -> vector<512x256xbf16>
      %shift_right_logical3A_34 = arith.constant 16 : i32
      %shift_right_logical3A_35 = vector.broadcast %shift_right_logical3A_34 : i32 to vector<512x256xi32>
      %shift_right_logical3A_36 = arith.shrui %bitcast_convert_type3A_28, %shift_right_logical3A_35 : vector<512x256xi32>
      %convert_element_type3A_37 = arith.trunci %shift_right_logical3A_36 : vector<512x256xi32> to vector<512x256xi16>
      %bitcast_convert_type3A_38 = tpu.bitcast %convert_element_type3A_37 : vector<512x256xi16> -> vector<512x256xbf16>
      %swap3A = arith.constant 0 : index
      %swap3A_39 = arith.constant 0 : index
      %swap3A_40 = vector.load %arg13[%swap3A, %swap3A_39] : memref<512x1024xbf16, #tpu.memory_space<vmem>>, vector<512x256xbf16>
      tpu.vector_store %arg13[%swap3A, %swap3A_39], %bitcast_convert_type3A_20 {strides = array<i32>} : memref<512x1024xbf16, #tpu.memory_space<vmem>>, vector<512x256xbf16>,
      %swap3A_41 = arith.constant 0 : index
      %swap3A_42 = arith.constant 256 : index
      %swap3A_43 = vector.load %arg13[%swap3A_41, %swap3A_42] : memref<512x1024xbf16, #tpu.memory_space<vmem>>, vector<512x256xbf16>
      tpu.vector_store %arg13[%swap3A_41, %swap3A_42], %bitcast_convert_type3A_33 {strides = array<i32>} : memref<512x1024xbf16, #tpu.memory_space<vmem>>, vector<512x256xbf16>,
      %swap3A_44 = arith.constant 0 : index
      %swap3A_45 = arith.constant 512 : index
      %swap3A_46 = vector.load %arg13[%swap3A_44, %swap3A_45] : memref<512x1024xbf16, #tpu.memory_space<vmem>>, vector<512x256xbf16>
      tpu.vector_store %arg13[%swap3A_44, %swap3A_45], %bitcast_convert_type3A_24 {strides = array<i32>} : memref<512x1024xbf16, #tpu.memory_space<vmem>>, vector<512x256xbf16>,
      %swap3A_47 = arith.constant 0 : index
      %swap3A_48 = arith.constant 768 : index
      %swap3A_49 = vector.load %arg13[%swap3A_47, %swap3A_48] : memref<512x1024xbf16, #tpu.memory_space<vmem>>, vector<512x256xbf16>
      tpu.vector_store %arg13[%swap3A_47, %swap3A_48], %bitcast_convert_type3A_38 {strides = array<i32>} : memref<512x1024xbf16, #tpu.memory_space<vmem>>, vector<512x256xbf16>,
      %get3A_50 = arith.constant 0 : index
      %get3A_51 = arith.constant 0 : index
      %get3A_52 = vector.load %arg13[%get3A_50, %get3A_51] : memref<512x1024xbf16, #tpu.memory_space<vmem>>, vector<512x1024xbf16>
      %get3A_53 = arith.constant 0 : index
      %get3A_54 = arith.constant 0 : index
      %get3A_55 = vector.load %arg10[%get3A_53, %get3A_54] : memref<1024x512xbf16, #tpu.memory_space<vmem>>, vector<1024x512xbf16>
      %dot_general3A = arith.constant dense<0.000000e+00> : vector<512x512xf32>
      %dot_general3A_56 = tpu.matmul %get3A_52, %get3A_55, %dot_general3A {dimension_numbers = #tpu.dot_dimension_numbers<[1], [0], [0], [1], [0, 0, 1, 1], [], []>, transpose_lhs_hint = false} : vector<512x1024xbf16>, vector<1024x512xbf16>, vector<512x512xf32> -> vector<512x512xf32>
      %get3A_57 = arith.constant 0 : index
      %get3A_58 = arith.constant 0 : index
      %get3A_59 = vector.load %arg11[%get3A_57, %get3A_58] : memref<1024x512xbf16, #tpu.memory_space<vmem>>, vector<1024x512xbf16>
      %dot_general3A_60 = arith.constant dense<0.000000e+00> : vector<512x512xf32>
      %dot_general3A_61 = tpu.matmul %get3A_52, %get3A_59, %dot_general3A_60 {dimension_numbers = #tpu.dot_dimension_numbers<[1], [0], [0], [1], [0, 0, 1, 1], [], []>, transpose_lhs_hint = false} : vector<512x1024xbf16>, vector<1024x512xbf16>, vector<512x512xf32> -> vector<512x512xf32>
      %logistic3A = arith.negf %dot_general3A_56 : vector<512x512xf32>
      %logistic3A_62 = math.exp %logistic3A : vector<512x512xf32>
      %logistic3A_63 = arith.constant 1.000000e+00 : f32
      %logistic3A_64 = vector.broadcast %logistic3A_63 : f32 to vector<512x512xf32>
      %logistic3A_65 = arith.addf %logistic3A_64, %logistic3A_62 : vector<512x512xf32>
      %logistic3A_66 = arith.divf %logistic3A_64, %logistic3A_65 : vector<512x512xf32>
      %mul3A = arith.mulf %dot_general3A_56, %logistic3A_66 : vector<512x512xf32>
      %mul3A_67 = arith.mulf %mul3A, %dot_general3A_61 : vector<512x512xf32>
      %convert_element_type3A_68 = arith.truncf %mul3A_67 : vector<512x512xf32> to vector<512x512xbf16>
      %get3A_69 = arith.constant 0 : index
      %get3A_70 = arith.constant 0 : index
      %get3A_71 = vector.load %arg12[%get3A_69, %get3A_70] : memref<512x1024xbf16, #tpu.memory_space<vmem>>, vector<512x1024xbf16>
      %dot_general3A_72 = arith.constant dense<0.000000e+00> : vector<512x1024xf32>
      %dot_general3A_73 = tpu.matmul %convert_element_type3A_68, %get3A_71, %dot_general3A_72 {dimension_numbers = #tpu.dot_dimension_numbers<[1], [0], [0], [1], [0, 0, 1, 1], [], []>, transpose_lhs_hint = false} : vector<512x512xbf16>, vector<512x1024xbf16>, vector<512x1024xf32> -> vector<512x1024xf32>
      %slice3A = vector.extract_strided_slice %dot_general3A_73 {offsets = [0, 0], sizes = [512, 512], strides = [1, 1]} : vector<512x1024xf32> to vector<512x512xf32>
      %convert_element_type3A_74 = arith.truncf %slice3A : vector<512x512xf32> to vector<512x512xbf16>
      %slice3A_75 = vector.extract_strided_slice %dot_general3A_73 {offsets = [0, 512], sizes = [512, 512], strides = [1, 1]} : vector<512x1024xf32> to vector<512x512xf32>
      %convert_element_type3A_76 = arith.truncf %slice3A_75 : vector<512x512xf32> to vector<512x512xbf16>
      %bitcast_convert_type3A_77 = tpu.bitcast %convert_element_type3A_74 : vector<512x512xbf16> -> vector<512x512xi16>
      %convert_element_type3A_78 = arith.extui %bitcast_convert_type3A_77 : vector<512x512xi16> to vector<512x512xi32>
      %bitcast_convert_type3A_79 = tpu.bitcast %convert_element_type3A_76 : vector<512x512xbf16> -> vector<512x512xi16>
      %convert_element_type3A_80 = arith.extui %bitcast_convert_type3A_79 : vector<512x512xi16> to vector<512x512xi32>
      %shift_left3A = arith.constant 16 : i32
      %shift_left3A_81 = vector.broadcast %shift_left3A : i32 to vector<512x512xi32>
      %shift_left3A_82 = arith.shli %convert_element_type3A_80, %shift_left3A_81 : vector<512x512xi32>
      %or3A_83 = arith.ori %convert_element_type3A_78, %shift_left3A_82 : vector<512x512xi32>
      %bitcast_convert_type3A_84 = tpu.bitcast %or3A_83 : vector<512x512xi32> -> vector<512x512xi32>
      %slice3A_85 = vector.extract_strided_slice %bitcast_convert_type3A_84 {offsets = [0, 0], sizes = [512, 256], strides = [1, 1]} : vector<512x512xi32> to vector<512x256xi32>
      %swap3A_86 = arith.constant 0 : index
      %swap3A_87 = arith.constant 0 : index
      %swap3A_88 = vector.load %arg8[%swap3A_86, %swap3A_87] : memref<512x256xi32, #tpu.memory_space<vmem>>, vector<512x256xi32>
      tpu.vector_store %arg8[%swap3A_86, %swap3A_87], %slice3A_85 {strides = array<i32>} : memref<512x256xi32, #tpu.memory_space<vmem>>, vector<512x256xi32>,
      %slice3A_89 = vector.extract_strided_slice %bitcast_convert_type3A_84 {offsets = [0, 256], sizes = [512, 256], strides = [1, 1]} : vector<512x512xi32> to vector<512x256xi32>
      %swap3A_90 = arith.constant 0 : index
      %swap3A_91 = arith.constant 0 : index
      %swap3A_92 = vector.load %arg9[%swap3A_90, %swap3A_91] : memref<512x256xi32, #tpu.memory_space<vmem>>, vector<512x256xi32>
      tpu.vector_store %arg9[%swap3A_90, %swap3A_91], %slice3A_89 {strides = array<i32>} : memref<512x256xi32, #tpu.memory_space<vmem>>, vector<512x256xi32>,
    } else {
    }
    return
  }
  func.func @transform_0(%arg0: i32, %arg1: memref<16xi32, #tpu.memory_space<smem>>, %arg2: memref<16xi32, #tpu.memory_space<smem>>) -> (i32, i32) {
    %c0_i32 = arith.constant 0 : i32
    %c0_i32_0 = arith.constant 0 : i32
    return %arg0, %c0_i32 : i32, i32
  }
  func.func @transform_1(%arg0: i32, %arg1: memref<16xi32, #tpu.memory_space<smem>>, %arg2: memref<16xi32, #tpu.memory_space<smem>>) -> (i32, i32) {
    %c0_i32 = arith.constant 0 : i32
    %c0_i32_0 = arith.constant 0 : i32
    return %arg0, %c0_i32 : i32, i32
  }
  func.func @transform_2(%arg0: i32, %arg1: memref<16xi32, #tpu.memory_space<smem>>, %arg2: memref<16xi32, #tpu.memory_space<smem>>) -> (i32, i32, i32) {
    %get3A = arith.index_cast %arg0 : i32 to index
    %get3A_0 = memref.load %arg1[%get3A] : memref<16xi32, #tpu.memory_space<smem>>
    %c0_i32 = arith.constant 0 : i32
    %c0_i32_1 = arith.constant 0 : i32
    %c0_i32_2 = arith.constant 0 : i32
    return %get3A_0, %c0_i32, %c0_i32_1 : i32, i32, i32
  }
  func.func @transform_3(%arg0: i32, %arg1: memref<16xi32, #tpu.memory_space<smem>>, %arg2: memref<16xi32, #tpu.memory_space<smem>>) -> (i32, i32, i32) {
    %get3A = arith.index_cast %arg0 : i32 to index
    %get3A_0 = memref.load %arg1[%get3A] : memref<16xi32, #tpu.memory_space<smem>>
    %c0_i32 = arith.constant 0 : i32
    %c0_i32_1 = arith.constant 0 : i32
    %c0_i32_2 = arith.constant 0 : i32
    return %get3A_0, %c0_i32, %c0_i32_1 : i32, i32, i32
  }
  func.func @transform_4(%arg0: i32, %arg1: memref<16xi32, #tpu.memory_space<smem>>, %arg2: memref<16xi32, #tpu.memory_space<smem>>) -> (i32, i32, i32) {
    %get3A = arith.index_cast %arg0 : i32 to index
    %get3A_0 = memref.load %arg1[%get3A] : memref<16xi32, #tpu.memory_space<smem>>
    %c0_i32 = arith.constant 0 : i32
    %c0_i32_1 = arith.constant 0 : i32
    %c0_i32_2 = arith.constant 0 : i32
    return %get3A_0, %c0_i32, %c0_i32_1 : i32, i32, i32
  }
  func.func @transform_5(%arg0: i32, %arg1: memref<16xi32, #tpu.memory_space<smem>>, %arg2: memref<16xi32, #tpu.memory_space<smem>>) -> (i32, i32) {
    %c0_i32 = arith.constant 0 : i32
    %c0_i32_0 = arith.constant 0 : i32
    return %arg0, %c0_i32 : i32, i32
  }
  func.func @transform_6(%arg0: i32, %arg1: memref<16xi32, #tpu.memory_space<smem>>, %arg2: memref<16xi32, #tpu.memory_space<smem>>) -> (i32, i32) {
    %c0_i32 = arith.constant 0 : i32
    %c0_i32_0 = arith.constant 0 : i32
    return %arg0, %c0_i32 : i32, i32
  }
}

module attributes {stable_mosaic.version = 14 : i64} {
  func.func @_shared_kernel(%arg0: i32, %arg1: memref<2048x1024xf32, #tpu.memory_space<vmem>>, %arg2: memref<1024x512xf32, #tpu.memory_space<vmem>>, %arg3: memref<1024x512xf32, #tpu.memory_space<vmem>>, %arg4: memref<512x1024xf32, #tpu.memory_space<vmem>>, %arg5: memref<2048x1024xf32, #tpu.memory_space<vmem>>, %arg6: memref<1024x512xbf16, #tpu.memory_space<vmem>>, %arg7: memref<1024x512xbf16, #tpu.memory_space<vmem>>, %arg8: memref<512x1024xbf16, #tpu.memory_space<vmem>>) attributes {dimension_semantics = [#tpu.dimension_semantics<arbitrary>], iteration_bounds = array<i64: 2>, scalar_prefetch = 0 : i64, scratch_operands = 3 : i64, tpu.core_type = #tpu.core_type<tc>, window_params = [{pipeline_mode = #tpu.pipeline_mode<synchronous>, transform_indices = @transform_0, window_bounds = array<i64: 2048, 1024>}, {transform_indices = @transform_1, window_bounds = array<i64: 1024, 512>}, {transform_indices = @transform_2, window_bounds = array<i64: 1024, 512>}, {transform_indices = @transform_3, window_bounds = array<i64: 512, 1024>}, {pipeline_mode = #tpu.pipeline_mode<synchronous>, transform_indices = @transform_4, window_bounds = array<i64: 2048, 1024>}]} {
    %eq3A = arith.constant 0 : i32
    %eq3A_0 = arith.cmpi eq, %arg0, %eq3A : i32
    %convert_element_type3A = arith.extui %eq3A_0 : i1 to i32
    %cond3A = arith.constant 0 : i32
    %cond3A_1 = arith.cmpi ne, %convert_element_type3A, %cond3A : i32
    scf.if %cond3A_1 {
      %broadcast_in_dim3A = arith.constant 0.000000e+00 : f32
      %broadcast_in_dim3A_52 = vector.broadcast %broadcast_in_dim3A : f32 to vector<2048x1024xf32>
      %swap3A_53 = arith.constant 0 : index
      %swap3A_54 = arith.constant 0 : index
      %swap3A_55 = vector.load %arg5[%swap3A_53, %swap3A_54] : memref<2048x1024xf32, #tpu.memory_space<vmem>>, vector<2048x1024xf32>
      tpu.vector_store %arg5[%swap3A_53, %swap3A_54], %broadcast_in_dim3A_52 {strides = array<i32>} : memref<2048x1024xf32, #tpu.memory_space<vmem>>, vector<2048x1024xf32>,
    } else {
    }
    %get3A = arith.constant 0 : index
    %get3A_2 = arith.constant 0 : index
    %get3A_3 = vector.load %arg2[%get3A, %get3A_2] : memref<1024x512xf32, #tpu.memory_space<vmem>>, vector<1024x512xf32>
    %convert_element_type3A_4 = arith.truncf %get3A_3 : vector<1024x512xf32> to vector<1024x512xbf16>
    %swap3A = arith.constant 0 : index
    %swap3A_5 = arith.constant 0 : index
    %swap3A_6 = vector.load %arg6[%swap3A, %swap3A_5] : memref<1024x512xbf16, #tpu.memory_space<vmem>>, vector<1024x512xbf16>
    tpu.vector_store %arg6[%swap3A, %swap3A_5], %convert_element_type3A_4 {strides = array<i32>} : memref<1024x512xbf16, #tpu.memory_space<vmem>>, vector<1024x512xbf16>,
    %get3A_7 = arith.constant 0 : index
    %get3A_8 = arith.constant 0 : index
    %get3A_9 = vector.load %arg3[%get3A_7, %get3A_8] : memref<1024x512xf32, #tpu.memory_space<vmem>>, vector<1024x512xf32>
    %convert_element_type3A_10 = arith.truncf %get3A_9 : vector<1024x512xf32> to vector<1024x512xbf16>
    %swap3A_11 = arith.constant 0 : index
    %swap3A_12 = arith.constant 0 : index
    %swap3A_13 = vector.load %arg7[%swap3A_11, %swap3A_12] : memref<1024x512xbf16, #tpu.memory_space<vmem>>, vector<1024x512xbf16>
    tpu.vector_store %arg7[%swap3A_11, %swap3A_12], %convert_element_type3A_10 {strides = array<i32>} : memref<1024x512xbf16, #tpu.memory_space<vmem>>, vector<1024x512xbf16>,
    %get3A_14 = arith.constant 0 : index
    %get3A_15 = arith.constant 0 : index
    %get3A_16 = vector.load %arg4[%get3A_14, %get3A_15] : memref<512x1024xf32, #tpu.memory_space<vmem>>, vector<512x1024xf32>
    %convert_element_type3A_17 = arith.truncf %get3A_16 : vector<512x1024xf32> to vector<512x1024xbf16>
    %swap3A_18 = arith.constant 0 : index
    %swap3A_19 = arith.constant 0 : index
    %swap3A_20 = vector.load %arg8[%swap3A_18, %swap3A_19] : memref<512x1024xbf16, #tpu.memory_space<vmem>>, vector<512x1024xbf16>
    tpu.vector_store %arg8[%swap3A_18, %swap3A_19], %convert_element_type3A_17 {strides = array<i32>} : memref<512x1024xbf16, #tpu.memory_space<vmem>>, vector<512x1024xbf16>,
    %get3A_21 = arith.constant 0 : index
    %get3A_22 = arith.constant 0 : index
    %get3A_23 = vector.load %arg1[%get3A_21, %get3A_22] : memref<2048x1024xf32, #tpu.memory_space<vmem>>, vector<2048x1024xf32>
    %convert_element_type3A_24 = arith.truncf %get3A_23 : vector<2048x1024xf32> to vector<2048x1024xbf16>
    %get3A_25 = arith.constant 0 : index
    %get3A_26 = arith.constant 0 : index
    %get3A_27 = vector.load %arg6[%get3A_25, %get3A_26] : memref<1024x512xbf16, #tpu.memory_space<vmem>>, vector<1024x512xbf16>
    %dot_general3A = arith.constant dense<0.000000e+00> : vector<2048x512xf32>
    %dot_general3A_28 = tpu.matmul %convert_element_type3A_24, %get3A_27, %dot_general3A {dimension_numbers = #tpu.dot_dimension_numbers<[1], [0], [0], [1], [0, 0, 1, 1], [], []>, transpose_lhs_hint = false} : vector<2048x1024xbf16>, vector<1024x512xbf16>, vector<2048x512xf32> -> vector<2048x512xf32>
    %get3A_29 = arith.constant 0 : index
    %get3A_30 = arith.constant 0 : index
    %get3A_31 = vector.load %arg7[%get3A_29, %get3A_30] : memref<1024x512xbf16, #tpu.memory_space<vmem>>, vector<1024x512xbf16>
    %dot_general3A_32 = arith.constant dense<0.000000e+00> : vector<2048x512xf32>
    %dot_general3A_33 = tpu.matmul %convert_element_type3A_24, %get3A_31, %dot_general3A_32 {dimension_numbers = #tpu.dot_dimension_numbers<[1], [0], [0], [1], [0, 0, 1, 1], [], []>, transpose_lhs_hint = false} : vector<2048x1024xbf16>, vector<1024x512xbf16>, vector<2048x512xf32> -> vector<2048x512xf32>
    %logistic3A = arith.negf %dot_general3A_28 : vector<2048x512xf32>
    %logistic3A_34 = math.exp %logistic3A : vector<2048x512xf32>
    %logistic3A_35 = arith.constant 1.000000e+00 : f32
    %logistic3A_36 = vector.broadcast %logistic3A_35 : f32 to vector<2048x512xf32>
    %logistic3A_37 = arith.addf %logistic3A_36, %logistic3A_34 : vector<2048x512xf32>
    %logistic3A_38 = arith.divf %logistic3A_36, %logistic3A_37 : vector<2048x512xf32>
    %mul3A = arith.mulf %dot_general3A_28, %logistic3A_38 : vector<2048x512xf32>
    %mul3A_39 = arith.mulf %mul3A, %dot_general3A_33 : vector<2048x512xf32>
    %get3A_40 = arith.constant 0 : index
    %get3A_41 = arith.constant 0 : index
    %get3A_42 = vector.load %arg5[%get3A_40, %get3A_41] : memref<2048x1024xf32, #tpu.memory_space<vmem>>, vector<2048x1024xf32>
    %convert_element_type3A_43 = arith.truncf %mul3A_39 : vector<2048x512xf32> to vector<2048x512xbf16>
    %get3A_44 = arith.constant 0 : index
    %get3A_45 = arith.constant 0 : index
    %get3A_46 = vector.load %arg8[%get3A_44, %get3A_45] : memref<512x1024xbf16, #tpu.memory_space<vmem>>, vector<512x1024xbf16>
    %dot_general3A_47 = arith.constant dense<0.000000e+00> : vector<2048x1024xf32>
    %dot_general3A_48 = tpu.matmul %convert_element_type3A_43, %get3A_46, %dot_general3A_47 {dimension_numbers = #tpu.dot_dimension_numbers<[1], [0], [0], [1], [0, 0, 1, 1], [], []>, transpose_lhs_hint = false} : vector<2048x512xbf16>, vector<512x1024xbf16>, vector<2048x1024xf32> -> vector<2048x1024xf32>
    %add3A = arith.addf %get3A_42, %dot_general3A_48 : vector<2048x1024xf32>
    %swap3A_49 = arith.constant 0 : index
    %swap3A_50 = arith.constant 0 : index
    %swap3A_51 = vector.load %arg5[%swap3A_49, %swap3A_50] : memref<2048x1024xf32, #tpu.memory_space<vmem>>, vector<2048x1024xf32>
    tpu.vector_store %arg5[%swap3A_49, %swap3A_50], %add3A {strides = array<i32>} : memref<2048x1024xf32, #tpu.memory_space<vmem>>, vector<2048x1024xf32>,
    return
  }
  func.func @transform_0(%arg0: i32) -> (i32, i32) {
    %c0_i32 = arith.constant 0 : i32
    %c0_i32_0 = arith.constant 0 : i32
    %c0_i32_1 = arith.constant 0 : i32
    return %c0_i32, %c0_i32_0 : i32, i32
  }
  func.func @transform_1(%arg0: i32) -> (i32, i32) {
    %c0_i32 = arith.constant 0 : i32
    %c0_i32_0 = arith.constant 0 : i32
    return %c0_i32, %arg0 : i32, i32
  }
  func.func @transform_2(%arg0: i32) -> (i32, i32) {
    %c0_i32 = arith.constant 0 : i32
    %c0_i32_0 = arith.constant 0 : i32
    return %c0_i32, %arg0 : i32, i32
  }
  func.func @transform_3(%arg0: i32) -> (i32, i32) {
    %c0_i32 = arith.constant 0 : i32
    %c0_i32_0 = arith.constant 0 : i32
    return %arg0, %c0_i32 : i32, i32
  }
  func.func @transform_4(%arg0: i32) -> (i32, i32) {
    %c0_i32 = arith.constant 0 : i32
    %c0_i32_0 = arith.constant 0 : i32
    %c0_i32_1 = arith.constant 0 : i32
    return %c0_i32, %c0_i32_0 : i32, i32
  }
}

module attributes {stable_mosaic.version = 14 : i64} {
  func.func @_combine_kernel(%arg0: i32, %arg1: memref<2x512x256xi32, #tpu.memory_space<vmem>>, %arg2: memref<2x512x256xi32, #tpu.memory_space<vmem>>, %arg3: memref<512x1024xf32, #tpu.memory_space<vmem>>, %arg4: memref<512x128xf32, #tpu.memory_space<vmem>>, %arg5: memref<512x1024xf32, #tpu.memory_space<vmem>>) attributes {dimension_semantics = [#tpu.dimension_semantics<arbitrary>], iteration_bounds = array<i64: 4>, scalar_prefetch = 0 : i64, scratch_operands = 0 : i64, tpu.core_type = #tpu.core_type<tc>, window_params = [{transform_indices = @transform_0, window_bounds = array<i64: 2, 512, 256>}, {transform_indices = @transform_1, window_bounds = array<i64: 2, 512, 256>}, {transform_indices = @transform_2, window_bounds = array<i64: 512, 1024>}, {transform_indices = @transform_3, window_bounds = array<i64: 512, 128>}, {transform_indices = @transform_4, window_bounds = array<i64: 512, 1024>}]} {
    %get3A = arith.constant 0 : index
    %get3A_0 = arith.constant 2 : index
    %get3A_1 = vector.load %arg4[%get3A, %get3A_0] : memref<512x128xf32, #tpu.memory_space<vmem>>, vector<512x1xf32>
    %get3A_2 = arith.constant 0 : index
    %get3A_3 = arith.constant 3 : index
    %get3A_4 = vector.load %arg4[%get3A_2, %get3A_3] : memref<512x128xf32, #tpu.memory_space<vmem>>, vector<512x1xf32>
    %get3A_5 = arith.constant 0 : index
    %get3A_6 = arith.constant 0 : index
    %get3A_7 = arith.constant 0 : index
    %get3A_8 = vector.load %arg1[%get3A_5, %get3A_6, %get3A_7] : memref<2x512x256xi32, #tpu.memory_space<vmem>>, vector<1x512x256xi32>
    %get3A_9 = vector.shape_cast %get3A_8 : vector<1x512x256xi32> to vector<512x256xi32>
    %bitcast_convert_type3A = tpu.bitcast %get3A_9 : vector<512x256xi32> -> vector<512x256xi32>
    %and3A = arith.constant 65535 : i32
    %and3A_10 = vector.broadcast %and3A : i32 to vector<512x256xi32>
    %and3A_11 = arith.andi %bitcast_convert_type3A, %and3A_10 : vector<512x256xi32>
    %convert_element_type3A = arith.trunci %and3A_11 : vector<512x256xi32> to vector<512x256xi16>
    %bitcast_convert_type3A_12 = tpu.bitcast %convert_element_type3A : vector<512x256xi16> -> vector<512x256xbf16>
    %shift_right_logical3A = arith.constant 16 : i32
    %shift_right_logical3A_13 = vector.broadcast %shift_right_logical3A : i32 to vector<512x256xi32>
    %shift_right_logical3A_14 = arith.shrui %bitcast_convert_type3A, %shift_right_logical3A_13 : vector<512x256xi32>
    %convert_element_type3A_15 = arith.trunci %shift_right_logical3A_14 : vector<512x256xi32> to vector<512x256xi16>
    %bitcast_convert_type3A_16 = tpu.bitcast %convert_element_type3A_15 : vector<512x256xi16> -> vector<512x256xbf16>
    %get3A_17 = arith.constant 1 : index
    %get3A_18 = arith.constant 0 : index
    %get3A_19 = arith.constant 0 : index
    %get3A_20 = vector.load %arg1[%get3A_17, %get3A_18, %get3A_19] : memref<2x512x256xi32, #tpu.memory_space<vmem>>, vector<1x512x256xi32>
    %get3A_21 = vector.shape_cast %get3A_20 : vector<1x512x256xi32> to vector<512x256xi32>
    %bitcast_convert_type3A_22 = tpu.bitcast %get3A_21 : vector<512x256xi32> -> vector<512x256xi32>
    %and3A_23 = arith.constant 65535 : i32
    %and3A_24 = vector.broadcast %and3A_23 : i32 to vector<512x256xi32>
    %and3A_25 = arith.andi %bitcast_convert_type3A_22, %and3A_24 : vector<512x256xi32>
    %convert_element_type3A_26 = arith.trunci %and3A_25 : vector<512x256xi32> to vector<512x256xi16>
    %bitcast_convert_type3A_27 = tpu.bitcast %convert_element_type3A_26 : vector<512x256xi16> -> vector<512x256xbf16>
    %shift_right_logical3A_28 = arith.constant 16 : i32
    %shift_right_logical3A_29 = vector.broadcast %shift_right_logical3A_28 : i32 to vector<512x256xi32>
    %shift_right_logical3A_30 = arith.shrui %bitcast_convert_type3A_22, %shift_right_logical3A_29 : vector<512x256xi32>
    %convert_element_type3A_31 = arith.trunci %shift_right_logical3A_30 : vector<512x256xi32> to vector<512x256xi16>
    %bitcast_convert_type3A_32 = tpu.bitcast %convert_element_type3A_31 : vector<512x256xi16> -> vector<512x256xbf16>
    %get3A_33 = arith.constant 0 : index
    %get3A_34 = arith.constant 0 : index
    %get3A_35 = vector.load %arg3[%get3A_33, %get3A_34] : memref<512x1024xf32, #tpu.memory_space<vmem>>, vector<512x256xf32>
    %convert_element_type3A_36 = arith.extf %bitcast_convert_type3A_12 : vector<512x256xbf16> to vector<512x256xf32>
    %mul3A = vector.broadcast %get3A_1 : vector<512x1xf32> to vector<512x256xf32>
    %mul3A_37 = arith.mulf %mul3A, %convert_element_type3A_36 : vector<512x256xf32>
    %add3A = arith.addf %get3A_35, %mul3A_37 : vector<512x256xf32>
    %convert_element_type3A_38 = arith.extf %bitcast_convert_type3A_27 : vector<512x256xbf16> to vector<512x256xf32>
    %mul3A_39 = vector.broadcast %get3A_4 : vector<512x1xf32> to vector<512x256xf32>
    %mul3A_40 = arith.mulf %mul3A_39, %convert_element_type3A_38 : vector<512x256xf32>
    %add3A_41 = arith.addf %add3A, %mul3A_40 : vector<512x256xf32>
    %swap3A = arith.constant 0 : index
    %swap3A_42 = arith.constant 0 : index
    %swap3A_43 = vector.load %arg5[%swap3A, %swap3A_42] : memref<512x1024xf32, #tpu.memory_space<vmem>>, vector<512x256xf32>
    tpu.vector_store %arg5[%swap3A, %swap3A_42], %add3A_41 {strides = array<i32>} : memref<512x1024xf32, #tpu.memory_space<vmem>>, vector<512x256xf32>,
    %get3A_44 = arith.constant 0 : index
    %get3A_45 = arith.constant 512 : index
    %get3A_46 = vector.load %arg3[%get3A_44, %get3A_45] : memref<512x1024xf32, #tpu.memory_space<vmem>>, vector<512x256xf32>
    %convert_element_type3A_47 = arith.extf %bitcast_convert_type3A_16 : vector<512x256xbf16> to vector<512x256xf32>
    %mul3A_48 = vector.broadcast %get3A_1 : vector<512x1xf32> to vector<512x256xf32>
    %mul3A_49 = arith.mulf %mul3A_48, %convert_element_type3A_47 : vector<512x256xf32>
    %add3A_50 = arith.addf %get3A_46, %mul3A_49 : vector<512x256xf32>
    %convert_element_type3A_51 = arith.extf %bitcast_convert_type3A_32 : vector<512x256xbf16> to vector<512x256xf32>
    %mul3A_52 = vector.broadcast %get3A_4 : vector<512x1xf32> to vector<512x256xf32>
    %mul3A_53 = arith.mulf %mul3A_52, %convert_element_type3A_51 : vector<512x256xf32>
    %add3A_54 = arith.addf %add3A_50, %mul3A_53 : vector<512x256xf32>
    %swap3A_55 = arith.constant 0 : index
    %swap3A_56 = arith.constant 512 : index
    %swap3A_57 = vector.load %arg5[%swap3A_55, %swap3A_56] : memref<512x1024xf32, #tpu.memory_space<vmem>>, vector<512x256xf32>
    tpu.vector_store %arg5[%swap3A_55, %swap3A_56], %add3A_54 {strides = array<i32>} : memref<512x1024xf32, #tpu.memory_space<vmem>>, vector<512x256xf32>,
    %get3A_58 = arith.constant 0 : index
    %get3A_59 = arith.constant 0 : index
    %get3A_60 = arith.constant 0 : index
    %get3A_61 = vector.load %arg2[%get3A_58, %get3A_59, %get3A_60] : memref<2x512x256xi32, #tpu.memory_space<vmem>>, vector<1x512x256xi32>
    %get3A_62 = vector.shape_cast %get3A_61 : vector<1x512x256xi32> to vector<512x256xi32>
    %bitcast_convert_type3A_63 = tpu.bitcast %get3A_62 : vector<512x256xi32> -> vector<512x256xi32>
    %and3A_64 = arith.constant 65535 : i32
    %and3A_65 = vector.broadcast %and3A_64 : i32 to vector<512x256xi32>
    %and3A_66 = arith.andi %bitcast_convert_type3A_63, %and3A_65 : vector<512x256xi32>
    %convert_element_type3A_67 = arith.trunci %and3A_66 : vector<512x256xi32> to vector<512x256xi16>
    %bitcast_convert_type3A_68 = tpu.bitcast %convert_element_type3A_67 : vector<512x256xi16> -> vector<512x256xbf16>
    %shift_right_logical3A_69 = arith.constant 16 : i32
    %shift_right_logical3A_70 = vector.broadcast %shift_right_logical3A_69 : i32 to vector<512x256xi32>
    %shift_right_logical3A_71 = arith.shrui %bitcast_convert_type3A_63, %shift_right_logical3A_70 : vector<512x256xi32>
    %convert_element_type3A_72 = arith.trunci %shift_right_logical3A_71 : vector<512x256xi32> to vector<512x256xi16>
    %bitcast_convert_type3A_73 = tpu.bitcast %convert_element_type3A_72 : vector<512x256xi16> -> vector<512x256xbf16>
    %get3A_74 = arith.constant 1 : index
    %get3A_75 = arith.constant 0 : index
    %get3A_76 = arith.constant 0 : index
    %get3A_77 = vector.load %arg2[%get3A_74, %get3A_75, %get3A_76] : memref<2x512x256xi32, #tpu.memory_space<vmem>>, vector<1x512x256xi32>
    %get3A_78 = vector.shape_cast %get3A_77 : vector<1x512x256xi32> to vector<512x256xi32>
    %bitcast_convert_type3A_79 = tpu.bitcast %get3A_78 : vector<512x256xi32> -> vector<512x256xi32>
    %and3A_80 = arith.constant 65535 : i32
    %and3A_81 = vector.broadcast %and3A_80 : i32 to vector<512x256xi32>
    %and3A_82 = arith.andi %bitcast_convert_type3A_79, %and3A_81 : vector<512x256xi32>
    %convert_element_type3A_83 = arith.trunci %and3A_82 : vector<512x256xi32> to vector<512x256xi16>
    %bitcast_convert_type3A_84 = tpu.bitcast %convert_element_type3A_83 : vector<512x256xi16> -> vector<512x256xbf16>
    %shift_right_logical3A_85 = arith.constant 16 : i32
    %shift_right_logical3A_86 = vector.broadcast %shift_right_logical3A_85 : i32 to vector<512x256xi32>
    %shift_right_logical3A_87 = arith.shrui %bitcast_convert_type3A_79, %shift_right_logical3A_86 : vector<512x256xi32>
    %convert_element_type3A_88 = arith.trunci %shift_right_logical3A_87 : vector<512x256xi32> to vector<512x256xi16>
    %bitcast_convert_type3A_89 = tpu.bitcast %convert_element_type3A_88 : vector<512x256xi16> -> vector<512x256xbf16>
    %get3A_90 = arith.constant 0 : index
    %get3A_91 = arith.constant 256 : index
    %get3A_92 = vector.load %arg3[%get3A_90, %get3A_91] : memref<512x1024xf32, #tpu.memory_space<vmem>>, vector<512x256xf32>
    %convert_element_type3A_93 = arith.extf %bitcast_convert_type3A_68 : vector<512x256xbf16> to vector<512x256xf32>
    %mul3A_94 = vector.broadcast %get3A_1 : vector<512x1xf32> to vector<512x256xf32>
    %mul3A_95 = arith.mulf %mul3A_94, %convert_element_type3A_93 : vector<512x256xf32>
    %add3A_96 = arith.addf %get3A_92, %mul3A_95 : vector<512x256xf32>
    %convert_element_type3A_97 = arith.extf %bitcast_convert_type3A_84 : vector<512x256xbf16> to vector<512x256xf32>
    %mul3A_98 = vector.broadcast %get3A_4 : vector<512x1xf32> to vector<512x256xf32>
    %mul3A_99 = arith.mulf %mul3A_98, %convert_element_type3A_97 : vector<512x256xf32>
    %add3A_100 = arith.addf %add3A_96, %mul3A_99 : vector<512x256xf32>
    %swap3A_101 = arith.constant 0 : index
    %swap3A_102 = arith.constant 256 : index
    %swap3A_103 = vector.load %arg5[%swap3A_101, %swap3A_102] : memref<512x1024xf32, #tpu.memory_space<vmem>>, vector<512x256xf32>
    tpu.vector_store %arg5[%swap3A_101, %swap3A_102], %add3A_100 {strides = array<i32>} : memref<512x1024xf32, #tpu.memory_space<vmem>>, vector<512x256xf32>,
    %get3A_104 = arith.constant 0 : index
    %get3A_105 = arith.constant 768 : index
    %get3A_106 = vector.load %arg3[%get3A_104, %get3A_105] : memref<512x1024xf32, #tpu.memory_space<vmem>>, vector<512x256xf32>
    %convert_element_type3A_107 = arith.extf %bitcast_convert_type3A_73 : vector<512x256xbf16> to vector<512x256xf32>
    %mul3A_108 = vector.broadcast %get3A_1 : vector<512x1xf32> to vector<512x256xf32>
    %mul3A_109 = arith.mulf %mul3A_108, %convert_element_type3A_107 : vector<512x256xf32>
    %add3A_110 = arith.addf %get3A_106, %mul3A_109 : vector<512x256xf32>
    %convert_element_type3A_111 = arith.extf %bitcast_convert_type3A_89 : vector<512x256xbf16> to vector<512x256xf32>
    %mul3A_112 = vector.broadcast %get3A_4 : vector<512x1xf32> to vector<512x256xf32>
    %mul3A_113 = arith.mulf %mul3A_112, %convert_element_type3A_111 : vector<512x256xf32>
    %add3A_114 = arith.addf %add3A_110, %mul3A_113 : vector<512x256xf32>
    %swap3A_115 = arith.constant 0 : index
    %swap3A_116 = arith.constant 768 : index
    %swap3A_117 = vector.load %arg5[%swap3A_115, %swap3A_116] : memref<512x1024xf32, #tpu.memory_space<vmem>>, vector<512x256xf32>
    tpu.vector_store %arg5[%swap3A_115, %swap3A_116], %add3A_114 {strides = array<i32>} : memref<512x1024xf32, #tpu.memory_space<vmem>>, vector<512x256xf32>,
    return
  }
  func.func @transform_0(%arg0: i32) -> (i32, i32, i32) {
    %c0_i32 = arith.constant 0 : i32
    %c0_i32_0 = arith.constant 0 : i32
    %c0_i32_1 = arith.constant 0 : i32
    return %c0_i32, %arg0, %c0_i32_0 : i32, i32, i32
  }
  func.func @transform_1(%arg0: i32) -> (i32, i32, i32) {
    %c0_i32 = arith.constant 0 : i32
    %c0_i32_0 = arith.constant 0 : i32
    %c0_i32_1 = arith.constant 0 : i32
    return %c0_i32, %arg0, %c0_i32_0 : i32, i32, i32
  }
  func.func @transform_2(%arg0: i32) -> (i32, i32) {
    %c0_i32 = arith.constant 0 : i32
    %c0_i32_0 = arith.constant 0 : i32
    return %arg0, %c0_i32 : i32, i32
  }
  func.func @transform_3(%arg0: i32) -> (i32, i32) {
    %c0_i32 = arith.constant 0 : i32
    %c0_i32_0 = arith.constant 0 : i32
    return %arg0, %c0_i32 : i32, i32
  }
  func.func @transform_4(%arg0: i32) -> (i32, i32) {
    %c0_i32 = arith.constant 0 : i32
    %c0_i32_0 = arith.constant 0 : i32
    return %arg0, %c0_i32 : i32, i32
  }
}

</mosaic_0001>

<sc_bundles>
// kernel: _moe.11.cloned.1.call-start
scs
__scs_entry_jumppad:
0x0: {  	(pc) =	sbr.rel $0x88, $3  }
0x1: {  	(tag) =	ssettag $0x0;
	lr =	simm.s32 $0x1  }
0x2: {  	[smem:$0x3F98] =	sst lr;
	_ =	strace $0xD0000000  }
0x3: {  	_ = 	snop  }
0x4: {  	_ = 	snop  }
0x5: {  	_ = 	snop  }
0x6: {  	_ = 	snop  }
0x7: {  	_ = 	snop  }
__scs_overlays_trampoline_lowered:
0x8: {  	[smem:$0x3FA7] =	sst s0  }
0x9: {  	[smem:$0x3FA8] =	sst s1  }
0xa: {  	[smem:$0x3FA9] =	sst s2  }
0xb: {  	[smem:$0x3FAA] =	sst s3  }
0xc: {  	[smem:$0x3FAB] =	sst s4  }
0xd: {  	[smem:$0x3FAC] =	sst s5  }
0xe: {  	[smem:$0x3FAD] =	sst s6  }
0xf: {  	[smem:$0x3FAE] =	sst s7  }
0x10: {  	[smem:$0x3FAF] =	sst s8  }
0x11: {  	[smem:$0x3FB0] =	sst s9;
	s0 =	simm.s32 @!p0 $0x0  }
0x12: {  	s1 =	sld [smem:$0x3F96];
	s0 =	simm.s32 @p0 $0x1  }
0x13: {  	[smem:$0x3FB1] =	sst s0;
	s0 =	simm.s32 @!p1 $0x0  }
0x14: {  	s2 =	sld [smem:$0x3F95];
	s0 =	simm.s32 @p1 $0x1  }
0x15: {  	[smem:$0x3FB2] =	sst s0;
	s0 =	simm.s32 @!p2 $0x0  }
0x16: {  	s3 =	sld [smem:$0x3FDB];
	s0 =	simm.s32 @p2 $0x1  }
0x17: {  	s4 =	simm.s32 $0x1BF5;
	[smem:$0x3FB4] =	sst s0  }
0x18: {  	s0 =	sld [smem:$0x3F97];
	_ =	swait.ge [sflag:s4], $0x0  }
0x19: {  	s7 =	sld [smem:$0x3F98]  }
0x1a: {  	s8 =	sadd.s32 $0xFFFFE003, lr  }
0x1b: {  	s9 =	sadd.s32 $0xFFFFFEF7, lr;
	s5 =	simm.s32 $0xFFFFFFFF;
	p2 =	slt.u32 s8, $0xFFFFF086  }
0x1c: {  	p1 =	slt.u32 s9, $0xF7A;
	s5 =	simm.s32 @!p2 $0x0  }
0x1d: {  	s5 =	simm.s32 @p1 $0x1;
	p0 =	seq.s32 s7, s2  }
0x1e: {  	s7 =	smul.u32 @!p0 $0xF7A, s2;
	p2 =	seq.s32 @!p0 s5, $0x0  }
0x1f: {  	s9 =	smul.u32 $0xF7A, s1;
	s8 =	simm.s32 @!p0 $0x1BF5;
	p2 =	por !p2, p0  }
0x20: {  	[sflag:s8] =	ssyncset.s32 @!p0 $0xFFFFF086;
	s6 =	sadd.s32 @!p0 s3, s7;
	s7 =	simm.s32 @!p0 $0x108  }
0x21: {  	s3 =	sadd.s32 s3, s9;
	s6 =	sadd.s32 @!p0 $0x88, s6;
	s7 =	simm.s32 @p2 $0x1082  }
0x22: {  	[simem:s7], [sflag:s8] =	dma.local @!p0 [hbm:s6], $0xF7A  }
0x23: {  	s9 =	sor.u32 $0xD0000000, s2;
	s6 =	simm.s32 $0x108;
	_ =	swait.ge @!p0 [sflag:s8], $0x0  }
0x24: {  	s3 =	sadd.s32 $0x88, s3;
	s6 =	simm.s32 @!p1 $0x1082;
	[sflag:s4] =	ssyncset.s32 $0xFFFFF086  }
0x25: {  	[simem:s6], [sflag:s4] =	dma.local [hbm:s3], $0xF7A  }
0x26: {  	[smem:$0x3F98] =	sst s1;
	(tag) =	ssettag s2;
	_ =	strace s9  }
0x27: {  	s1 =	sld [smem:$0x3FA8]  }
0x28: {  	s2 =	sld [smem:$0x3FA9]  }
0x29: {  	s4 =	sld [smem:$0x3FAB]  }
0x2a: {  	p0 =	seq.s32 s5, $0x0;
	s5 =	sld [smem:$0x3FAC]  }
0x2b: {  	s6 =	sld [smem:$0x3FAD]  }
0x2c: {  	s7 =	sld [smem:$0x3FAE]  }
0x2d: {  	s3 =	simm.s32 $0x108;
	s8 =	sld [smem:$0x3FAF]  }
0x2e: {  	s3 =	simm.s32 @!p0 $0x1082;
	s9 =	sld [smem:$0x3FB0]  }
0x2f: {  	lr =	sadd.s32 s0, s3;
	s0 =	sld [smem:$0x3FA7]  }
0x30: {  	s3 =	sld [smem:$0x3FAA]  }
0x31: {  	[smem:$0x3FB3] =	sst s10  }
0x32: {  	s10 =	sld [smem:$0x3FB1];
	_ =	sdelay $0x3  }
0x33: {  	p0 =	seq.s32 s10, $0x1;
	s10 =	sld [smem:$0x3FB3];
	_ =	sdelay $0x3  }
0x34: {  	[smem:$0x3FB3] =	sst s10  }
0x35: {  	s10 =	sld [smem:$0x3FB2];
	_ =	sdelay $0x3  }
0x36: {  	p1 =	seq.s32 s10, $0x1;
	s10 =	sld [smem:$0x3FB3];
	_ =	sdelay $0x3  }
0x37: {  	[smem:$0x3FB3] =	sst s10  }
0x38: {  	s10 =	sld [smem:$0x3FB4]  }
0x39: {  	_ = 	snop;
	(pc) =	sbr.ind lr, $3  }
0x3a: {  	_ = 	snop  }
0x3b: {  	_ = 	snop  }
0x3c: {  	p2 =	seq.s32 s10, $0x1;
	s10 =	sld [smem:$0x3FB3]  }
0x3d: {  	_ =	shalt  }
0x3e: {  	_ =	shalt  }
0x3f: {  	_ =	shalt  }
0x40: {  	_ =	shalt  }
0x41: {  	_ =	shalt  }
0x42: {  	_ =	shalt  }
0x43: {  	_ =	shalt  }
0x44: {  	_ =	shalt  }
0x45: {  	_ =	shalt  }
0x46: {  	_ =	shalt  }
0x47: {  	_ =	shalt  }
0x48: {  	_ =	shalt  }
0x49: {  	_ =	shalt  }
0x4a: {  	_ =	shalt  }
0x4b: {  	_ =	shalt  }
0x4c: {  	_ =	shalt  }
0x4d: {  	_ =	shalt  }
0x4e: {  	_ =	shalt  }
0x4f: {  	_ =	shalt  }
0x50: {  	_ =	shalt  }
0x51: {  	_ =	shalt  }
0x52: {  	_ =	shalt  }
0x53: {  	_ =	shalt  }
0x54: {  	_ =	shalt  }
0x55: {  	_ =	shalt  }
0x56: {  	_ =	shalt  }
0x57: {  	_ =	shalt  }
0x58: {  	_ =	shalt  }
0x59: {  	_ =	shalt  }
0x5a: {  	_ =	shalt  }
0x5b: {  	_ =	shalt  }
0x5c: {  	_ =	shalt  }
0x5d: {  	_ =	shalt  }
0x5e: {  	_ =	shalt  }
0x5f: {  	_ =	shalt  }
0x60: {  	_ =	shalt  }
0x61: {  	_ =	shalt  }
0x62: {  	_ =	shalt  }
0x63: {  	_ =	shalt  }
0x64: {  	_ =	shalt  }
0x65: {  	_ =	shalt  }
0x66: {  	_ =	shalt  }
0x67: {  	_ =	shalt  }
0x68: {  	_ =	shalt  }
0x69: {  	_ =	shalt  }
0x6a: {  	_ =	shalt  }
0x6b: {  	_ =	shalt  }
0x6c: {  	_ =	shalt  }
0x6d: {  	_ =	shalt  }
0x6e: {  	_ =	shalt  }
0x6f: {  	_ =	shalt  }
0x70: {  	_ =	shalt  }
0x71: {  	_ =	shalt  }
0x72: {  	_ =	shalt  }
0x73: {  	_ =	shalt  }
0x74: {  	_ =	shalt  }
0x75: {  	_ =	shalt  }
0x76: {  	_ =	shalt  }
0x77: {  	_ =	shalt  }
0x78: {  	_ =	shalt  }
0x79: {  	_ =	shalt  }
0x7a: {  	_ =	shalt  }
0x7b: {  	_ =	shalt  }
0x7c: {  	_ =	shalt  }
0x7d: {  	_ =	shalt  }
0x7e: {  	_ =	shalt  }
0x7f: {  	_ =	shalt  }
0x80: {  	_ =	shalt  }
0x81: {  	_ =	shalt  }
0x82: {  	_ =	shalt  }
0x83: {  	_ =	shalt  }
0x84: {  	_ =	shalt  }
0x85: {  	_ =	shalt  }
0x86: {  	_ =	shalt  }
0x87: {  	_ =	shalt  }
.Lfunc_end0:
.L_simem_size_0:
called_computation.1_lowered:
.L_overlay_start_0:
0x88: {  	s2 =	sld [smem:$0x3FD9]  }
0x89: {  	s3 =	sld [smem:$0x3FFE];
	_ =	sdelay $0x1  }
0x8a: {  	s1 =	srdreg.scid  }
0x8b: {  	s0 =	sand.u32 $0x1, s1  }
0x8c: {  	s17 =	sshll.u32 s0, $0xA;
	s2 =	sadd.s32 s3, s2  }
0x8d: {  	s2 =	sadd.s32 s2, s17  }
0x8e: {  	[smem:$0x3FBF] =	sst s2  }
0x8f: {  	_ = 	snop  }
0x90: {  	s2 =	sld [smem:$0x3FD0];
	(tm) =	ssettm $0x1  }
0x91: {  	s18 =	sld [smem:$0x3FFB];
	_ =	sdelay $0x3  }
0x92: {  	_ =	strace s18  }
0x93: {  	s3 =	sld [smem:$0x3FFC];
	_ =	sdelay $0x3  }
0x94: {  	_ =	strace s3  }
0x95: {  	s3 =	sld [smem:$0x3FFD];
	_ =	sdelay $0x3  }
0x96: {  	_ =	strace s3  }
0x97: {  	_ =	strace $0x8FFFFFFF  }
0x98: {  	s19 =	sld [smem:$0x3FDB];
	_ =	sdelay $0x1  }
0x99: {  	s4 =	simm.s32 $_scs_section_size  }
0x9a: {  	s5 =	simm.s32 $_size__tile_overlayer_lowered;
	s6 =	simm.s32 $_tile_overlayer_lowered  }
0x9b: {  	s22 =	simm.s32 $0x1BFF;
	s21 =	sshll.u32 s6, $0x1;
	s3 =	sadd.s32 s4, s19  }
0x9c: {  	s7 =	simm.s32 $0x0;
	s20 =	sshll.u32 s5, $0x1;
	s5 =	sadd.s32 s21, s3  }
0x9d: {  	[timem:s7], [sflag:s22] =	dma.local [hbm:s5], s20  }
0x9e: {  	_ =	swait.ge [sflag:s22], s20  }
0x9f: {  	s4 =	ssub.s32 $0x0, s20;
	[sflag:s22] =	ssyncset.done $0x0  }
0xa0: {  	[sflag:s22] =	ssyncadd.s32 s4;
	_ =	sdelay $0x1  }
0xa1: {  	s23 =	simm.s32 $0x1B8B  }
0xa2: {  	_ =	swait.ge [sflag:s23], $0x1  }
0xa3: {  	[sflag:s23] =	ssyncset.done $0x0  }
0xa4: {  	s25 =	simm.s32 $0x1B8E;
	s24 =	sld [smem:$0x3FFE];
	[sflag:s23] =	ssyncadd.s32 $0xFFFFFFFF  }
0xa5: {  	s26 =	simm.s32 $execute0_lowered;
	[smem:$0x3FD2] =	sst s25  }
0xa6: {  	s5 =	sshll.u32 s26, $0x1;
	_ =	strace $0x80000055;
	[dreg:$0x1] =	wrdreg $0xFFFFFFFF  }
0xa7: {  	s28 =	simm.s32 $_size_execute0_lowered;
	s3 =	sadd.s32 s3, s5;
	[dreg:$0x0] =	wrdreg $0x0  }
0xa8: {  	s5 =	sshll.u32 s28, $0x1;
	[dreg:$0x2] =	wrdreg s3  }
0xa9: {  	[dreg:$0x3] =	wrdreg s5  }
0xaa: {  	[dreg:$0x4] =	wrdreg $0xC0  }
0xab: {  	_ =	task [dreg:s7], $0x5FFFF  }
0xac: {  	[dreg:$0x1] =	wrdreg $0xFFFFFFFF  }
0xad: {  	[dreg:$0x0] =	wrdreg $0x60  }
0xae: {  	[dreg:$0x2] =	wrdreg s2  }
0xaf: {  	[dreg:$0x3] =	wrdreg s24  }
0xb0: {  	[dreg:$0x4] =	wrdreg $0x9  }
0xb1: {  	_ =	task.clear_ibuf [dreg:s7], $0x5FFFF;
	_ =	strace $0x90000055  }
0xb2: {  	s29 =	simm.s32 $0x9;
	_ =	strace $0x80000065  }
0xb3: {  	_ =	swait.ge [sflag:s29], $0x1  }
0xb4: {  	[sflag:s29] =	ssyncadd.s32 $0xFFFFFFFF  }
0xb5: {  	_ =	strace $0x90000065  }
0xb6: {  	_ =	sfence  }
0xb7: {  	s30 =	sld [smem:$0x0];
	_ =	sdelay $0x2  }
0xb8: {  	s31 =	sshll.u32 s1, $0xD;
	s1 =	sshrl.u32 s1, $0x2  }
0xb9: {  	s3 =	sand.u32 $0x4000, s31;
	s1 =	sadd.s32 s1, s30  }
0xba: {  	s0 =	sor.u32 s3, s0;
	s1 =	sshll.u32 s1, $0x11  }
0xbb: {  	s0 =	sor.u32 s1, s0  }
0xbc: {  	s0 =	sadd.s32 $0x8F2B, s0  }
0xbd: {  	[sflag:s0] =	ssyncadd.remote.s32 $0x1  }
0xbe: {  	_ =	sfence.sel $0xFFFF  }
0xbf: {  	[dreg:$0x0] =	wrdreg $0xFFFFFFFF;
	(pc) =	sbr.abs _section_cstart, $3  }
0xc0: {  	[dreg:$0x1] =	wrdreg $0xFFFFFFFF  }
0xc1: {  	_ =	task.clear_ibuf [dreg:s7], $0x2FFFF;
	_ =	strace $0x9FFFFFFF  }
0xc2: {  	(tm) =	ssettm $0x7FFFFFFF  }
0xc3: {  	_ =	shalt  }
tec
execute0_lowered:
.L_overlay_start_1:
0x0: {  	(tag) =	ssettag $0x1  }
0x1: {  	s1 =	srdreg.scid  }
0x2: {  	s6 =	sand.u32 $0x1, s1  }
0x3: {  	p0 =	seq.s32 s6, $0x1  }
.Ltmp0:
0x4: {  	_ = 	snop;
	(pc) =	sbr.rel @p0 .LBB2_6-.Ltmp0, $4  }
0x5: {  	s8 =	rddreg [dreg:$0x0]  }
0x6: {  	s4 =	rddreg [dreg:$0x1];
	s9 =	simm.s32 $0x0  }
0x7: {  	[smem:$0x7FF] =	sst s9  }
0x8: {  	s0 =	rddreg [dreg:$0x2];
	s1 =	stileid.u32;
	_ =	strace $0x80000056  }
0x9: {  	s2 =	sadd.s32 $0x23000, s4;
	s5 =	sshll.u32 s6, $0x4  }
0xa: {  	s3 =	sadd.s32 $0x22E00, s4;
	s11 =	sadd.s32 $0x2E00, s4;
	s4 =	sadd.s32 $0x63000, s4  }
0xb: {  	p0 =	seq.s32 s6, $0x0;
	s6 =	sxor.u32 $0x1, s6;
	s12 =	simm.s32 $0x1  }
0xc: {  	s7 =	simm.s32 $0x1;
	_ =	strace $0x80000057;
	s5 =	sor.u32 s1, s5  }
0xd: {  	s13 =	simm.s32 $0x5;
	s21 =	simm.s32 $0x0;
	s5 =	smin.u32 s5, $0x10  }
0xe: {  	s20 =	simm.s32 $0x0;
	s14 =	simm.s32 $0x0;
	s10 =	sshll.u32 s5, $0x5  }
0xf: {  	v2 =	vlaneseq.u32;
	s15 =	simm.s32 $0x0;
	s16 =	simm.s32 $0x0;
	s10 =	sadd.s32 s3, s10  }
0x10: {  	vm0 =	vmmov $0xffff;
	v1 =	vshrl.u32 v2, $0x3;
	[tilespmem:s9], [sflag:$0x1] =	stream.linear.gather [hbm4b:s10+s9], $0x80, $0x200038;
	[tilespmem:$0x10100] =	vst v63  }
0x11: {  	s17 =	simm.s32 $0x0;
	s7 =	simm.s32 @!p0 $0xFFFFFFFF;
	v0 =	vand.u32 $0x7, v2;
	v2 =	vor.u32 $0x8, v2;
	v1 =	vmul.u32 $0x8, v1;
	_ =	strace $0x90000057  }
.LBB2_2:
0x12: {  	s18 =	sadd.s32 $0x1, s21  }
0x13: {  	s19 =	simm.s32 $0x1;
	p0 =	seq.s32 s18, s6  }
0x14: {  	s19 =	simm.s32 @!p0 $0x0  }
0x15: {  	s19 =	sadd.s32 s19, s20  }
0x16: {  	p1 =	seq.s32 s19, $0x2  }
0x17: {  	s18 =	simm.s32 @p0 $0x0;
	s19 =	simm.s32 @p1 $0x0  }
0x18: {  	p3 =	sne.s32 s21, s18;
	p2 =	sne.s32 s20, s19  }
0x19: {  	p4 =	slt.s32 s17, s7;
	s22 =	simm.s32 $0x1;
	p1 =	por p3, p2  }
0x1a: {  	p5 =	sne.s32 s21, $0x0;
	p2 =	seq.s32 s21, $0x0;
	p0 =	por !p4, !p1  }
0x1b: {  	p6 =	seq.s32 s17, $0x0;
	s22 =	simm.s32 @!p2 $0x0;
	p0 =	por !p0, !p0  }
0x1c: {  	p4 =	sne.s32 s20, $0x1;
	s22 =	ssub.s32 s20, s22;
	s23 =	sshll.u32 @p0 s19, $0xB  }
0x1d: {  	s24 =	sadd.s32 @p0 s5, s18;
	s25 =	sshll.u32 @p0 s19, $0x7;
	_ =	strace @p0 $0x80000058  }
0x1e: {  	p3 =	seq.s32 s22, $0xFFFFFFFF;
	s23 =	sand.u32 @p0 $0xFFFFF000, s23;
	s24 =	sshll.u32 @p0 s24, $0x8  }
0x1f: {  	p4 =	por @!p3 p2, p2;
	s23 =	sadd.s32 @p0 s24, s23;
	s24 =	sand.u32 @p0 $0x80, s25  }
0x20: {  	s26 =	simm.s32 @p0 $0x0;
	p2 =	por p5, p4;
	s23 =	sor.u32 @p0 s24, s23  }
0x21: {  	s24 =	sand.u32 @p0 $0x1, s12;
	p3 =	por p6, p2;
	s23 =	sshrl.u32 @p0 s23, $0x3  }
0x22: {  	s25 =	sshll.u32 @p0 s24, $0x7;
	s24 =	sadd.s32 @p0 $0x1, s24;
	s23 =	sadd.s32 @p0 s3, s23  }
0x23: {  	[tilespmem:s25], [sflag:s24] =	stream.linear.gather @p0 [hbm4b:s23+s26], $0x80, $0x200038;
	[tilespmem:$0x10100] =	vst v63  }
0x24: {  	s22 =	sand.u32 @p3 $0x1, s16;
	_ =	strace @p0 $0x90000058  }
0x25: {  	s22 =	sadd.s32 @p3 $0x1, s22;
	_ =	strace @p3 $0x80000059  }
0x26: {  	_ =	swait.ge @p3 [sflag:s22], $0x80  }
0x27: {  	[sflag:s22] =	ssyncset.done @p3 $0x0  }
0x28: {  	[sflag:s22] =	ssyncadd.s32 @p3 $0xFFFFFF80  }
0x29: {  	s29 =	sshll.u32 s16, $0x7;
	_ =	strace @p3 $0x90000059  }
0x2a: {  	s25 =	sand.u32 $0x80, s29;
	_ =	strace $0x8000005A  }
0x2b: {  	v3 =	vld [tilespmem:s25+$0x0];
	_ =	sdelay $0x4  }
0x2c: {  	v4 =	vshll.u32 v3, $0x1  }
0x2d: {  	v3 =	vand.u32 $0x7, v3;
	v4 =	vand.u32 $0xFFFFFFF0, v4  }
0x2e: {  	v3 =	vor.u32 v3, v4  }
0x2f: {  	v4 =	vperm.xlane v3, v0;
	_ =	sdelay $0x1  }
0x30: {  	v3 =	vperm.xlane v3, v2;
	v4 =	vadd.s32 v1, v4;
	_ =	sdelay $0x1  }
0x31: {  	s22 =	sand.u32 $0x1, s15;
	v3 =	vadd.s32 v1, v3  }
0x32: {  	s24 =	sshll.u32 s22, $0xF  }
0x33: {  	s23 =	sor.u32 $0x100, s24  }
0x34: {  	[tilespmem:s23], [sflag:$0x5] =	stream.indirect_vreg.gather [hbm4b:s8+s9], $0x80, v4, vm0, $0x2000b8;
	[tilespmem:$0x10100] =	vst v63  }
0x35: {  	s30 =	sor.u32 $0x900, s24  }
0x36: {  	[tilespmem:s30], [sflag:$0x5] =	stream.indirect_vreg.gather [hbm4b:s8+s9], $0x80, v3, vm0, $0x2000b8;
	[tilespmem:$0x10100] =	vst v63  }
0x37: {  	v3 =	vld [tilespmem:s25+$0x10];
	_ =	sdelay $0x4  }
0x38: {  	v57 =	vshll.u32 v3, $0x1  }
0x39: {  	v3 =	vand.u32 $0x7, v3;
	v4 =	vand.u32 $0xFFFFFFF0, v57  }
0x3a: {  	v3 =	vor.u32 v3, v4  }
0x3b: {  	v4 =	vperm.xlane v3, v0;
	_ =	sdelay $0x1  }
0x3c: {  	v3 =	vperm.xlane v3, v2;
	v4 =	vadd.s32 v1, v4;
	_ =	sdelay $0x1  }
0x3d: {  	v3 =	vadd.s32 v1, v3;
	_ =	sdelay $0x1  }
0x3e: {  	s31 =	sor.u32 $0x1100, s24  }
0x3f: {  	[tilespmem:s31], [sflag:$0x5] =	stream.indirect_vreg.gather [hbm4b:s8+s9], $0x80, v4, vm0, $0x2000b8;
	[tilespmem:$0x10100] =	vst v63  }
0x40: {  	s28 =	sor.u32 $0x1900, s24  }
0x41: {  	[tilespmem:s28], [sflag:$0x5] =	stream.indirect_vreg.gather [hbm4b:s8+s9], $0x80, v3, vm0, $0x2000b8;
	[tilespmem:$0x10100] =	vst v63  }
0x42: {  	v3 =	vld [tilespmem:s25+$0x20];
	_ =	sdelay $0x4  }
0x43: {  	v58 =	vshll.u32 v3, $0x1  }
0x44: {  	v3 =	vand.u32 $0x7, v3;
	v4 =	vand.u32 $0xFFFFFFF0, v58  }
0x45: {  	v3 =	vor.u32 v3, v4  }
0x46: {  	v4 =	vperm.xlane v3, v0;
	_ =	sdelay $0x1  }
0x47: {  	v3 =	vperm.xlane v3, v2;
	v4 =	vadd.s32 v1, v4;
	_ =	sdelay $0x1  }
0x48: {  	v3 =	vadd.s32 v1, v3;
	_ =	sdelay $0x1  }
0x49: {  	s29 =	sor.u32 $0x2100, s24  }
0x4a: {  	[tilespmem:s29], [sflag:$0x5] =	stream.indirect_vreg.gather [hbm4b:s8+s9], $0x80, v4, vm0, $0x2000b8;
	[tilespmem:$0x10100] =	vst v63  }
0x4b: {  	s30 =	sor.u32 $0x2900, s24  }
0x4c: {  	[tilespmem:s30], [sflag:$0x5] =	stream.indirect_vreg.gather [hbm4b:s8+s9], $0x80, v3, vm0, $0x2000b8;
	[tilespmem:$0x10100] =	vst v63  }
0x4d: {  	v3 =	vld [tilespmem:s25+$0x30];
	_ =	sdelay $0x4  }
0x4e: {  	v59 =	vshll.u32 v3, $0x1  }
0x4f: {  	v3 =	vand.u32 $0x7, v3;
	v4 =	vand.u32 $0xFFFFFFF0, v59  }
0x50: {  	v3 =	vor.u32 v3, v4  }
0x51: {  	v4 =	vperm.xlane v3, v0;
	_ =	sdelay $0x1  }
0x52: {  	v3 =	vperm.xlane v3, v2;
	v4 =	vadd.s32 v1, v4;
	_ =	sdelay $0x1  }
0x53: {  	v3 =	vadd.s32 v1, v3;
	_ =	sdelay $0x1  }
0x54: {  	s31 =	sor.u32 $0x3100, s24  }
0x55: {  	[tilespmem:s31], [sflag:$0x5] =	stream.indirect_vreg.gather [hbm4b:s8+s9], $0x80, v4, vm0, $0x2000b8;
	[tilespmem:$0x10100] =	vst v63  }
0x56: {  	s28 =	sor.u32 $0x3900, s24  }
0x57: {  	[tilespmem:s28], [sflag:$0x5] =	stream.indirect_vreg.gather [hbm4b:s8+s9], $0x80, v3, vm0, $0x2000b8;
	[tilespmem:$0x10100] =	vst v63  }
0x58: {  	v3 =	vld [tilespmem:s25+$0x40];
	_ =	sdelay $0x4  }
0x59: {  	v60 =	vshll.u32 v3, $0x1  }
0x5a: {  	v3 =	vand.u32 $0x7, v3;
	v4 =	vand.u32 $0xFFFFFFF0, v60  }
0x5b: {  	v3 =	vor.u32 v3, v4  }
0x5c: {  	v4 =	vperm.xlane v3, v0;
	_ =	sdelay $0x1  }
0x5d: {  	v3 =	vperm.xlane v3, v2;
	v4 =	vadd.s32 v1, v4;
	_ =	sdelay $0x1  }
0x5e: {  	v3 =	vadd.s32 v1, v3;
	_ =	sdelay $0x1  }
0x5f: {  	s29 =	sor.u32 $0x4100, s24  }
0x60: {  	[tilespmem:s29], [sflag:$0x5] =	stream.indirect_vreg.gather [hbm4b:s8+s9], $0x80, v4, vm0, $0x2000b8;
	[tilespmem:$0x10100] =	vst v63  }
0x61: {  	s30 =	sor.u32 $0x4900, s24  }
0x62: {  	[tilespmem:s30], [sflag:$0x5] =	stream.indirect_vreg.gather [hbm4b:s8+s9], $0x80, v3, vm0, $0x2000b8;
	[tilespmem:$0x10100] =	vst v63  }
0x63: {  	v3 =	vld [tilespmem:s25+$0x50];
	_ =	sdelay $0x4  }
0x64: {  	v61 =	vshll.u32 v3, $0x1  }
0x65: {  	v3 =	vand.u32 $0x7, v3;
	v4 =	vand.u32 $0xFFFFFFF0, v61  }
0x66: {  	v3 =	vor.u32 v3, v4  }
0x67: {  	v4 =	vperm.xlane v3, v0;
	_ =	sdelay $0x1  }
0x68: {  	v3 =	vperm.xlane v3, v2;
	v4 =	vadd.s32 v1, v4;
	_ =	sdelay $0x1  }
0x69: {  	v3 =	vadd.s32 v1, v3;
	_ =	sdelay $0x1  }
0x6a: {  	s31 =	sor.u32 $0x5100, s24  }
0x6b: {  	[tilespmem:s31], [sflag:$0x5] =	stream.indirect_vreg.gather [hbm4b:s8+s9], $0x80, v4, vm0, $0x2000b8;
	[tilespmem:$0x10100] =	vst v63  }
0x6c: {  	s28 =	sor.u32 $0x5900, s24  }
0x6d: {  	[tilespmem:s28], [sflag:$0x5] =	stream.indirect_vreg.gather [hbm4b:s8+s9], $0x80, v3, vm0, $0x2000b8;
	[tilespmem:$0x10100] =	vst v63  }
0x6e: {  	v3 =	vld [tilespmem:s25+$0x60];
	_ =	sdelay $0x4  }
0x6f: {  	v62 =	vshll.u32 v3, $0x1  }
0x70: {  	v3 =	vand.u32 $0x7, v3;
	v4 =	vand.u32 $0xFFFFFFF0, v62  }
0x71: {  	v3 =	vor.u32 v3, v4  }
0x72: {  	v4 =	vperm.xlane v3, v0;
	_ =	sdelay $0x1  }
0x73: {  	v3 =	vperm.xlane v3, v2;
	v4 =	vadd.s32 v1, v4;
	_ =	sdelay $0x1  }
0x74: {  	v3 =	vadd.s32 v1, v3;
	_ =	sdelay $0x1  }
0x75: {  	s29 =	sor.u32 $0x6100, s24  }
0x76: {  	[tilespmem:s29], [sflag:$0x5] =	stream.indirect_vreg.gather [hbm4b:s8+s9], $0x80, v4, vm0, $0x2000b8;
	[tilespmem:$0x10100] =	vst v63  }
0x77: {  	s30 =	sor.u32 $0x6900, s24  }
0x78: {  	[tilespmem:s30], [sflag:$0x5] =	stream.indirect_vreg.gather [hbm4b:s8+s9], $0x80, v3, vm0, $0x2000b8;
	[tilespmem:$0x10100] =	vst v63  }
0x79: {  	v3 =	vld [tilespmem:s25+$0x70];
	_ =	sdelay $0x4  }
0x7a: {  	v63 =	vshll.u32 v3, $0x1  }
0x7b: {  	v3 =	vand.u32 $0x7, v3;
	v4 =	vand.u32 $0xFFFFFFF0, v63  }
0x7c: {  	v3 =	vor.u32 v3, v4  }
0x7d: {  	v4 =	vperm.xlane v3, v0;
	_ =	sdelay $0x1  }
0x7e: {  	v3 =	vperm.xlane v3, v2;
	v4 =	vadd.s32 v1, v4;
	_ =	sdelay $0x1  }
0x7f: {  	p5 =	seq.s32 s7, s17;
	v3 =	vadd.s32 v1, v3  }
0x80: {  	s21 =	sadd.s32 s5, s21;
	p1 =	por p5, p1  }
0x81: {  	p6 =	sne.s32 s17, $0x0;
	s17 =	sadd.s32 $0x1, s17;
	s31 =	sor.u32 $0x7100, s24  }
0x82: {  	[tilespmem:s31], [sflag:$0x5] =	stream.indirect_vreg.gather [hbm4b:s8+s9], $0x80, v4, vm0, $0x2000b8;
	[tilespmem:$0x10100] =	vst v63  }
0x83: {  	s20 =	sshll.u32 @p1 s20, $0x13;
	s21 =	sshll.u32 @p1 s21, $0xF;
	s24 =	sor.u32 $0x7900, s24  }
0x84: {  	[tilespmem:s24], [sflag:$0x5] =	stream.indirect_vreg.gather [hbm4b:s8+s9], $0x80, v3, vm0, $0x2000b8;
	[tilespmem:$0x10100] =	vst v63  }
0x85: {  	p2 =	por !p6, !p2;
	s20 =	sadd.s32 @p1 s20, s21;
	_ =	swait.ge [sflag:s13], $0x8000  }
0x86: {  	s21 =	simm.s32 $0x1;
	s20 =	sshrl.u32 @p1 s20, $0x3;
	[sflag:s13] =	ssyncset.done $0x0  }
0x87: {  	s21 =	simm.s32 @!p0 $0x0;
	s20 =	sadd.s32 @p1 s11, s20;
	[sflag:s13] =	ssyncadd.s32 $0xFFFF8000  }
0x88: {  	p0 =	por !p2, !p2;
	s12 =	sadd.s32 s21, s12;
	_ =	strace $0x9000005A  }
0x89: {  	s22 =	sadd.s32 @p1 $0x3, s22;
	s24 =	simm.s32 @p1 $0x0;
	_ =	strace @p1 $0x8000005B  }
0x8a: {  	[hbm4b:s20+s24] =	stream.linear.scatter @p1 [tilespmem:s23], [sflag:s22], $0x8000, $0x200038;
	[tilespmem:$0x10100] =	vst v63  }
0x8b: {  	s21 =	simm.s32 $0x1;
	s20 =	simm.s32 $0x1;
	s22 =	sand.u32 @p0 $0x1, s14  }
0x8c: {  	_ =	strace @p1 $0x9000005B;
	s20 =	simm.s32 @!p1 $0x0;
	p1 =	sne.s32 s17, $0x2  }
.Ltmp1:
0x8d: {  	s22 =	sadd.s32 @p0 $0x3, s22;
	_ =	strace @p0 $0x8000005C;
	(pc) =	sbr.rel @p1 .LBB2_2-.Ltmp1, $4  }
0x8e: {  	s21 =	simm.s32 @!p0 $0x0;
	_ =	swait.ge @p0 [sflag:s22], $0x8000  }
0x8f: {  	s14 =	sadd.s32 s21, s14;
	[sflag:s22] =	ssyncset.done @p0 $0x0  }
0x90: {  	s21 =	smov.u32 s18;
	s15 =	sadd.s32 s20, s15;
	[sflag:s22] =	ssyncadd.s32 @p0 $0xFFFF8000  }
0x91: {  	s16 =	sadd.s32 s20, s16;
	s20 =	smov.u32 s19;
	_ =	strace @p0 $0x9000005C  }
0x92: {  	s8 =	sand.u32 $0x1, s14  }
0x93: {  	_ =	strace $0x8000005D;
	s8 =	sadd.s32 $0x3, s8  }
0x94: {  	_ =	swait.ge [sflag:s8], $0x8000  }
0x95: {  	s9 =	simm.s32 $0x1;
	[sflag:s8] =	ssyncset.done $0x0  }
0x96: {  	s18 =	simm.s32 $0x0;
	s17 =	simm.s32 $0x0;
	[sflag:s8] =	ssyncadd.s32 $0xFFFF8000  }
0x97: {  	s11 =	simm.s32 $0x0;
	s12 =	simm.s32 $0x0;
	_ =	strace $0x9000005D  }
0x98: {  	v2 =	vlaneseq.u32;
	s13 =	simm.s32 $0x0;
	s8 =	simm.s32 $0x0;
	_ =	strace $0x8000005E  }
0x99: {  	v1 =	vshrl.u32 v2, $0x3;
	[tilespmem:s8], [sflag:$0x1] =	stream.linear.gather [hbm4b:s10+s8], $0x80, $0x200038;
	[tilespmem:$0x10100] =	vst v63  }
0x9a: {  	s14 =	simm.s32 $0x0;
	v0 =	vand.u32 $0x7, v2;
	v2 =	vor.u32 $0x8, v2;
	v1 =	vmul.u32 $0x8, v1;
	s10 =	simm.s32 $0x5;
	_ =	strace $0x9000005E  }
.LBB2_4:
0x9b: {  	s15 =	sadd.s32 $0x1, s18  }
0x9c: {  	s16 =	simm.s32 $0x1;
	p0 =	seq.s32 s15, s6  }
0x9d: {  	s16 =	simm.s32 @!p0 $0x0  }
0x9e: {  	s16 =	sadd.s32 s16, s17  }
0x9f: {  	p1 =	seq.s32 s16, $0x2  }
0xa0: {  	s15 =	simm.s32 @p0 $0x0;
	s16 =	simm.s32 @p1 $0x0  }
0xa1: {  	p3 =	sne.s32 s18, s15;
	p2 =	sne.s32 s17, s16  }
0xa2: {  	p4 =	slt.s32 s14, s7;
	s19 =	simm.s32 $0x1;
	p1 =	por p3, p2  }
0xa3: {  	p5 =	sne.s32 s18, $0x0;
	p2 =	seq.s32 s18, $0x0;
	p0 =	por !p4, !p1  }
0xa4: {  	p6 =	seq.s32 s14, $0x0;
	s19 =	simm.s32 @!p2 $0x0;
	p0 =	por !p0, !p0  }
0xa5: {  	p4 =	sne.s32 s17, $0x1;
	s19 =	ssub.s32 s17, s19;
	s20 =	sshll.u32 @p0 s16, $0xB  }
0xa6: {  	s21 =	sadd.s32 @p0 s5, s15;
	s22 =	sshll.u32 @p0 s16, $0x7;
	_ =	strace @p0 $0x8000005F  }
0xa7: {  	p3 =	seq.s32 s19, $0xFFFFFFFF;
	s20 =	sand.u32 @p0 $0xFFFFF000, s20;
	s21 =	sshll.u32 @p0 s21, $0x8  }
0xa8: {  	p4 =	por @!p3 p2, p2;
	s20 =	sadd.s32 @p0 s21, s20;
	s21 =	sand.u32 @p0 $0x80, s22  }
0xa9: {  	s23 =	simm.s32 @p0 $0x0;
	p2 =	por p5, p4;
	s20 =	sor.u32 @p0 s21, s20  }
0xaa: {  	s21 =	sand.u32 @p0 $0x1, s9;
	p3 =	por p6, p2;
	s20 =	sshrl.u32 @p0 s20, $0x3  }
0xab: {  	s22 =	sshll.u32 @p0 s21, $0x7;
	s21 =	sadd.s32 @p0 $0x1, s21;
	s20 =	sadd.s32 @p0 s3, s20  }
0xac: {  	[tilespmem:s22], [sflag:s21] =	stream.linear.gather @p0 [hbm4b:s20+s23], $0x80, $0x200038;
	[tilespmem:$0x10100] =	vst v63  }
0xad: {  	s19 =	sand.u32 @p3 $0x1, s13;
	_ =	strace @p0 $0x9000005F  }
0xae: {  	s19 =	sadd.s32 @p3 $0x1, s19;
	_ =	strace @p3 $0x80000060  }
0xaf: {  	_ =	swait.ge @p3 [sflag:s19], $0x80  }
0xb0: {  	[sflag:s19] =	ssyncset.done @p3 $0x0  }
0xb1: {  	[sflag:s19] =	ssyncadd.s32 @p3 $0xFFFFFF80  }
0xb2: {  	s23 =	sshll.u32 s13, $0x7;
	_ =	strace @p3 $0x90000060  }
0xb3: {  	s22 =	sand.u32 $0x80, s23;
	_ =	strace $0x80000061  }
0xb4: {  	v3 =	vld [tilespmem:s22+$0x0];
	_ =	sdelay $0x4  }
0xb5: {  	v4 =	vshll.u32 v3, $0x1  }
0xb6: {  	v3 =	vand.u32 $0x7, v3;
	v4 =	vand.u32 $0xFFFFFFF0, v4  }
0xb7: {  	v3 =	vor.u32 v3, v4  }
0xb8: {  	v4 =	vperm.xlane v3, v0;
	_ =	sdelay $0x1  }
0xb9: {  	v3 =	vperm.xlane v3, v2;
	v4 =	vadd.s32 v1, v4;
	_ =	sdelay $0x1  }
0xba: {  	s19 =	sand.u32 $0x1, s12;
	v3 =	vadd.s32 v1, v3  }
0xbb: {  	s21 =	sshll.u32 s19, $0xF  }
0xbc: {  	s20 =	sor.u32 $0x100, s21  }
0xbd: {  	[tilespmem:s20], [sflag:$0x5] =	stream.indirect_vreg.gather [hbm4b:s2+s8], $0x80, v4, vm0, $0x2000b8;
	[tilespmem:$0x10100] =	vst v63  }
0xbe: {  	s24 =	sor.u32 $0x900, s21  }
0xbf: {  	[tilespmem:s24], [sflag:$0x5] =	stream.indirect_vreg.gather [hbm4b:s2+s8], $0x80, v3, vm0, $0x2000b8;
	[tilespmem:$0x10100] =	vst v63  }
0xc0: {  	v3 =	vld [tilespmem:s22+$0x10];
	_ =	sdelay $0x4  }
0xc1: {  	v57 =	vshll.u32 v3, $0x1  }
0xc2: {  	v3 =	vand.u32 $0x7, v3;
	v4 =	vand.u32 $0xFFFFFFF0, v57  }
0xc3: {  	v3 =	vor.u32 v3, v4  }
0xc4: {  	v4 =	vperm.xlane v3, v0;
	_ =	sdelay $0x1  }
0xc5: {  	v3 =	vperm.xlane v3, v2;
	v4 =	vadd.s32 v1, v4;
	_ =	sdelay $0x1  }
0xc6: {  	v3 =	vadd.s32 v1, v3;
	_ =	sdelay $0x1  }
0xc7: {  	s25 =	sor.u32 $0x1100, s21  }
0xc8: {  	[tilespmem:s25], [sflag:$0x5] =	stream.indirect_vreg.gather [hbm4b:s2+s8], $0x80, v4, vm0, $0x2000b8;
	[tilespmem:$0x10100] =	vst v63  }
0xc9: {  	s26 =	sor.u32 $0x1900, s21  }
0xca: {  	[tilespmem:s26], [sflag:$0x5] =	stream.indirect_vreg.gather [hbm4b:s2+s8], $0x80, v3, vm0, $0x2000b8;
	[tilespmem:$0x10100] =	vst v63  }
0xcb: {  	v3 =	vld [tilespmem:s22+$0x20];
	_ =	sdelay $0x4  }
0xcc: {  	v58 =	vshll.u32 v3, $0x1  }
0xcd: {  	v3 =	vand.u32 $0x7, v3;
	v4 =	vand.u32 $0xFFFFFFF0, v58  }
0xce: {  	v3 =	vor.u32 v3, v4  }
0xcf: {  	v4 =	vperm.xlane v3, v0;
	_ =	sdelay $0x1  }
0xd0: {  	v3 =	vperm.xlane v3, v2;
	v4 =	vadd.s32 v1, v4;
	_ =	sdelay $0x1  }
0xd1: {  	v3 =	vadd.s32 v1, v3;
	_ =	sdelay $0x1  }
0xd2: {  	s28 =	sor.u32 $0x2100, s21  }
0xd3: {  	[tilespmem:s28], [sflag:$0x5] =	stream.indirect_vreg.gather [hbm4b:s2+s8], $0x80, v4, vm0, $0x2000b8;
	[tilespmem:$0x10100] =	vst v63  }
0xd4: {  	s29 =	sor.u32 $0x2900, s21  }
0xd5: {  	[tilespmem:s29], [sflag:$0x5] =	stream.indirect_vreg.gather [hbm4b:s2+s8], $0x80, v3, vm0, $0x2000b8;
	[tilespmem:$0x10100] =	vst v63  }
0xd6: {  	v3 =	vld [tilespmem:s22+$0x30];
	_ =	sdelay $0x4  }
0xd7: {  	v59 =	vshll.u32 v3, $0x1  }
0xd8: {  	v3 =	vand.u32 $0x7, v3;
	v4 =	vand.u32 $0xFFFFFFF0, v59  }
0xd9: {  	v3 =	vor.u32 v3, v4  }
0xda: {  	v4 =	vperm.xlane v3, v0;
	_ =	sdelay $0x1  }
0xdb: {  	v3 =	vperm.xlane v3, v2;
	v4 =	vadd.s32 v1, v4;
	_ =	sdelay $0x1  }
0xdc: {  	v3 =	vadd.s32 v1, v3;
	_ =	sdelay $0x1  }
0xdd: {  	s30 =	sor.u32 $0x3100, s21  }
0xde: {  	[tilespmem:s30], [sflag:$0x5] =	stream.indirect_vreg.gather [hbm4b:s2+s8], $0x80, v4, vm0, $0x2000b8;
	[tilespmem:$0x10100] =	vst v63  }
0xdf: {  	s31 =	sor.u32 $0x3900, s21  }
0xe0: {  	[tilespmem:s31], [sflag:$0x5] =	stream.indirect_vreg.gather [hbm4b:s2+s8], $0x80, v3, vm0, $0x2000b8;
	[tilespmem:$0x10100] =	vst v63  }
0xe1: {  	v3 =	vld [tilespmem:s22+$0x40];
	_ =	sdelay $0x4  }
0xe2: {  	v60 =	vshll.u32 v3, $0x1  }
0xe3: {  	v3 =	vand.u32 $0x7, v3;
	v4 =	vand.u32 $0xFFFFFFF0, v60  }
0xe4: {  	v3 =	vor.u32 v3, v4  }
0xe5: {  	v4 =	vperm.xlane v3, v0;
	_ =	sdelay $0x1  }
0xe6: {  	v3 =	vperm.xlane v3, v2;
	v4 =	vadd.s32 v1, v4;
	_ =	sdelay $0x1  }
0xe7: {  	v3 =	vadd.s32 v1, v3;
	_ =	sdelay $0x1  }
0xe8: {  	s24 =	sor.u32 $0x4100, s21  }
0xe9: {  	[tilespmem:s24], [sflag:$0x5] =	stream.indirect_vreg.gather [hbm4b:s2+s8], $0x80, v4, vm0, $0x2000b8;
	[tilespmem:$0x10100] =	vst v63  }
0xea: {  	s25 =	sor.u32 $0x4900, s21  }
0xeb: {  	[tilespmem:s25], [sflag:$0x5] =	stream.indirect_vreg.gather [hbm4b:s2+s8], $0x80, v3, vm0, $0x2000b8;
	[tilespmem:$0x10100] =	vst v63  }
0xec: {  	v3 =	vld [tilespmem:s22+$0x50];
	_ =	sdelay $0x4  }
0xed: {  	v61 =	vshll.u32 v3, $0x1  }
0xee: {  	v3 =	vand.u32 $0x7, v3;
	v4 =	vand.u32 $0xFFFFFFF0, v61  }
0xef: {  	v3 =	vor.u32 v3, v4  }
0xf0: {  	v4 =	vperm.xlane v3, v0;
	_ =	sdelay $0x1  }
0xf1: {  	v3 =	vperm.xlane v3, v2;
	v4 =	vadd.s32 v1, v4;
	_ =	sdelay $0x1  }
0xf2: {  	v3 =	vadd.s32 v1, v3;
	_ =	sdelay $0x1  }
0xf3: {  	s26 =	sor.u32 $0x5100, s21  }
0xf4: {  	[tilespmem:s26], [sflag:$0x5] =	stream.indirect_vreg.gather [hbm4b:s2+s8], $0x80, v4, vm0, $0x2000b8;
	[tilespmem:$0x10100] =	vst v63  }
0xf5: {  	s28 =	sor.u32 $0x5900, s21  }
0xf6: {  	[tilespmem:s28], [sflag:$0x5] =	stream.indirect_vreg.gather [hbm4b:s2+s8], $0x80, v3, vm0, $0x2000b8;
	[tilespmem:$0x10100] =	vst v63  }
0xf7: {  	v3 =	vld [tilespmem:s22+$0x60];
	_ =	sdelay $0x4  }
0xf8: {  	v62 =	vshll.u32 v3, $0x1  }
0xf9: {  	v3 =	vand.u32 $0x7, v3;
	v4 =	vand.u32 $0xFFFFFFF0, v62  }
0xfa: {  	v3 =	vor.u32 v3, v4  }
0xfb: {  	v4 =	vperm.xlane v3, v0;
	_ =	sdelay $0x1  }
0xfc: {  	v3 =	vperm.xlane v3, v2;
	v4 =	vadd.s32 v1, v4;
	_ =	sdelay $0x1  }
0xfd: {  	v3 =	vadd.s32 v1, v3;
	_ =	sdelay $0x1  }
0xfe: {  	s29 =	sor.u32 $0x6100, s21  }
0xff: {  	[tilespmem:s29], [sflag:$0x5] =	stream.indirect_vreg.gather [hbm4b:s2+s8], $0x80, v4, vm0, $0x2000b8;
	[tilespmem:$0x10100] =	vst v63  }
0x100: {  	s30 =	sor.u32 $0x6900, s21  }
0x101: {  	[tilespmem:s30], [sflag:$0x5] =	stream.indirect_vreg.gather [hbm4b:s2+s8], $0x80, v3, vm0, $0x2000b8;
	[tilespmem:$0x10100] =	vst v63  }
0x102: {  	v3 =	vld [tilespmem:s22+$0x70];
	_ =	sdelay $0x4  }
0x103: {  	v63 =	vshll.u32 v3, $0x1  }
0x104: {  	v3 =	vand.u32 $0x7, v3;
	v4 =	vand.u32 $0xFFFFFFF0, v63  }
0x105: {  	v3 =	vor.u32 v3, v4  }
0x106: {  	v4 =	vperm.xlane v3, v0;
	_ =	sdelay $0x1  }
0x107: {  	v3 =	vperm.xlane v3, v2;
	v4 =	vadd.s32 v1, v4;
	_ =	sdelay $0x1  }
0x108: {  	p5 =	seq.s32 s7, s14;
	v3 =	vadd.s32 v1, v3  }
0x109: {  	s18 =	sadd.s32 s5, s18;
	p1 =	por p5, p1  }
0x10a: {  	p6 =	sne.s32 s14, $0x0;
	s14 =	sadd.s32 $0x1, s14;
	s31 =	sor.u32 $0x7100, s21  }
0x10b: {  	[tilespmem:s31], [sflag:$0x5] =	stream.indirect_vreg.gather [hbm4b:s2+s8], $0x80, v4, vm0, $0x2000b8;
	[tilespmem:$0x10100] =	vst v63  }
0x10c: {  	s17 =	sshll.u32 @p1 s17, $0x13;
	s18 =	sshll.u32 @p1 s18, $0xF;
	s21 =	sor.u32 $0x7900, s21  }
0x10d: {  	[tilespmem:s21], [sflag:$0x5] =	stream.indirect_vreg.gather [hbm4b:s2+s8], $0x80, v3, vm0, $0x2000b8;
	[tilespmem:$0x10100] =	vst v63  }
0x10e: {  	p2 =	por !p6, !p2;
	s17 =	sadd.s32 @p1 s17, s18;
	_ =	swait.ge [sflag:s10], $0x8000  }
0x10f: {  	s18 =	simm.s32 $0x1;
	s17 =	sshrl.u32 @p1 s17, $0x3;
	[sflag:s10] =	ssyncset.done $0x0  }
0x110: {  	s18 =	simm.s32 @!p0 $0x0;
	s17 =	sadd.s32 @p1 s4, s17;
	[sflag:s10] =	ssyncadd.s32 $0xFFFF8000  }
0x111: {  	p0 =	por !p2, !p2;
	s9 =	sadd.s32 s18, s9;
	_ =	strace $0x90000061  }
0x112: {  	s19 =	sadd.s32 @p1 $0x3, s19;
	s21 =	simm.s32 @p1 $0x0;
	_ =	strace @p1 $0x80000062  }
0x113: {  	[hbm4b:s17+s21] =	stream.linear.scatter @p1 [tilespmem:s20], [sflag:s19], $0x8000, $0x200038;
	[tilespmem:$0x10100] =	vst v63  }
0x114: {  	s18 =	simm.s32 $0x1;
	s17 =	simm.s32 $0x1;
	s19 =	sand.u32 @p0 $0x1, s11  }
0x115: {  	_ =	strace @p1 $0x90000062;
	s17 =	simm.s32 @!p1 $0x0;
	p1 =	sne.s32 s14, $0x2  }
.Ltmp2:
0x116: {  	s19 =	sadd.s32 @p0 $0x3, s19;
	_ =	strace @p0 $0x80000063;
	(pc) =	sbr.rel @p1 .LBB2_4-.Ltmp2, $4  }
0x117: {  	s18 =	simm.s32 @!p0 $0x0;
	_ =	swait.ge @p0 [sflag:s19], $0x8000  }
0x118: {  	s11 =	sadd.s32 s18, s11;
	[sflag:s19] =	ssyncset.done @p0 $0x0  }
0x119: {  	s18 =	smov.u32 s15;
	s12 =	sadd.s32 s17, s12;
	[sflag:s19] =	ssyncadd.s32 @p0 $0xFFFF8000  }
0x11a: {  	s13 =	sadd.s32 s17, s13;
	s17 =	smov.u32 s16;
	_ =	strace @p0 $0x90000063  }
0x11b: {  	s2 =	sand.u32 $0x1, s11  }
0x11c: {  	_ =	strace $0x80000064;
	s2 =	sadd.s32 $0x3, s2  }
0x11d: {  	_ =	swait.ge [sflag:s2], $0x8000  }
0x11e: {  	[sflag:s2] =	ssyncset.done $0x0  }
0x11f: {  	[sflag:s2] =	ssyncadd.s32 $0xFFFF8000  }
0x120: {  	_ =	strace $0x90000064  }
.LBB2_6:
0x121: {  	_ =	sfence.sel $0x180000  }
0x122: {  	[bflag:$0x0] =	sbarrier.arrive $0xFFFF  }
0x123: {  	p0 =	sne.s32 s1, $0x0;
	_ =	strace $0x90000056  }
0x124: {  	s0 =	sadd.s32 @!p0 $0x100000, s0;
	[bflag:$0x2] =	sbarrier.arrive $0xFFFF  }
0x125: {  	[sflag:s0] =	ssyncadd.tile.s32 @!p0 $0x1;
	_ =	shalt  }
.Lfunc_end2:
_tile_overlayer_lowered:
.L_overlay_start_2:
0x126: {  	(tag) =	ssettag $0x2  }
0x127: {  	s0 =	rddreg [dreg:$0x0];
	s2 =	stileid.u32  }
0x128: {  	s1 =	rddreg [dreg:$0x1];
	p0 =	sne.s32 s2, $0x0  }
0x129: {  	s3 =	rddreg [dreg:$0x2];
	[bflag:$0x3] =	sbarrier.arrive $0xFFFF;
	s2 =	simm.s32 @!p0 $0x1C01  }
0x12a: {  	[timem:s3], [sflag:s2] =	dma.local @!p0 [hbm:s0], s1  }
0x12b: {  	s0 =	simm.s32 @!p0 $0x1  }
0x12c: {  	_ =	swait.ge @!p0 [sflag:s0], s1  }
0x12d: {  	s1 =	ssub.s32 @!p0 $0x0, s1;
	[sflag:s0] =	ssyncset.done @!p0 $0x0  }
0x12e: {  	[sflag:s0] =	ssyncadd.s32 @!p0 s1  }
0x12f: {  	[bflag:$0x3] =	sbarrier.arrive $0xFFFF  }
0x130: {  	_ =	shalt  }

// kernel: _moe.8.cloned.1.call-start
scs
__scs_entry_jumppad:
0x0: {  	(pc) =	sbr.rel $0x88, $3  }
0x1: {  	(tag) =	ssettag $0x0;
	lr =	simm.s32 $0x1  }
0x2: {  	[smem:$0x3F98] =	sst lr;
	_ =	strace $0xD0000000  }
0x3: {  	_ = 	snop  }
0x4: {  	_ = 	snop  }
0x5: {  	_ = 	snop  }
0x6: {  	_ = 	snop  }
0x7: {  	_ = 	snop  }
__scs_overlays_trampoline_lowered:
0x8: {  	[smem:$0x3FA7] =	sst s0  }
0x9: {  	[smem:$0x3FA8] =	sst s1  }
0xa: {  	[smem:$0x3FA9] =	sst s2  }
0xb: {  	[smem:$0x3FAA] =	sst s3  }
0xc: {  	[smem:$0x3FAB] =	sst s4  }
0xd: {  	[smem:$0x3FAC] =	sst s5  }
0xe: {  	[smem:$0x3FAD] =	sst s6  }
0xf: {  	[smem:$0x3FAE] =	sst s7  }
0x10: {  	[smem:$0x3FAF] =	sst s8  }
0x11: {  	[smem:$0x3FB0] =	sst s9;
	s0 =	simm.s32 @!p0 $0x0  }
0x12: {  	s1 =	sld [smem:$0x3F96];
	s0 =	simm.s32 @p0 $0x1  }
0x13: {  	[smem:$0x3FB1] =	sst s0;
	s0 =	simm.s32 @!p1 $0x0  }
0x14: {  	s2 =	sld [smem:$0x3F95];
	s0 =	simm.s32 @p1 $0x1  }
0x15: {  	[smem:$0x3FB2] =	sst s0;
	s0 =	simm.s32 @!p2 $0x0  }
0x16: {  	s3 =	sld [smem:$0x3FDB];
	s0 =	simm.s32 @p2 $0x1  }
0x17: {  	s4 =	simm.s32 $0x1BF5;
	[smem:$0x3FB4] =	sst s0  }
0x18: {  	s0 =	sld [smem:$0x3F97];
	_ =	swait.ge [sflag:s4], $0x0  }
0x19: {  	s7 =	sld [smem:$0x3F98]  }
0x1a: {  	s8 =	sadd.s32 $0xFFFFE003, lr  }
0x1b: {  	s9 =	sadd.s32 $0xFFFFFEF7, lr;
	s5 =	simm.s32 $0xFFFFFFFF;
	p2 =	slt.u32 s8, $0xFFFFF086  }
0x1c: {  	p1 =	slt.u32 s9, $0xF7A;
	s5 =	simm.s32 @!p2 $0x0  }
0x1d: {  	s5 =	simm.s32 @p1 $0x1;
	p0 =	seq.s32 s7, s2  }
0x1e: {  	s7 =	smul.u32 @!p0 $0xF7A, s2;
	p2 =	seq.s32 @!p0 s5, $0x0  }
0x1f: {  	s9 =	smul.u32 $0xF7A, s1;
	s8 =	simm.s32 @!p0 $0x1BF5;
	p2 =	por !p2, p0  }
0x20: {  	[sflag:s8] =	ssyncset.s32 @!p0 $0xFFFFF086;
	s6 =	sadd.s32 @!p0 s3, s7;
	s7 =	simm.s32 @!p0 $0x108  }
0x21: {  	s3 =	sadd.s32 s3, s9;
	s6 =	sadd.s32 @!p0 $0x88, s6;
	s7 =	simm.s32 @p2 $0x1082  }
0x22: {  	[simem:s7], [sflag:s8] =	dma.local @!p0 [hbm:s6], $0xF7A  }
0x23: {  	s9 =	sor.u32 $0xD0000000, s2;
	s6 =	simm.s32 $0x108;
	_ =	swait.ge @!p0 [sflag:s8], $0x0  }
0x24: {  	s3 =	sadd.s32 $0x88, s3;
	s6 =	simm.s32 @!p1 $0x1082;
	[sflag:s4] =	ssyncset.s32 $0xFFFFF086  }
0x25: {  	[simem:s6], [sflag:s4] =	dma.local [hbm:s3], $0xF7A  }
0x26: {  	[smem:$0x3F98] =	sst s1;
	(tag) =	ssettag s2;
	_ =	strace s9  }
0x27: {  	s1 =	sld [smem:$0x3FA8]  }
0x28: {  	s2 =	sld [smem:$0x3FA9]  }
0x29: {  	s4 =	sld [smem:$0x3FAB]  }
0x2a: {  	p0 =	seq.s32 s5, $0x0;
	s5 =	sld [smem:$0x3FAC]  }
0x2b: {  	s6 =	sld [smem:$0x3FAD]  }
0x2c: {  	s7 =	sld [smem:$0x3FAE]  }
0x2d: {  	s3 =	simm.s32 $0x108;
	s8 =	sld [smem:$0x3FAF]  }
0x2e: {  	s3 =	simm.s32 @!p0 $0x1082;
	s9 =	sld [smem:$0x3FB0]  }
0x2f: {  	lr =	sadd.s32 s0, s3;
	s0 =	sld [smem:$0x3FA7]  }
0x30: {  	s3 =	sld [smem:$0x3FAA]  }
0x31: {  	[smem:$0x3FB3] =	sst s10  }
0x32: {  	s10 =	sld [smem:$0x3FB1];
	_ =	sdelay $0x3  }
0x33: {  	p0 =	seq.s32 s10, $0x1;
	s10 =	sld [smem:$0x3FB3];
	_ =	sdelay $0x3  }
0x34: {  	[smem:$0x3FB3] =	sst s10  }
0x35: {  	s10 =	sld [smem:$0x3FB2];
	_ =	sdelay $0x3  }
0x36: {  	p1 =	seq.s32 s10, $0x1;
	s10 =	sld [smem:$0x3FB3];
	_ =	sdelay $0x3  }
0x37: {  	[smem:$0x3FB3] =	sst s10  }
0x38: {  	s10 =	sld [smem:$0x3FB4]  }
0x39: {  	_ = 	snop;
	(pc) =	sbr.ind lr, $3  }
0x3a: {  	_ = 	snop  }
0x3b: {  	_ = 	snop  }
0x3c: {  	p2 =	seq.s32 s10, $0x1;
	s10 =	sld [smem:$0x3FB3]  }
0x3d: {  	_ =	shalt  }
0x3e: {  	_ =	shalt  }
0x3f: {  	_ =	shalt  }
0x40: {  	_ =	shalt  }
0x41: {  	_ =	shalt  }
0x42: {  	_ =	shalt  }
0x43: {  	_ =	shalt  }
0x44: {  	_ =	shalt  }
0x45: {  	_ =	shalt  }
0x46: {  	_ =	shalt  }
0x47: {  	_ =	shalt  }
0x48: {  	_ =	shalt  }
0x49: {  	_ =	shalt  }
0x4a: {  	_ =	shalt  }
0x4b: {  	_ =	shalt  }
0x4c: {  	_ =	shalt  }
0x4d: {  	_ =	shalt  }
0x4e: {  	_ =	shalt  }
0x4f: {  	_ =	shalt  }
0x50: {  	_ =	shalt  }
0x51: {  	_ =	shalt  }
0x52: {  	_ =	shalt  }
0x53: {  	_ =	shalt  }
0x54: {  	_ =	shalt  }
0x55: {  	_ =	shalt  }
0x56: {  	_ =	shalt  }
0x57: {  	_ =	shalt  }
0x58: {  	_ =	shalt  }
0x59: {  	_ =	shalt  }
0x5a: {  	_ =	shalt  }
0x5b: {  	_ =	shalt  }
0x5c: {  	_ =	shalt  }
0x5d: {  	_ =	shalt  }
0x5e: {  	_ =	shalt  }
0x5f: {  	_ =	shalt  }
0x60: {  	_ =	shalt  }
0x61: {  	_ =	shalt  }
0x62: {  	_ =	shalt  }
0x63: {  	_ =	shalt  }
0x64: {  	_ =	shalt  }
0x65: {  	_ =	shalt  }
0x66: {  	_ =	shalt  }
0x67: {  	_ =	shalt  }
0x68: {  	_ =	shalt  }
0x69: {  	_ =	shalt  }
0x6a: {  	_ =	shalt  }
0x6b: {  	_ =	shalt  }
0x6c: {  	_ =	shalt  }
0x6d: {  	_ =	shalt  }
0x6e: {  	_ =	shalt  }
0x6f: {  	_ =	shalt  }
0x70: {  	_ =	shalt  }
0x71: {  	_ =	shalt  }
0x72: {  	_ =	shalt  }
0x73: {  	_ =	shalt  }
0x74: {  	_ =	shalt  }
0x75: {  	_ =	shalt  }
0x76: {  	_ =	shalt  }
0x77: {  	_ =	shalt  }
0x78: {  	_ =	shalt  }
0x79: {  	_ =	shalt  }
0x7a: {  	_ =	shalt  }
0x7b: {  	_ =	shalt  }
0x7c: {  	_ =	shalt  }
0x7d: {  	_ =	shalt  }
0x7e: {  	_ =	shalt  }
0x7f: {  	_ =	shalt  }
0x80: {  	_ =	shalt  }
0x81: {  	_ =	shalt  }
0x82: {  	_ =	shalt  }
0x83: {  	_ =	shalt  }
0x84: {  	_ =	shalt  }
0x85: {  	_ =	shalt  }
0x86: {  	_ =	shalt  }
0x87: {  	_ =	shalt  }
.Lfunc_end0:
.L_simem_size_0:
called_computation_lowered:
.L_overlay_start_0:
0x88: {  	s2 =	sld [smem:$0x3FD9]  }
0x89: {  	s3 =	sld [smem:$0x3FFE];
	_ =	sdelay $0x1  }
0x8a: {  	s1 =	srdreg.scid  }
0x8b: {  	s0 =	sand.u32 $0x1, s1  }
0x8c: {  	s17 =	sshll.u32 s0, $0xA;
	s2 =	sadd.s32 s3, s2  }
0x8d: {  	s2 =	sadd.s32 s2, s17  }
0x8e: {  	[smem:$0x3FBF] =	sst s2  }
0x8f: {  	_ = 	snop  }
0x90: {  	s2 =	sld [smem:$0x3FD0];
	(tm) =	ssettm $0x1  }
0x91: {  	s18 =	sld [smem:$0x3FFB];
	_ =	sdelay $0x3  }
0x92: {  	_ =	strace s18  }
0x93: {  	s3 =	sld [smem:$0x3FFC];
	_ =	sdelay $0x3  }
0x94: {  	_ =	strace s3  }
0x95: {  	s3 =	sld [smem:$0x3FFD];
	_ =	sdelay $0x3  }
0x96: {  	_ =	strace s3  }
0x97: {  	_ =	strace $0x8FFFFFFF  }
0x98: {  	s19 =	sld [smem:$0x3FDB];
	_ =	sdelay $0x1  }
0x99: {  	s4 =	simm.s32 $_scs_section_size  }
0x9a: {  	s5 =	simm.s32 $_size__tile_overlayer_lowered;
	s6 =	simm.s32 $_tile_overlayer_lowered  }
0x9b: {  	s22 =	simm.s32 $0x1BFF;
	s21 =	sshll.u32 s6, $0x1;
	s3 =	sadd.s32 s4, s19  }
0x9c: {  	s7 =	simm.s32 $0x0;
	s20 =	sshll.u32 s5, $0x1;
	s5 =	sadd.s32 s21, s3  }
0x9d: {  	[timem:s7], [sflag:s22] =	dma.local [hbm:s5], s20  }
0x9e: {  	_ =	swait.ge [sflag:s22], s20  }
0x9f: {  	s4 =	ssub.s32 $0x0, s20;
	[sflag:s22] =	ssyncset.done $0x0  }
0xa0: {  	[sflag:s22] =	ssyncadd.s32 s4;
	_ =	sdelay $0x1  }
0xa1: {  	s23 =	simm.s32 $0x1B8B  }
0xa2: {  	_ =	swait.ge [sflag:s23], $0x1  }
0xa3: {  	[sflag:s23] =	ssyncset.done $0x0  }
0xa4: {  	s25 =	simm.s32 $0x1B8E;
	s24 =	sld [smem:$0x3FFE];
	[sflag:s23] =	ssyncadd.s32 $0xFFFFFFFF  }
0xa5: {  	s26 =	simm.s32 $execute0_lowered;
	[smem:$0x3FD2] =	sst s25  }
0xa6: {  	s5 =	sshll.u32 s26, $0x1;
	_ =	strace $0x80000046;
	[dreg:$0x1] =	wrdreg $0xFFFFFFFF  }
0xa7: {  	s28 =	simm.s32 $_size_execute0_lowered;
	s3 =	sadd.s32 s3, s5;
	[dreg:$0x0] =	wrdreg $0x0  }
0xa8: {  	s5 =	sshll.u32 s28, $0x1;
	[dreg:$0x2] =	wrdreg s3  }
0xa9: {  	[dreg:$0x3] =	wrdreg s5  }
0xaa: {  	[dreg:$0x4] =	wrdreg $0xC0  }
0xab: {  	_ =	task [dreg:s7], $0x5FFFF  }
0xac: {  	[dreg:$0x1] =	wrdreg $0xFFFFFFFF  }
0xad: {  	[dreg:$0x0] =	wrdreg $0x60  }
0xae: {  	[dreg:$0x2] =	wrdreg s24  }
0xaf: {  	[dreg:$0x3] =	wrdreg s2  }
0xb0: {  	[dreg:$0x4] =	wrdreg $0x9  }
0xb1: {  	_ =	task.clear_ibuf [dreg:s7], $0x5FFFF;
	_ =	strace $0x90000046  }
0xb2: {  	s29 =	simm.s32 $0x9;
	_ =	strace $0x80000054  }
0xb3: {  	_ =	swait.ge [sflag:s29], $0x1  }
0xb4: {  	[sflag:s29] =	ssyncadd.s32 $0xFFFFFFFF  }
0xb5: {  	_ =	strace $0x90000054  }
0xb6: {  	_ =	sfence  }
0xb7: {  	s30 =	sld [smem:$0x0];
	_ =	sdelay $0x2  }
0xb8: {  	s31 =	sshll.u32 s1, $0xD;
	s1 =	sshrl.u32 s1, $0x2  }
0xb9: {  	s3 =	sand.u32 $0x4000, s31;
	s1 =	sadd.s32 s1, s30  }
0xba: {  	s0 =	sor.u32 s3, s0;
	s1 =	sshll.u32 s1, $0x11  }
0xbb: {  	s0 =	sor.u32 s1, s0  }
0xbc: {  	s0 =	sadd.s32 $0x8F2B, s0  }
0xbd: {  	[sflag:s0] =	ssyncadd.remote.s32 $0x1  }
0xbe: {  	_ =	sfence.sel $0xFFFF  }
0xbf: {  	[dreg:$0x0] =	wrdreg $0xFFFFFFFF;
	(pc) =	sbr.abs _section_cstart, $3  }
0xc0: {  	[dreg:$0x1] =	wrdreg $0xFFFFFFFF  }
0xc1: {  	_ =	task.clear_ibuf [dreg:s7], $0x2FFFF;
	_ =	strace $0x9FFFFFFF  }
0xc2: {  	(tm) =	ssettm $0x7FFFFFFF  }
0xc3: {  	_ =	shalt  }
tec
execute0_lowered:
.L_overlay_start_1:
0x0: {  	(tag) =	ssettag $0x1  }
0x1: {  	s1 =	srdreg.scid  }
0x2: {  	s4 =	sand.u32 $0x1, s1  }
0x3: {  	p0 =	seq.s32 s4, $0x1  }
.Ltmp0:
0x4: {  	_ = 	snop;
	(pc) =	sbr.rel @p0 .LBB2_5-.Ltmp0, $4  }
0x5: {  	s7 =	rddreg [dreg:$0x0]  }
0x6: {  	s8 =	rddreg [dreg:$0x1];
	s9 =	simm.s32 $0x0  }
0x7: {  	[smem:$0x7FF] =	sst s9  }
0x8: {  	s0 =	rddreg [dreg:$0x2];
	s1 =	stileid.u32;
	_ =	strace $0x80000047  }
0x9: {  	s10 =	sadd.s32 $0x2E00, s7;
	s5 =	sshll.u32 s4, $0x4  }
0xa: {  	s2 =	sadd.s32 $0x22E00, s7;
	s3 =	sadd.s32 $0x23000, s7;
	p0 =	seq.s32 s4, $0x0  }
0xb: {  	s4 =	sxor.u32 $0x1, s4;
	s11 =	simm.s32 $0x1;
	s6 =	simm.s32 $0x1  }
0xc: {  	_ =	strace $0x80000048;
	s15 =	simm.s32 $0x800;
	s16 =	simm.s32 $0x1000  }
0xd: {  	s7 =	sadd.s32 $0x2F00, s7;
	s31 =	simm.s32 $0x10000;
	s5 =	sor.u32 s1, s5  }
0xe: {  	s21 =	simm.s32 $0x0;
	s22 =	simm.s32 $0x0;
	s5 =	smin.u32 s5, $0x10  }
0xf: {  	s17 =	simm.s32 $0x1;
	s18 =	simm.s32 $0x0;
	s13 =	sshll.u32 s5, $0xD  }
0x10: {  	s6 =	simm.s32 @!p0 $0xFFFFFFFF;
	s12 =	sshll.u32 s5, $0x5;
	s14 =	sadd.s32 s10, s13  }
0x11: {  	[tilespmem:s9], [sflag:$0x1] =	stream.strided.gather [hbm4b:s14+s15], $0x8000, s16, s15, $0x200038;
	[tilespmem:$0x10100] =	vst v63  }
0x12: {  	v2 =	vlaneseq.u32;
	s12 =	sadd.s32 s2, s12;
	s13 =	sadd.s32 s13, s7;
	s14 =	simm.s32 $0x5  }
0x13: {  	vm0 =	vmmov $0xffff;
	v1 =	vshrl.u32 v2, $0x3;
	[tilespmem:s31], [sflag:$0x3] =	stream.linear.gather [hbm4b:s12+s9], $0x80, $0x200038;
	[tilespmem:$0x10100] =	vst v63  }
0x14: {  	v0 =	vand.u32 $0x7, v2;
	v2 =	vor.u32 $0x8, v2;
	v1 =	vmul.u32 $0x8, v1;
	s15 =	simm.s32 $0x0;
	s16 =	simm.s32 $0x0;
	_ =	strace $0x90000048  }
.LBB2_2:
0x15: {  	s19 =	sadd.s32 $0x1, s21  }
0x16: {  	s20 =	simm.s32 $0x1;
	p0 =	seq.s32 s19, s4  }
0x17: {  	s19 =	simm.s32 @p0 $0x0;
	s20 =	simm.s32 @!p0 $0x0  }
0x18: {  	p3 =	slt.s32 s18, s6;
	s20 =	sadd.s32 s20, s22;
	p0 =	sne.s32 s21, s19  }
0x19: {  	p1 =	seq.s32 s20, $0x2;
	p2 =	por !p3, !p0  }
0x1a: {  	s23 =	sadd.s32 s5, s19;
	s20 =	simm.s32 @p1 $0x0;
	p2 =	por !p2, !p2  }
0x1b: {  	_ =	strace @p2 $0x80000049;
	s24 =	sand.u32 @p2 $0x1, s17;
	s25 =	sshll.u32 @p2 s23, $0xD  }
0x1c: {  	s28 =	simm.s32 @p2 $0x800;
	s29 =	simm.s32 @p2 $0x1000;
	s25 =	sand.u32 @p2 $0x1FFFE000, s25  }
0x1d: {  	s26 =	sshll.u32 @p2 s24, $0xF;
	s24 =	sadd.s32 @p2 $0x1, s24;
	s25 =	sadd.s32 @p2 s10, s25  }
0x1e: {  	[tilespmem:s26], [sflag:s24] =	stream.strided.gather @p2 [hbm4b:s25+s28], $0x8000, s29, s28, $0x200038;
	[tilespmem:$0x10100] =	vst v63  }
0x1f: {  	p1 =	sne.s32 s22, s20;
	s24 =	simm.s32 @!p0 $0x0  }
0x20: {  	p4 =	seq.s32 s18, $0x0;
	s24 =	simm.s32 @p0 $0x1;
	p0 =	por p0, p1  }
0x21: {  	[smem:$0x7FC] =	sst s24;
	s24 =	simm.s32 @!p0 $0x0;
	p3 =	por !p3, !p0  }
0x22: {  	p5 =	seq.s32 @!p4 s21, $0x0;
	s24 =	simm.s32 @p0 $0x1;
	p3 =	por !p3, !p3  }
0x23: {  	p5 =	por p4, !p5;
	[smem:$0x7FD] =	sst s24;
	s24 =	sshll.u32 @p3 s20, $0xB  }
0x24: {  	s23 =	sshll.u32 @p3 s23, $0x8;
	s25 =	sshll.u32 @p3 s20, $0x7;
	s24 =	sand.u32 @p3 $0xFFFFF000, s24  }
0x25: {  	s26 =	simm.s32 @p3 $0x0;
	s23 =	sadd.s32 @p3 s23, s24;
	s24 =	sand.u32 @p3 $0x80, s25  }
0x26: {  	_ =	strace @p2 $0x90000049;
	s25 =	sand.u32 @p3 $0x1, s11;
	s23 =	sor.u32 @p3 s24, s23  }
0x27: {  	_ =	strace @p3 $0x8000004A;
	s24 =	sshll.u32 @p3 s25, $0x7;
	s23 =	sshrl.u32 @p3 s23, $0x3  }
0x28: {  	s25 =	sadd.s32 @p3 $0x3, s25;
	s24 =	sor.u32 @p3 $0x10000, s24;
	s23 =	sadd.s32 @p3 s2, s23  }
0x29: {  	[tilespmem:s24], [sflag:s25] =	stream.linear.gather @p3 [hbm4b:s23+s26], $0x80, $0x200038;
	[tilespmem:$0x10100] =	vst v63  }
0x2a: {  	s23 =	sand.u32 @p5 $0x1, s16;
	_ =	strace @p3 $0x9000004A  }
0x2b: {  	s23 =	sadd.s32 @p5 $0x1, s23;
	_ =	strace @p5 $0x8000004B  }
0x2c: {  	_ =	swait.ge @p5 [sflag:s23], $0x8000  }
0x2d: {  	[sflag:s23] =	ssyncset.done @p5 $0x0  }
0x2e: {  	[sflag:s23] =	ssyncadd.s32 @p5 $0xFFFF8000  }
0x2f: {  	s23 =	simm.s32 $0x1;
	_ =	strace @p5 $0x9000004B;
	p5 =	seq.s32 s21, $0x0  }
0x30: {  	s23 =	simm.s32 @!p5 $0x0  }
0x31: {  	s23 =	ssub.s32 s22, s23  }
0x32: {  	p1 =	sne.s32 s22, $0x1;
	p0 =	sne.s32 @!p4 s21, $0x0;
	p6 =	seq.s32 s23, $0xFFFFFFFF  }
0x33: {  	p0 =	por p4, p0;
	p1 =	por @!p6 p5, p5  }
0x34: {  	p0 =	por p0, p1  }
0x35: {  	s21 =	sand.u32 @p0 $0x1, s15  }
0x36: {  	_ =	strace @p0 $0x8000004C;
	s21 =	sadd.s32 @p0 $0x3, s21  }
0x37: {  	_ =	swait.ge @p0 [sflag:s21], $0x80  }
0x38: {  	[sflag:s21] =	ssyncset.done @p0 $0x0  }
0x39: {  	[sflag:s21] =	ssyncadd.s32 @p0 $0xFFFFFF80  }
0x3a: {  	s28 =	sshll.u32 s15, $0x7;
	_ =	strace @p0 $0x9000004C  }
0x3b: {  	s22 =	sand.u32 $0x80, s28;
	_ =	strace $0x8000004D  }
0x3c: {  	v3 =	vld [tilespmem:s22+$0x10000];
	_ =	sdelay $0x4  }
0x3d: {  	v4 =	vshll.u32 v3, $0x1  }
0x3e: {  	v3 =	vand.u32 $0x7, v3;
	v4 =	vand.u32 $0xFFFFFFF0, v4  }
0x3f: {  	v3 =	vor.u32 v3, v4  }
0x40: {  	v4 =	vperm.xlane v3, v0;
	_ =	sdelay $0x1  }
0x41: {  	v3 =	vperm.xlane v3, v2;
	v4 =	vadd.s32 v1, v4;
	_ =	sdelay $0x1  }
0x42: {  	v3 =	vadd.s32 v1, v3  }
0x43: {  	s29 =	sshll.u32 s16, $0xF  }
0x44: {  	s21 =	sand.u32 $0x8000, s29  }
0x45: {  	[hbm4b:s8+s9] =	stream.indirect_vreg.scatter [tilespmem:s21], [sflag:$0x5], $0x80, v4, vm0, $0x2000b8;
	[tilespmem:$0x10100] =	vst v63  }
0x46: {  	s30 =	sor.u32 $0x800, s21  }
0x47: {  	[hbm4b:s8+s9] =	stream.indirect_vreg.scatter [tilespmem:s30], [sflag:$0x5], $0x80, v3, vm0, $0x2000b8;
	[tilespmem:$0x10100] =	vst v63  }
0x48: {  	v3 =	vld [tilespmem:s22+$0x10010];
	_ =	sdelay $0x4  }
0x49: {  	v57 =	vshll.u32 v3, $0x1  }
0x4a: {  	v3 =	vand.u32 $0x7, v3;
	v4 =	vand.u32 $0xFFFFFFF0, v57  }
0x4b: {  	v3 =	vor.u32 v3, v4  }
0x4c: {  	v4 =	vperm.xlane v3, v0;
	_ =	sdelay $0x1  }
0x4d: {  	v3 =	vperm.xlane v3, v2;
	v4 =	vadd.s32 v1, v4;
	_ =	sdelay $0x1  }
0x4e: {  	v3 =	vadd.s32 v1, v3;
	_ =	sdelay $0x1  }
0x4f: {  	s31 =	sor.u32 $0x1000, s21  }
0x50: {  	[hbm4b:s8+s9] =	stream.indirect_vreg.scatter [tilespmem:s31], [sflag:$0x5], $0x80, v4, vm0, $0x2000b8;
	[tilespmem:$0x10100] =	vst v63  }
0x51: {  	s24 =	sor.u32 $0x1800, s21  }
0x52: {  	[hbm4b:s8+s9] =	stream.indirect_vreg.scatter [tilespmem:s24], [sflag:$0x5], $0x80, v3, vm0, $0x2000b8;
	[tilespmem:$0x10100] =	vst v63  }
0x53: {  	v3 =	vld [tilespmem:s22+$0x10020];
	_ =	sdelay $0x4  }
0x54: {  	v58 =	vshll.u32 v3, $0x1  }
0x55: {  	v3 =	vand.u32 $0x7, v3;
	v4 =	vand.u32 $0xFFFFFFF0, v58  }
0x56: {  	v3 =	vor.u32 v3, v4  }
0x57: {  	v4 =	vperm.xlane v3, v0;
	_ =	sdelay $0x1  }
0x58: {  	v3 =	vperm.xlane v3, v2;
	v4 =	vadd.s32 v1, v4;
	_ =	sdelay $0x1  }
0x59: {  	v3 =	vadd.s32 v1, v3;
	_ =	sdelay $0x1  }
0x5a: {  	s25 =	sor.u32 $0x2000, s21  }
0x5b: {  	[hbm4b:s8+s9] =	stream.indirect_vreg.scatter [tilespmem:s25], [sflag:$0x5], $0x80, v4, vm0, $0x2000b8;
	[tilespmem:$0x10100] =	vst v63  }
0x5c: {  	s26 =	sor.u32 $0x2800, s21  }
0x5d: {  	[hbm4b:s8+s9] =	stream.indirect_vreg.scatter [tilespmem:s26], [sflag:$0x5], $0x80, v3, vm0, $0x2000b8;
	[tilespmem:$0x10100] =	vst v63  }
0x5e: {  	v3 =	vld [tilespmem:s22+$0x10030];
	_ =	sdelay $0x4  }
0x5f: {  	v59 =	vshll.u32 v3, $0x1  }
0x60: {  	v3 =	vand.u32 $0x7, v3;
	v4 =	vand.u32 $0xFFFFFFF0, v59  }
0x61: {  	v3 =	vor.u32 v3, v4  }
0x62: {  	v4 =	vperm.xlane v3, v0;
	_ =	sdelay $0x1  }
0x63: {  	v3 =	vperm.xlane v3, v2;
	v4 =	vadd.s32 v1, v4;
	_ =	sdelay $0x1  }
0x64: {  	v3 =	vadd.s32 v1, v3;
	_ =	sdelay $0x1  }
0x65: {  	s28 =	sor.u32 $0x3000, s21  }
0x66: {  	[hbm4b:s8+s9] =	stream.indirect_vreg.scatter [tilespmem:s28], [sflag:$0x5], $0x80, v4, vm0, $0x2000b8;
	[tilespmem:$0x10100] =	vst v63  }
0x67: {  	s29 =	sor.u32 $0x3800, s21  }
0x68: {  	[hbm4b:s8+s9] =	stream.indirect_vreg.scatter [tilespmem:s29], [sflag:$0x5], $0x80, v3, vm0, $0x2000b8;
	[tilespmem:$0x10100] =	vst v63  }
0x69: {  	v3 =	vld [tilespmem:s22+$0x10040];
	_ =	sdelay $0x4  }
0x6a: {  	v60 =	vshll.u32 v3, $0x1  }
0x6b: {  	v3 =	vand.u32 $0x7, v3;
	v4 =	vand.u32 $0xFFFFFFF0, v60  }
0x6c: {  	v3 =	vor.u32 v3, v4  }
0x6d: {  	v4 =	vperm.xlane v3, v0;
	_ =	sdelay $0x1  }
0x6e: {  	v3 =	vperm.xlane v3, v2;
	v4 =	vadd.s32 v1, v4;
	_ =	sdelay $0x1  }
0x6f: {  	v3 =	vadd.s32 v1, v3;
	_ =	sdelay $0x1  }
0x70: {  	s30 =	sor.u32 $0x4000, s21  }
0x71: {  	[hbm4b:s8+s9] =	stream.indirect_vreg.scatter [tilespmem:s30], [sflag:$0x5], $0x80, v4, vm0, $0x2000b8;
	[tilespmem:$0x10100] =	vst v63  }
0x72: {  	s31 =	sor.u32 $0x4800, s21  }
0x73: {  	[hbm4b:s8+s9] =	stream.indirect_vreg.scatter [tilespmem:s31], [sflag:$0x5], $0x80, v3, vm0, $0x2000b8;
	[tilespmem:$0x10100] =	vst v63  }
0x74: {  	v3 =	vld [tilespmem:s22+$0x10050];
	_ =	sdelay $0x4  }
0x75: {  	v61 =	vshll.u32 v3, $0x1  }
0x76: {  	v3 =	vand.u32 $0x7, v3;
	v4 =	vand.u32 $0xFFFFFFF0, v61  }
0x77: {  	v3 =	vor.u32 v3, v4  }
0x78: {  	v4 =	vperm.xlane v3, v0;
	_ =	sdelay $0x1  }
0x79: {  	v3 =	vperm.xlane v3, v2;
	v4 =	vadd.s32 v1, v4;
	_ =	sdelay $0x1  }
0x7a: {  	v3 =	vadd.s32 v1, v3;
	_ =	sdelay $0x1  }
0x7b: {  	s24 =	sor.u32 $0x5000, s21  }
0x7c: {  	[hbm4b:s8+s9] =	stream.indirect_vreg.scatter [tilespmem:s24], [sflag:$0x5], $0x80, v4, vm0, $0x2000b8;
	[tilespmem:$0x10100] =	vst v63  }
0x7d: {  	s25 =	sor.u32 $0x5800, s21  }
0x7e: {  	[hbm4b:s8+s9] =	stream.indirect_vreg.scatter [tilespmem:s25], [sflag:$0x5], $0x80, v3, vm0, $0x2000b8;
	[tilespmem:$0x10100] =	vst v63  }
0x7f: {  	v3 =	vld [tilespmem:s22+$0x10060];
	_ =	sdelay $0x4  }
0x80: {  	v62 =	vshll.u32 v3, $0x1  }
0x81: {  	v3 =	vand.u32 $0x7, v3;
	v4 =	vand.u32 $0xFFFFFFF0, v62  }
0x82: {  	v3 =	vor.u32 v3, v4  }
0x83: {  	v4 =	vperm.xlane v3, v0;
	_ =	sdelay $0x1  }
0x84: {  	v3 =	vperm.xlane v3, v2;
	v4 =	vadd.s32 v1, v4;
	_ =	sdelay $0x1  }
0x85: {  	v3 =	vadd.s32 v1, v3;
	_ =	sdelay $0x1  }
0x86: {  	s26 =	sor.u32 $0x6000, s21  }
0x87: {  	[hbm4b:s8+s9] =	stream.indirect_vreg.scatter [tilespmem:s26], [sflag:$0x5], $0x80, v4, vm0, $0x2000b8;
	[tilespmem:$0x10100] =	vst v63  }
0x88: {  	s28 =	sor.u32 $0x6800, s21  }
0x89: {  	[hbm4b:s8+s9] =	stream.indirect_vreg.scatter [tilespmem:s28], [sflag:$0x5], $0x80, v3, vm0, $0x2000b8;
	[tilespmem:$0x10100] =	vst v63  }
0x8a: {  	v3 =	vld [tilespmem:s22+$0x10070];
	_ =	sdelay $0x4  }
0x8b: {  	v63 =	vshll.u32 v3, $0x1  }
0x8c: {  	v3 =	vand.u32 $0x7, v3;
	v4 =	vand.u32 $0xFFFFFFF0, v63  }
0x8d: {  	v3 =	vor.u32 v3, v4  }
0x8e: {  	v4 =	vperm.xlane v3, v0;
	_ =	sdelay $0x1  }
0x8f: {  	v3 =	vperm.xlane v3, v2;
	v4 =	vadd.s32 v1, v4;
	_ =	sdelay $0x1  }
0x90: {  	v3 =	vadd.s32 v1, v3;
	_ =	sdelay $0x1  }
0x91: {  	s29 =	sor.u32 $0x7000, s21  }
0x92: {  	[hbm4b:s8+s9] =	stream.indirect_vreg.scatter [tilespmem:s29], [sflag:$0x5], $0x80, v4, vm0, $0x2000b8;
	[tilespmem:$0x10100] =	vst v63  }
0x93: {  	s21 =	sor.u32 $0x7800, s21  }
0x94: {  	[hbm4b:s8+s9] =	stream.indirect_vreg.scatter [tilespmem:s21], [sflag:$0x5], $0x80, v3, vm0, $0x2000b8;
	[tilespmem:$0x10100] =	vst v63  }
0x95: {  	_ =	swait.ge [sflag:s14], $0x8000  }
0x96: {  	s31 =	sld [smem:$0x7FD];
	_ =	sdelay $0x1  }
0x97: {  	p4 =	seq.s32 s6, s18;
	s18 =	sadd.s32 $0x1, s18;
	s22 =	simm.s32 $0x1  }
0x98: {  	s22 =	simm.s32 @!p2 $0x0;
	s30 =	sld [smem:$0x7FC];
	p6 =	seq.s32 s31, $0x1  }
0x99: {  	s17 =	sadd.s32 s22, s17;
	s22 =	simm.s32 $0x1;
	p0 =	por p4, p6  }
0x9a: {  	s22 =	simm.s32 @!p0 $0x0;
	p0 =	sne.s32 s18, $0x2  }
.Ltmp1:
0x9b: {  	s23 =	simm.s32 $0x1;
	p5 =	seq.s32 s30, $0x1;
	(pc) =	sbr.rel @p0 .LBB2_2-.Ltmp1, $4  }
0x9c: {  	s21 =	simm.s32 $0x1;
	[sflag:s14] =	ssyncset.done $0x0;
	p1 =	por p4, p5  }
0x9d: {  	s23 =	simm.s32 @!p3 $0x0;
	[sflag:s14] =	ssyncadd.s32 $0xFFFF8000;
	s21 =	simm.s32 @!p1 $0x0  }
0x9e: {  	s11 =	sadd.s32 s23, s11;
	_ =	strace $0x9000004D;
	s16 =	sadd.s32 s21, s16  }
0x9f: {  	s15 =	sadd.s32 s22, s15;
	s21 =	smov.u32 s19;
	s22 =	smov.u32 s20  }
0xa0: {  	_ =	strace $0x8000004E;
	s9 =	simm.s32 $0x800  }
0xa1: {  	s10 =	simm.s32 $0x1000;
	s8 =	simm.s32 $0x0;
	s31 =	simm.s32 $0x10000  }
0xa2: {  	s17 =	simm.s32 $0x0;
	s18 =	simm.s32 $0x0;
	s11 =	simm.s32 $0x0  }
0xa3: {  	[tilespmem:s8], [sflag:$0x1] =	stream.strided.gather [hbm4b:s13+s9], $0x8000, s10, s9, $0x200038;
	[tilespmem:$0x10100] =	vst v63  }
0xa4: {  	v2 =	vlaneseq.u32;
	s14 =	simm.s32 $0x0;
	s9 =	simm.s32 $0x1;
	s10 =	simm.s32 $0x5  }
0xa5: {  	v1 =	vshrl.u32 v2, $0x3;
	[tilespmem:s31], [sflag:$0x3] =	stream.linear.gather [hbm4b:s12+s8], $0x80, $0x200038;
	[tilespmem:$0x10100] =	vst v63  }
0xa6: {  	v0 =	vand.u32 $0x7, v2;
	v2 =	vor.u32 $0x8, v2;
	s13 =	simm.s32 $0x1;
	v1 =	vmul.u32 $0x8, v1;
	s12 =	simm.s32 $0x0;
	_ =	strace $0x9000004E  }
.LBB2_4:
0xa7: {  	s15 =	sadd.s32 $0x1, s17  }
0xa8: {  	s16 =	simm.s32 $0x1;
	p0 =	seq.s32 s15, s4  }
0xa9: {  	s15 =	simm.s32 @p0 $0x0;
	s16 =	simm.s32 @!p0 $0x0  }
0xaa: {  	p3 =	slt.s32 s14, s6;
	s16 =	sadd.s32 s16, s18;
	p0 =	sne.s32 s17, s15  }
0xab: {  	p1 =	seq.s32 s16, $0x2;
	p2 =	por !p3, !p0  }
0xac: {  	s19 =	sadd.s32 s5, s15;
	s16 =	simm.s32 @p1 $0x0;
	p2 =	por !p2, !p2  }
0xad: {  	_ =	strace @p2 $0x8000004F;
	s20 =	sand.u32 @p2 $0x1, s13;
	s21 =	sshll.u32 @p2 s19, $0xD  }
0xae: {  	s23 =	simm.s32 @p2 $0x800;
	s24 =	simm.s32 @p2 $0x1000;
	s21 =	sand.u32 @p2 $0x1FFFE000, s21  }
0xaf: {  	s22 =	sshll.u32 @p2 s20, $0xF;
	s20 =	sadd.s32 @p2 $0x1, s20;
	s21 =	sadd.s32 @p2 s21, s7  }
0xb0: {  	[tilespmem:s22], [sflag:s20] =	stream.strided.gather @p2 [hbm4b:s21+s23], $0x8000, s24, s23, $0x200038;
	[tilespmem:$0x10100] =	vst v63  }
0xb1: {  	p1 =	sne.s32 s18, s16;
	s20 =	simm.s32 @!p0 $0x0  }
0xb2: {  	p4 =	seq.s32 s14, $0x0;
	s20 =	simm.s32 @p0 $0x1;
	p0 =	por p0, p1  }
0xb3: {  	[smem:$0x7FA] =	sst s20;
	s20 =	simm.s32 @!p0 $0x0;
	p3 =	por !p3, !p0  }
0xb4: {  	p5 =	seq.s32 @!p4 s17, $0x0;
	s20 =	simm.s32 @p0 $0x1;
	p3 =	por !p3, !p3  }
0xb5: {  	p5 =	por p4, !p5;
	[smem:$0x7FB] =	sst s20;
	s20 =	sshll.u32 @p3 s16, $0xB  }
0xb6: {  	s19 =	sshll.u32 @p3 s19, $0x8;
	s21 =	sshll.u32 @p3 s16, $0x7;
	s20 =	sand.u32 @p3 $0xFFFFF000, s20  }
0xb7: {  	s22 =	simm.s32 @p3 $0x0;
	s19 =	sadd.s32 @p3 s19, s20;
	s20 =	sand.u32 @p3 $0x80, s21  }
0xb8: {  	_ =	strace @p2 $0x9000004F;
	s21 =	sand.u32 @p3 $0x1, s9;
	s19 =	sor.u32 @p3 s20, s19  }
0xb9: {  	_ =	strace @p3 $0x80000050;
	s20 =	sshll.u32 @p3 s21, $0x7;
	s19 =	sshrl.u32 @p3 s19, $0x3  }
0xba: {  	s21 =	sadd.s32 @p3 $0x3, s21;
	s20 =	sor.u32 @p3 $0x10000, s20;
	s19 =	sadd.s32 @p3 s2, s19  }
0xbb: {  	[tilespmem:s20], [sflag:s21] =	stream.linear.gather @p3 [hbm4b:s19+s22], $0x80, $0x200038;
	[tilespmem:$0x10100] =	vst v63  }
0xbc: {  	s19 =	sand.u32 @p5 $0x1, s12;
	_ =	strace @p3 $0x90000050  }
0xbd: {  	s19 =	sadd.s32 @p5 $0x1, s19;
	_ =	strace @p5 $0x80000051  }
0xbe: {  	_ =	swait.ge @p5 [sflag:s19], $0x8000  }
0xbf: {  	[sflag:s19] =	ssyncset.done @p5 $0x0  }
0xc0: {  	[sflag:s19] =	ssyncadd.s32 @p5 $0xFFFF8000  }
0xc1: {  	s19 =	simm.s32 $0x1;
	_ =	strace @p5 $0x90000051;
	p5 =	seq.s32 s17, $0x0  }
0xc2: {  	s19 =	simm.s32 @!p5 $0x0  }
0xc3: {  	s19 =	ssub.s32 s18, s19  }
0xc4: {  	p1 =	sne.s32 s18, $0x1;
	p0 =	sne.s32 @!p4 s17, $0x0;
	p6 =	seq.s32 s19, $0xFFFFFFFF  }
0xc5: {  	p0 =	por p4, p0;
	p1 =	por @!p6 p5, p5  }
0xc6: {  	p0 =	por p0, p1  }
0xc7: {  	s17 =	sand.u32 @p0 $0x1, s11  }
0xc8: {  	_ =	strace @p0 $0x80000052;
	s17 =	sadd.s32 @p0 $0x3, s17  }
0xc9: {  	_ =	swait.ge @p0 [sflag:s17], $0x80  }
0xca: {  	[sflag:s17] =	ssyncset.done @p0 $0x0  }
0xcb: {  	[sflag:s17] =	ssyncadd.s32 @p0 $0xFFFFFF80  }
0xcc: {  	s24 =	sshll.u32 s11, $0x7;
	_ =	strace @p0 $0x90000052  }
0xcd: {  	s18 =	sand.u32 $0x80, s24;
	_ =	strace $0x80000053  }
0xce: {  	v3 =	vld [tilespmem:s18+$0x10000];
	_ =	sdelay $0x4  }
0xcf: {  	v4 =	vshll.u32 v3, $0x1  }
0xd0: {  	v3 =	vand.u32 $0x7, v3;
	v4 =	vand.u32 $0xFFFFFFF0, v4  }
0xd1: {  	v3 =	vor.u32 v3, v4  }
0xd2: {  	v4 =	vperm.xlane v3, v0;
	_ =	sdelay $0x1  }
0xd3: {  	v3 =	vperm.xlane v3, v2;
	v4 =	vadd.s32 v1, v4;
	_ =	sdelay $0x1  }
0xd4: {  	v3 =	vadd.s32 v1, v3  }
0xd5: {  	s25 =	sshll.u32 s12, $0xF  }
0xd6: {  	s17 =	sand.u32 $0x8000, s25  }
0xd7: {  	[hbm4b:s3+s8] =	stream.indirect_vreg.scatter [tilespmem:s17], [sflag:$0x5], $0x80, v4, vm0, $0x2000b8;
	[tilespmem:$0x10100] =	vst v63  }
0xd8: {  	s26 =	sor.u32 $0x800, s17  }
0xd9: {  	[hbm4b:s3+s8] =	stream.indirect_vreg.scatter [tilespmem:s26], [sflag:$0x5], $0x80, v3, vm0, $0x2000b8;
	[tilespmem:$0x10100] =	vst v63  }
0xda: {  	v3 =	vld [tilespmem:s18+$0x10010];
	_ =	sdelay $0x4  }
0xdb: {  	v57 =	vshll.u32 v3, $0x1  }
0xdc: {  	v3 =	vand.u32 $0x7, v3;
	v4 =	vand.u32 $0xFFFFFFF0, v57  }
0xdd: {  	v3 =	vor.u32 v3, v4  }
0xde: {  	v4 =	vperm.xlane v3, v0;
	_ =	sdelay $0x1  }
0xdf: {  	v3 =	vperm.xlane v3, v2;
	v4 =	vadd.s32 v1, v4;
	_ =	sdelay $0x1  }
0xe0: {  	v3 =	vadd.s32 v1, v3;
	_ =	sdelay $0x1  }
0xe1: {  	s28 =	sor.u32 $0x1000, s17  }
0xe2: {  	[hbm4b:s3+s8] =	stream.indirect_vreg.scatter [tilespmem:s28], [sflag:$0x5], $0x80, v4, vm0, $0x2000b8;
	[tilespmem:$0x10100] =	vst v63  }
0xe3: {  	s29 =	sor.u32 $0x1800, s17  }
0xe4: {  	[hbm4b:s3+s8] =	stream.indirect_vreg.scatter [tilespmem:s29], [sflag:$0x5], $0x80, v3, vm0, $0x2000b8;
	[tilespmem:$0x10100] =	vst v63  }
0xe5: {  	v3 =	vld [tilespmem:s18+$0x10020];
	_ =	sdelay $0x4  }
0xe6: {  	v58 =	vshll.u32 v3, $0x1  }
0xe7: {  	v3 =	vand.u32 $0x7, v3;
	v4 =	vand.u32 $0xFFFFFFF0, v58  }
0xe8: {  	v3 =	vor.u32 v3, v4  }
0xe9: {  	v4 =	vperm.xlane v3, v0;
	_ =	sdelay $0x1  }
0xea: {  	v3 =	vperm.xlane v3, v2;
	v4 =	vadd.s32 v1, v4;
	_ =	sdelay $0x1  }
0xeb: {  	v3 =	vadd.s32 v1, v3;
	_ =	sdelay $0x1  }
0xec: {  	s30 =	sor.u32 $0x2000, s17  }
0xed: {  	[hbm4b:s3+s8] =	stream.indirect_vreg.scatter [tilespmem:s30], [sflag:$0x5], $0x80, v4, vm0, $0x2000b8;
	[tilespmem:$0x10100] =	vst v63  }
0xee: {  	s31 =	sor.u32 $0x2800, s17  }
0xef: {  	[hbm4b:s3+s8] =	stream.indirect_vreg.scatter [tilespmem:s31], [sflag:$0x5], $0x80, v3, vm0, $0x2000b8;
	[tilespmem:$0x10100] =	vst v63  }
0xf0: {  	v3 =	vld [tilespmem:s18+$0x10030];
	_ =	sdelay $0x4  }
0xf1: {  	v59 =	vshll.u32 v3, $0x1  }
0xf2: {  	v3 =	vand.u32 $0x7, v3;
	v4 =	vand.u32 $0xFFFFFFF0, v59  }
0xf3: {  	v3 =	vor.u32 v3, v4  }
0xf4: {  	v4 =	vperm.xlane v3, v0;
	_ =	sdelay $0x1  }
0xf5: {  	v3 =	vperm.xlane v3, v2;
	v4 =	vadd.s32 v1, v4;
	_ =	sdelay $0x1  }
0xf6: {  	v3 =	vadd.s32 v1, v3;
	_ =	sdelay $0x1  }
0xf7: {  	s20 =	sor.u32 $0x3000, s17  }
0xf8: {  	[hbm4b:s3+s8] =	stream.indirect_vreg.scatter [tilespmem:s20], [sflag:$0x5], $0x80, v4, vm0, $0x2000b8;
	[tilespmem:$0x10100] =	vst v63  }
0xf9: {  	s21 =	sor.u32 $0x3800, s17  }
0xfa: {  	[hbm4b:s3+s8] =	stream.indirect_vreg.scatter [tilespmem:s21], [sflag:$0x5], $0x80, v3, vm0, $0x2000b8;
	[tilespmem:$0x10100] =	vst v63  }
0xfb: {  	v3 =	vld [tilespmem:s18+$0x10040];
	_ =	sdelay $0x4  }
0xfc: {  	v60 =	vshll.u32 v3, $0x1  }
0xfd: {  	v3 =	vand.u32 $0x7, v3;
	v4 =	vand.u32 $0xFFFFFFF0, v60  }
0xfe: {  	v3 =	vor.u32 v3, v4  }
0xff: {  	v4 =	vperm.xlane v3, v0;
	_ =	sdelay $0x1  }
0x100: {  	v3 =	vperm.xlane v3, v2;
	v4 =	vadd.s32 v1, v4;
	_ =	sdelay $0x1  }
0x101: {  	v3 =	vadd.s32 v1, v3;
	_ =	sdelay $0x1  }
0x102: {  	s22 =	sor.u32 $0x4000, s17  }
0x103: {  	[hbm4b:s3+s8] =	stream.indirect_vreg.scatter [tilespmem:s22], [sflag:$0x5], $0x80, v4, vm0, $0x2000b8;
	[tilespmem:$0x10100] =	vst v63  }
0x104: {  	s23 =	sor.u32 $0x4800, s17  }
0x105: {  	[hbm4b:s3+s8] =	stream.indirect_vreg.scatter [tilespmem:s23], [sflag:$0x5], $0x80, v3, vm0, $0x2000b8;
	[tilespmem:$0x10100] =	vst v63  }
0x106: {  	v3 =	vld [tilespmem:s18+$0x10050];
	_ =	sdelay $0x4  }
0x107: {  	v61 =	vshll.u32 v3, $0x1  }
0x108: {  	v3 =	vand.u32 $0x7, v3;
	v4 =	vand.u32 $0xFFFFFFF0, v61  }
0x109: {  	v3 =	vor.u32 v3, v4  }
0x10a: {  	v4 =	vperm.xlane v3, v0;
	_ =	sdelay $0x1  }
0x10b: {  	v3 =	vperm.xlane v3, v2;
	v4 =	vadd.s32 v1, v4;
	_ =	sdelay $0x1  }
0x10c: {  	v3 =	vadd.s32 v1, v3;
	_ =	sdelay $0x1  }
0x10d: {  	s24 =	sor.u32 $0x5000, s17  }
0x10e: {  	[hbm4b:s3+s8] =	stream.indirect_vreg.scatter [tilespmem:s24], [sflag:$0x5], $0x80, v4, vm0, $0x2000b8;
	[tilespmem:$0x10100] =	vst v63  }
0x10f: {  	s25 =	sor.u32 $0x5800, s17  }
0x110: {  	[hbm4b:s3+s8] =	stream.indirect_vreg.scatter [tilespmem:s25], [sflag:$0x5], $0x80, v3, vm0, $0x2000b8;
	[tilespmem:$0x10100] =	vst v63  }
0x111: {  	v3 =	vld [tilespmem:s18+$0x10060];
	_ =	sdelay $0x4  }
0x112: {  	v62 =	vshll.u32 v3, $0x1  }
0x113: {  	v3 =	vand.u32 $0x7, v3;
	v4 =	vand.u32 $0xFFFFFFF0, v62  }
0x114: {  	v3 =	vor.u32 v3, v4  }
0x115: {  	v4 =	vperm.xlane v3, v0;
	_ =	sdelay $0x1  }
0x116: {  	v3 =	vperm.xlane v3, v2;
	v4 =	vadd.s32 v1, v4;
	_ =	sdelay $0x1  }
0x117: {  	v3 =	vadd.s32 v1, v3;
	_ =	sdelay $0x1  }
0x118: {  	s26 =	sor.u32 $0x6000, s17  }
0x119: {  	[hbm4b:s3+s8] =	stream.indirect_vreg.scatter [tilespmem:s26], [sflag:$0x5], $0x80, v4, vm0, $0x2000b8;
	[tilespmem:$0x10100] =	vst v63  }
0x11a: {  	s28 =	sor.u32 $0x6800, s17  }
0x11b: {  	[hbm4b:s3+s8] =	stream.indirect_vreg.scatter [tilespmem:s28], [sflag:$0x5], $0x80, v3, vm0, $0x2000b8;
	[tilespmem:$0x10100] =	vst v63  }
0x11c: {  	v3 =	vld [tilespmem:s18+$0x10070];
	_ =	sdelay $0x4  }
0x11d: {  	v63 =	vshll.u32 v3, $0x1  }
0x11e: {  	v3 =	vand.u32 $0x7, v3;
	v4 =	vand.u32 $0xFFFFFFF0, v63  }
0x11f: {  	v3 =	vor.u32 v3, v4  }
0x120: {  	v4 =	vperm.xlane v3, v0;
	_ =	sdelay $0x1  }
0x121: {  	v3 =	vperm.xlane v3, v2;
	v4 =	vadd.s32 v1, v4;
	_ =	sdelay $0x1  }
0x122: {  	v3 =	vadd.s32 v1, v3;
	_ =	sdelay $0x1  }
0x123: {  	s29 =	sor.u32 $0x7000, s17  }
0x124: {  	[hbm4b:s3+s8] =	stream.indirect_vreg.scatter [tilespmem:s29], [sflag:$0x5], $0x80, v4, vm0, $0x2000b8;
	[tilespmem:$0x10100] =	vst v63  }
0x125: {  	s17 =	sor.u32 $0x7800, s17  }
0x126: {  	[hbm4b:s3+s8] =	stream.indirect_vreg.scatter [tilespmem:s17], [sflag:$0x5], $0x80, v3, vm0, $0x2000b8;
	[tilespmem:$0x10100] =	vst v63  }
0x127: {  	_ =	swait.ge [sflag:s10], $0x8000  }
0x128: {  	s31 =	sld [smem:$0x7FB];
	_ =	sdelay $0x1  }
0x129: {  	p4 =	seq.s32 s6, s14;
	s14 =	sadd.s32 $0x1, s14;
	s18 =	simm.s32 $0x1  }
0x12a: {  	s18 =	simm.s32 @!p2 $0x0;
	s30 =	sld [smem:$0x7FA];
	p6 =	seq.s32 s31, $0x1  }
0x12b: {  	s13 =	sadd.s32 s18, s13;
	s18 =	simm.s32 $0x1;
	p0 =	por p4, p6  }
0x12c: {  	s18 =	simm.s32 @!p0 $0x0;
	p0 =	sne.s32 s14, $0x2  }
.Ltmp2:
0x12d: {  	s19 =	simm.s32 $0x1;
	p5 =	seq.s32 s30, $0x1;
	(pc) =	sbr.rel @p0 .LBB2_4-.Ltmp2, $4  }
0x12e: {  	s17 =	simm.s32 $0x1;
	[sflag:s10] =	ssyncset.done $0x0;
	p1 =	por p4, p5  }
0x12f: {  	s19 =	simm.s32 @!p3 $0x0;
	[sflag:s10] =	ssyncadd.s32 $0xFFFF8000;
	s17 =	simm.s32 @!p1 $0x0  }
0x130: {  	s9 =	sadd.s32 s19, s9;
	_ =	strace $0x90000053;
	s12 =	sadd.s32 s17, s12  }
0x131: {  	s11 =	sadd.s32 s18, s11;
	s17 =	smov.u32 s15;
	s18 =	smov.u32 s16  }
.LBB2_5:
0x132: {  	_ =	sfence.sel $0x180000  }
0x133: {  	[bflag:$0x0] =	sbarrier.arrive $0xFFFF  }
0x134: {  	p0 =	sne.s32 s1, $0x0;
	_ =	strace $0x90000047  }
0x135: {  	s0 =	sadd.s32 @!p0 $0x100000, s0;
	[bflag:$0x2] =	sbarrier.arrive $0xFFFF  }
0x136: {  	[sflag:s0] =	ssyncadd.tile.s32 @!p0 $0x1;
	_ =	shalt  }
.Lfunc_end2:
_tile_overlayer_lowered:
.L_overlay_start_2:
0x137: {  	(tag) =	ssettag $0x2  }
0x138: {  	s0 =	rddreg [dreg:$0x0];
	s2 =	stileid.u32  }
0x139: {  	s1 =	rddreg [dreg:$0x1];
	p0 =	sne.s32 s2, $0x0  }
0x13a: {  	s3 =	rddreg [dreg:$0x2];
	[bflag:$0x3] =	sbarrier.arrive $0xFFFF;
	s2 =	simm.s32 @!p0 $0x1C01  }
0x13b: {  	[timem:s3], [sflag:s2] =	dma.local @!p0 [hbm:s0], s1  }
0x13c: {  	s0 =	simm.s32 @!p0 $0x1  }
0x13d: {  	_ =	swait.ge @!p0 [sflag:s0], s1  }
0x13e: {  	s1 =	ssub.s32 @!p0 $0x0, s1;
	[sflag:s0] =	ssyncset.done @!p0 $0x0  }
0x13f: {  	[sflag:s0] =	ssyncadd.s32 @!p0 s1  }
0x140: {  	[bflag:$0x3] =	sbarrier.arrive $0xFFFF  }
0x141: {  	_ =	shalt  }

</sc_bundles>
